<compile_context>
chip_gen: v7x
topology: tpu7x:2x2x1
jax: 0.10.2.dev20260603
libtpu: 0.0.44.dev20260713+nightly
codegen_flags: <defaults>
</compile_context>

<pallas_src>
import jax
import jax.numpy as jnp
from jax import lax
from jax.experimental import pallas as pl
from jax.experimental.pallas import tpu as pltpu
from jax.experimental.pallas import tpu_sc as plsc

KE = 14.399645351950548
CUTON = 2.5
CUTOFF = 7.5
LR_CUTOFF = 10.0
KEHALF = KE / 2
CUTON16 = CUTON ** 16
CUT_RCONSTANT = LR_CUTOFF ** 15 / (LR_CUTOFF ** 16 + CUTON ** 16) ** (17.0 / 16.0)
CUT_CONSTANT = (1.0 / (CUTON ** 16 + LR_CUTOFF ** 16) ** (1.0 / 16.0)
                + LR_CUTOFF ** 16 / (LR_CUTOFF ** 16 + CUTON ** 16) ** (17.0 / 16.0))

N = 100000
N_PAD = 100352
E = 3200000
M = 1024
NC = 2
NS = 16
NR = 8
NSLOT = 2
NW = NC * NS
EPT = E // NW
C = 4000
NCHUNK = EPT // C
GROUPS = C // 16
AC = 2048
AGROUPS = AC // 16
ACHUNKS = N_PAD // AC
APASS = -(-ACHUNKS // NS)
QCHUNK = N_PAD // NS

_L = 16

_LOG2C0 = -2.4967665314454458
_LOG2C1 = 4.028355224149915
_LOG2C2 = -2.0810447757974697
_LOG2C3 = 0.6288099265675859
_LOG2C4 = -0.0791495757779922
_NEG_LN2_16 = -0.043321698784993864


def _rsqrt(x, iters):
    bits = lax.bitcast_convert_type(x, jnp.int32)
    r = lax.bitcast_convert_type(jnp.int32(0x5F3759DF) - (bits >> 1), jnp.float32)
    for _ in range(iters):
        r = r * (1.5 - 0.5 * x * r * r)
    return r


def _edge_energy(d2, qi, qj):
    r = _rsqrt(d2, 2)
    d = d2 * r
    fac = KEHALF * qi * qj
    t = jnp.minimum(jnp.maximum((d - CUTON) * (1.0 / (CUTOFF - CUTON)), 0.0), 1.0)
    t2 = t * t
    t3 = t2 * t
    f = 1.0 - t3 * (10.0 - 15.0 * t + 6.0 * t2)
    x_c = r + d * (1.0 / (LR_CUTOFF * LR_CUTOFF)) - (2.0 / LR_CUTOFF)
    coulomb = jnp.where(d < LR_CUTOFF, x_c, jnp.zeros_like(d))
    d4 = d2 * d2
    d8 = d4 * d4
    d16 = d8 * d8
    tt = d16 + CUTON16
    tb = lax.bitcast_convert_type(tt, jnp.int32)
    ex = (tb >> 23) - 127
    mant = lax.bitcast_convert_type(
        (tb & 0x007FFFFF) | 0x3F800000, jnp.float32)
    p = _LOG2C4
    p = p * mant + _LOG2C3
    p = p * mant + _LOG2C2
    p = p * mant + _LOG2C1
    p = p * mant + _LOG2C0
    log2tt = ex.astype(jnp.float32) + p
    w = jnp.exp(log2tt * _NEG_LN2_16)
    one_m_f = 1.0 - f
    damped = w + one_m_f * CUT_RCONSTANT * d - CUT_CONSTANT
    return fac * (f * damped + one_m_f * coulomb)


def _body(q_hbm, rx_hbm, ry_hbm, rz_hbm, ii_hbm, jj_hbm, im_hbm, out_hbm,
          zb_v, ii0_v, ii1_v, jj0_v, jj1_v, rx0_v, rx1_v, ry0_v, ry1_v,
          rz0_v, rz1_v, qi0_v, qi1_v, qj0_v, qj1_v, ev_v, yv_v, im_v,
          t2_v, mb_v, q_sh, y_sh, m_sh, isem0, isem1, gsem0, gsem1):
    c = lax.axis_index("c")
    s = lax.axis_index("s")
    wid = c * NS + s
    row = s & (NR - 1)
    slot = s >> 3

    pltpu.sync_copy(q_hbm.at[pl.ds(s * QCHUNK, QCHUNK)],
                    q_sh.at[pl.ds(s * QCHUNK, QCHUNK)])

    def _zfill(i, carry):
        zb_v[pl.ds(i * _L, _L)] = jnp.zeros((_L,), jnp.float32)
        return carry
    lax.fori_loop(0, AC // _L, _zfill, 0)

    @pl.when(s < NR)
    def _():
        def _zrow(k, carry):
            pltpu.sync_copy(zb_v, y_sh.at[pl.ds(s * N_PAD + k * AC, AC)])
            return carry
        lax.fori_loop(0, ACHUNKS, _zrow, 0)

    pltpu.sync_copy(zb_v.at[pl.ds(0, M)], m_sh.at[pl.ds(s * M, M)])

    plsc.subcore_barrier()

    ebase = wid * EPT
    y_off = row * N_PAD

    ii_b = (ii0_v, ii1_v)
    jj_b = (jj0_v, jj1_v)
    rx_b = (rx0_v, rx1_v)
    ry_b = (ry0_v, ry1_v)
    rz_b = (rz0_v, rz1_v)
    qi_b = (qi0_v, qi1_v)
    qj_b = (qj0_v, qj1_v)
    isem = (isem0, isem1)
    gsem = (gsem0, gsem1)

    def _issue_idx(ck, bi):
        off = ebase + ck * C
        pltpu.async_copy(ii_hbm.at[pl.ds(off, C)], ii_b[bi], isem[bi])
        pltpu.async_copy(jj_hbm.at[pl.ds(off, C)], jj_b[bi], isem[bi])
        pltpu.async_copy(rx_hbm.at[pl.ds(off, C)], rx_b[bi], isem[bi])
        pltpu.async_copy(ry_hbm.at[pl.ds(off, C)], ry_b[bi], isem[bi])
        pltpu.async_copy(rz_hbm.at[pl.ds(off, C)], rz_b[bi], isem[bi])

    def _wait_idx(ck, bi):
        off = ebase + ck * C
        for src, dst in ((ii_hbm, ii_b[bi]), (jj_hbm, jj_b[bi]),
                         (rx_hbm, rx_b[bi]), (ry_hbm, ry_b[bi]),
                         (rz_hbm, rz_b[bi])):
            pltpu.make_async_copy(src.at[pl.ds(off, C)], dst, isem[bi]).wait()

    def _issue_gath(bi):
        pltpu.async_copy(q_sh.at[ii_b[bi]], qi_b[bi], gsem[bi])
        pltpu.async_copy(q_sh.at[jj_b[bi]], qj_b[bi], gsem[bi])

    def _wait_gath(bi):
        pltpu.make_async_copy(q_sh.at[ii_b[bi]], qi_b[bi], gsem[bi]).wait()
        pltpu.make_async_copy(q_sh.at[jj_b[bi]], qj_b[bi], gsem[bi]).wait()

    def _compute(bi):
        qi_v, qj_v = qi_b[bi], qj_b[bi]
        rx_v, ry_v, rz_v = rx_b[bi], ry_b[bi], rz_b[bi]

        @plsc.parallel_loop(0, GROUPS, unroll=5)
        def _grp(g):
            sl = pl.ds(g * _L, _L)
            qi = qi_v[sl]
            qj = qj_v[sl]
            x = rx_v[sl]
            y = ry_v[sl]
            z = rz_v[sl]
            d2 = x * x + y * y + z * z
            ev_v[sl] = _edge_energy(d2, qi, qj)

    def _scatter(bi):
        for sl in range(NSLOT):
            plsc.subcore_barrier()

            @pl.when(slot == sl)
            def _():
                pltpu.sync_copy(
                    ev_v, y_sh.at[pl.ds(y_off, N_PAD)].at[ii_b[bi]], add=True)

    _issue_idx(0, 0)
    _wait_idx(0, 0)
    _issue_gath(0)
    _issue_idx(1, 1)

    def _pair(m, carry):
        ck = m * 2
        _wait_idx(ck + 1, 1)
        _issue_gath(1)
        _wait_gath(0)
        _compute(0)
        _scatter(0)

        @pl.when(ck + 2 < NCHUNK)
        def _():
            _issue_idx(ck + 2, 0)
        _wait_gath(1)
        _compute(1)

        @pl.when(ck + 2 < NCHUNK)
        def _():
            _wait_idx(ck + 2, 0)
            _issue_gath(0)
        _scatter(1)

        @pl.when(ck + 3 < NCHUNK)
        def _():
            _issue_idx(ck + 3, 1)
        return carry
    lax.fori_loop(0, NCHUNK // 2, _pair, 0)
    if NCHUNK % 2:
        _wait_gath(0)
        _compute(0)
        _scatter(0)

    plsc.subcore_barrier()

    m_off = s * M
    for a0 in range(APASS):
        ak = a0 * NS + s

        @pl.when(ak < ACHUNKS)
        def _():
            aoff = ak * AC
            pltpu.sync_copy(y_sh.at[pl.ds(aoff, AC)], yv_v)
            for t in range(1, NR):
                pltpu.sync_copy(y_sh.at[pl.ds(t * N_PAD + aoff, AC)], t2_v)

                def _acc(g, carry):
                    sl = pl.ds(g * _L, _L)
                    yv_v[sl] = yv_v[sl] + t2_v[sl]
                    return carry
                lax.fori_loop(0, AGROUPS, _acc, 0)
            pltpu.sync_copy(im_hbm.at[pl.ds(aoff, AC)], im_v)

            def _madj(g, carry):
                sl = pl.ds(g * _L, _L)
                im_v[sl] = im_v[sl] + m_off
                return carry
            lax.fori_loop(0, AGROUPS, _madj, 0)
            pltpu.sync_copy(yv_v, m_sh.at[im_v], add=True)

    plsc.subcore_barrier()

    @pl.when(s == 0)
    def _():
        pltpu.sync_copy(m_sh.at[pl.ds(0, M)], mb_v)
        for t in range(1, NS):
            pltpu.sync_copy(m_sh.at[pl.ds(t * M, M)], t2_v.at[pl.ds(0, M)])

            def _macc(g, carry):
                sl = pl.ds(g * _L, _L)
                mb_v[sl] = mb_v[sl] + t2_v[sl]
                return carry
            lax.fori_loop(0, M // _L, _macc, 0)
        pltpu.sync_copy(mb_v, out_hbm.at[c])


_sc_call = pl.kernel(
    _body,
    out_type=jax.ShapeDtypeStruct((NC, M), jnp.float32),
    mesh=plsc.VectorSubcoreMesh(core_axis_name="c", subcore_axis_name="s"),
    compiler_params=pltpu.CompilerParams(needs_layout_passes=False),
    scratch_types=[
        pltpu.VMEM((AC,), jnp.float32),
        pltpu.VMEM((C,), jnp.int32),
        pltpu.VMEM((C,), jnp.int32),
        pltpu.VMEM((C,), jnp.int32),
        pltpu.VMEM((C,), jnp.int32),
        pltpu.VMEM((C,), jnp.float32),
        pltpu.VMEM((C,), jnp.float32),
        pltpu.VMEM((C,), jnp.float32),
        pltpu.VMEM((C,), jnp.float32),
        pltpu.VMEM((C,), jnp.float32),
        pltpu.VMEM((C,), jnp.float32),
        pltpu.VMEM((C,), jnp.float32),
        pltpu.VMEM((C,), jnp.float32),
        pltpu.VMEM((C,), jnp.float32),
        pltpu.VMEM((C,), jnp.float32),
        pltpu.VMEM((C,), jnp.float32),
        pltpu.VMEM((AC,), jnp.float32),
        pltpu.VMEM((AC,), jnp.int32),
        pltpu.VMEM((AC,), jnp.float32),
        pltpu.VMEM((M,), jnp.float32),
        pltpu.VMEM_SHARED((N_PAD,), jnp.float32),
        pltpu.VMEM_SHARED((NR * N_PAD,), jnp.float32),
        pltpu.VMEM_SHARED((NS * M,), jnp.float32),
        pltpu.SemaphoreType.DMA,
        pltpu.SemaphoreType.DMA,
        pltpu.SemaphoreType.DMA,
        pltpu.SemaphoreType.DMA,
    ],
)


def kernel(Z, partial_charges, Rij, idx_i, idx_j, idx_m):
    q = jnp.squeeze(partial_charges, -1)
    q_pad = jnp.concatenate([q, jnp.zeros((N_PAD - N,), jnp.float32)])
    im_pad = jnp.concatenate(
        [idx_m.astype(jnp.int32), jnp.zeros((N_PAD - N,), jnp.int32)])
    out2 = _sc_call(q_pad, Rij[:, 0], Rij[:, 1], Rij[:, 2],
                    idx_i.astype(jnp.int32), idx_j.astype(jnp.int32),
                    im_pad)
    return out2[0] + out2[1]

# --- scband reference (transcript-rebuilt; emitter-appended) ---
"""Pipeline reference for scband-electrostatic-energy-24945170055213 (READ-ONLY COPY).

The authoritative reference and input builder live on the scoring server;
editing this copy changes nothing except your own understanding.
"""

import jax, jax.numpy as jnp
import numpy as np

KE = 14.399645351950548
CUTON = 2.5
CUTOFF = 7.5
LR_CUTOFF = 10.0
KEHALF = KE / 2
CUTON16 = CUTON ** 16
CUT_RCONSTANT = LR_CUTOFF ** 15 / (LR_CUTOFF ** 16 + CUTON ** 16) ** (17.0 / 16.0)
CUT_CONSTANT = 1.0 / (CUTON ** 16 + LR_CUTOFF ** 16) ** (1.0 / 16.0) + LR_CUTOFF ** 16 / (LR_CUTOFF ** 16 + CUTON ** 16) ** (17.0 / 16.0)


def switch_function(x, cuton, cutoff):
    t = (x - cuton) / (cutoff - cuton)
    t3 = t ** 3
    t4 = t3 * t
    t5 = t4 * t
    sw = 1.0 - 6.0 * t5 + 15.0 * t4 - 10.0 * t3
    return jnp.where(x < cuton, jnp.ones_like(x), jnp.where(x > cutoff, jnp.zeros_like(x), sw))


def setup_inputs(seed: int = 0) -> dict:
    key = jax.random.key(seed)
    kZ, kq, kr, ki, kj, km = jax.random.split(key, 6)
    N = 100000
    E = 3200000
    M = 1024
    Z = jax.random.randint(kZ, (N,), 0, 100, dtype=jnp.int64 if jax.config.jax_enable_x64 else jnp.int32)
    partial_charges = jax.random.normal(kq, (N, 1), dtype=jnp.float32)
    # scale so pairwise distances span cuton/cutoff/lr_cutoff regions
    Rij = jax.random.normal(kr, (E, 3), dtype=jnp.float32) * 4.0
    idx_i = jax.random.randint(ki, (E,), 0, N)
    idx_j = jax.random.randint(kj, (E,), 0, N)
    idx_m = jnp.sort(jax.random.randint(km, (N,), 0, M))
    idx_m = idx_m.at[-1].set(M - 1)  # ensure maxm == M deterministically
    return {"Z": Z, "partial_charges": partial_charges, "Rij": Rij,
            "idx_i": idx_i, "idx_j": idx_j, "idx_m": idx_m}


def reference(Z, partial_charges, Rij, idx_i, idx_j, idx_m):
    q = jnp.squeeze(partial_charges, -1)
    d_ij = jnp.linalg.norm(Rij, axis=1)
    N = Z.shape[0]
    maxm = 1024
    fac = KEHALF * jnp.take(q, idx_i, axis=0) * jnp.take(q, idx_j, axis=0)
    f = switch_function(d_ij, CUTON, CUTOFF)
    x_coulomb = 1.0 / d_ij + d_ij / LR_CUTOFF ** 2 - 2.0 / LR_CUTOFF
    coulomb = jnp.where(d_ij < LR_CUTOFF, x_coulomb, jnp.zeros_like(d_ij))
    damped = 1.0 / (d_ij ** 16 + CUTON16) ** (1.0 / 16.0) + (1.0 - f) * CUT_RCONSTANT * d_ij - CUT_CONSTANT
    e = fac * (f * damped + (1.0 - f) * coulomb)
    y = jax.ops.segment_sum(e, idx_i, num_segments=N)
    y = jax.ops.segment_sum(y, idx_m, num_segments=maxm)
    return y

if __name__ == "__main__":
    import jax
    _d = setup_inputs()
    print(jax.jit(kernel)(*tuple(_d.values())))

</pallas_src>

<mosaic_0001>
#map = affine_map<(d0, d1) -> (0)>
#map1 = affine_map<(d0, d1) -> (0, 0)>
module attributes {stable_mosaic.version = 14 : i64} {
  func.func @_body(%arg0: i32, %arg1: i32, %arg2: memref<100352xf32, #tpu.memory_space<hbm>>, %arg3: memref<3200000xf32, #tpu.memory_space<hbm>>, %arg4: memref<3200000xf32, #tpu.memory_space<hbm>>, %arg5: memref<3200000xf32, #tpu.memory_space<hbm>>, %arg6: memref<3200000xi32, #tpu.memory_space<hbm>>, %arg7: memref<3200000xi32, #tpu.memory_space<hbm>>, %arg8: memref<100352xi32, #tpu.memory_space<hbm>>, %arg9: memref<2x1024xf32, #tpu.memory_space<hbm>>, %arg10: memref<2048xf32, #tpu.memory_space<vmem>>, %arg11: memref<4000xi32, #tpu.memory_space<vmem>>, %arg12: memref<4000xi32, #tpu.memory_space<vmem>>, %arg13: memref<4000xi32, #tpu.memory_space<vmem>>, %arg14: memref<4000xi32, #tpu.memory_space<vmem>>, %arg15: memref<4000xf32, #tpu.memory_space<vmem>>, %arg16: memref<4000xf32, #tpu.memory_space<vmem>>, %arg17: memref<4000xf32, #tpu.memory_space<vmem>>, %arg18: memref<4000xf32, #tpu.memory_space<vmem>>, %arg19: memref<4000xf32, #tpu.memory_space<vmem>>, %arg20: memref<4000xf32, #tpu.memory_space<vmem>>, %arg21: memref<4000xf32, #tpu.memory_space<vmem>>, %arg22: memref<4000xf32, #tpu.memory_space<vmem>>, %arg23: memref<4000xf32, #tpu.memory_space<vmem>>, %arg24: memref<4000xf32, #tpu.memory_space<vmem>>, %arg25: memref<4000xf32, #tpu.memory_space<vmem>>, %arg26: memref<2048xf32, #tpu.memory_space<vmem>>, %arg27: memref<2048xi32, #tpu.memory_space<vmem>>, %arg28: memref<2048xf32, #tpu.memory_space<vmem>>, %arg29: memref<1024xf32, #tpu.memory_space<vmem>>, %arg30: memref<100352xf32, #tpu.memory_space<vmem_shared>>, %arg31: memref<802816xf32, #tpu.memory_space<vmem_shared>>, %arg32: memref<16384xf32, #tpu.memory_space<vmem_shared>>, %arg33: memref<!tpu.dma_semaphore, #tpu.memory_space<semaphore_mem>>, %arg34: memref<!tpu.dma_semaphore, #tpu.memory_space<semaphore_mem>>, %arg35: memref<!tpu.dma_semaphore, #tpu.memory_space<semaphore_mem>>, %arg36: memref<!tpu.dma_semaphore, #tpu.memory_space<semaphore_mem>>) attributes {dimension_semantics = [#tpu.dimension_semantics<core_parallel>, #tpu.dimension_semantics<subcore_parallel>], iteration_bounds = array<i64: 2, 16>, scalar_prefetch = 0 : i64, scratch_operands = 27 : i64, tpu.core_type = #tpu.core_type<sc_vector_subcore>, window_params = [{transform_indices = #map}, {transform_indices = #map}, {transform_indices = #map}, {transform_indices = #map}, {transform_indices = #map}, {transform_indices = #map}, {transform_indices = #map}, {transform_indices = #map1}]} {
    %mul3A = arith.constant 16 : i32
    %mul3A_0 = arith.muli %arg0, %mul3A : i32
    %add3A = arith.addi %mul3A_0, %arg1 : i32
    %and3A = arith.constant 7 : i32
    %and3A_1 = arith.andi %arg1, %and3A : i32
    %shift_right_arithmetic3A = arith.constant 3 : i32
    %shift_right_arithmetic3A_2 = arith.shrsi %arg1, %shift_right_arithmetic3A : i32
    %mul3A_3 = arith.constant 6272 : i32
    %mul3A_4 = arith.muli %arg1, %mul3A_3 : i32
    %mul3A_5 = arith.constant 6272 : i32
    %mul3A_6 = arith.muli %arg1, %mul3A_5 : i32
    "tpu.region"() ({
      %run_scoped3A = tpu.sem_alloc : memref<!tpu.dma_semaphore, #tpu.memory_space<semaphore_mem>>
      %dma_start3A_118 = tpu.memref_slice %arg30[%mul3A_6] : memref<100352xf32, #tpu.memory_space<vmem_shared>> -> memref<6272xf32, #tpu.memory_space<vmem_shared>>
      %dma_start3A_119 = tpu.memref_slice %arg2[%mul3A_4] : memref<100352xf32, #tpu.memory_space<hbm>> -> memref<6272xf32, #tpu.memory_space<hbm>>
      tpu.enqueue_dma source(%dma_start3A_119 : memref<6272xf32, #tpu.memory_space<hbm>>) target(%dma_start3A_118 : memref<6272xf32, #tpu.memory_space<vmem_shared>>) target_semaphore(%run_scoped3A : memref<!tpu.dma_semaphore, #tpu.memory_space<semaphore_mem>>)
      %dma_wait3A_120 = tpu.memref_slice %arg30[%mul3A_6] : memref<100352xf32, #tpu.memory_space<vmem_shared>> -> memref<6272xf32, #tpu.memory_space<vmem_shared>>
      %dma_wait3A_121 = tpu.memref_slice %arg2[%mul3A_4] : memref<100352xf32, #tpu.memory_space<hbm>> -> memref<6272xf32, #tpu.memory_space<hbm>>
      tpu.wait_dma2 semaphore(%run_scoped3A : memref<!tpu.dma_semaphore, #tpu.memory_space<semaphore_mem>>) src(%dma_wait3A_121 : memref<6272xf32, #tpu.memory_space<hbm>>) dst(%dma_wait3A_120 : memref<6272xf32, #tpu.memory_space<vmem_shared>>)
      tpu.yield
    }) : () -> ()
    %scan3A = arith.constant 0 : i32
    %scan3A_7 = arith.constant 0 : i32
    %scan3A_8 = arith.constant 128 : i32
    %scan3A_9 = arith.addi %scan3A_7, %scan3A_8 : i32
    %scan3A_10 = arith.constant 1 : i32
    scf.for %scan3A_118 = %scan3A_7 to %scan3A_9 step %scan3A_10  : i32 {
      %broadcast_in_dim3A = arith.constant 0.000000e+00 : f32
      %broadcast_in_dim3A_119 = vector.broadcast %broadcast_in_dim3A : f32 to vector<16xf32>
      %mul3A_120 = arith.constant 16 : i32
      %mul3A_121 = arith.muli %scan3A_118, %mul3A_120 : i32
      %swap3A = arith.index_cast %mul3A_121 : i32 to index
      %swap3A_122 = tpu.vector_load %arg10[%swap3A] {strides = array<i32>} : memref<2048xf32, #tpu.memory_space<vmem>>, vector<16xf32>,
      tpu.vector_store %arg10[%swap3A], %broadcast_in_dim3A_119 {strides = array<i32>} : memref<2048xf32, #tpu.memory_space<vmem>>, vector<16xf32>,
    }
    %scan3A_11 = arith.constant 128 : i32
    %lt3A = arith.constant 8 : i32
    %lt3A_12 = arith.cmpi slt, %arg1, %lt3A : i32
    %convert_element_type3A = arith.extui %lt3A_12 : i1 to i32
    %cond3A = arith.constant 0 : i32
    %cond3A_13 = arith.cmpi ne, %convert_element_type3A, %cond3A : i32
    scf.if %cond3A_13 {
      %scan3A_118 = arith.constant 0 : i32
      %scan3A_119 = arith.constant 0 : i32
      %scan3A_120 = arith.constant 49 : i32
      %scan3A_121 = arith.addi %scan3A_119, %scan3A_120 : i32
      %scan3A_122 = arith.constant 1 : i32
      scf.for %scan3A_124 = %scan3A_119 to %scan3A_121 step %scan3A_122  : i32 {
        %mul3A_125 = arith.constant 100352 : i32
        %mul3A_126 = arith.muli %arg1, %mul3A_125 : i32
        %mul3A_127 = arith.constant 2048 : i32
        %mul3A_128 = arith.muli %scan3A_124, %mul3A_127 : i32
        %add3A_129 = arith.addi %mul3A_126, %mul3A_128 : i32
        "tpu.region"() ({
          %run_scoped3A = tpu.sem_alloc : memref<!tpu.dma_semaphore, #tpu.memory_space<semaphore_mem>>
          %dma_start3A_130 = tpu.memref_slice %arg31[%add3A_129] : memref<802816xf32, #tpu.memory_space<vmem_shared>> -> memref<2048xf32, #tpu.memory_space<vmem_shared>>
          %dma_start3A_131 = tpu.memref_slice %arg31[%add3A_129] : memref<802816xf32, #tpu.memory_space<vmem_shared>> -> memref<2048xf32, #tpu.memory_space<vmem_shared>>
          tpu.enqueue_dma source(%arg10 : memref<2048xf32, #tpu.memory_space<vmem>>) target(%dma_start3A_131 : memref<2048xf32, #tpu.memory_space<vmem_shared>>) target_semaphore(%run_scoped3A : memref<!tpu.dma_semaphore, #tpu.memory_space<semaphore_mem>>)
          %dma_wait3A_132 = tpu.memref_slice %arg31[%add3A_129] : memref<802816xf32, #tpu.memory_space<vmem_shared>> -> memref<2048xf32, #tpu.memory_space<vmem_shared>>
          %dma_wait3A_133 = tpu.memref_slice %arg31[%add3A_129] : memref<802816xf32, #tpu.memory_space<vmem_shared>> -> memref<2048xf32, #tpu.memory_space<vmem_shared>>
          tpu.wait_dma2 semaphore(%run_scoped3A : memref<!tpu.dma_semaphore, #tpu.memory_space<semaphore_mem>>) src(%arg10 : memref<2048xf32, #tpu.memory_space<vmem>>) dst(%dma_wait3A_133 : memref<2048xf32, #tpu.memory_space<vmem_shared>>)
          tpu.yield
        }) : () -> ()
      }
      %scan3A_123 = arith.constant 49 : i32
    } else {
    }
    %mul3A_14 = arith.constant 1024 : i32
    %mul3A_15 = arith.muli %arg1, %mul3A_14 : i32
    "tpu.region"() ({
      %run_scoped3A = tpu.sem_alloc : memref<!tpu.dma_semaphore, #tpu.memory_space<semaphore_mem>>
      %dma_start3A_118 = arith.constant 0 : i32
      %dma_start3A_119 = tpu.memref_slice %arg10[%dma_start3A_118] : memref<2048xf32, #tpu.memory_space<vmem>> -> memref<1024xf32, #tpu.memory_space<vmem>>
      %dma_start3A_120 = tpu.memref_slice %arg32[%mul3A_15] : memref<16384xf32, #tpu.memory_space<vmem_shared>> -> memref<1024xf32, #tpu.memory_space<vmem_shared>>
      %dma_start3A_121 = tpu.memref_slice %arg32[%mul3A_15] : memref<16384xf32, #tpu.memory_space<vmem_shared>> -> memref<1024xf32, #tpu.memory_space<vmem_shared>>
      %dma_start3A_122 = arith.constant 0 : i32
      %dma_start3A_123 = tpu.memref_slice %arg10[%dma_start3A_122] : memref<2048xf32, #tpu.memory_space<vmem>> -> memref<1024xf32, #tpu.memory_space<vmem>>
      tpu.enqueue_dma source(%dma_start3A_123 : memref<1024xf32, #tpu.memory_space<vmem>>) target(%dma_start3A_121 : memref<1024xf32, #tpu.memory_space<vmem_shared>>) target_semaphore(%run_scoped3A : memref<!tpu.dma_semaphore, #tpu.memory_space<semaphore_mem>>)
      %dma_wait3A_124 = arith.constant 0 : i32
      %dma_wait3A_125 = tpu.memref_slice %arg10[%dma_wait3A_124] : memref<2048xf32, #tpu.memory_space<vmem>> -> memref<1024xf32, #tpu.memory_space<vmem>>
      %dma_wait3A_126 = tpu.memref_slice %arg32[%mul3A_15] : memref<16384xf32, #tpu.memory_space<vmem_shared>> -> memref<1024xf32, #tpu.memory_space<vmem_shared>>
      %dma_wait3A_127 = tpu.memref_slice %arg32[%mul3A_15] : memref<16384xf32, #tpu.memory_space<vmem_shared>> -> memref<1024xf32, #tpu.memory_space<vmem_shared>>
      %dma_wait3A_128 = arith.constant 0 : i32
      %dma_wait3A_129 = tpu.memref_slice %arg10[%dma_wait3A_128] : memref<2048xf32, #tpu.memory_space<vmem>> -> memref<1024xf32, #tpu.memory_space<vmem>>
      tpu.wait_dma2 semaphore(%run_scoped3A : memref<!tpu.dma_semaphore, #tpu.memory_space<semaphore_mem>>) src(%dma_wait3A_129 : memref<1024xf32, #tpu.memory_space<vmem>>) dst(%dma_wait3A_127 : memref<1024xf32, #tpu.memory_space<vmem_shared>>)
      tpu.yield
    }) : () -> ()
    %barrier3A = arith.constant 0 : index
    tpu.barrier barrier_id(%barrier3A)
    %mul3A_16 = arith.constant 100000 : i32
    %mul3A_17 = arith.muli %add3A, %mul3A_16 : i32
    %mul3A_18 = arith.constant 100352 : i32
    %mul3A_19 = arith.muli %and3A_1, %mul3A_18 : i32
    %add3A_20 = arith.constant 0 : i32
    %add3A_21 = arith.addi %mul3A_17, %add3A_20 : i32
    %dma_start3A = tpu.memref_slice %arg6[%add3A_21] : memref<3200000xi32, #tpu.memory_space<hbm>> -> memref<4000xi32, #tpu.memory_space<hbm>>
    %dma_start3A_22 = tpu.memref_slice %arg6[%add3A_21] : memref<3200000xi32, #tpu.memory_space<hbm>> -> memref<4000xi32, #tpu.memory_space<hbm>>
    tpu.enqueue_dma source(%dma_start3A_22 : memref<4000xi32, #tpu.memory_space<hbm>>) target(%arg11 : memref<4000xi32, #tpu.memory_space<vmem>>) target_semaphore(%arg33 : memref<!tpu.dma_semaphore, #tpu.memory_space<semaphore_mem>>)
    %dma_start3A_23 = tpu.memref_slice %arg7[%add3A_21] : memref<3200000xi32, #tpu.memory_space<hbm>> -> memref<4000xi32, #tpu.memory_space<hbm>>
    %dma_start3A_24 = tpu.memref_slice %arg7[%add3A_21] : memref<3200000xi32, #tpu.memory_space<hbm>> -> memref<4000xi32, #tpu.memory_space<hbm>>
    tpu.enqueue_dma source(%dma_start3A_24 : memref<4000xi32, #tpu.memory_space<hbm>>) target(%arg13 : memref<4000xi32, #tpu.memory_space<vmem>>) target_semaphore(%arg33 : memref<!tpu.dma_semaphore, #tpu.memory_space<semaphore_mem>>)
    %dma_start3A_25 = tpu.memref_slice %arg3[%add3A_21] : memref<3200000xf32, #tpu.memory_space<hbm>> -> memref<4000xf32, #tpu.memory_space<hbm>>
    %dma_start3A_26 = tpu.memref_slice %arg3[%add3A_21] : memref<3200000xf32, #tpu.memory_space<hbm>> -> memref<4000xf32, #tpu.memory_space<hbm>>
    tpu.enqueue_dma source(%dma_start3A_26 : memref<4000xf32, #tpu.memory_space<hbm>>) target(%arg15 : memref<4000xf32, #tpu.memory_space<vmem>>) target_semaphore(%arg33 : memref<!tpu.dma_semaphore, #tpu.memory_space<semaphore_mem>>)
    %dma_start3A_27 = tpu.memref_slice %arg4[%add3A_21] : memref<3200000xf32, #tpu.memory_space<hbm>> -> memref<4000xf32, #tpu.memory_space<hbm>>
    %dma_start3A_28 = tpu.memref_slice %arg4[%add3A_21] : memref<3200000xf32, #tpu.memory_space<hbm>> -> memref<4000xf32, #tpu.memory_space<hbm>>
    tpu.enqueue_dma source(%dma_start3A_28 : memref<4000xf32, #tpu.memory_space<hbm>>) target(%arg17 : memref<4000xf32, #tpu.memory_space<vmem>>) target_semaphore(%arg33 : memref<!tpu.dma_semaphore, #tpu.memory_space<semaphore_mem>>)
    %dma_start3A_29 = tpu.memref_slice %arg5[%add3A_21] : memref<3200000xf32, #tpu.memory_space<hbm>> -> memref<4000xf32, #tpu.memory_space<hbm>>
    %dma_start3A_30 = tpu.memref_slice %arg5[%add3A_21] : memref<3200000xf32, #tpu.memory_space<hbm>> -> memref<4000xf32, #tpu.memory_space<hbm>>
    tpu.enqueue_dma source(%dma_start3A_30 : memref<4000xf32, #tpu.memory_space<hbm>>) target(%arg19 : memref<4000xf32, #tpu.memory_space<vmem>>) target_semaphore(%arg33 : memref<!tpu.dma_semaphore, #tpu.memory_space<semaphore_mem>>)
    %add3A_31 = arith.constant 0 : i32
    %add3A_32 = arith.addi %mul3A_17, %add3A_31 : i32
    %dma_wait3A = tpu.memref_slice %arg6[%add3A_32] : memref<3200000xi32, #tpu.memory_space<hbm>> -> memref<4000xi32, #tpu.memory_space<hbm>>
    %dma_wait3A_33 = tpu.memref_slice %arg6[%add3A_32] : memref<3200000xi32, #tpu.memory_space<hbm>> -> memref<4000xi32, #tpu.memory_space<hbm>>
    tpu.wait_dma2 semaphore(%arg33 : memref<!tpu.dma_semaphore, #tpu.memory_space<semaphore_mem>>) src(%dma_wait3A_33 : memref<4000xi32, #tpu.memory_space<hbm>>) dst(%arg11 : memref<4000xi32, #tpu.memory_space<vmem>>)
    %dma_wait3A_34 = tpu.memref_slice %arg7[%add3A_32] : memref<3200000xi32, #tpu.memory_space<hbm>> -> memref<4000xi32, #tpu.memory_space<hbm>>
    %dma_wait3A_35 = tpu.memref_slice %arg7[%add3A_32] : memref<3200000xi32, #tpu.memory_space<hbm>> -> memref<4000xi32, #tpu.memory_space<hbm>>
    tpu.wait_dma2 semaphore(%arg33 : memref<!tpu.dma_semaphore, #tpu.memory_space<semaphore_mem>>) src(%dma_wait3A_35 : memref<4000xi32, #tpu.memory_space<hbm>>) dst(%arg13 : memref<4000xi32, #tpu.memory_space<vmem>>)
    %dma_wait3A_36 = tpu.memref_slice %arg3[%add3A_32] : memref<3200000xf32, #tpu.memory_space<hbm>> -> memref<4000xf32, #tpu.memory_space<hbm>>
    %dma_wait3A_37 = tpu.memref_slice %arg3[%add3A_32] : memref<3200000xf32, #tpu.memory_space<hbm>> -> memref<4000xf32, #tpu.memory_space<hbm>>
    tpu.wait_dma2 semaphore(%arg33 : memref<!tpu.dma_semaphore, #tpu.memory_space<semaphore_mem>>) src(%dma_wait3A_37 : memref<4000xf32, #tpu.memory_space<hbm>>) dst(%arg15 : memref<4000xf32, #tpu.memory_space<vmem>>)
    %dma_wait3A_38 = tpu.memref_slice %arg4[%add3A_32] : memref<3200000xf32, #tpu.memory_space<hbm>> -> memref<4000xf32, #tpu.memory_space<hbm>>
    %dma_wait3A_39 = tpu.memref_slice %arg4[%add3A_32] : memref<3200000xf32, #tpu.memory_space<hbm>> -> memref<4000xf32, #tpu.memory_space<hbm>>
    tpu.wait_dma2 semaphore(%arg33 : memref<!tpu.dma_semaphore, #tpu.memory_space<semaphore_mem>>) src(%dma_wait3A_39 : memref<4000xf32, #tpu.memory_space<hbm>>) dst(%arg17 : memref<4000xf32, #tpu.memory_space<vmem>>)
    %dma_wait3A_40 = tpu.memref_slice %arg5[%add3A_32] : memref<3200000xf32, #tpu.memory_space<hbm>> -> memref<4000xf32, #tpu.memory_space<hbm>>
    %dma_wait3A_41 = tpu.memref_slice %arg5[%add3A_32] : memref<3200000xf32, #tpu.memory_space<hbm>> -> memref<4000xf32, #tpu.memory_space<hbm>>
    tpu.wait_dma2 semaphore(%arg33 : memref<!tpu.dma_semaphore, #tpu.memory_space<semaphore_mem>>) src(%dma_wait3A_41 : memref<4000xf32, #tpu.memory_space<hbm>>) dst(%arg19 : memref<4000xf32, #tpu.memory_space<vmem>>)
    %dma_start3A_42 = arith.constant 0 : i32
    %dma_start3A_43 = tpu.memref_slice %arg30[%dma_start3A_42] : memref<100352xf32, #tpu.memory_space<vmem_shared>> -> memref<100352xf32, #tpu.memory_space<vmem_shared>>
    tpu.enqueue_indirect_dma source(%dma_start3A_43 : memref<100352xf32, #tpu.memory_space<vmem_shared>>) target(%arg21 : memref<4000xf32, #tpu.memory_space<vmem>>) offsets(%arg11 : memref<4000xi32, #tpu.memory_space<vmem>>) semaphore(%arg35 : memref<!tpu.dma_semaphore, #tpu.memory_space<semaphore_mem>>)
    %dma_start3A_44 = arith.constant 0 : i32
    %dma_start3A_45 = tpu.memref_slice %arg30[%dma_start3A_44] : memref<100352xf32, #tpu.memory_space<vmem_shared>> -> memref<100352xf32, #tpu.memory_space<vmem_shared>>
    tpu.enqueue_indirect_dma source(%dma_start3A_45 : memref<100352xf32, #tpu.memory_space<vmem_shared>>) target(%arg23 : memref<4000xf32, #tpu.memory_space<vmem>>) offsets(%arg13 : memref<4000xi32, #tpu.memory_space<vmem>>) semaphore(%arg35 : memref<!tpu.dma_semaphore, #tpu.memory_space<semaphore_mem>>)
    %add3A_46 = arith.constant 4000 : i32
    %add3A_47 = arith.addi %mul3A_17, %add3A_46 : i32
    %dma_start3A_48 = tpu.memref_slice %arg6[%add3A_47] : memref<3200000xi32, #tpu.memory_space<hbm>> -> memref<4000xi32, #tpu.memory_space<hbm>>
    %dma_start3A_49 = tpu.memref_slice %arg6[%add3A_47] : memref<3200000xi32, #tpu.memory_space<hbm>> -> memref<4000xi32, #tpu.memory_space<hbm>>
    tpu.enqueue_dma source(%dma_start3A_49 : memref<4000xi32, #tpu.memory_space<hbm>>) target(%arg12 : memref<4000xi32, #tpu.memory_space<vmem>>) target_semaphore(%arg34 : memref<!tpu.dma_semaphore, #tpu.memory_space<semaphore_mem>>)
    %dma_start3A_50 = tpu.memref_slice %arg7[%add3A_47] : memref<3200000xi32, #tpu.memory_space<hbm>> -> memref<4000xi32, #tpu.memory_space<hbm>>
    %dma_start3A_51 = tpu.memref_slice %arg7[%add3A_47] : memref<3200000xi32, #tpu.memory_space<hbm>> -> memref<4000xi32, #tpu.memory_space<hbm>>
    tpu.enqueue_dma source(%dma_start3A_51 : memref<4000xi32, #tpu.memory_space<hbm>>) target(%arg14 : memref<4000xi32, #tpu.memory_space<vmem>>) target_semaphore(%arg34 : memref<!tpu.dma_semaphore, #tpu.memory_space<semaphore_mem>>)
    %dma_start3A_52 = tpu.memref_slice %arg3[%add3A_47] : memref<3200000xf32, #tpu.memory_space<hbm>> -> memref<4000xf32, #tpu.memory_space<hbm>>
    %dma_start3A_53 = tpu.memref_slice %arg3[%add3A_47] : memref<3200000xf32, #tpu.memory_space<hbm>> -> memref<4000xf32, #tpu.memory_space<hbm>>
    tpu.enqueue_dma source(%dma_start3A_53 : memref<4000xf32, #tpu.memory_space<hbm>>) target(%arg16 : memref<4000xf32, #tpu.memory_space<vmem>>) target_semaphore(%arg34 : memref<!tpu.dma_semaphore, #tpu.memory_space<semaphore_mem>>)
    %dma_start3A_54 = tpu.memref_slice %arg4[%add3A_47] : memref<3200000xf32, #tpu.memory_space<hbm>> -> memref<4000xf32, #tpu.memory_space<hbm>>
    %dma_start3A_55 = tpu.memref_slice %arg4[%add3A_47] : memref<3200000xf32, #tpu.memory_space<hbm>> -> memref<4000xf32, #tpu.memory_space<hbm>>
    tpu.enqueue_dma source(%dma_start3A_55 : memref<4000xf32, #tpu.memory_space<hbm>>) target(%arg18 : memref<4000xf32, #tpu.memory_space<vmem>>) target_semaphore(%arg34 : memref<!tpu.dma_semaphore, #tpu.memory_space<semaphore_mem>>)
    %dma_start3A_56 = tpu.memref_slice %arg5[%add3A_47] : memref<3200000xf32, #tpu.memory_space<hbm>> -> memref<4000xf32, #tpu.memory_space<hbm>>
    %dma_start3A_57 = tpu.memref_slice %arg5[%add3A_47] : memref<3200000xf32, #tpu.memory_space<hbm>> -> memref<4000xf32, #tpu.memory_space<hbm>>
    tpu.enqueue_dma source(%dma_start3A_57 : memref<4000xf32, #tpu.memory_space<hbm>>) target(%arg20 : memref<4000xf32, #tpu.memory_space<vmem>>) target_semaphore(%arg34 : memref<!tpu.dma_semaphore, #tpu.memory_space<semaphore_mem>>)
    %scan3A_58 = arith.constant 0 : i32
    %scan3A_59 = arith.constant 0 : i32
    %scan3A_60 = arith.constant 12 : i32
    %scan3A_61 = arith.addi %scan3A_59, %scan3A_60 : i32
    %scan3A_62 = arith.constant 1 : i32
    scf.for %scan3A_118 = %scan3A_59 to %scan3A_61 step %scan3A_62  : i32 {
      %mul3A_119 = arith.constant 2 : i32
      %mul3A_120 = arith.muli %scan3A_118, %mul3A_119 : i32
      %add3A_121 = arith.constant 1 : i32
      %add3A_122 = arith.addi %mul3A_120, %add3A_121 : i32
      %mul3A_123 = arith.constant 4000 : i32
      %mul3A_124 = arith.muli %add3A_122, %mul3A_123 : i32
      %add3A_125 = arith.addi %mul3A_17, %mul3A_124 : i32
      %dma_wait3A_126 = tpu.memref_slice %arg6[%add3A_125] : memref<3200000xi32, #tpu.memory_space<hbm>> -> memref<4000xi32, #tpu.memory_space<hbm>>
      %dma_wait3A_127 = tpu.memref_slice %arg6[%add3A_125] : memref<3200000xi32, #tpu.memory_space<hbm>> -> memref<4000xi32, #tpu.memory_space<hbm>>
      tpu.wait_dma2 semaphore(%arg34 : memref<!tpu.dma_semaphore, #tpu.memory_space<semaphore_mem>>) src(%dma_wait3A_127 : memref<4000xi32, #tpu.memory_space<hbm>>) dst(%arg12 : memref<4000xi32, #tpu.memory_space<vmem>>)
      %dma_wait3A_128 = tpu.memref_slice %arg7[%add3A_125] : memref<3200000xi32, #tpu.memory_space<hbm>> -> memref<4000xi32, #tpu.memory_space<hbm>>
      %dma_wait3A_129 = tpu.memref_slice %arg7[%add3A_125] : memref<3200000xi32, #tpu.memory_space<hbm>> -> memref<4000xi32, #tpu.memory_space<hbm>>
      tpu.wait_dma2 semaphore(%arg34 : memref<!tpu.dma_semaphore, #tpu.memory_space<semaphore_mem>>) src(%dma_wait3A_129 : memref<4000xi32, #tpu.memory_space<hbm>>) dst(%arg14 : memref<4000xi32, #tpu.memory_space<vmem>>)
      %dma_wait3A_130 = tpu.memref_slice %arg3[%add3A_125] : memref<3200000xf32, #tpu.memory_space<hbm>> -> memref<4000xf32, #tpu.memory_space<hbm>>
      %dma_wait3A_131 = tpu.memref_slice %arg3[%add3A_125] : memref<3200000xf32, #tpu.memory_space<hbm>> -> memref<4000xf32, #tpu.memory_space<hbm>>
      tpu.wait_dma2 semaphore(%arg34 : memref<!tpu.dma_semaphore, #tpu.memory_space<semaphore_mem>>) src(%dma_wait3A_131 : memref<4000xf32, #tpu.memory_space<hbm>>) dst(%arg16 : memref<4000xf32, #tpu.memory_space<vmem>>)
      %dma_wait3A_132 = tpu.memref_slice %arg4[%add3A_125] : memref<3200000xf32, #tpu.memory_space<hbm>> -> memref<4000xf32, #tpu.memory_space<hbm>>
      %dma_wait3A_133 = tpu.memref_slice %arg4[%add3A_125] : memref<3200000xf32, #tpu.memory_space<hbm>> -> memref<4000xf32, #tpu.memory_space<hbm>>
      tpu.wait_dma2 semaphore(%arg34 : memref<!tpu.dma_semaphore, #tpu.memory_space<semaphore_mem>>) src(%dma_wait3A_133 : memref<4000xf32, #tpu.memory_space<hbm>>) dst(%arg18 : memref<4000xf32, #tpu.memory_space<vmem>>)
      %dma_wait3A_134 = tpu.memref_slice %arg5[%add3A_125] : memref<3200000xf32, #tpu.memory_space<hbm>> -> memref<4000xf32, #tpu.memory_space<hbm>>
      %dma_wait3A_135 = tpu.memref_slice %arg5[%add3A_125] : memref<3200000xf32, #tpu.memory_space<hbm>> -> memref<4000xf32, #tpu.memory_space<hbm>>
      tpu.wait_dma2 semaphore(%arg34 : memref<!tpu.dma_semaphore, #tpu.memory_space<semaphore_mem>>) src(%dma_wait3A_135 : memref<4000xf32, #tpu.memory_space<hbm>>) dst(%arg20 : memref<4000xf32, #tpu.memory_space<vmem>>)
      %dma_start3A_136 = arith.constant 0 : i32
      %dma_start3A_137 = tpu.memref_slice %arg30[%dma_start3A_136] : memref<100352xf32, #tpu.memory_space<vmem_shared>> -> memref<100352xf32, #tpu.memory_space<vmem_shared>>
      tpu.enqueue_indirect_dma source(%dma_start3A_137 : memref<100352xf32, #tpu.memory_space<vmem_shared>>) target(%arg22 : memref<4000xf32, #tpu.memory_space<vmem>>) offsets(%arg12 : memref<4000xi32, #tpu.memory_space<vmem>>) semaphore(%arg36 : memref<!tpu.dma_semaphore, #tpu.memory_space<semaphore_mem>>)
      %dma_start3A_138 = arith.constant 0 : i32
      %dma_start3A_139 = tpu.memref_slice %arg30[%dma_start3A_138] : memref<100352xf32, #tpu.memory_space<vmem_shared>> -> memref<100352xf32, #tpu.memory_space<vmem_shared>>
      tpu.enqueue_indirect_dma source(%dma_start3A_139 : memref<100352xf32, #tpu.memory_space<vmem_shared>>) target(%arg24 : memref<4000xf32, #tpu.memory_space<vmem>>) offsets(%arg14 : memref<4000xi32, #tpu.memory_space<vmem>>) semaphore(%arg36 : memref<!tpu.dma_semaphore, #tpu.memory_space<semaphore_mem>>)
      %dma_wait3A_140 = arith.constant 0 : i32
      %dma_wait3A_141 = tpu.memref_slice %arg30[%dma_wait3A_140] : memref<100352xf32, #tpu.memory_space<vmem_shared>> -> memref<100352xf32, #tpu.memory_space<vmem_shared>>
      tpu.wait_indirect_dma semaphore(%arg35 : memref<!tpu.dma_semaphore, #tpu.memory_space<semaphore_mem>>) src(%dma_wait3A_141 : memref<100352xf32, #tpu.memory_space<vmem_shared>>) dst(%arg21 : memref<4000xf32, #tpu.memory_space<vmem>>)
      %dma_wait3A_142 = arith.constant 0 : i32
      %dma_wait3A_143 = tpu.memref_slice %arg30[%dma_wait3A_142] : memref<100352xf32, #tpu.memory_space<vmem_shared>> -> memref<100352xf32, #tpu.memory_space<vmem_shared>>
      tpu.wait_indirect_dma semaphore(%arg35 : memref<!tpu.dma_semaphore, #tpu.memory_space<semaphore_mem>>) src(%dma_wait3A_143 : memref<100352xf32, #tpu.memory_space<vmem_shared>>) dst(%arg23 : memref<4000xf32, #tpu.memory_space<vmem>>)
      %parallel_loop3A_144 = arith.constant 0 : i32
      %parallel_loop3A_145 = arith.constant 250 : i32
      %parallel_loop3A_146 = arith.constant 1 : i32
      scf.for %parallel_loop3A_199 = %parallel_loop3A_144 to %parallel_loop3A_145 step %parallel_loop3A_146  : i32 {
        %parallel_loop3A_200 = arith.constant 16 : i32
        %parallel_loop3A_201 = arith.muli %parallel_loop3A_199, %parallel_loop3A_200 : i32
        %parallel_loop3A_202 = arith.index_cast %parallel_loop3A_201 : i32 to index
        %parallel_loop3A_203 = tpu.vector_load %arg21[%parallel_loop3A_202] {strides = array<i32>} : memref<4000xf32, #tpu.memory_space<vmem>>, vector<16xf32>,
        %parallel_loop3A_204 = arith.index_cast %parallel_loop3A_201 : i32 to index
        %parallel_loop3A_205 = tpu.vector_load %arg23[%parallel_loop3A_204] {strides = array<i32>} : memref<4000xf32, #tpu.memory_space<vmem>>, vector<16xf32>,
        %parallel_loop3A_206 = arith.index_cast %parallel_loop3A_201 : i32 to index
        %parallel_loop3A_207 = tpu.vector_load %arg15[%parallel_loop3A_206] {strides = array<i32>} : memref<4000xf32, #tpu.memory_space<vmem>>, vector<16xf32>,
        %parallel_loop3A_208 = arith.index_cast %parallel_loop3A_201 : i32 to index
        %parallel_loop3A_209 = tpu.vector_load %arg17[%parallel_loop3A_208] {strides = array<i32>} : memref<4000xf32, #tpu.memory_space<vmem>>, vector<16xf32>,
        %parallel_loop3A_210 = arith.index_cast %parallel_loop3A_201 : i32 to index
        %parallel_loop3A_211 = tpu.vector_load %arg19[%parallel_loop3A_210] {strides = array<i32>} : memref<4000xf32, #tpu.memory_space<vmem>>, vector<16xf32>,
        %parallel_loop3A_212 = arith.mulf %parallel_loop3A_207, %parallel_loop3A_207 : vector<16xf32>
        %parallel_loop3A_213 = arith.mulf %parallel_loop3A_209, %parallel_loop3A_209 : vector<16xf32>
        %parallel_loop3A_214 = arith.addf %parallel_loop3A_212, %parallel_loop3A_213 : vector<16xf32>
        %parallel_loop3A_215 = arith.mulf %parallel_loop3A_211, %parallel_loop3A_211 : vector<16xf32>
        %parallel_loop3A_216 = arith.addf %parallel_loop3A_214, %parallel_loop3A_215 : vector<16xf32>
        %parallel_loop3A_217 = tpu.bitcast %parallel_loop3A_216 : vector<16xf32> -> vector<16xi32>
        %parallel_loop3A_218 = arith.constant 1 : i32
        %parallel_loop3A_219 = vector.broadcast %parallel_loop3A_218 : i32 to vector<16xi32>
        %parallel_loop3A_220 = arith.shrsi %parallel_loop3A_217, %parallel_loop3A_219 : vector<16xi32>
        %parallel_loop3A_221 = arith.constant 1597463007 : i32
        %parallel_loop3A_222 = vector.broadcast %parallel_loop3A_221 : i32 to vector<16xi32>
        %parallel_loop3A_223 = arith.subi %parallel_loop3A_222, %parallel_loop3A_220 : vector<16xi32>
        %parallel_loop3A_224 = tpu.bitcast %parallel_loop3A_223 : vector<16xi32> -> vector<16xf32>
        %parallel_loop3A_225 = arith.constant 5.000000e-01 : f32
        %parallel_loop3A_226 = vector.broadcast %parallel_loop3A_225 : f32 to vector<16xf32>
        %parallel_loop3A_227 = arith.mulf %parallel_loop3A_226, %parallel_loop3A_216 : vector<16xf32>
        %parallel_loop3A_228 = arith.mulf %parallel_loop3A_227, %parallel_loop3A_224 : vector<16xf32>
        %parallel_loop3A_229 = arith.mulf %parallel_loop3A_228, %parallel_loop3A_224 : vector<16xf32>
        %parallel_loop3A_230 = arith.constant 1.500000e+00 : f32
        %parallel_loop3A_231 = vector.broadcast %parallel_loop3A_230 : f32 to vector<16xf32>
        %parallel_loop3A_232 = arith.subf %parallel_loop3A_231, %parallel_loop3A_229 : vector<16xf32>
        %parallel_loop3A_233 = arith.mulf %parallel_loop3A_224, %parallel_loop3A_232 : vector<16xf32>
        %parallel_loop3A_234 = arith.constant 5.000000e-01 : f32
        %parallel_loop3A_235 = vector.broadcast %parallel_loop3A_234 : f32 to vector<16xf32>
        %parallel_loop3A_236 = arith.mulf %parallel_loop3A_235, %parallel_loop3A_216 : vector<16xf32>
        %parallel_loop3A_237 = arith.mulf %parallel_loop3A_236, %parallel_loop3A_233 : vector<16xf32>
        %parallel_loop3A_238 = arith.mulf %parallel_loop3A_237, %parallel_loop3A_233 : vector<16xf32>
        %parallel_loop3A_239 = arith.constant 1.500000e+00 : f32
        %parallel_loop3A_240 = vector.broadcast %parallel_loop3A_239 : f32 to vector<16xf32>
        %parallel_loop3A_241 = arith.subf %parallel_loop3A_240, %parallel_loop3A_238 : vector<16xf32>
        %parallel_loop3A_242 = arith.mulf %parallel_loop3A_233, %parallel_loop3A_241 : vector<16xf32>
        %parallel_loop3A_243 = arith.mulf %parallel_loop3A_216, %parallel_loop3A_242 : vector<16xf32>
        %parallel_loop3A_244 = arith.constant 7.1998229 : f32
        %parallel_loop3A_245 = vector.broadcast %parallel_loop3A_244 : f32 to vector<16xf32>
        %parallel_loop3A_246 = arith.mulf %parallel_loop3A_245, %parallel_loop3A_203 : vector<16xf32>
        %parallel_loop3A_247 = arith.mulf %parallel_loop3A_246, %parallel_loop3A_205 : vector<16xf32>
        %parallel_loop3A_248 = arith.constant 2.500000e+00 : f32
        %parallel_loop3A_249 = vector.broadcast %parallel_loop3A_248 : f32 to vector<16xf32>
        %parallel_loop3A_250 = arith.subf %parallel_loop3A_243, %parallel_loop3A_249 : vector<16xf32>
        %parallel_loop3A_251 = arith.constant 2.000000e-01 : f32
        %parallel_loop3A_252 = vector.broadcast %parallel_loop3A_251 : f32 to vector<16xf32>
        %parallel_loop3A_253 = arith.mulf %parallel_loop3A_250, %parallel_loop3A_252 : vector<16xf32>
        %parallel_loop3A_254 = arith.constant 0.000000e+00 : f32
        %parallel_loop3A_255 = vector.broadcast %parallel_loop3A_254 : f32 to vector<16xf32>
        %parallel_loop3A_256 = arith.maximumf %parallel_loop3A_253, %parallel_loop3A_255 : vector<16xf32>
        %parallel_loop3A_257 = arith.constant 1.000000e+00 : f32
        %parallel_loop3A_258 = vector.broadcast %parallel_loop3A_257 : f32 to vector<16xf32>
        %parallel_loop3A_259 = arith.minimumf %parallel_loop3A_256, %parallel_loop3A_258 : vector<16xf32>
        %parallel_loop3A_260 = arith.mulf %parallel_loop3A_259, %parallel_loop3A_259 : vector<16xf32>
        %parallel_loop3A_261 = arith.mulf %parallel_loop3A_260, %parallel_loop3A_259 : vector<16xf32>
        %parallel_loop3A_262 = arith.constant 1.500000e+01 : f32
        %parallel_loop3A_263 = vector.broadcast %parallel_loop3A_262 : f32 to vector<16xf32>
        %parallel_loop3A_264 = arith.mulf %parallel_loop3A_263, %parallel_loop3A_259 : vector<16xf32>
        %parallel_loop3A_265 = arith.constant 1.000000e+01 : f32
        %parallel_loop3A_266 = vector.broadcast %parallel_loop3A_265 : f32 to vector<16xf32>
        %parallel_loop3A_267 = arith.subf %parallel_loop3A_266, %parallel_loop3A_264 : vector<16xf32>
        %parallel_loop3A_268 = arith.constant 6.000000e+00 : f32
        %parallel_loop3A_269 = vector.broadcast %parallel_loop3A_268 : f32 to vector<16xf32>
        %parallel_loop3A_270 = arith.mulf %parallel_loop3A_269, %parallel_loop3A_260 : vector<16xf32>
        %parallel_loop3A_271 = arith.addf %parallel_loop3A_267, %parallel_loop3A_270 : vector<16xf32>
        %parallel_loop3A_272 = arith.mulf %parallel_loop3A_261, %parallel_loop3A_271 : vector<16xf32>
        %parallel_loop3A_273 = arith.constant 1.000000e+00 : f32
        %parallel_loop3A_274 = vector.broadcast %parallel_loop3A_273 : f32 to vector<16xf32>
        %parallel_loop3A_275 = arith.subf %parallel_loop3A_274, %parallel_loop3A_272 : vector<16xf32>
        %parallel_loop3A_276 = arith.constant 0.00999999977 : f32
        %parallel_loop3A_277 = vector.broadcast %parallel_loop3A_276 : f32 to vector<16xf32>
        %parallel_loop3A_278 = arith.mulf %parallel_loop3A_243, %parallel_loop3A_277 : vector<16xf32>
        %parallel_loop3A_279 = arith.addf %parallel_loop3A_242, %parallel_loop3A_278 : vector<16xf32>
        %parallel_loop3A_280 = arith.constant 2.000000e-01 : f32
        %parallel_loop3A_281 = vector.broadcast %parallel_loop3A_280 : f32 to vector<16xf32>
        %parallel_loop3A_282 = arith.subf %parallel_loop3A_279, %parallel_loop3A_281 : vector<16xf32>
        %parallel_loop3A_283 = arith.constant 1.000000e+01 : f32
        %parallel_loop3A_284 = vector.broadcast %parallel_loop3A_283 : f32 to vector<16xf32>
        %parallel_loop3A_285 = arith.cmpf olt, %parallel_loop3A_243, %parallel_loop3A_284 : vector<16xf32>
        %parallel_loop3A_286 = arith.constant 0.000000e+00 : f32
        %parallel_loop3A_287 = vector.broadcast %parallel_loop3A_286 : f32 to vector<16xf32>
        %parallel_loop3A_288 = arith.select %parallel_loop3A_285, %parallel_loop3A_282, %parallel_loop3A_287 : vector<16xi1>, vector<16xf32>
        %parallel_loop3A_289 = arith.mulf %parallel_loop3A_216, %parallel_loop3A_216 : vector<16xf32>
        %parallel_loop3A_290 = arith.mulf %parallel_loop3A_289, %parallel_loop3A_289 : vector<16xf32>
        %parallel_loop3A_291 = arith.mulf %parallel_loop3A_290, %parallel_loop3A_290 : vector<16xf32>
        %parallel_loop3A_292 = arith.constant 2328306.5 : f32
        %parallel_loop3A_293 = vector.broadcast %parallel_loop3A_292 : f32 to vector<16xf32>
        %parallel_loop3A_294 = arith.addf %parallel_loop3A_291, %parallel_loop3A_293 : vector<16xf32>
        %parallel_loop3A_295 = tpu.bitcast %parallel_loop3A_294 : vector<16xf32> -> vector<16xi32>
        %parallel_loop3A_296 = arith.constant 23 : i32
        %parallel_loop3A_297 = vector.broadcast %parallel_loop3A_296 : i32 to vector<16xi32>
        %parallel_loop3A_298 = arith.shrsi %parallel_loop3A_295, %parallel_loop3A_297 : vector<16xi32>
        %parallel_loop3A_299 = arith.constant 127 : i32
        %parallel_loop3A_300 = vector.broadcast %parallel_loop3A_299 : i32 to vector<16xi32>
        %parallel_loop3A_301 = arith.subi %parallel_loop3A_298, %parallel_loop3A_300 : vector<16xi32>
        %parallel_loop3A_302 = arith.constant 8388607 : i32
        %parallel_loop3A_303 = vector.broadcast %parallel_loop3A_302 : i32 to vector<16xi32>
        %parallel_loop3A_304 = arith.andi %parallel_loop3A_295, %parallel_loop3A_303 : vector<16xi32>
        %parallel_loop3A_305 = arith.constant 1065353216 : i32
        %parallel_loop3A_306 = vector.broadcast %parallel_loop3A_305 : i32 to vector<16xi32>
        %parallel_loop3A_307 = arith.ori %parallel_loop3A_304, %parallel_loop3A_306 : vector<16xi32>
        %parallel_loop3A_308 = tpu.bitcast %parallel_loop3A_307 : vector<16xi32> -> vector<16xf32>
        %parallel_loop3A_309 = arith.constant -0.079149574 : f32
        %parallel_loop3A_310 = vector.broadcast %parallel_loop3A_309 : f32 to vector<16xf32>
        %parallel_loop3A_311 = arith.mulf %parallel_loop3A_310, %parallel_loop3A_308 : vector<16xf32>
        %parallel_loop3A_312 = arith.constant 0.628809929 : f32
        %parallel_loop3A_313 = vector.broadcast %parallel_loop3A_312 : f32 to vector<16xf32>
        %parallel_loop3A_314 = arith.addf %parallel_loop3A_311, %parallel_loop3A_313 : vector<16xf32>
        %parallel_loop3A_315 = arith.mulf %parallel_loop3A_314, %parallel_loop3A_308 : vector<16xf32>
        %parallel_loop3A_316 = arith.constant -2.08104467 : f32
        %parallel_loop3A_317 = vector.broadcast %parallel_loop3A_316 : f32 to vector<16xf32>
        %parallel_loop3A_318 = arith.addf %parallel_loop3A_315, %parallel_loop3A_317 : vector<16xf32>
        %parallel_loop3A_319 = arith.mulf %parallel_loop3A_318, %parallel_loop3A_308 : vector<16xf32>
        %parallel_loop3A_320 = arith.constant 4.02835512 : f32
        %parallel_loop3A_321 = vector.broadcast %parallel_loop3A_320 : f32 to vector<16xf32>
        %parallel_loop3A_322 = arith.addf %parallel_loop3A_319, %parallel_loop3A_321 : vector<16xf32>
        %parallel_loop3A_323 = arith.mulf %parallel_loop3A_322, %parallel_loop3A_308 : vector<16xf32>
        %parallel_loop3A_324 = arith.constant -2.49676657 : f32
        %parallel_loop3A_325 = vector.broadcast %parallel_loop3A_324 : f32 to vector<16xf32>
        %parallel_loop3A_326 = arith.addf %parallel_loop3A_323, %parallel_loop3A_325 : vector<16xf32>
        %parallel_loop3A_327 = arith.sitofp %parallel_loop3A_301 : vector<16xi32> to vector<16xf32>
        %parallel_loop3A_328 = arith.addf %parallel_loop3A_327, %parallel_loop3A_326 : vector<16xf32>
        %parallel_loop3A_329 = arith.constant -4.332170e-02 : f32
        %parallel_loop3A_330 = vector.broadcast %parallel_loop3A_329 : f32 to vector<16xf32>
        %parallel_loop3A_331 = arith.mulf %parallel_loop3A_328, %parallel_loop3A_330 : vector<16xf32>
        %parallel_loop3A_332 = math.exp %parallel_loop3A_331 : vector<16xf32>
        %parallel_loop3A_333 = arith.constant 1.000000e+00 : f32
        %parallel_loop3A_334 = vector.broadcast %parallel_loop3A_333 : f32 to vector<16xf32>
        %parallel_loop3A_335 = arith.subf %parallel_loop3A_334, %parallel_loop3A_275 : vector<16xf32>
        %parallel_loop3A_336 = arith.constant 0.00999999977 : f32
        %parallel_loop3A_337 = vector.broadcast %parallel_loop3A_336 : f32 to vector<16xf32>
        %parallel_loop3A_338 = arith.mulf %parallel_loop3A_335, %parallel_loop3A_337 : vector<16xf32>
        %parallel_loop3A_339 = arith.mulf %parallel_loop3A_338, %parallel_loop3A_243 : vector<16xf32>
        %parallel_loop3A_340 = arith.addf %parallel_loop3A_332, %parallel_loop3A_339 : vector<16xf32>
        %parallel_loop3A_341 = arith.constant 2.000000e-01 : f32
        %parallel_loop3A_342 = vector.broadcast %parallel_loop3A_341 : f32 to vector<16xf32>
        %parallel_loop3A_343 = arith.subf %parallel_loop3A_340, %parallel_loop3A_342 : vector<16xf32>
        %parallel_loop3A_344 = arith.mulf %parallel_loop3A_275, %parallel_loop3A_343 : vector<16xf32>
        %parallel_loop3A_345 = arith.mulf %parallel_loop3A_335, %parallel_loop3A_288 : vector<16xf32>
        %parallel_loop3A_346 = arith.addf %parallel_loop3A_344, %parallel_loop3A_345 : vector<16xf32>
        %parallel_loop3A_347 = arith.mulf %parallel_loop3A_247, %parallel_loop3A_346 : vector<16xf32>
        %parallel_loop3A_348 = arith.index_cast %parallel_loop3A_201 : i32 to index
        %parallel_loop3A_349 = tpu.vector_load %arg25[%parallel_loop3A_348] {strides = array<i32>} : memref<4000xf32, #tpu.memory_space<vmem>>, vector<16xf32>,
        tpu.vector_store %arg25[%parallel_loop3A_348], %parallel_loop3A_347 {strides = array<i32>} : memref<4000xf32, #tpu.memory_space<vmem>>, vector<16xf32>,
      } {sc.loop_unroll_factor = 5 : i64, sc.parallel_access}
      %barrier3A_147 = arith.constant 0 : index
      tpu.barrier barrier_id(%barrier3A_147)
      %eq3A_148 = arith.constant 0 : i32
      %eq3A_149 = arith.cmpi eq, %shift_right_arithmetic3A_2, %eq3A_148 : i32
      %convert_element_type3A_150 = arith.extui %eq3A_149 : i1 to i32
      %cond3A_151 = arith.constant 0 : i32
      %cond3A_152 = arith.cmpi ne, %convert_element_type3A_150, %cond3A_151 : i32
      scf.if %cond3A_152 {
        "tpu.region"() ({
          %run_scoped3A = tpu.sem_alloc : memref<!tpu.dma_semaphore, #tpu.memory_space<semaphore_mem>>
          %dma_start3A_199 = tpu.memref_slice %arg31[%mul3A_19] : memref<802816xf32, #tpu.memory_space<vmem_shared>> -> memref<100352xf32, #tpu.memory_space<vmem_shared>>
          %dma_start3A_200 = arith.constant 0 : i32
          %dma_start3A_201 = tpu.memref_slice %dma_start3A_199[%dma_start3A_200] : memref<100352xf32, #tpu.memory_space<vmem_shared>> -> memref<100352xf32, #tpu.memory_space<vmem_shared>>
          tpu.enqueue_indirect_dma source(%arg25 : memref<4000xf32, #tpu.memory_space<vmem>>) target(%dma_start3A_201 : memref<100352xf32, #tpu.memory_space<vmem_shared>>) offsets(%arg11 : memref<4000xi32, #tpu.memory_space<vmem>>) semaphore(%run_scoped3A : memref<!tpu.dma_semaphore, #tpu.memory_space<semaphore_mem>>) {add = true}
          %dma_wait3A_202 = tpu.memref_slice %arg31[%mul3A_19] : memref<802816xf32, #tpu.memory_space<vmem_shared>> -> memref<100352xf32, #tpu.memory_space<vmem_shared>>
          %dma_wait3A_203 = arith.constant 0 : i32
          %dma_wait3A_204 = tpu.memref_slice %dma_wait3A_202[%dma_wait3A_203] : memref<100352xf32, #tpu.memory_space<vmem_shared>> -> memref<100352xf32, #tpu.memory_space<vmem_shared>>
          tpu.wait_indirect_dma semaphore(%run_scoped3A : memref<!tpu.dma_semaphore, #tpu.memory_space<semaphore_mem>>) src(%arg25 : memref<4000xf32, #tpu.memory_space<vmem>>) dst(%dma_wait3A_204 : memref<100352xf32, #tpu.memory_space<vmem_shared>>)
          tpu.yield
        }) : () -> ()
      } else {
      }
      %barrier3A_153 = arith.constant 0 : index
      tpu.barrier barrier_id(%barrier3A_153)
      %eq3A_154 = arith.constant 1 : i32
      %eq3A_155 = arith.cmpi eq, %shift_right_arithmetic3A_2, %eq3A_154 : i32
      %convert_element_type3A_156 = arith.extui %eq3A_155 : i1 to i32
      %cond3A_157 = arith.constant 0 : i32
      %cond3A_158 = arith.cmpi ne, %convert_element_type3A_156, %cond3A_157 : i32
      scf.if %cond3A_158 {
        "tpu.region"() ({
          %run_scoped3A = tpu.sem_alloc : memref<!tpu.dma_semaphore, #tpu.memory_space<semaphore_mem>>
          %dma_start3A_199 = tpu.memref_slice %arg31[%mul3A_19] : memref<802816xf32, #tpu.memory_space<vmem_shared>> -> memref<100352xf32, #tpu.memory_space<vmem_shared>>
          %dma_start3A_200 = arith.constant 0 : i32
          %dma_start3A_201 = tpu.memref_slice %dma_start3A_199[%dma_start3A_200] : memref<100352xf32, #tpu.memory_space<vmem_shared>> -> memref<100352xf32, #tpu.memory_space<vmem_shared>>
          tpu.enqueue_indirect_dma source(%arg25 : memref<4000xf32, #tpu.memory_space<vmem>>) target(%dma_start3A_201 : memref<100352xf32, #tpu.memory_space<vmem_shared>>) offsets(%arg11 : memref<4000xi32, #tpu.memory_space<vmem>>) semaphore(%run_scoped3A : memref<!tpu.dma_semaphore, #tpu.memory_space<semaphore_mem>>) {add = true}
          %dma_wait3A_202 = tpu.memref_slice %arg31[%mul3A_19] : memref<802816xf32, #tpu.memory_space<vmem_shared>> -> memref<100352xf32, #tpu.memory_space<vmem_shared>>
          %dma_wait3A_203 = arith.constant 0 : i32
          %dma_wait3A_204 = tpu.memref_slice %dma_wait3A_202[%dma_wait3A_203] : memref<100352xf32, #tpu.memory_space<vmem_shared>> -> memref<100352xf32, #tpu.memory_space<vmem_shared>>
          tpu.wait_indirect_dma semaphore(%run_scoped3A : memref<!tpu.dma_semaphore, #tpu.memory_space<semaphore_mem>>) src(%arg25 : memref<4000xf32, #tpu.memory_space<vmem>>) dst(%dma_wait3A_204 : memref<100352xf32, #tpu.memory_space<vmem_shared>>)
          tpu.yield
        }) : () -> ()
      } else {
      }
      %add3A_159 = arith.constant 2 : i32
      %add3A_160 = arith.addi %mul3A_120, %add3A_159 : i32
      %lt3A_161 = arith.constant 25 : i32
      %lt3A_162 = arith.cmpi slt, %add3A_160, %lt3A_161 : i32
      %convert_element_type3A_163 = arith.extui %lt3A_162 : i1 to i32
      %cond3A_164 = arith.constant 0 : i32
      %cond3A_165 = arith.cmpi ne, %convert_element_type3A_163, %cond3A_164 : i32
      scf.if %cond3A_165 {
        %add3A_199 = arith.constant 2 : i32
        %add3A_200 = arith.addi %mul3A_120, %add3A_199 : i32
        %mul3A_201 = arith.constant 4000 : i32
        %mul3A_202 = arith.muli %add3A_200, %mul3A_201 : i32
        %add3A_203 = arith.addi %mul3A_17, %mul3A_202 : i32
        %dma_start3A_204 = tpu.memref_slice %arg6[%add3A_203] : memref<3200000xi32, #tpu.memory_space<hbm>> -> memref<4000xi32, #tpu.memory_space<hbm>>
        %dma_start3A_205 = tpu.memref_slice %arg6[%add3A_203] : memref<3200000xi32, #tpu.memory_space<hbm>> -> memref<4000xi32, #tpu.memory_space<hbm>>
        tpu.enqueue_dma source(%dma_start3A_205 : memref<4000xi32, #tpu.memory_space<hbm>>) target(%arg11 : memref<4000xi32, #tpu.memory_space<vmem>>) target_semaphore(%arg33 : memref<!tpu.dma_semaphore, #tpu.memory_space<semaphore_mem>>)
        %dma_start3A_206 = tpu.memref_slice %arg7[%add3A_203] : memref<3200000xi32, #tpu.memory_space<hbm>> -> memref<4000xi32, #tpu.memory_space<hbm>>
        %dma_start3A_207 = tpu.memref_slice %arg7[%add3A_203] : memref<3200000xi32, #tpu.memory_space<hbm>> -> memref<4000xi32, #tpu.memory_space<hbm>>
        tpu.enqueue_dma source(%dma_start3A_207 : memref<4000xi32, #tpu.memory_space<hbm>>) target(%arg13 : memref<4000xi32, #tpu.memory_space<vmem>>) target_semaphore(%arg33 : memref<!tpu.dma_semaphore, #tpu.memory_space<semaphore_mem>>)
        %dma_start3A_208 = tpu.memref_slice %arg3[%add3A_203] : memref<3200000xf32, #tpu.memory_space<hbm>> -> memref<4000xf32, #tpu.memory_space<hbm>>
        %dma_start3A_209 = tpu.memref_slice %arg3[%add3A_203] : memref<3200000xf32, #tpu.memory_space<hbm>> -> memref<4000xf32, #tpu.memory_space<hbm>>
        tpu.enqueue_dma source(%dma_start3A_209 : memref<4000xf32, #tpu.memory_space<hbm>>) target(%arg15 : memref<4000xf32, #tpu.memory_space<vmem>>) target_semaphore(%arg33 : memref<!tpu.dma_semaphore, #tpu.memory_space<semaphore_mem>>)
        %dma_start3A_210 = tpu.memref_slice %arg4[%add3A_203] : memref<3200000xf32, #tpu.memory_space<hbm>> -> memref<4000xf32, #tpu.memory_space<hbm>>
        %dma_start3A_211 = tpu.memref_slice %arg4[%add3A_203] : memref<3200000xf32, #tpu.memory_space<hbm>> -> memref<4000xf32, #tpu.memory_space<hbm>>
        tpu.enqueue_dma source(%dma_start3A_211 : memref<4000xf32, #tpu.memory_space<hbm>>) target(%arg17 : memref<4000xf32, #tpu.memory_space<vmem>>) target_semaphore(%arg33 : memref<!tpu.dma_semaphore, #tpu.memory_space<semaphore_mem>>)
        %dma_start3A_212 = tpu.memref_slice %arg5[%add3A_203] : memref<3200000xf32, #tpu.memory_space<hbm>> -> memref<4000xf32, #tpu.memory_space<hbm>>
        %dma_start3A_213 = tpu.memref_slice %arg5[%add3A_203] : memref<3200000xf32, #tpu.memory_space<hbm>> -> memref<4000xf32, #tpu.memory_space<hbm>>
        tpu.enqueue_dma source(%dma_start3A_213 : memref<4000xf32, #tpu.memory_space<hbm>>) target(%arg19 : memref<4000xf32, #tpu.memory_space<vmem>>) target_semaphore(%arg33 : memref<!tpu.dma_semaphore, #tpu.memory_space<semaphore_mem>>)
      } else {
      }
      %dma_wait3A_166 = arith.constant 0 : i32
      %dma_wait3A_167 = tpu.memref_slice %arg30[%dma_wait3A_166] : memref<100352xf32, #tpu.memory_space<vmem_shared>> -> memref<100352xf32, #tpu.memory_space<vmem_shared>>
      tpu.wait_indirect_dma semaphore(%arg36 : memref<!tpu.dma_semaphore, #tpu.memory_space<semaphore_mem>>) src(%dma_wait3A_167 : memref<100352xf32, #tpu.memory_space<vmem_shared>>) dst(%arg22 : memref<4000xf32, #tpu.memory_space<vmem>>)
      %dma_wait3A_168 = arith.constant 0 : i32
      %dma_wait3A_169 = tpu.memref_slice %arg30[%dma_wait3A_168] : memref<100352xf32, #tpu.memory_space<vmem_shared>> -> memref<100352xf32, #tpu.memory_space<vmem_shared>>
      tpu.wait_indirect_dma semaphore(%arg36 : memref<!tpu.dma_semaphore, #tpu.memory_space<semaphore_mem>>) src(%dma_wait3A_169 : memref<100352xf32, #tpu.memory_space<vmem_shared>>) dst(%arg24 : memref<4000xf32, #tpu.memory_space<vmem>>)
      %parallel_loop3A_170 = arith.constant 0 : i32
      %parallel_loop3A_171 = arith.constant 250 : i32
      %parallel_loop3A_172 = arith.constant 1 : i32
      scf.for %parallel_loop3A_199 = %parallel_loop3A_170 to %parallel_loop3A_171 step %parallel_loop3A_172  : i32 {
        %parallel_loop3A_200 = arith.constant 16 : i32
        %parallel_loop3A_201 = arith.muli %parallel_loop3A_199, %parallel_loop3A_200 : i32
        %parallel_loop3A_202 = arith.index_cast %parallel_loop3A_201 : i32 to index
        %parallel_loop3A_203 = tpu.vector_load %arg22[%parallel_loop3A_202] {strides = array<i32>} : memref<4000xf32, #tpu.memory_space<vmem>>, vector<16xf32>,
        %parallel_loop3A_204 = arith.index_cast %parallel_loop3A_201 : i32 to index
        %parallel_loop3A_205 = tpu.vector_load %arg24[%parallel_loop3A_204] {strides = array<i32>} : memref<4000xf32, #tpu.memory_space<vmem>>, vector<16xf32>,
        %parallel_loop3A_206 = arith.index_cast %parallel_loop3A_201 : i32 to index
        %parallel_loop3A_207 = tpu.vector_load %arg16[%parallel_loop3A_206] {strides = array<i32>} : memref<4000xf32, #tpu.memory_space<vmem>>, vector<16xf32>,
        %parallel_loop3A_208 = arith.index_cast %parallel_loop3A_201 : i32 to index
        %parallel_loop3A_209 = tpu.vector_load %arg18[%parallel_loop3A_208] {strides = array<i32>} : memref<4000xf32, #tpu.memory_space<vmem>>, vector<16xf32>,
        %parallel_loop3A_210 = arith.index_cast %parallel_loop3A_201 : i32 to index
        %parallel_loop3A_211 = tpu.vector_load %arg20[%parallel_loop3A_210] {strides = array<i32>} : memref<4000xf32, #tpu.memory_space<vmem>>, vector<16xf32>,
        %parallel_loop3A_212 = arith.mulf %parallel_loop3A_207, %parallel_loop3A_207 : vector<16xf32>
        %parallel_loop3A_213 = arith.mulf %parallel_loop3A_209, %parallel_loop3A_209 : vector<16xf32>
        %parallel_loop3A_214 = arith.addf %parallel_loop3A_212, %parallel_loop3A_213 : vector<16xf32>
        %parallel_loop3A_215 = arith.mulf %parallel_loop3A_211, %parallel_loop3A_211 : vector<16xf32>
        %parallel_loop3A_216 = arith.addf %parallel_loop3A_214, %parallel_loop3A_215 : vector<16xf32>
        %parallel_loop3A_217 = tpu.bitcast %parallel_loop3A_216 : vector<16xf32> -> vector<16xi32>
        %parallel_loop3A_218 = arith.constant 1 : i32
        %parallel_loop3A_219 = vector.broadcast %parallel_loop3A_218 : i32 to vector<16xi32>
        %parallel_loop3A_220 = arith.shrsi %parallel_loop3A_217, %parallel_loop3A_219 : vector<16xi32>
        %parallel_loop3A_221 = arith.constant 1597463007 : i32
        %parallel_loop3A_222 = vector.broadcast %parallel_loop3A_221 : i32 to vector<16xi32>
        %parallel_loop3A_223 = arith.subi %parallel_loop3A_222, %parallel_loop3A_220 : vector<16xi32>
        %parallel_loop3A_224 = tpu.bitcast %parallel_loop3A_223 : vector<16xi32> -> vector<16xf32>
        %parallel_loop3A_225 = arith.constant 5.000000e-01 : f32
        %parallel_loop3A_226 = vector.broadcast %parallel_loop3A_225 : f32 to vector<16xf32>
        %parallel_loop3A_227 = arith.mulf %parallel_loop3A_226, %parallel_loop3A_216 : vector<16xf32>
        %parallel_loop3A_228 = arith.mulf %parallel_loop3A_227, %parallel_loop3A_224 : vector<16xf32>
        %parallel_loop3A_229 = arith.mulf %parallel_loop3A_228, %parallel_loop3A_224 : vector<16xf32>
        %parallel_loop3A_230 = arith.constant 1.500000e+00 : f32
        %parallel_loop3A_231 = vector.broadcast %parallel_loop3A_230 : f32 to vector<16xf32>
        %parallel_loop3A_232 = arith.subf %parallel_loop3A_231, %parallel_loop3A_229 : vector<16xf32>
        %parallel_loop3A_233 = arith.mulf %parallel_loop3A_224, %parallel_loop3A_232 : vector<16xf32>
        %parallel_loop3A_234 = arith.constant 5.000000e-01 : f32
        %parallel_loop3A_235 = vector.broadcast %parallel_loop3A_234 : f32 to vector<16xf32>
        %parallel_loop3A_236 = arith.mulf %parallel_loop3A_235, %parallel_loop3A_216 : vector<16xf32>
        %parallel_loop3A_237 = arith.mulf %parallel_loop3A_236, %parallel_loop3A_233 : vector<16xf32>
        %parallel_loop3A_238 = arith.mulf %parallel_loop3A_237, %parallel_loop3A_233 : vector<16xf32>
        %parallel_loop3A_239 = arith.constant 1.500000e+00 : f32
        %parallel_loop3A_240 = vector.broadcast %parallel_loop3A_239 : f32 to vector<16xf32>
        %parallel_loop3A_241 = arith.subf %parallel_loop3A_240, %parallel_loop3A_238 : vector<16xf32>
        %parallel_loop3A_242 = arith.mulf %parallel_loop3A_233, %parallel_loop3A_241 : vector<16xf32>
        %parallel_loop3A_243 = arith.mulf %parallel_loop3A_216, %parallel_loop3A_242 : vector<16xf32>
        %parallel_loop3A_244 = arith.constant 7.1998229 : f32
        %parallel_loop3A_245 = vector.broadcast %parallel_loop3A_244 : f32 to vector<16xf32>
        %parallel_loop3A_246 = arith.mulf %parallel_loop3A_245, %parallel_loop3A_203 : vector<16xf32>
        %parallel_loop3A_247 = arith.mulf %parallel_loop3A_246, %parallel_loop3A_205 : vector<16xf32>
        %parallel_loop3A_248 = arith.constant 2.500000e+00 : f32
        %parallel_loop3A_249 = vector.broadcast %parallel_loop3A_248 : f32 to vector<16xf32>
        %parallel_loop3A_250 = arith.subf %parallel_loop3A_243, %parallel_loop3A_249 : vector<16xf32>
        %parallel_loop3A_251 = arith.constant 2.000000e-01 : f32
        %parallel_loop3A_252 = vector.broadcast %parallel_loop3A_251 : f32 to vector<16xf32>
        %parallel_loop3A_253 = arith.mulf %parallel_loop3A_250, %parallel_loop3A_252 : vector<16xf32>
        %parallel_loop3A_254 = arith.constant 0.000000e+00 : f32
        %parallel_loop3A_255 = vector.broadcast %parallel_loop3A_254 : f32 to vector<16xf32>
        %parallel_loop3A_256 = arith.maximumf %parallel_loop3A_253, %parallel_loop3A_255 : vector<16xf32>
        %parallel_loop3A_257 = arith.constant 1.000000e+00 : f32
        %parallel_loop3A_258 = vector.broadcast %parallel_loop3A_257 : f32 to vector<16xf32>
        %parallel_loop3A_259 = arith.minimumf %parallel_loop3A_256, %parallel_loop3A_258 : vector<16xf32>
        %parallel_loop3A_260 = arith.mulf %parallel_loop3A_259, %parallel_loop3A_259 : vector<16xf32>
        %parallel_loop3A_261 = arith.mulf %parallel_loop3A_260, %parallel_loop3A_259 : vector<16xf32>
        %parallel_loop3A_262 = arith.constant 1.500000e+01 : f32
        %parallel_loop3A_263 = vector.broadcast %parallel_loop3A_262 : f32 to vector<16xf32>
        %parallel_loop3A_264 = arith.mulf %parallel_loop3A_263, %parallel_loop3A_259 : vector<16xf32>
        %parallel_loop3A_265 = arith.constant 1.000000e+01 : f32
        %parallel_loop3A_266 = vector.broadcast %parallel_loop3A_265 : f32 to vector<16xf32>
        %parallel_loop3A_267 = arith.subf %parallel_loop3A_266, %parallel_loop3A_264 : vector<16xf32>
        %parallel_loop3A_268 = arith.constant 6.000000e+00 : f32
        %parallel_loop3A_269 = vector.broadcast %parallel_loop3A_268 : f32 to vector<16xf32>
        %parallel_loop3A_270 = arith.mulf %parallel_loop3A_269, %parallel_loop3A_260 : vector<16xf32>
        %parallel_loop3A_271 = arith.addf %parallel_loop3A_267, %parallel_loop3A_270 : vector<16xf32>
        %parallel_loop3A_272 = arith.mulf %parallel_loop3A_261, %parallel_loop3A_271 : vector<16xf32>
        %parallel_loop3A_273 = arith.constant 1.000000e+00 : f32
        %parallel_loop3A_274 = vector.broadcast %parallel_loop3A_273 : f32 to vector<16xf32>
        %parallel_loop3A_275 = arith.subf %parallel_loop3A_274, %parallel_loop3A_272 : vector<16xf32>
        %parallel_loop3A_276 = arith.constant 0.00999999977 : f32
        %parallel_loop3A_277 = vector.broadcast %parallel_loop3A_276 : f32 to vector<16xf32>
        %parallel_loop3A_278 = arith.mulf %parallel_loop3A_243, %parallel_loop3A_277 : vector<16xf32>
        %parallel_loop3A_279 = arith.addf %parallel_loop3A_242, %parallel_loop3A_278 : vector<16xf32>
        %parallel_loop3A_280 = arith.constant 2.000000e-01 : f32
        %parallel_loop3A_281 = vector.broadcast %parallel_loop3A_280 : f32 to vector<16xf32>
        %parallel_loop3A_282 = arith.subf %parallel_loop3A_279, %parallel_loop3A_281 : vector<16xf32>
        %parallel_loop3A_283 = arith.constant 1.000000e+01 : f32
        %parallel_loop3A_284 = vector.broadcast %parallel_loop3A_283 : f32 to vector<16xf32>
        %parallel_loop3A_285 = arith.cmpf olt, %parallel_loop3A_243, %parallel_loop3A_284 : vector<16xf32>
        %parallel_loop3A_286 = arith.constant 0.000000e+00 : f32
        %parallel_loop3A_287 = vector.broadcast %parallel_loop3A_286 : f32 to vector<16xf32>
        %parallel_loop3A_288 = arith.select %parallel_loop3A_285, %parallel_loop3A_282, %parallel_loop3A_287 : vector<16xi1>, vector<16xf32>
        %parallel_loop3A_289 = arith.mulf %parallel_loop3A_216, %parallel_loop3A_216 : vector<16xf32>
        %parallel_loop3A_290 = arith.mulf %parallel_loop3A_289, %parallel_loop3A_289 : vector<16xf32>
        %parallel_loop3A_291 = arith.mulf %parallel_loop3A_290, %parallel_loop3A_290 : vector<16xf32>
        %parallel_loop3A_292 = arith.constant 2328306.5 : f32
        %parallel_loop3A_293 = vector.broadcast %parallel_loop3A_292 : f32 to vector<16xf32>
        %parallel_loop3A_294 = arith.addf %parallel_loop3A_291, %parallel_loop3A_293 : vector<16xf32>
        %parallel_loop3A_295 = tpu.bitcast %parallel_loop3A_294 : vector<16xf32> -> vector<16xi32>
        %parallel_loop3A_296 = arith.constant 23 : i32
        %parallel_loop3A_297 = vector.broadcast %parallel_loop3A_296 : i32 to vector<16xi32>
        %parallel_loop3A_298 = arith.shrsi %parallel_loop3A_295, %parallel_loop3A_297 : vector<16xi32>
        %parallel_loop3A_299 = arith.constant 127 : i32
        %parallel_loop3A_300 = vector.broadcast %parallel_loop3A_299 : i32 to vector<16xi32>
        %parallel_loop3A_301 = arith.subi %parallel_loop3A_298, %parallel_loop3A_300 : vector<16xi32>
        %parallel_loop3A_302 = arith.constant 8388607 : i32
        %parallel_loop3A_303 = vector.broadcast %parallel_loop3A_302 : i32 to vector<16xi32>
        %parallel_loop3A_304 = arith.andi %parallel_loop3A_295, %parallel_loop3A_303 : vector<16xi32>
        %parallel_loop3A_305 = arith.constant 1065353216 : i32
        %parallel_loop3A_306 = vector.broadcast %parallel_loop3A_305 : i32 to vector<16xi32>
        %parallel_loop3A_307 = arith.ori %parallel_loop3A_304, %parallel_loop3A_306 : vector<16xi32>
        %parallel_loop3A_308 = tpu.bitcast %parallel_loop3A_307 : vector<16xi32> -> vector<16xf32>
        %parallel_loop3A_309 = arith.constant -0.079149574 : f32
        %parallel_loop3A_310 = vector.broadcast %parallel_loop3A_309 : f32 to vector<16xf32>
        %parallel_loop3A_311 = arith.mulf %parallel_loop3A_310, %parallel_loop3A_308 : vector<16xf32>
        %parallel_loop3A_312 = arith.constant 0.628809929 : f32
        %parallel_loop3A_313 = vector.broadcast %parallel_loop3A_312 : f32 to vector<16xf32>
        %parallel_loop3A_314 = arith.addf %parallel_loop3A_311, %parallel_loop3A_313 : vector<16xf32>
        %parallel_loop3A_315 = arith.mulf %parallel_loop3A_314, %parallel_loop3A_308 : vector<16xf32>
        %parallel_loop3A_316 = arith.constant -2.08104467 : f32
        %parallel_loop3A_317 = vector.broadcast %parallel_loop3A_316 : f32 to vector<16xf32>
        %parallel_loop3A_318 = arith.addf %parallel_loop3A_315, %parallel_loop3A_317 : vector<16xf32>
        %parallel_loop3A_319 = arith.mulf %parallel_loop3A_318, %parallel_loop3A_308 : vector<16xf32>
        %parallel_loop3A_320 = arith.constant 4.02835512 : f32
        %parallel_loop3A_321 = vector.broadcast %parallel_loop3A_320 : f32 to vector<16xf32>
        %parallel_loop3A_322 = arith.addf %parallel_loop3A_319, %parallel_loop3A_321 : vector<16xf32>
        %parallel_loop3A_323 = arith.mulf %parallel_loop3A_322, %parallel_loop3A_308 : vector<16xf32>
        %parallel_loop3A_324 = arith.constant -2.49676657 : f32
        %parallel_loop3A_325 = vector.broadcast %parallel_loop3A_324 : f32 to vector<16xf32>
        %parallel_loop3A_326 = arith.addf %parallel_loop3A_323, %parallel_loop3A_325 : vector<16xf32>
        %parallel_loop3A_327 = arith.sitofp %parallel_loop3A_301 : vector<16xi32> to vector<16xf32>
        %parallel_loop3A_328 = arith.addf %parallel_loop3A_327, %parallel_loop3A_326 : vector<16xf32>
        %parallel_loop3A_329 = arith.constant -4.332170e-02 : f32
        %parallel_loop3A_330 = vector.broadcast %parallel_loop3A_329 : f32 to vector<16xf32>
        %parallel_loop3A_331 = arith.mulf %parallel_loop3A_328, %parallel_loop3A_330 : vector<16xf32>
        %parallel_loop3A_332 = math.exp %parallel_loop3A_331 : vector<16xf32>
        %parallel_loop3A_333 = arith.constant 1.000000e+00 : f32
        %parallel_loop3A_334 = vector.broadcast %parallel_loop3A_333 : f32 to vector<16xf32>
        %parallel_loop3A_335 = arith.subf %parallel_loop3A_334, %parallel_loop3A_275 : vector<16xf32>
        %parallel_loop3A_336 = arith.constant 0.00999999977 : f32
        %parallel_loop3A_337 = vector.broadcast %parallel_loop3A_336 : f32 to vector<16xf32>
        %parallel_loop3A_338 = arith.mulf %parallel_loop3A_335, %parallel_loop3A_337 : vector<16xf32>
        %parallel_loop3A_339 = arith.mulf %parallel_loop3A_338, %parallel_loop3A_243 : vector<16xf32>
        %parallel_loop3A_340 = arith.addf %parallel_loop3A_332, %parallel_loop3A_339 : vector<16xf32>
        %parallel_loop3A_341 = arith.constant 2.000000e-01 : f32
        %parallel_loop3A_342 = vector.broadcast %parallel_loop3A_341 : f32 to vector<16xf32>
        %parallel_loop3A_343 = arith.subf %parallel_loop3A_340, %parallel_loop3A_342 : vector<16xf32>
        %parallel_loop3A_344 = arith.mulf %parallel_loop3A_275, %parallel_loop3A_343 : vector<16xf32>
        %parallel_loop3A_345 = arith.mulf %parallel_loop3A_335, %parallel_loop3A_288 : vector<16xf32>
        %parallel_loop3A_346 = arith.addf %parallel_loop3A_344, %parallel_loop3A_345 : vector<16xf32>
        %parallel_loop3A_347 = arith.mulf %parallel_loop3A_247, %parallel_loop3A_346 : vector<16xf32>
        %parallel_loop3A_348 = arith.index_cast %parallel_loop3A_201 : i32 to index
        %parallel_loop3A_349 = tpu.vector_load %arg25[%parallel_loop3A_348] {strides = array<i32>} : memref<4000xf32, #tpu.memory_space<vmem>>, vector<16xf32>,
        tpu.vector_store %arg25[%parallel_loop3A_348], %parallel_loop3A_347 {strides = array<i32>} : memref<4000xf32, #tpu.memory_space<vmem>>, vector<16xf32>,
      } {sc.loop_unroll_factor = 5 : i64, sc.parallel_access}
      %add3A_173 = arith.constant 2 : i32
      %add3A_174 = arith.addi %mul3A_120, %add3A_173 : i32
      %lt3A_175 = arith.constant 25 : i32
      %lt3A_176 = arith.cmpi slt, %add3A_174, %lt3A_175 : i32
      %convert_element_type3A_177 = arith.extui %lt3A_176 : i1 to i32
      %cond3A_178 = arith.constant 0 : i32
      %cond3A_179 = arith.cmpi ne, %convert_element_type3A_177, %cond3A_178 : i32
      scf.if %cond3A_179 {
        %add3A_199 = arith.constant 2 : i32
        %add3A_200 = arith.addi %mul3A_120, %add3A_199 : i32
        %mul3A_201 = arith.constant 4000 : i32
        %mul3A_202 = arith.muli %add3A_200, %mul3A_201 : i32
        %add3A_203 = arith.addi %mul3A_17, %mul3A_202 : i32
        %dma_wait3A_204 = tpu.memref_slice %arg6[%add3A_203] : memref<3200000xi32, #tpu.memory_space<hbm>> -> memref<4000xi32, #tpu.memory_space<hbm>>
        %dma_wait3A_205 = tpu.memref_slice %arg6[%add3A_203] : memref<3200000xi32, #tpu.memory_space<hbm>> -> memref<4000xi32, #tpu.memory_space<hbm>>
        tpu.wait_dma2 semaphore(%arg33 : memref<!tpu.dma_semaphore, #tpu.memory_space<semaphore_mem>>) src(%dma_wait3A_205 : memref<4000xi32, #tpu.memory_space<hbm>>) dst(%arg11 : memref<4000xi32, #tpu.memory_space<vmem>>)
        %dma_wait3A_206 = tpu.memref_slice %arg7[%add3A_203] : memref<3200000xi32, #tpu.memory_space<hbm>> -> memref<4000xi32, #tpu.memory_space<hbm>>
        %dma_wait3A_207 = tpu.memref_slice %arg7[%add3A_203] : memref<3200000xi32, #tpu.memory_space<hbm>> -> memref<4000xi32, #tpu.memory_space<hbm>>
        tpu.wait_dma2 semaphore(%arg33 : memref<!tpu.dma_semaphore, #tpu.memory_space<semaphore_mem>>) src(%dma_wait3A_207 : memref<4000xi32, #tpu.memory_space<hbm>>) dst(%arg13 : memref<4000xi32, #tpu.memory_space<vmem>>)
        %dma_wait3A_208 = tpu.memref_slice %arg3[%add3A_203] : memref<3200000xf32, #tpu.memory_space<hbm>> -> memref<4000xf32, #tpu.memory_space<hbm>>
        %dma_wait3A_209 = tpu.memref_slice %arg3[%add3A_203] : memref<3200000xf32, #tpu.memory_space<hbm>> -> memref<4000xf32, #tpu.memory_space<hbm>>
        tpu.wait_dma2 semaphore(%arg33 : memref<!tpu.dma_semaphore, #tpu.memory_space<semaphore_mem>>) src(%dma_wait3A_209 : memref<4000xf32, #tpu.memory_space<hbm>>) dst(%arg15 : memref<4000xf32, #tpu.memory_space<vmem>>)
        %dma_wait3A_210 = tpu.memref_slice %arg4[%add3A_203] : memref<3200000xf32, #tpu.memory_space<hbm>> -> memref<4000xf32, #tpu.memory_space<hbm>>
        %dma_wait3A_211 = tpu.memref_slice %arg4[%add3A_203] : memref<3200000xf32, #tpu.memory_space<hbm>> -> memref<4000xf32, #tpu.memory_space<hbm>>
        tpu.wait_dma2 semaphore(%arg33 : memref<!tpu.dma_semaphore, #tpu.memory_space<semaphore_mem>>) src(%dma_wait3A_211 : memref<4000xf32, #tpu.memory_space<hbm>>) dst(%arg17 : memref<4000xf32, #tpu.memory_space<vmem>>)
        %dma_wait3A_212 = tpu.memref_slice %arg5[%add3A_203] : memref<3200000xf32, #tpu.memory_space<hbm>> -> memref<4000xf32, #tpu.memory_space<hbm>>
        %dma_wait3A_213 = tpu.memref_slice %arg5[%add3A_203] : memref<3200000xf32, #tpu.memory_space<hbm>> -> memref<4000xf32, #tpu.memory_space<hbm>>
        tpu.wait_dma2 semaphore(%arg33 : memref<!tpu.dma_semaphore, #tpu.memory_space<semaphore_mem>>) src(%dma_wait3A_213 : memref<4000xf32, #tpu.memory_space<hbm>>) dst(%arg19 : memref<4000xf32, #tpu.memory_space<vmem>>)
        %dma_start3A_214 = arith.constant 0 : i32
        %dma_start3A_215 = tpu.memref_slice %arg30[%dma_start3A_214] : memref<100352xf32, #tpu.memory_space<vmem_shared>> -> memref<100352xf32, #tpu.memory_space<vmem_shared>>
        tpu.enqueue_indirect_dma source(%dma_start3A_215 : memref<100352xf32, #tpu.memory_space<vmem_shared>>) target(%arg21 : memref<4000xf32, #tpu.memory_space<vmem>>) offsets(%arg11 : memref<4000xi32, #tpu.memory_space<vmem>>) semaphore(%arg35 : memref<!tpu.dma_semaphore, #tpu.memory_space<semaphore_mem>>)
        %dma_start3A_216 = arith.constant 0 : i32
        %dma_start3A_217 = tpu.memref_slice %arg30[%dma_start3A_216] : memref<100352xf32, #tpu.memory_space<vmem_shared>> -> memref<100352xf32, #tpu.memory_space<vmem_shared>>
        tpu.enqueue_indirect_dma source(%dma_start3A_217 : memref<100352xf32, #tpu.memory_space<vmem_shared>>) target(%arg23 : memref<4000xf32, #tpu.memory_space<vmem>>) offsets(%arg13 : memref<4000xi32, #tpu.memory_space<vmem>>) semaphore(%arg35 : memref<!tpu.dma_semaphore, #tpu.memory_space<semaphore_mem>>)
      } else {
      }
      %barrier3A_180 = arith.constant 0 : index
      tpu.barrier barrier_id(%barrier3A_180)
      %eq3A_181 = arith.constant 0 : i32
      %eq3A_182 = arith.cmpi eq, %shift_right_arithmetic3A_2, %eq3A_181 : i32
      %convert_element_type3A_183 = arith.extui %eq3A_182 : i1 to i32
      %cond3A_184 = arith.constant 0 : i32
      %cond3A_185 = arith.cmpi ne, %convert_element_type3A_183, %cond3A_184 : i32
      scf.if %cond3A_185 {
        "tpu.region"() ({
          %run_scoped3A = tpu.sem_alloc : memref<!tpu.dma_semaphore, #tpu.memory_space<semaphore_mem>>
          %dma_start3A_199 = tpu.memref_slice %arg31[%mul3A_19] : memref<802816xf32, #tpu.memory_space<vmem_shared>> -> memref<100352xf32, #tpu.memory_space<vmem_shared>>
          %dma_start3A_200 = arith.constant 0 : i32
          %dma_start3A_201 = tpu.memref_slice %dma_start3A_199[%dma_start3A_200] : memref<100352xf32, #tpu.memory_space<vmem_shared>> -> memref<100352xf32, #tpu.memory_space<vmem_shared>>
          tpu.enqueue_indirect_dma source(%arg25 : memref<4000xf32, #tpu.memory_space<vmem>>) target(%dma_start3A_201 : memref<100352xf32, #tpu.memory_space<vmem_shared>>) offsets(%arg12 : memref<4000xi32, #tpu.memory_space<vmem>>) semaphore(%run_scoped3A : memref<!tpu.dma_semaphore, #tpu.memory_space<semaphore_mem>>) {add = true}
          %dma_wait3A_202 = tpu.memref_slice %arg31[%mul3A_19] : memref<802816xf32, #tpu.memory_space<vmem_shared>> -> memref<100352xf32, #tpu.memory_space<vmem_shared>>
          %dma_wait3A_203 = arith.constant 0 : i32
          %dma_wait3A_204 = tpu.memref_slice %dma_wait3A_202[%dma_wait3A_203] : memref<100352xf32, #tpu.memory_space<vmem_shared>> -> memref<100352xf32, #tpu.memory_space<vmem_shared>>
          tpu.wait_indirect_dma semaphore(%run_scoped3A : memref<!tpu.dma_semaphore, #tpu.memory_space<semaphore_mem>>) src(%arg25 : memref<4000xf32, #tpu.memory_space<vmem>>) dst(%dma_wait3A_204 : memref<100352xf32, #tpu.memory_space<vmem_shared>>)
          tpu.yield
        }) : () -> ()
      } else {
      }
      %barrier3A_186 = arith.constant 0 : index
      tpu.barrier barrier_id(%barrier3A_186)
      %eq3A_187 = arith.constant 1 : i32
      %eq3A_188 = arith.cmpi eq, %shift_right_arithmetic3A_2, %eq3A_187 : i32
      %convert_element_type3A_189 = arith.extui %eq3A_188 : i1 to i32
      %cond3A_190 = arith.constant 0 : i32
      %cond3A_191 = arith.cmpi ne, %convert_element_type3A_189, %cond3A_190 : i32
      scf.if %cond3A_191 {
        "tpu.region"() ({
          %run_scoped3A = tpu.sem_alloc : memref<!tpu.dma_semaphore, #tpu.memory_space<semaphore_mem>>
          %dma_start3A_199 = tpu.memref_slice %arg31[%mul3A_19] : memref<802816xf32, #tpu.memory_space<vmem_shared>> -> memref<100352xf32, #tpu.memory_space<vmem_shared>>
          %dma_start3A_200 = arith.constant 0 : i32
          %dma_start3A_201 = tpu.memref_slice %dma_start3A_199[%dma_start3A_200] : memref<100352xf32, #tpu.memory_space<vmem_shared>> -> memref<100352xf32, #tpu.memory_space<vmem_shared>>
          tpu.enqueue_indirect_dma source(%arg25 : memref<4000xf32, #tpu.memory_space<vmem>>) target(%dma_start3A_201 : memref<100352xf32, #tpu.memory_space<vmem_shared>>) offsets(%arg12 : memref<4000xi32, #tpu.memory_space<vmem>>) semaphore(%run_scoped3A : memref<!tpu.dma_semaphore, #tpu.memory_space<semaphore_mem>>) {add = true}
          %dma_wait3A_202 = tpu.memref_slice %arg31[%mul3A_19] : memref<802816xf32, #tpu.memory_space<vmem_shared>> -> memref<100352xf32, #tpu.memory_space<vmem_shared>>
          %dma_wait3A_203 = arith.constant 0 : i32
          %dma_wait3A_204 = tpu.memref_slice %dma_wait3A_202[%dma_wait3A_203] : memref<100352xf32, #tpu.memory_space<vmem_shared>> -> memref<100352xf32, #tpu.memory_space<vmem_shared>>
          tpu.wait_indirect_dma semaphore(%run_scoped3A : memref<!tpu.dma_semaphore, #tpu.memory_space<semaphore_mem>>) src(%arg25 : memref<4000xf32, #tpu.memory_space<vmem>>) dst(%dma_wait3A_204 : memref<100352xf32, #tpu.memory_space<vmem_shared>>)
          tpu.yield
        }) : () -> ()
      } else {
      }
      %add3A_192 = arith.constant 3 : i32
      %add3A_193 = arith.addi %mul3A_120, %add3A_192 : i32
      %lt3A_194 = arith.constant 25 : i32
      %lt3A_195 = arith.cmpi slt, %add3A_193, %lt3A_194 : i32
      %convert_element_type3A_196 = arith.extui %lt3A_195 : i1 to i32
      %cond3A_197 = arith.constant 0 : i32
      %cond3A_198 = arith.cmpi ne, %convert_element_type3A_196, %cond3A_197 : i32
      scf.if %cond3A_198 {
        %add3A_199 = arith.constant 3 : i32
        %add3A_200 = arith.addi %mul3A_120, %add3A_199 : i32
        %mul3A_201 = arith.constant 4000 : i32
        %mul3A_202 = arith.muli %add3A_200, %mul3A_201 : i32
        %add3A_203 = arith.addi %mul3A_17, %mul3A_202 : i32
        %dma_start3A_204 = tpu.memref_slice %arg6[%add3A_203] : memref<3200000xi32, #tpu.memory_space<hbm>> -> memref<4000xi32, #tpu.memory_space<hbm>>
        %dma_start3A_205 = tpu.memref_slice %arg6[%add3A_203] : memref<3200000xi32, #tpu.memory_space<hbm>> -> memref<4000xi32, #tpu.memory_space<hbm>>
        tpu.enqueue_dma source(%dma_start3A_205 : memref<4000xi32, #tpu.memory_space<hbm>>) target(%arg12 : memref<4000xi32, #tpu.memory_space<vmem>>) target_semaphore(%arg34 : memref<!tpu.dma_semaphore, #tpu.memory_space<semaphore_mem>>)
        %dma_start3A_206 = tpu.memref_slice %arg7[%add3A_203] : memref<3200000xi32, #tpu.memory_space<hbm>> -> memref<4000xi32, #tpu.memory_space<hbm>>
        %dma_start3A_207 = tpu.memref_slice %arg7[%add3A_203] : memref<3200000xi32, #tpu.memory_space<hbm>> -> memref<4000xi32, #tpu.memory_space<hbm>>
        tpu.enqueue_dma source(%dma_start3A_207 : memref<4000xi32, #tpu.memory_space<hbm>>) target(%arg14 : memref<4000xi32, #tpu.memory_space<vmem>>) target_semaphore(%arg34 : memref<!tpu.dma_semaphore, #tpu.memory_space<semaphore_mem>>)
        %dma_start3A_208 = tpu.memref_slice %arg3[%add3A_203] : memref<3200000xf32, #tpu.memory_space<hbm>> -> memref<4000xf32, #tpu.memory_space<hbm>>
        %dma_start3A_209 = tpu.memref_slice %arg3[%add3A_203] : memref<3200000xf32, #tpu.memory_space<hbm>> -> memref<4000xf32, #tpu.memory_space<hbm>>
        tpu.enqueue_dma source(%dma_start3A_209 : memref<4000xf32, #tpu.memory_space<hbm>>) target(%arg16 : memref<4000xf32, #tpu.memory_space<vmem>>) target_semaphore(%arg34 : memref<!tpu.dma_semaphore, #tpu.memory_space<semaphore_mem>>)
        %dma_start3A_210 = tpu.memref_slice %arg4[%add3A_203] : memref<3200000xf32, #tpu.memory_space<hbm>> -> memref<4000xf32, #tpu.memory_space<hbm>>
        %dma_start3A_211 = tpu.memref_slice %arg4[%add3A_203] : memref<3200000xf32, #tpu.memory_space<hbm>> -> memref<4000xf32, #tpu.memory_space<hbm>>
        tpu.enqueue_dma source(%dma_start3A_211 : memref<4000xf32, #tpu.memory_space<hbm>>) target(%arg18 : memref<4000xf32, #tpu.memory_space<vmem>>) target_semaphore(%arg34 : memref<!tpu.dma_semaphore, #tpu.memory_space<semaphore_mem>>)
        %dma_start3A_212 = tpu.memref_slice %arg5[%add3A_203] : memref<3200000xf32, #tpu.memory_space<hbm>> -> memref<4000xf32, #tpu.memory_space<hbm>>
        %dma_start3A_213 = tpu.memref_slice %arg5[%add3A_203] : memref<3200000xf32, #tpu.memory_space<hbm>> -> memref<4000xf32, #tpu.memory_space<hbm>>
        tpu.enqueue_dma source(%dma_start3A_213 : memref<4000xf32, #tpu.memory_space<hbm>>) target(%arg20 : memref<4000xf32, #tpu.memory_space<vmem>>) target_semaphore(%arg34 : memref<!tpu.dma_semaphore, #tpu.memory_space<semaphore_mem>>)
      } else {
      }
    }
    %scan3A_63 = arith.constant 12 : i32
    %dma_wait3A_64 = arith.constant 0 : i32
    %dma_wait3A_65 = tpu.memref_slice %arg30[%dma_wait3A_64] : memref<100352xf32, #tpu.memory_space<vmem_shared>> -> memref<100352xf32, #tpu.memory_space<vmem_shared>>
    tpu.wait_indirect_dma semaphore(%arg35 : memref<!tpu.dma_semaphore, #tpu.memory_space<semaphore_mem>>) src(%dma_wait3A_65 : memref<100352xf32, #tpu.memory_space<vmem_shared>>) dst(%arg21 : memref<4000xf32, #tpu.memory_space<vmem>>)
    %dma_wait3A_66 = arith.constant 0 : i32
    %dma_wait3A_67 = tpu.memref_slice %arg30[%dma_wait3A_66] : memref<100352xf32, #tpu.memory_space<vmem_shared>> -> memref<100352xf32, #tpu.memory_space<vmem_shared>>
    tpu.wait_indirect_dma semaphore(%arg35 : memref<!tpu.dma_semaphore, #tpu.memory_space<semaphore_mem>>) src(%dma_wait3A_67 : memref<100352xf32, #tpu.memory_space<vmem_shared>>) dst(%arg23 : memref<4000xf32, #tpu.memory_space<vmem>>)
    %parallel_loop3A = arith.constant 0 : i32
    %parallel_loop3A_68 = arith.constant 250 : i32
    %parallel_loop3A_69 = arith.constant 1 : i32
    scf.for %parallel_loop3A_118 = %parallel_loop3A to %parallel_loop3A_68 step %parallel_loop3A_69  : i32 {
      %parallel_loop3A_119 = arith.constant 16 : i32
      %parallel_loop3A_120 = arith.muli %parallel_loop3A_118, %parallel_loop3A_119 : i32
      %parallel_loop3A_121 = arith.index_cast %parallel_loop3A_120 : i32 to index
      %parallel_loop3A_122 = tpu.vector_load %arg21[%parallel_loop3A_121] {strides = array<i32>} : memref<4000xf32, #tpu.memory_space<vmem>>, vector<16xf32>,
      %parallel_loop3A_123 = arith.index_cast %parallel_loop3A_120 : i32 to index
      %parallel_loop3A_124 = tpu.vector_load %arg23[%parallel_loop3A_123] {strides = array<i32>} : memref<4000xf32, #tpu.memory_space<vmem>>, vector<16xf32>,
      %parallel_loop3A_125 = arith.index_cast %parallel_loop3A_120 : i32 to index
      %parallel_loop3A_126 = tpu.vector_load %arg15[%parallel_loop3A_125] {strides = array<i32>} : memref<4000xf32, #tpu.memory_space<vmem>>, vector<16xf32>,
      %parallel_loop3A_127 = arith.index_cast %parallel_loop3A_120 : i32 to index
      %parallel_loop3A_128 = tpu.vector_load %arg17[%parallel_loop3A_127] {strides = array<i32>} : memref<4000xf32, #tpu.memory_space<vmem>>, vector<16xf32>,
      %parallel_loop3A_129 = arith.index_cast %parallel_loop3A_120 : i32 to index
      %parallel_loop3A_130 = tpu.vector_load %arg19[%parallel_loop3A_129] {strides = array<i32>} : memref<4000xf32, #tpu.memory_space<vmem>>, vector<16xf32>,
      %parallel_loop3A_131 = arith.mulf %parallel_loop3A_126, %parallel_loop3A_126 : vector<16xf32>
      %parallel_loop3A_132 = arith.mulf %parallel_loop3A_128, %parallel_loop3A_128 : vector<16xf32>
      %parallel_loop3A_133 = arith.addf %parallel_loop3A_131, %parallel_loop3A_132 : vector<16xf32>
      %parallel_loop3A_134 = arith.mulf %parallel_loop3A_130, %parallel_loop3A_130 : vector<16xf32>
      %parallel_loop3A_135 = arith.addf %parallel_loop3A_133, %parallel_loop3A_134 : vector<16xf32>
      %parallel_loop3A_136 = tpu.bitcast %parallel_loop3A_135 : vector<16xf32> -> vector<16xi32>
      %parallel_loop3A_137 = arith.constant 1 : i32
      %parallel_loop3A_138 = vector.broadcast %parallel_loop3A_137 : i32 to vector<16xi32>
      %parallel_loop3A_139 = arith.shrsi %parallel_loop3A_136, %parallel_loop3A_138 : vector<16xi32>
      %parallel_loop3A_140 = arith.constant 1597463007 : i32
      %parallel_loop3A_141 = vector.broadcast %parallel_loop3A_140 : i32 to vector<16xi32>
      %parallel_loop3A_142 = arith.subi %parallel_loop3A_141, %parallel_loop3A_139 : vector<16xi32>
      %parallel_loop3A_143 = tpu.bitcast %parallel_loop3A_142 : vector<16xi32> -> vector<16xf32>
      %parallel_loop3A_144 = arith.constant 5.000000e-01 : f32
      %parallel_loop3A_145 = vector.broadcast %parallel_loop3A_144 : f32 to vector<16xf32>
      %parallel_loop3A_146 = arith.mulf %parallel_loop3A_145, %parallel_loop3A_135 : vector<16xf32>
      %parallel_loop3A_147 = arith.mulf %parallel_loop3A_146, %parallel_loop3A_143 : vector<16xf32>
      %parallel_loop3A_148 = arith.mulf %parallel_loop3A_147, %parallel_loop3A_143 : vector<16xf32>
      %parallel_loop3A_149 = arith.constant 1.500000e+00 : f32
      %parallel_loop3A_150 = vector.broadcast %parallel_loop3A_149 : f32 to vector<16xf32>
      %parallel_loop3A_151 = arith.subf %parallel_loop3A_150, %parallel_loop3A_148 : vector<16xf32>
      %parallel_loop3A_152 = arith.mulf %parallel_loop3A_143, %parallel_loop3A_151 : vector<16xf32>
      %parallel_loop3A_153 = arith.constant 5.000000e-01 : f32
      %parallel_loop3A_154 = vector.broadcast %parallel_loop3A_153 : f32 to vector<16xf32>
      %parallel_loop3A_155 = arith.mulf %parallel_loop3A_154, %parallel_loop3A_135 : vector<16xf32>
      %parallel_loop3A_156 = arith.mulf %parallel_loop3A_155, %parallel_loop3A_152 : vector<16xf32>
      %parallel_loop3A_157 = arith.mulf %parallel_loop3A_156, %parallel_loop3A_152 : vector<16xf32>
      %parallel_loop3A_158 = arith.constant 1.500000e+00 : f32
      %parallel_loop3A_159 = vector.broadcast %parallel_loop3A_158 : f32 to vector<16xf32>
      %parallel_loop3A_160 = arith.subf %parallel_loop3A_159, %parallel_loop3A_157 : vector<16xf32>
      %parallel_loop3A_161 = arith.mulf %parallel_loop3A_152, %parallel_loop3A_160 : vector<16xf32>
      %parallel_loop3A_162 = arith.mulf %parallel_loop3A_135, %parallel_loop3A_161 : vector<16xf32>
      %parallel_loop3A_163 = arith.constant 7.1998229 : f32
      %parallel_loop3A_164 = vector.broadcast %parallel_loop3A_163 : f32 to vector<16xf32>
      %parallel_loop3A_165 = arith.mulf %parallel_loop3A_164, %parallel_loop3A_122 : vector<16xf32>
      %parallel_loop3A_166 = arith.mulf %parallel_loop3A_165, %parallel_loop3A_124 : vector<16xf32>
      %parallel_loop3A_167 = arith.constant 2.500000e+00 : f32
      %parallel_loop3A_168 = vector.broadcast %parallel_loop3A_167 : f32 to vector<16xf32>
      %parallel_loop3A_169 = arith.subf %parallel_loop3A_162, %parallel_loop3A_168 : vector<16xf32>
      %parallel_loop3A_170 = arith.constant 2.000000e-01 : f32
      %parallel_loop3A_171 = vector.broadcast %parallel_loop3A_170 : f32 to vector<16xf32>
      %parallel_loop3A_172 = arith.mulf %parallel_loop3A_169, %parallel_loop3A_171 : vector<16xf32>
      %parallel_loop3A_173 = arith.constant 0.000000e+00 : f32
      %parallel_loop3A_174 = vector.broadcast %parallel_loop3A_173 : f32 to vector<16xf32>
      %parallel_loop3A_175 = arith.maximumf %parallel_loop3A_172, %parallel_loop3A_174 : vector<16xf32>
      %parallel_loop3A_176 = arith.constant 1.000000e+00 : f32
      %parallel_loop3A_177 = vector.broadcast %parallel_loop3A_176 : f32 to vector<16xf32>
      %parallel_loop3A_178 = arith.minimumf %parallel_loop3A_175, %parallel_loop3A_177 : vector<16xf32>
      %parallel_loop3A_179 = arith.mulf %parallel_loop3A_178, %parallel_loop3A_178 : vector<16xf32>
      %parallel_loop3A_180 = arith.mulf %parallel_loop3A_179, %parallel_loop3A_178 : vector<16xf32>
      %parallel_loop3A_181 = arith.constant 1.500000e+01 : f32
      %parallel_loop3A_182 = vector.broadcast %parallel_loop3A_181 : f32 to vector<16xf32>
      %parallel_loop3A_183 = arith.mulf %parallel_loop3A_182, %parallel_loop3A_178 : vector<16xf32>
      %parallel_loop3A_184 = arith.constant 1.000000e+01 : f32
      %parallel_loop3A_185 = vector.broadcast %parallel_loop3A_184 : f32 to vector<16xf32>
      %parallel_loop3A_186 = arith.subf %parallel_loop3A_185, %parallel_loop3A_183 : vector<16xf32>
      %parallel_loop3A_187 = arith.constant 6.000000e+00 : f32
      %parallel_loop3A_188 = vector.broadcast %parallel_loop3A_187 : f32 to vector<16xf32>
      %parallel_loop3A_189 = arith.mulf %parallel_loop3A_188, %parallel_loop3A_179 : vector<16xf32>
      %parallel_loop3A_190 = arith.addf %parallel_loop3A_186, %parallel_loop3A_189 : vector<16xf32>
      %parallel_loop3A_191 = arith.mulf %parallel_loop3A_180, %parallel_loop3A_190 : vector<16xf32>
      %parallel_loop3A_192 = arith.constant 1.000000e+00 : f32
      %parallel_loop3A_193 = vector.broadcast %parallel_loop3A_192 : f32 to vector<16xf32>
      %parallel_loop3A_194 = arith.subf %parallel_loop3A_193, %parallel_loop3A_191 : vector<16xf32>
      %parallel_loop3A_195 = arith.constant 0.00999999977 : f32
      %parallel_loop3A_196 = vector.broadcast %parallel_loop3A_195 : f32 to vector<16xf32>
      %parallel_loop3A_197 = arith.mulf %parallel_loop3A_162, %parallel_loop3A_196 : vector<16xf32>
      %parallel_loop3A_198 = arith.addf %parallel_loop3A_161, %parallel_loop3A_197 : vector<16xf32>
      %parallel_loop3A_199 = arith.constant 2.000000e-01 : f32
      %parallel_loop3A_200 = vector.broadcast %parallel_loop3A_199 : f32 to vector<16xf32>
      %parallel_loop3A_201 = arith.subf %parallel_loop3A_198, %parallel_loop3A_200 : vector<16xf32>
      %parallel_loop3A_202 = arith.constant 1.000000e+01 : f32
      %parallel_loop3A_203 = vector.broadcast %parallel_loop3A_202 : f32 to vector<16xf32>
      %parallel_loop3A_204 = arith.cmpf olt, %parallel_loop3A_162, %parallel_loop3A_203 : vector<16xf32>
      %parallel_loop3A_205 = arith.constant 0.000000e+00 : f32
      %parallel_loop3A_206 = vector.broadcast %parallel_loop3A_205 : f32 to vector<16xf32>
      %parallel_loop3A_207 = arith.select %parallel_loop3A_204, %parallel_loop3A_201, %parallel_loop3A_206 : vector<16xi1>, vector<16xf32>
      %parallel_loop3A_208 = arith.mulf %parallel_loop3A_135, %parallel_loop3A_135 : vector<16xf32>
      %parallel_loop3A_209 = arith.mulf %parallel_loop3A_208, %parallel_loop3A_208 : vector<16xf32>
      %parallel_loop3A_210 = arith.mulf %parallel_loop3A_209, %parallel_loop3A_209 : vector<16xf32>
      %parallel_loop3A_211 = arith.constant 2328306.5 : f32
      %parallel_loop3A_212 = vector.broadcast %parallel_loop3A_211 : f32 to vector<16xf32>
      %parallel_loop3A_213 = arith.addf %parallel_loop3A_210, %parallel_loop3A_212 : vector<16xf32>
      %parallel_loop3A_214 = tpu.bitcast %parallel_loop3A_213 : vector<16xf32> -> vector<16xi32>
      %parallel_loop3A_215 = arith.constant 23 : i32
      %parallel_loop3A_216 = vector.broadcast %parallel_loop3A_215 : i32 to vector<16xi32>
      %parallel_loop3A_217 = arith.shrsi %parallel_loop3A_214, %parallel_loop3A_216 : vector<16xi32>
      %parallel_loop3A_218 = arith.constant 127 : i32
      %parallel_loop3A_219 = vector.broadcast %parallel_loop3A_218 : i32 to vector<16xi32>
      %parallel_loop3A_220 = arith.subi %parallel_loop3A_217, %parallel_loop3A_219 : vector<16xi32>
      %parallel_loop3A_221 = arith.constant 8388607 : i32
      %parallel_loop3A_222 = vector.broadcast %parallel_loop3A_221 : i32 to vector<16xi32>
      %parallel_loop3A_223 = arith.andi %parallel_loop3A_214, %parallel_loop3A_222 : vector<16xi32>
      %parallel_loop3A_224 = arith.constant 1065353216 : i32
      %parallel_loop3A_225 = vector.broadcast %parallel_loop3A_224 : i32 to vector<16xi32>
      %parallel_loop3A_226 = arith.ori %parallel_loop3A_223, %parallel_loop3A_225 : vector<16xi32>
      %parallel_loop3A_227 = tpu.bitcast %parallel_loop3A_226 : vector<16xi32> -> vector<16xf32>
      %parallel_loop3A_228 = arith.constant -0.079149574 : f32
      %parallel_loop3A_229 = vector.broadcast %parallel_loop3A_228 : f32 to vector<16xf32>
      %parallel_loop3A_230 = arith.mulf %parallel_loop3A_229, %parallel_loop3A_227 : vector<16xf32>
      %parallel_loop3A_231 = arith.constant 0.628809929 : f32
      %parallel_loop3A_232 = vector.broadcast %parallel_loop3A_231 : f32 to vector<16xf32>
      %parallel_loop3A_233 = arith.addf %parallel_loop3A_230, %parallel_loop3A_232 : vector<16xf32>
      %parallel_loop3A_234 = arith.mulf %parallel_loop3A_233, %parallel_loop3A_227 : vector<16xf32>
      %parallel_loop3A_235 = arith.constant -2.08104467 : f32
      %parallel_loop3A_236 = vector.broadcast %parallel_loop3A_235 : f32 to vector<16xf32>
      %parallel_loop3A_237 = arith.addf %parallel_loop3A_234, %parallel_loop3A_236 : vector<16xf32>
      %parallel_loop3A_238 = arith.mulf %parallel_loop3A_237, %parallel_loop3A_227 : vector<16xf32>
      %parallel_loop3A_239 = arith.constant 4.02835512 : f32
      %parallel_loop3A_240 = vector.broadcast %parallel_loop3A_239 : f32 to vector<16xf32>
      %parallel_loop3A_241 = arith.addf %parallel_loop3A_238, %parallel_loop3A_240 : vector<16xf32>
      %parallel_loop3A_242 = arith.mulf %parallel_loop3A_241, %parallel_loop3A_227 : vector<16xf32>
      %parallel_loop3A_243 = arith.constant -2.49676657 : f32
      %parallel_loop3A_244 = vector.broadcast %parallel_loop3A_243 : f32 to vector<16xf32>
      %parallel_loop3A_245 = arith.addf %parallel_loop3A_242, %parallel_loop3A_244 : vector<16xf32>
      %parallel_loop3A_246 = arith.sitofp %parallel_loop3A_220 : vector<16xi32> to vector<16xf32>
      %parallel_loop3A_247 = arith.addf %parallel_loop3A_246, %parallel_loop3A_245 : vector<16xf32>
      %parallel_loop3A_248 = arith.constant -4.332170e-02 : f32
      %parallel_loop3A_249 = vector.broadcast %parallel_loop3A_248 : f32 to vector<16xf32>
      %parallel_loop3A_250 = arith.mulf %parallel_loop3A_247, %parallel_loop3A_249 : vector<16xf32>
      %parallel_loop3A_251 = math.exp %parallel_loop3A_250 : vector<16xf32>
      %parallel_loop3A_252 = arith.constant 1.000000e+00 : f32
      %parallel_loop3A_253 = vector.broadcast %parallel_loop3A_252 : f32 to vector<16xf32>
      %parallel_loop3A_254 = arith.subf %parallel_loop3A_253, %parallel_loop3A_194 : vector<16xf32>
      %parallel_loop3A_255 = arith.constant 0.00999999977 : f32
      %parallel_loop3A_256 = vector.broadcast %parallel_loop3A_255 : f32 to vector<16xf32>
      %parallel_loop3A_257 = arith.mulf %parallel_loop3A_254, %parallel_loop3A_256 : vector<16xf32>
      %parallel_loop3A_258 = arith.mulf %parallel_loop3A_257, %parallel_loop3A_162 : vector<16xf32>
      %parallel_loop3A_259 = arith.addf %parallel_loop3A_251, %parallel_loop3A_258 : vector<16xf32>
      %parallel_loop3A_260 = arith.constant 2.000000e-01 : f32
      %parallel_loop3A_261 = vector.broadcast %parallel_loop3A_260 : f32 to vector<16xf32>
      %parallel_loop3A_262 = arith.subf %parallel_loop3A_259, %parallel_loop3A_261 : vector<16xf32>
      %parallel_loop3A_263 = arith.mulf %parallel_loop3A_194, %parallel_loop3A_262 : vector<16xf32>
      %parallel_loop3A_264 = arith.mulf %parallel_loop3A_254, %parallel_loop3A_207 : vector<16xf32>
      %parallel_loop3A_265 = arith.addf %parallel_loop3A_263, %parallel_loop3A_264 : vector<16xf32>
      %parallel_loop3A_266 = arith.mulf %parallel_loop3A_166, %parallel_loop3A_265 : vector<16xf32>
      %parallel_loop3A_267 = arith.index_cast %parallel_loop3A_120 : i32 to index
      %parallel_loop3A_268 = tpu.vector_load %arg25[%parallel_loop3A_267] {strides = array<i32>} : memref<4000xf32, #tpu.memory_space<vmem>>, vector<16xf32>,
      tpu.vector_store %arg25[%parallel_loop3A_267], %parallel_loop3A_266 {strides = array<i32>} : memref<4000xf32, #tpu.memory_space<vmem>>, vector<16xf32>,
    } {sc.loop_unroll_factor = 5 : i64, sc.parallel_access}
    %barrier3A_70 = arith.constant 0 : index
    tpu.barrier barrier_id(%barrier3A_70)
    %eq3A = arith.constant 0 : i32
    %eq3A_71 = arith.cmpi eq, %shift_right_arithmetic3A_2, %eq3A : i32
    %convert_element_type3A_72 = arith.extui %eq3A_71 : i1 to i32
    %cond3A_73 = arith.constant 0 : i32
    %cond3A_74 = arith.cmpi ne, %convert_element_type3A_72, %cond3A_73 : i32
    scf.if %cond3A_74 {
      "tpu.region"() ({
        %run_scoped3A = tpu.sem_alloc : memref<!tpu.dma_semaphore, #tpu.memory_space<semaphore_mem>>
        %dma_start3A_118 = tpu.memref_slice %arg31[%mul3A_19] : memref<802816xf32, #tpu.memory_space<vmem_shared>> -> memref<100352xf32, #tpu.memory_space<vmem_shared>>
        %dma_start3A_119 = arith.constant 0 : i32
        %dma_start3A_120 = tpu.memref_slice %dma_start3A_118[%dma_start3A_119] : memref<100352xf32, #tpu.memory_space<vmem_shared>> -> memref<100352xf32, #tpu.memory_space<vmem_shared>>
        tpu.enqueue_indirect_dma source(%arg25 : memref<4000xf32, #tpu.memory_space<vmem>>) target(%dma_start3A_120 : memref<100352xf32, #tpu.memory_space<vmem_shared>>) offsets(%arg11 : memref<4000xi32, #tpu.memory_space<vmem>>) semaphore(%run_scoped3A : memref<!tpu.dma_semaphore, #tpu.memory_space<semaphore_mem>>) {add = true}
        %dma_wait3A_121 = tpu.memref_slice %arg31[%mul3A_19] : memref<802816xf32, #tpu.memory_space<vmem_shared>> -> memref<100352xf32, #tpu.memory_space<vmem_shared>>
        %dma_wait3A_122 = arith.constant 0 : i32
        %dma_wait3A_123 = tpu.memref_slice %dma_wait3A_121[%dma_wait3A_122] : memref<100352xf32, #tpu.memory_space<vmem_shared>> -> memref<100352xf32, #tpu.memory_space<vmem_shared>>
        tpu.wait_indirect_dma semaphore(%run_scoped3A : memref<!tpu.dma_semaphore, #tpu.memory_space<semaphore_mem>>) src(%arg25 : memref<4000xf32, #tpu.memory_space<vmem>>) dst(%dma_wait3A_123 : memref<100352xf32, #tpu.memory_space<vmem_shared>>)
        tpu.yield
      }) : () -> ()
    } else {
    }
    %barrier3A_75 = arith.constant 0 : index
    tpu.barrier barrier_id(%barrier3A_75)
    %eq3A_76 = arith.constant 1 : i32
    %eq3A_77 = arith.cmpi eq, %shift_right_arithmetic3A_2, %eq3A_76 : i32
    %convert_element_type3A_78 = arith.extui %eq3A_77 : i1 to i32
    %cond3A_79 = arith.constant 0 : i32
    %cond3A_80 = arith.cmpi ne, %convert_element_type3A_78, %cond3A_79 : i32
    scf.if %cond3A_80 {
      "tpu.region"() ({
        %run_scoped3A = tpu.sem_alloc : memref<!tpu.dma_semaphore, #tpu.memory_space<semaphore_mem>>
        %dma_start3A_118 = tpu.memref_slice %arg31[%mul3A_19] : memref<802816xf32, #tpu.memory_space<vmem_shared>> -> memref<100352xf32, #tpu.memory_space<vmem_shared>>
        %dma_start3A_119 = arith.constant 0 : i32
        %dma_start3A_120 = tpu.memref_slice %dma_start3A_118[%dma_start3A_119] : memref<100352xf32, #tpu.memory_space<vmem_shared>> -> memref<100352xf32, #tpu.memory_space<vmem_shared>>
        tpu.enqueue_indirect_dma source(%arg25 : memref<4000xf32, #tpu.memory_space<vmem>>) target(%dma_start3A_120 : memref<100352xf32, #tpu.memory_space<vmem_shared>>) offsets(%arg11 : memref<4000xi32, #tpu.memory_space<vmem>>) semaphore(%run_scoped3A : memref<!tpu.dma_semaphore, #tpu.memory_space<semaphore_mem>>) {add = true}
        %dma_wait3A_121 = tpu.memref_slice %arg31[%mul3A_19] : memref<802816xf32, #tpu.memory_space<vmem_shared>> -> memref<100352xf32, #tpu.memory_space<vmem_shared>>
        %dma_wait3A_122 = arith.constant 0 : i32
        %dma_wait3A_123 = tpu.memref_slice %dma_wait3A_121[%dma_wait3A_122] : memref<100352xf32, #tpu.memory_space<vmem_shared>> -> memref<100352xf32, #tpu.memory_space<vmem_shared>>
        tpu.wait_indirect_dma semaphore(%run_scoped3A : memref<!tpu.dma_semaphore, #tpu.memory_space<semaphore_mem>>) src(%arg25 : memref<4000xf32, #tpu.memory_space<vmem>>) dst(%dma_wait3A_123 : memref<100352xf32, #tpu.memory_space<vmem_shared>>)
        tpu.yield
      }) : () -> ()
    } else {
    }
    %barrier3A_81 = arith.constant 0 : index
    tpu.barrier barrier_id(%barrier3A_81)
    %mul3A_82 = arith.constant 1024 : i32
    %mul3A_83 = arith.muli %arg1, %mul3A_82 : i32
    %add3A_84 = arith.constant 0 : i32
    %add3A_85 = arith.addi %add3A_84, %arg1 : i32
    %lt3A_86 = arith.constant 49 : i32
    %lt3A_87 = arith.cmpi slt, %add3A_85, %lt3A_86 : i32
    %convert_element_type3A_88 = arith.extui %lt3A_87 : i1 to i32
    %cond3A_89 = arith.constant 0 : i32
    %cond3A_90 = arith.cmpi ne, %convert_element_type3A_88, %cond3A_89 : i32
    scf.if %cond3A_90 {
      %mul3A_118 = arith.constant 2048 : i32
      %mul3A_119 = arith.muli %add3A_85, %mul3A_118 : i32
      "tpu.region"() ({
        %run_scoped3A = tpu.sem_alloc : memref<!tpu.dma_semaphore, #tpu.memory_space<semaphore_mem>>
        %dma_start3A_182 = tpu.memref_slice %arg31[%mul3A_119] : memref<802816xf32, #tpu.memory_space<vmem_shared>> -> memref<2048xf32, #tpu.memory_space<vmem_shared>>
        %dma_start3A_183 = tpu.memref_slice %arg31[%mul3A_119] : memref<802816xf32, #tpu.memory_space<vmem_shared>> -> memref<2048xf32, #tpu.memory_space<vmem_shared>>
        tpu.enqueue_dma source(%dma_start3A_183 : memref<2048xf32, #tpu.memory_space<vmem_shared>>) target(%arg26 : memref<2048xf32, #tpu.memory_space<vmem>>) target_semaphore(%run_scoped3A : memref<!tpu.dma_semaphore, #tpu.memory_space<semaphore_mem>>)
        %dma_wait3A_184 = tpu.memref_slice %arg31[%mul3A_119] : memref<802816xf32, #tpu.memory_space<vmem_shared>> -> memref<2048xf32, #tpu.memory_space<vmem_shared>>
        %dma_wait3A_185 = tpu.memref_slice %arg31[%mul3A_119] : memref<802816xf32, #tpu.memory_space<vmem_shared>> -> memref<2048xf32, #tpu.memory_space<vmem_shared>>
        tpu.wait_dma2 semaphore(%run_scoped3A : memref<!tpu.dma_semaphore, #tpu.memory_space<semaphore_mem>>) src(%dma_wait3A_185 : memref<2048xf32, #tpu.memory_space<vmem_shared>>) dst(%arg26 : memref<2048xf32, #tpu.memory_space<vmem>>)
        tpu.yield
      }) : () -> ()
      %add3A_120 = arith.constant 100352 : i32
      %add3A_121 = arith.addi %add3A_120, %mul3A_119 : i32
      "tpu.region"() ({
        %run_scoped3A = tpu.sem_alloc : memref<!tpu.dma_semaphore, #tpu.memory_space<semaphore_mem>>
        %dma_start3A_182 = tpu.memref_slice %arg31[%add3A_121] : memref<802816xf32, #tpu.memory_space<vmem_shared>> -> memref<2048xf32, #tpu.memory_space<vmem_shared>>
        %dma_start3A_183 = tpu.memref_slice %arg31[%add3A_121] : memref<802816xf32, #tpu.memory_space<vmem_shared>> -> memref<2048xf32, #tpu.memory_space<vmem_shared>>
        tpu.enqueue_dma source(%dma_start3A_183 : memref<2048xf32, #tpu.memory_space<vmem_shared>>) target(%arg28 : memref<2048xf32, #tpu.memory_space<vmem>>) target_semaphore(%run_scoped3A : memref<!tpu.dma_semaphore, #tpu.memory_space<semaphore_mem>>)
        %dma_wait3A_184 = tpu.memref_slice %arg31[%add3A_121] : memref<802816xf32, #tpu.memory_space<vmem_shared>> -> memref<2048xf32, #tpu.memory_space<vmem_shared>>
        %dma_wait3A_185 = tpu.memref_slice %arg31[%add3A_121] : memref<802816xf32, #tpu.memory_space<vmem_shared>> -> memref<2048xf32, #tpu.memory_space<vmem_shared>>
        tpu.wait_dma2 semaphore(%run_scoped3A : memref<!tpu.dma_semaphore, #tpu.memory_space<semaphore_mem>>) src(%dma_wait3A_185 : memref<2048xf32, #tpu.memory_space<vmem_shared>>) dst(%arg28 : memref<2048xf32, #tpu.memory_space<vmem>>)
        tpu.yield
      }) : () -> ()
      %scan3A_122 = arith.constant 0 : i32
      %scan3A_123 = arith.constant 0 : i32
      %scan3A_124 = arith.constant 128 : i32
      %scan3A_125 = arith.addi %scan3A_123, %scan3A_124 : i32
      %scan3A_126 = arith.constant 1 : i32
      scf.for %scan3A_182 = %scan3A_123 to %scan3A_125 step %scan3A_126  : i32 {
        %mul3A_183 = arith.constant 16 : i32
        %mul3A_184 = arith.muli %scan3A_182, %mul3A_183 : i32
        %get3A = arith.index_cast %mul3A_184 : i32 to index
        %get3A_185 = tpu.vector_load %arg26[%get3A] {strides = array<i32>} : memref<2048xf32, #tpu.memory_space<vmem>>, vector<16xf32>,
        %get3A_186 = arith.index_cast %mul3A_184 : i32 to index
        %get3A_187 = tpu.vector_load %arg28[%get3A_186] {strides = array<i32>} : memref<2048xf32, #tpu.memory_space<vmem>>, vector<16xf32>,
        %add3A_188 = arith.addf %get3A_185, %get3A_187 : vector<16xf32>
        %swap3A = arith.index_cast %mul3A_184 : i32 to index
        %swap3A_189 = tpu.vector_load %arg26[%swap3A] {strides = array<i32>} : memref<2048xf32, #tpu.memory_space<vmem>>, vector<16xf32>,
        tpu.vector_store %arg26[%swap3A], %add3A_188 {strides = array<i32>} : memref<2048xf32, #tpu.memory_space<vmem>>, vector<16xf32>,
      }
      %scan3A_127 = arith.constant 128 : i32
      %add3A_128 = arith.constant 200704 : i32
      %add3A_129 = arith.addi %add3A_128, %mul3A_119 : i32
      "tpu.region"() ({
        %run_scoped3A = tpu.sem_alloc : memref<!tpu.dma_semaphore, #tpu.memory_space<semaphore_mem>>
        %dma_start3A_182 = tpu.memref_slice %arg31[%add3A_129] : memref<802816xf32, #tpu.memory_space<vmem_shared>> -> memref<2048xf32, #tpu.memory_space<vmem_shared>>
        %dma_start3A_183 = tpu.memref_slice %arg31[%add3A_129] : memref<802816xf32, #tpu.memory_space<vmem_shared>> -> memref<2048xf32, #tpu.memory_space<vmem_shared>>
        tpu.enqueue_dma source(%dma_start3A_183 : memref<2048xf32, #tpu.memory_space<vmem_shared>>) target(%arg28 : memref<2048xf32, #tpu.memory_space<vmem>>) target_semaphore(%run_scoped3A : memref<!tpu.dma_semaphore, #tpu.memory_space<semaphore_mem>>)
        %dma_wait3A_184 = tpu.memref_slice %arg31[%add3A_129] : memref<802816xf32, #tpu.memory_space<vmem_shared>> -> memref<2048xf32, #tpu.memory_space<vmem_shared>>
        %dma_wait3A_185 = tpu.memref_slice %arg31[%add3A_129] : memref<802816xf32, #tpu.memory_space<vmem_shared>> -> memref<2048xf32, #tpu.memory_space<vmem_shared>>
        tpu.wait_dma2 semaphore(%run_scoped3A : memref<!tpu.dma_semaphore, #tpu.memory_space<semaphore_mem>>) src(%dma_wait3A_185 : memref<2048xf32, #tpu.memory_space<vmem_shared>>) dst(%arg28 : memref<2048xf32, #tpu.memory_space<vmem>>)
        tpu.yield
      }) : () -> ()
      %scan3A_130 = arith.constant 0 : i32
      %scan3A_131 = arith.constant 0 : i32
      %scan3A_132 = arith.constant 128 : i32
      %scan3A_133 = arith.addi %scan3A_131, %scan3A_132 : i32
      %scan3A_134 = arith.constant 1 : i32
      scf.for %scan3A_182 = %scan3A_131 to %scan3A_133 step %scan3A_134  : i32 {
        %mul3A_183 = arith.constant 16 : i32
        %mul3A_184 = arith.muli %scan3A_182, %mul3A_183 : i32
        %get3A = arith.index_cast %mul3A_184 : i32 to index
        %get3A_185 = tpu.vector_load %arg26[%get3A] {strides = array<i32>} : memref<2048xf32, #tpu.memory_space<vmem>>, vector<16xf32>,
        %get3A_186 = arith.index_cast %mul3A_184 : i32 to index
        %get3A_187 = tpu.vector_load %arg28[%get3A_186] {strides = array<i32>} : memref<2048xf32, #tpu.memory_space<vmem>>, vector<16xf32>,
        %add3A_188 = arith.addf %get3A_185, %get3A_187 : vector<16xf32>
        %swap3A = arith.index_cast %mul3A_184 : i32 to index
        %swap3A_189 = tpu.vector_load %arg26[%swap3A] {strides = array<i32>} : memref<2048xf32, #tpu.memory_space<vmem>>, vector<16xf32>,
        tpu.vector_store %arg26[%swap3A], %add3A_188 {strides = array<i32>} : memref<2048xf32, #tpu.memory_space<vmem>>, vector<16xf32>,
      }
      %scan3A_135 = arith.constant 128 : i32
      %add3A_136 = arith.constant 301056 : i32
      %add3A_137 = arith.addi %add3A_136, %mul3A_119 : i32
      "tpu.region"() ({
        %run_scoped3A = tpu.sem_alloc : memref<!tpu.dma_semaphore, #tpu.memory_space<semaphore_mem>>
        %dma_start3A_182 = tpu.memref_slice %arg31[%add3A_137] : memref<802816xf32, #tpu.memory_space<vmem_shared>> -> memref<2048xf32, #tpu.memory_space<vmem_shared>>
        %dma_start3A_183 = tpu.memref_slice %arg31[%add3A_137] : memref<802816xf32, #tpu.memory_space<vmem_shared>> -> memref<2048xf32, #tpu.memory_space<vmem_shared>>
        tpu.enqueue_dma source(%dma_start3A_183 : memref<2048xf32, #tpu.memory_space<vmem_shared>>) target(%arg28 : memref<2048xf32, #tpu.memory_space<vmem>>) target_semaphore(%run_scoped3A : memref<!tpu.dma_semaphore, #tpu.memory_space<semaphore_mem>>)
        %dma_wait3A_184 = tpu.memref_slice %arg31[%add3A_137] : memref<802816xf32, #tpu.memory_space<vmem_shared>> -> memref<2048xf32, #tpu.memory_space<vmem_shared>>
        %dma_wait3A_185 = tpu.memref_slice %arg31[%add3A_137] : memref<802816xf32, #tpu.memory_space<vmem_shared>> -> memref<2048xf32, #tpu.memory_space<vmem_shared>>
        tpu.wait_dma2 semaphore(%run_scoped3A : memref<!tpu.dma_semaphore, #tpu.memory_space<semaphore_mem>>) src(%dma_wait3A_185 : memref<2048xf32, #tpu.memory_space<vmem_shared>>) dst(%arg28 : memref<2048xf32, #tpu.memory_space<vmem>>)
        tpu.yield
      }) : () -> ()
      %scan3A_138 = arith.constant 0 : i32
      %scan3A_139 = arith.constant 0 : i32
      %scan3A_140 = arith.constant 128 : i32
      %scan3A_141 = arith.addi %scan3A_139, %scan3A_140 : i32
      %scan3A_142 = arith.constant 1 : i32
      scf.for %scan3A_182 = %scan3A_139 to %scan3A_141 step %scan3A_142  : i32 {
        %mul3A_183 = arith.constant 16 : i32
        %mul3A_184 = arith.muli %scan3A_182, %mul3A_183 : i32
        %get3A = arith.index_cast %mul3A_184 : i32 to index
        %get3A_185 = tpu.vector_load %arg26[%get3A] {strides = array<i32>} : memref<2048xf32, #tpu.memory_space<vmem>>, vector<16xf32>,
        %get3A_186 = arith.index_cast %mul3A_184 : i32 to index
        %get3A_187 = tpu.vector_load %arg28[%get3A_186] {strides = array<i32>} : memref<2048xf32, #tpu.memory_space<vmem>>, vector<16xf32>,
        %add3A_188 = arith.addf %get3A_185, %get3A_187 : vector<16xf32>
        %swap3A = arith.index_cast %mul3A_184 : i32 to index
        %swap3A_189 = tpu.vector_load %arg26[%swap3A] {strides = array<i32>} : memref<2048xf32, #tpu.memory_space<vmem>>, vector<16xf32>,
        tpu.vector_store %arg26[%swap3A], %add3A_188 {strides = array<i32>} : memref<2048xf32, #tpu.memory_space<vmem>>, vector<16xf32>,
      }
      %scan3A_143 = arith.constant 128 : i32
      %add3A_144 = arith.constant 401408 : i32
      %add3A_145 = arith.addi %add3A_144, %mul3A_119 : i32
      "tpu.region"() ({
        %run_scoped3A = tpu.sem_alloc : memref<!tpu.dma_semaphore, #tpu.memory_space<semaphore_mem>>
        %dma_start3A_182 = tpu.memref_slice %arg31[%add3A_145] : memref<802816xf32, #tpu.memory_space<vmem_shared>> -> memref<2048xf32, #tpu.memory_space<vmem_shared>>
        %dma_start3A_183 = tpu.memref_slice %arg31[%add3A_145] : memref<802816xf32, #tpu.memory_space<vmem_shared>> -> memref<2048xf32, #tpu.memory_space<vmem_shared>>
        tpu.enqueue_dma source(%dma_start3A_183 : memref<2048xf32, #tpu.memory_space<vmem_shared>>) target(%arg28 : memref<2048xf32, #tpu.memory_space<vmem>>) target_semaphore(%run_scoped3A : memref<!tpu.dma_semaphore, #tpu.memory_space<semaphore_mem>>)
        %dma_wait3A_184 = tpu.memref_slice %arg31[%add3A_145] : memref<802816xf32, #tpu.memory_space<vmem_shared>> -> memref<2048xf32, #tpu.memory_space<vmem_shared>>
        %dma_wait3A_185 = tpu.memref_slice %arg31[%add3A_145] : memref<802816xf32, #tpu.memory_space<vmem_shared>> -> memref<2048xf32, #tpu.memory_space<vmem_shared>>
        tpu.wait_dma2 semaphore(%run_scoped3A : memref<!tpu.dma_semaphore, #tpu.memory_space<semaphore_mem>>) src(%dma_wait3A_185 : memref<2048xf32, #tpu.memory_space<vmem_shared>>) dst(%arg28 : memref<2048xf32, #tpu.memory_space<vmem>>)
        tpu.yield
      }) : () -> ()
      %scan3A_146 = arith.constant 0 : i32
      %scan3A_147 = arith.constant 0 : i32
      %scan3A_148 = arith.constant 128 : i32
      %scan3A_149 = arith.addi %scan3A_147, %scan3A_148 : i32
      %scan3A_150 = arith.constant 1 : i32
      scf.for %scan3A_182 = %scan3A_147 to %scan3A_149 step %scan3A_150  : i32 {
        %mul3A_183 = arith.constant 16 : i32
        %mul3A_184 = arith.muli %scan3A_182, %mul3A_183 : i32
        %get3A = arith.index_cast %mul3A_184 : i32 to index
        %get3A_185 = tpu.vector_load %arg26[%get3A] {strides = array<i32>} : memref<2048xf32, #tpu.memory_space<vmem>>, vector<16xf32>,
        %get3A_186 = arith.index_cast %mul3A_184 : i32 to index
        %get3A_187 = tpu.vector_load %arg28[%get3A_186] {strides = array<i32>} : memref<2048xf32, #tpu.memory_space<vmem>>, vector<16xf32>,
        %add3A_188 = arith.addf %get3A_185, %get3A_187 : vector<16xf32>
        %swap3A = arith.index_cast %mul3A_184 : i32 to index
        %swap3A_189 = tpu.vector_load %arg26[%swap3A] {strides = array<i32>} : memref<2048xf32, #tpu.memory_space<vmem>>, vector<16xf32>,
        tpu.vector_store %arg26[%swap3A], %add3A_188 {strides = array<i32>} : memref<2048xf32, #tpu.memory_space<vmem>>, vector<16xf32>,
      }
      %scan3A_151 = arith.constant 128 : i32
      %add3A_152 = arith.constant 501760 : i32
      %add3A_153 = arith.addi %add3A_152, %mul3A_119 : i32
      "tpu.region"() ({
        %run_scoped3A = tpu.sem_alloc : memref<!tpu.dma_semaphore, #tpu.memory_space<semaphore_mem>>
        %dma_start3A_182 = tpu.memref_slice %arg31[%add3A_153] : memref<802816xf32, #tpu.memory_space<vmem_shared>> -> memref<2048xf32, #tpu.memory_space<vmem_shared>>
        %dma_start3A_183 = tpu.memref_slice %arg31[%add3A_153] : memref<802816xf32, #tpu.memory_space<vmem_shared>> -> memref<2048xf32, #tpu.memory_space<vmem_shared>>
        tpu.enqueue_dma source(%dma_start3A_183 : memref<2048xf32, #tpu.memory_space<vmem_shared>>) target(%arg28 : memref<2048xf32, #tpu.memory_space<vmem>>) target_semaphore(%run_scoped3A : memref<!tpu.dma_semaphore, #tpu.memory_space<semaphore_mem>>)
        %dma_wait3A_184 = tpu.memref_slice %arg31[%add3A_153] : memref<802816xf32, #tpu.memory_space<vmem_shared>> -> memref<2048xf32, #tpu.memory_space<vmem_shared>>
        %dma_wait3A_185 = tpu.memref_slice %arg31[%add3A_153] : memref<802816xf32, #tpu.memory_space<vmem_shared>> -> memref<2048xf32, #tpu.memory_space<vmem_shared>>
        tpu.wait_dma2 semaphore(%run_scoped3A : memref<!tpu.dma_semaphore, #tpu.memory_space<semaphore_mem>>) src(%dma_wait3A_185 : memref<2048xf32, #tpu.memory_space<vmem_shared>>) dst(%arg28 : memref<2048xf32, #tpu.memory_space<vmem>>)
        tpu.yield
      }) : () -> ()
      %scan3A_154 = arith.constant 0 : i32
      %scan3A_155 = arith.constant 0 : i32
      %scan3A_156 = arith.constant 128 : i32
      %scan3A_157 = arith.addi %scan3A_155, %scan3A_156 : i32
      %scan3A_158 = arith.constant 1 : i32
      scf.for %scan3A_182 = %scan3A_155 to %scan3A_157 step %scan3A_158  : i32 {
        %mul3A_183 = arith.constant 16 : i32
        %mul3A_184 = arith.muli %scan3A_182, %mul3A_183 : i32
        %get3A = arith.index_cast %mul3A_184 : i32 to index
        %get3A_185 = tpu.vector_load %arg26[%get3A] {strides = array<i32>} : memref<2048xf32, #tpu.memory_space<vmem>>, vector<16xf32>,
        %get3A_186 = arith.index_cast %mul3A_184 : i32 to index
        %get3A_187 = tpu.vector_load %arg28[%get3A_186] {strides = array<i32>} : memref<2048xf32, #tpu.memory_space<vmem>>, vector<16xf32>,
        %add3A_188 = arith.addf %get3A_185, %get3A_187 : vector<16xf32>
        %swap3A = arith.index_cast %mul3A_184 : i32 to index
        %swap3A_189 = tpu.vector_load %arg26[%swap3A] {strides = array<i32>} : memref<2048xf32, #tpu.memory_space<vmem>>, vector<16xf32>,
        tpu.vector_store %arg26[%swap3A], %add3A_188 {strides = array<i32>} : memref<2048xf32, #tpu.memory_space<vmem>>, vector<16xf32>,
      }
      %scan3A_159 = arith.constant 128 : i32
      %add3A_160 = arith.constant 602112 : i32
      %add3A_161 = arith.addi %add3A_160, %mul3A_119 : i32
      "tpu.region"() ({
        %run_scoped3A = tpu.sem_alloc : memref<!tpu.dma_semaphore, #tpu.memory_space<semaphore_mem>>
        %dma_start3A_182 = tpu.memref_slice %arg31[%add3A_161] : memref<802816xf32, #tpu.memory_space<vmem_shared>> -> memref<2048xf32, #tpu.memory_space<vmem_shared>>
        %dma_start3A_183 = tpu.memref_slice %arg31[%add3A_161] : memref<802816xf32, #tpu.memory_space<vmem_shared>> -> memref<2048xf32, #tpu.memory_space<vmem_shared>>
        tpu.enqueue_dma source(%dma_start3A_183 : memref<2048xf32, #tpu.memory_space<vmem_shared>>) target(%arg28 : memref<2048xf32, #tpu.memory_space<vmem>>) target_semaphore(%run_scoped3A : memref<!tpu.dma_semaphore, #tpu.memory_space<semaphore_mem>>)
        %dma_wait3A_184 = tpu.memref_slice %arg31[%add3A_161] : memref<802816xf32, #tpu.memory_space<vmem_shared>> -> memref<2048xf32, #tpu.memory_space<vmem_shared>>
        %dma_wait3A_185 = tpu.memref_slice %arg31[%add3A_161] : memref<802816xf32, #tpu.memory_space<vmem_shared>> -> memref<2048xf32, #tpu.memory_space<vmem_shared>>
        tpu.wait_dma2 semaphore(%run_scoped3A : memref<!tpu.dma_semaphore, #tpu.memory_space<semaphore_mem>>) src(%dma_wait3A_185 : memref<2048xf32, #tpu.memory_space<vmem_shared>>) dst(%arg28 : memref<2048xf32, #tpu.memory_space<vmem>>)
        tpu.yield
      }) : () -> ()
      %scan3A_162 = arith.constant 0 : i32
      %scan3A_163 = arith.constant 0 : i32
      %scan3A_164 = arith.constant 128 : i32
      %scan3A_165 = arith.addi %scan3A_163, %scan3A_164 : i32
      %scan3A_166 = arith.constant 1 : i32
      scf.for %scan3A_182 = %scan3A_163 to %scan3A_165 step %scan3A_166  : i32 {
        %mul3A_183 = arith.constant 16 : i32
        %mul3A_184 = arith.muli %scan3A_182, %mul3A_183 : i32
        %get3A = arith.index_cast %mul3A_184 : i32 to index
        %get3A_185 = tpu.vector_load %arg26[%get3A] {strides = array<i32>} : memref<2048xf32, #tpu.memory_space<vmem>>, vector<16xf32>,
        %get3A_186 = arith.index_cast %mul3A_184 : i32 to index
        %get3A_187 = tpu.vector_load %arg28[%get3A_186] {strides = array<i32>} : memref<2048xf32, #tpu.memory_space<vmem>>, vector<16xf32>,
        %add3A_188 = arith.addf %get3A_185, %get3A_187 : vector<16xf32>
        %swap3A = arith.index_cast %mul3A_184 : i32 to index
        %swap3A_189 = tpu.vector_load %arg26[%swap3A] {strides = array<i32>} : memref<2048xf32, #tpu.memory_space<vmem>>, vector<16xf32>,
        tpu.vector_store %arg26[%swap3A], %add3A_188 {strides = array<i32>} : memref<2048xf32, #tpu.memory_space<vmem>>, vector<16xf32>,
      }
      %scan3A_167 = arith.constant 128 : i32
      %add3A_168 = arith.constant 702464 : i32
      %add3A_169 = arith.addi %add3A_168, %mul3A_119 : i32
      "tpu.region"() ({
        %run_scoped3A = tpu.sem_alloc : memref<!tpu.dma_semaphore, #tpu.memory_space<semaphore_mem>>
        %dma_start3A_182 = tpu.memref_slice %arg31[%add3A_169] : memref<802816xf32, #tpu.memory_space<vmem_shared>> -> memref<2048xf32, #tpu.memory_space<vmem_shared>>
        %dma_start3A_183 = tpu.memref_slice %arg31[%add3A_169] : memref<802816xf32, #tpu.memory_space<vmem_shared>> -> memref<2048xf32, #tpu.memory_space<vmem_shared>>
        tpu.enqueue_dma source(%dma_start3A_183 : memref<2048xf32, #tpu.memory_space<vmem_shared>>) target(%arg28 : memref<2048xf32, #tpu.memory_space<vmem>>) target_semaphore(%run_scoped3A : memref<!tpu.dma_semaphore, #tpu.memory_space<semaphore_mem>>)
        %dma_wait3A_184 = tpu.memref_slice %arg31[%add3A_169] : memref<802816xf32, #tpu.memory_space<vmem_shared>> -> memref<2048xf32, #tpu.memory_space<vmem_shared>>
        %dma_wait3A_185 = tpu.memref_slice %arg31[%add3A_169] : memref<802816xf32, #tpu.memory_space<vmem_shared>> -> memref<2048xf32, #tpu.memory_space<vmem_shared>>
        tpu.wait_dma2 semaphore(%run_scoped3A : memref<!tpu.dma_semaphore, #tpu.memory_space<semaphore_mem>>) src(%dma_wait3A_185 : memref<2048xf32, #tpu.memory_space<vmem_shared>>) dst(%arg28 : memref<2048xf32, #tpu.memory_space<vmem>>)
        tpu.yield
      }) : () -> ()
      %scan3A_170 = arith.constant 0 : i32
      %scan3A_171 = arith.constant 0 : i32
      %scan3A_172 = arith.constant 128 : i32
      %scan3A_173 = arith.addi %scan3A_171, %scan3A_172 : i32
      %scan3A_174 = arith.constant 1 : i32
      scf.for %scan3A_182 = %scan3A_171 to %scan3A_173 step %scan3A_174  : i32 {
        %mul3A_183 = arith.constant 16 : i32
        %mul3A_184 = arith.muli %scan3A_182, %mul3A_183 : i32
        %get3A = arith.index_cast %mul3A_184 : i32 to index
        %get3A_185 = tpu.vector_load %arg26[%get3A] {strides = array<i32>} : memref<2048xf32, #tpu.memory_space<vmem>>, vector<16xf32>,
        %get3A_186 = arith.index_cast %mul3A_184 : i32 to index
        %get3A_187 = tpu.vector_load %arg28[%get3A_186] {strides = array<i32>} : memref<2048xf32, #tpu.memory_space<vmem>>, vector<16xf32>,
        %add3A_188 = arith.addf %get3A_185, %get3A_187 : vector<16xf32>
        %swap3A = arith.index_cast %mul3A_184 : i32 to index
        %swap3A_189 = tpu.vector_load %arg26[%swap3A] {strides = array<i32>} : memref<2048xf32, #tpu.memory_space<vmem>>, vector<16xf32>,
        tpu.vector_store %arg26[%swap3A], %add3A_188 {strides = array<i32>} : memref<2048xf32, #tpu.memory_space<vmem>>, vector<16xf32>,
      }
      %scan3A_175 = arith.constant 128 : i32
      "tpu.region"() ({
        %run_scoped3A = tpu.sem_alloc : memref<!tpu.dma_semaphore, #tpu.memory_space<semaphore_mem>>
        %dma_start3A_182 = tpu.memref_slice %arg8[%mul3A_119] : memref<100352xi32, #tpu.memory_space<hbm>> -> memref<2048xi32, #tpu.memory_space<hbm>>
        %dma_start3A_183 = tpu.memref_slice %arg8[%mul3A_119] : memref<100352xi32, #tpu.memory_space<hbm>> -> memref<2048xi32, #tpu.memory_space<hbm>>
        tpu.enqueue_dma source(%dma_start3A_183 : memref<2048xi32, #tpu.memory_space<hbm>>) target(%arg27 : memref<2048xi32, #tpu.memory_space<vmem>>) target_semaphore(%run_scoped3A : memref<!tpu.dma_semaphore, #tpu.memory_space<semaphore_mem>>)
        %dma_wait3A_184 = tpu.memref_slice %arg8[%mul3A_119] : memref<100352xi32, #tpu.memory_space<hbm>> -> memref<2048xi32, #tpu.memory_space<hbm>>
        %dma_wait3A_185 = tpu.memref_slice %arg8[%mul3A_119] : memref<100352xi32, #tpu.memory_space<hbm>> -> memref<2048xi32, #tpu.memory_space<hbm>>
        tpu.wait_dma2 semaphore(%run_scoped3A : memref<!tpu.dma_semaphore, #tpu.memory_space<semaphore_mem>>) src(%dma_wait3A_185 : memref<2048xi32, #tpu.memory_space<hbm>>) dst(%arg27 : memref<2048xi32, #tpu.memory_space<vmem>>)
        tpu.yield
      }) : () -> ()
      %scan3A_176 = arith.constant 0 : i32
      %scan3A_177 = arith.constant 0 : i32
      %scan3A_178 = arith.constant 128 : i32
      %scan3A_179 = arith.addi %scan3A_177, %scan3A_178 : i32
      %scan3A_180 = arith.constant 1 : i32
      scf.for %scan3A_182 = %scan3A_177 to %scan3A_179 step %scan3A_180  : i32 {
        %mul3A_183 = arith.constant 16 : i32
        %mul3A_184 = arith.muli %scan3A_182, %mul3A_183 : i32
        %get3A = arith.index_cast %mul3A_184 : i32 to index
        %get3A_185 = tpu.vector_load %arg27[%get3A] {strides = array<i32>} : memref<2048xi32, #tpu.memory_space<vmem>>, vector<16xi32>,
        %add3A_186 = vector.broadcast %mul3A_83 : i32 to vector<16xi32>
        %add3A_187 = arith.addi %get3A_185, %add3A_186 : vector<16xi32>
        %swap3A = arith.index_cast %mul3A_184 : i32 to index
        %swap3A_188 = tpu.vector_load %arg27[%swap3A] {strides = array<i32>} : memref<2048xi32, #tpu.memory_space<vmem>>, vector<16xi32>,
        tpu.vector_store %arg27[%swap3A], %add3A_187 {strides = array<i32>} : memref<2048xi32, #tpu.memory_space<vmem>>, vector<16xi32>,
      }
      %scan3A_181 = arith.constant 128 : i32
      "tpu.region"() ({
        %run_scoped3A = tpu.sem_alloc : memref<!tpu.dma_semaphore, #tpu.memory_space<semaphore_mem>>
        %dma_start3A_182 = arith.constant 0 : i32
        %dma_start3A_183 = tpu.memref_slice %arg32[%dma_start3A_182] : memref<16384xf32, #tpu.memory_space<vmem_shared>> -> memref<16384xf32, #tpu.memory_space<vmem_shared>>
        tpu.enqueue_indirect_dma source(%arg26 : memref<2048xf32, #tpu.memory_space<vmem>>) target(%dma_start3A_183 : memref<16384xf32, #tpu.memory_space<vmem_shared>>) offsets(%arg27 : memref<2048xi32, #tpu.memory_space<vmem>>) semaphore(%run_scoped3A : memref<!tpu.dma_semaphore, #tpu.memory_space<semaphore_mem>>) {add = true}
        %dma_wait3A_184 = arith.constant 0 : i32
        %dma_wait3A_185 = tpu.memref_slice %arg32[%dma_wait3A_184] : memref<16384xf32, #tpu.memory_space<vmem_shared>> -> memref<16384xf32, #tpu.memory_space<vmem_shared>>
        tpu.wait_indirect_dma semaphore(%run_scoped3A : memref<!tpu.dma_semaphore, #tpu.memory_space<semaphore_mem>>) src(%arg26 : memref<2048xf32, #tpu.memory_space<vmem>>) dst(%dma_wait3A_185 : memref<16384xf32, #tpu.memory_space<vmem_shared>>)
        tpu.yield
      }) : () -> ()
    } else {
    }
    %add3A_91 = arith.constant 16 : i32
    %add3A_92 = arith.addi %add3A_91, %arg1 : i32
    %lt3A_93 = arith.constant 49 : i32
    %lt3A_94 = arith.cmpi slt, %add3A_92, %lt3A_93 : i32
    %convert_element_type3A_95 = arith.extui %lt3A_94 : i1 to i32
    %cond3A_96 = arith.constant 0 : i32
    %cond3A_97 = arith.cmpi ne, %convert_element_type3A_95, %cond3A_96 : i32
    scf.if %cond3A_97 {
      %mul3A_118 = arith.constant 2048 : i32
      %mul3A_119 = arith.muli %add3A_92, %mul3A_118 : i32
      "tpu.region"() ({
        %run_scoped3A = tpu.sem_alloc : memref<!tpu.dma_semaphore, #tpu.memory_space<semaphore_mem>>
        %dma_start3A_182 = tpu.memref_slice %arg31[%mul3A_119] : memref<802816xf32, #tpu.memory_space<vmem_shared>> -> memref<2048xf32, #tpu.memory_space<vmem_shared>>
        %dma_start3A_183 = tpu.memref_slice %arg31[%mul3A_119] : memref<802816xf32, #tpu.memory_space<vmem_shared>> -> memref<2048xf32, #tpu.memory_space<vmem_shared>>
        tpu.enqueue_dma source(%dma_start3A_183 : memref<2048xf32, #tpu.memory_space<vmem_shared>>) target(%arg26 : memref<2048xf32, #tpu.memory_space<vmem>>) target_semaphore(%run_scoped3A : memref<!tpu.dma_semaphore, #tpu.memory_space<semaphore_mem>>)
        %dma_wait3A_184 = tpu.memref_slice %arg31[%mul3A_119] : memref<802816xf32, #tpu.memory_space<vmem_shared>> -> memref<2048xf32, #tpu.memory_space<vmem_shared>>
        %dma_wait3A_185 = tpu.memref_slice %arg31[%mul3A_119] : memref<802816xf32, #tpu.memory_space<vmem_shared>> -> memref<2048xf32, #tpu.memory_space<vmem_shared>>
        tpu.wait_dma2 semaphore(%run_scoped3A : memref<!tpu.dma_semaphore, #tpu.memory_space<semaphore_mem>>) src(%dma_wait3A_185 : memref<2048xf32, #tpu.memory_space<vmem_shared>>) dst(%arg26 : memref<2048xf32, #tpu.memory_space<vmem>>)
        tpu.yield
      }) : () -> ()
      %add3A_120 = arith.constant 100352 : i32
      %add3A_121 = arith.addi %add3A_120, %mul3A_119 : i32
      "tpu.region"() ({
        %run_scoped3A = tpu.sem_alloc : memref<!tpu.dma_semaphore, #tpu.memory_space<semaphore_mem>>
        %dma_start3A_182 = tpu.memref_slice %arg31[%add3A_121] : memref<802816xf32, #tpu.memory_space<vmem_shared>> -> memref<2048xf32, #tpu.memory_space<vmem_shared>>
        %dma_start3A_183 = tpu.memref_slice %arg31[%add3A_121] : memref<802816xf32, #tpu.memory_space<vmem_shared>> -> memref<2048xf32, #tpu.memory_space<vmem_shared>>
        tpu.enqueue_dma source(%dma_start3A_183 : memref<2048xf32, #tpu.memory_space<vmem_shared>>) target(%arg28 : memref<2048xf32, #tpu.memory_space<vmem>>) target_semaphore(%run_scoped3A : memref<!tpu.dma_semaphore, #tpu.memory_space<semaphore_mem>>)
        %dma_wait3A_184 = tpu.memref_slice %arg31[%add3A_121] : memref<802816xf32, #tpu.memory_space<vmem_shared>> -> memref<2048xf32, #tpu.memory_space<vmem_shared>>
        %dma_wait3A_185 = tpu.memref_slice %arg31[%add3A_121] : memref<802816xf32, #tpu.memory_space<vmem_shared>> -> memref<2048xf32, #tpu.memory_space<vmem_shared>>
        tpu.wait_dma2 semaphore(%run_scoped3A : memref<!tpu.dma_semaphore, #tpu.memory_space<semaphore_mem>>) src(%dma_wait3A_185 : memref<2048xf32, #tpu.memory_space<vmem_shared>>) dst(%arg28 : memref<2048xf32, #tpu.memory_space<vmem>>)
        tpu.yield
      }) : () -> ()
      %scan3A_122 = arith.constant 0 : i32
      %scan3A_123 = arith.constant 0 : i32
      %scan3A_124 = arith.constant 128 : i32
      %scan3A_125 = arith.addi %scan3A_123, %scan3A_124 : i32
      %scan3A_126 = arith.constant 1 : i32
      scf.for %scan3A_182 = %scan3A_123 to %scan3A_125 step %scan3A_126  : i32 {
        %mul3A_183 = arith.constant 16 : i32
        %mul3A_184 = arith.muli %scan3A_182, %mul3A_183 : i32
        %get3A = arith.index_cast %mul3A_184 : i32 to index
        %get3A_185 = tpu.vector_load %arg26[%get3A] {strides = array<i32>} : memref<2048xf32, #tpu.memory_space<vmem>>, vector<16xf32>,
        %get3A_186 = arith.index_cast %mul3A_184 : i32 to index
        %get3A_187 = tpu.vector_load %arg28[%get3A_186] {strides = array<i32>} : memref<2048xf32, #tpu.memory_space<vmem>>, vector<16xf32>,
        %add3A_188 = arith.addf %get3A_185, %get3A_187 : vector<16xf32>
        %swap3A = arith.index_cast %mul3A_184 : i32 to index
        %swap3A_189 = tpu.vector_load %arg26[%swap3A] {strides = array<i32>} : memref<2048xf32, #tpu.memory_space<vmem>>, vector<16xf32>,
        tpu.vector_store %arg26[%swap3A], %add3A_188 {strides = array<i32>} : memref<2048xf32, #tpu.memory_space<vmem>>, vector<16xf32>,
      }
      %scan3A_127 = arith.constant 128 : i32
      %add3A_128 = arith.constant 200704 : i32
      %add3A_129 = arith.addi %add3A_128, %mul3A_119 : i32
      "tpu.region"() ({
        %run_scoped3A = tpu.sem_alloc : memref<!tpu.dma_semaphore, #tpu.memory_space<semaphore_mem>>
        %dma_start3A_182 = tpu.memref_slice %arg31[%add3A_129] : memref<802816xf32, #tpu.memory_space<vmem_shared>> -> memref<2048xf32, #tpu.memory_space<vmem_shared>>
        %dma_start3A_183 = tpu.memref_slice %arg31[%add3A_129] : memref<802816xf32, #tpu.memory_space<vmem_shared>> -> memref<2048xf32, #tpu.memory_space<vmem_shared>>
        tpu.enqueue_dma source(%dma_start3A_183 : memref<2048xf32, #tpu.memory_space<vmem_shared>>) target(%arg28 : memref<2048xf32, #tpu.memory_space<vmem>>) target_semaphore(%run_scoped3A : memref<!tpu.dma_semaphore, #tpu.memory_space<semaphore_mem>>)
        %dma_wait3A_184 = tpu.memref_slice %arg31[%add3A_129] : memref<802816xf32, #tpu.memory_space<vmem_shared>> -> memref<2048xf32, #tpu.memory_space<vmem_shared>>
        %dma_wait3A_185 = tpu.memref_slice %arg31[%add3A_129] : memref<802816xf32, #tpu.memory_space<vmem_shared>> -> memref<2048xf32, #tpu.memory_space<vmem_shared>>
        tpu.wait_dma2 semaphore(%run_scoped3A : memref<!tpu.dma_semaphore, #tpu.memory_space<semaphore_mem>>) src(%dma_wait3A_185 : memref<2048xf32, #tpu.memory_space<vmem_shared>>) dst(%arg28 : memref<2048xf32, #tpu.memory_space<vmem>>)
        tpu.yield
      }) : () -> ()
      %scan3A_130 = arith.constant 0 : i32
      %scan3A_131 = arith.constant 0 : i32
      %scan3A_132 = arith.constant 128 : i32
      %scan3A_133 = arith.addi %scan3A_131, %scan3A_132 : i32
      %scan3A_134 = arith.constant 1 : i32
      scf.for %scan3A_182 = %scan3A_131 to %scan3A_133 step %scan3A_134  : i32 {
        %mul3A_183 = arith.constant 16 : i32
        %mul3A_184 = arith.muli %scan3A_182, %mul3A_183 : i32
        %get3A = arith.index_cast %mul3A_184 : i32 to index
        %get3A_185 = tpu.vector_load %arg26[%get3A] {strides = array<i32>} : memref<2048xf32, #tpu.memory_space<vmem>>, vector<16xf32>,
        %get3A_186 = arith.index_cast %mul3A_184 : i32 to index
        %get3A_187 = tpu.vector_load %arg28[%get3A_186] {strides = array<i32>} : memref<2048xf32, #tpu.memory_space<vmem>>, vector<16xf32>,
        %add3A_188 = arith.addf %get3A_185, %get3A_187 : vector<16xf32>
        %swap3A = arith.index_cast %mul3A_184 : i32 to index
        %swap3A_189 = tpu.vector_load %arg26[%swap3A] {strides = array<i32>} : memref<2048xf32, #tpu.memory_space<vmem>>, vector<16xf32>,
        tpu.vector_store %arg26[%swap3A], %add3A_188 {strides = array<i32>} : memref<2048xf32, #tpu.memory_space<vmem>>, vector<16xf32>,
      }
      %scan3A_135 = arith.constant 128 : i32
      %add3A_136 = arith.constant 301056 : i32
      %add3A_137 = arith.addi %add3A_136, %mul3A_119 : i32
      "tpu.region"() ({
        %run_scoped3A = tpu.sem_alloc : memref<!tpu.dma_semaphore, #tpu.memory_space<semaphore_mem>>
        %dma_start3A_182 = tpu.memref_slice %arg31[%add3A_137] : memref<802816xf32, #tpu.memory_space<vmem_shared>> -> memref<2048xf32, #tpu.memory_space<vmem_shared>>
        %dma_start3A_183 = tpu.memref_slice %arg31[%add3A_137] : memref<802816xf32, #tpu.memory_space<vmem_shared>> -> memref<2048xf32, #tpu.memory_space<vmem_shared>>
        tpu.enqueue_dma source(%dma_start3A_183 : memref<2048xf32, #tpu.memory_space<vmem_shared>>) target(%arg28 : memref<2048xf32, #tpu.memory_space<vmem>>) target_semaphore(%run_scoped3A : memref<!tpu.dma_semaphore, #tpu.memory_space<semaphore_mem>>)
        %dma_wait3A_184 = tpu.memref_slice %arg31[%add3A_137] : memref<802816xf32, #tpu.memory_space<vmem_shared>> -> memref<2048xf32, #tpu.memory_space<vmem_shared>>
        %dma_wait3A_185 = tpu.memref_slice %arg31[%add3A_137] : memref<802816xf32, #tpu.memory_space<vmem_shared>> -> memref<2048xf32, #tpu.memory_space<vmem_shared>>
        tpu.wait_dma2 semaphore(%run_scoped3A : memref<!tpu.dma_semaphore, #tpu.memory_space<semaphore_mem>>) src(%dma_wait3A_185 : memref<2048xf32, #tpu.memory_space<vmem_shared>>) dst(%arg28 : memref<2048xf32, #tpu.memory_space<vmem>>)
        tpu.yield
      }) : () -> ()
      %scan3A_138 = arith.constant 0 : i32
      %scan3A_139 = arith.constant 0 : i32
      %scan3A_140 = arith.constant 128 : i32
      %scan3A_141 = arith.addi %scan3A_139, %scan3A_140 : i32
      %scan3A_142 = arith.constant 1 : i32
      scf.for %scan3A_182 = %scan3A_139 to %scan3A_141 step %scan3A_142  : i32 {
        %mul3A_183 = arith.constant 16 : i32
        %mul3A_184 = arith.muli %scan3A_182, %mul3A_183 : i32
        %get3A = arith.index_cast %mul3A_184 : i32 to index
        %get3A_185 = tpu.vector_load %arg26[%get3A] {strides = array<i32>} : memref<2048xf32, #tpu.memory_space<vmem>>, vector<16xf32>,
        %get3A_186 = arith.index_cast %mul3A_184 : i32 to index
        %get3A_187 = tpu.vector_load %arg28[%get3A_186] {strides = array<i32>} : memref<2048xf32, #tpu.memory_space<vmem>>, vector<16xf32>,
        %add3A_188 = arith.addf %get3A_185, %get3A_187 : vector<16xf32>
        %swap3A = arith.index_cast %mul3A_184 : i32 to index
        %swap3A_189 = tpu.vector_load %arg26[%swap3A] {strides = array<i32>} : memref<2048xf32, #tpu.memory_space<vmem>>, vector<16xf32>,
        tpu.vector_store %arg26[%swap3A], %add3A_188 {strides = array<i32>} : memref<2048xf32, #tpu.memory_space<vmem>>, vector<16xf32>,
      }
      %scan3A_143 = arith.constant 128 : i32
      %add3A_144 = arith.constant 401408 : i32
      %add3A_145 = arith.addi %add3A_144, %mul3A_119 : i32
      "tpu.region"() ({
        %run_scoped3A = tpu.sem_alloc : memref<!tpu.dma_semaphore, #tpu.memory_space<semaphore_mem>>
        %dma_start3A_182 = tpu.memref_slice %arg31[%add3A_145] : memref<802816xf32, #tpu.memory_space<vmem_shared>> -> memref<2048xf32, #tpu.memory_space<vmem_shared>>
        %dma_start3A_183 = tpu.memref_slice %arg31[%add3A_145] : memref<802816xf32, #tpu.memory_space<vmem_shared>> -> memref<2048xf32, #tpu.memory_space<vmem_shared>>
        tpu.enqueue_dma source(%dma_start3A_183 : memref<2048xf32, #tpu.memory_space<vmem_shared>>) target(%arg28 : memref<2048xf32, #tpu.memory_space<vmem>>) target_semaphore(%run_scoped3A : memref<!tpu.dma_semaphore, #tpu.memory_space<semaphore_mem>>)
        %dma_wait3A_184 = tpu.memref_slice %arg31[%add3A_145] : memref<802816xf32, #tpu.memory_space<vmem_shared>> -> memref<2048xf32, #tpu.memory_space<vmem_shared>>
        %dma_wait3A_185 = tpu.memref_slice %arg31[%add3A_145] : memref<802816xf32, #tpu.memory_space<vmem_shared>> -> memref<2048xf32, #tpu.memory_space<vmem_shared>>
        tpu.wait_dma2 semaphore(%run_scoped3A : memref<!tpu.dma_semaphore, #tpu.memory_space<semaphore_mem>>) src(%dma_wait3A_185 : memref<2048xf32, #tpu.memory_space<vmem_shared>>) dst(%arg28 : memref<2048xf32, #tpu.memory_space<vmem>>)
        tpu.yield
      }) : () -> ()
      %scan3A_146 = arith.constant 0 : i32
      %scan3A_147 = arith.constant 0 : i32
      %scan3A_148 = arith.constant 128 : i32
      %scan3A_149 = arith.addi %scan3A_147, %scan3A_148 : i32
      %scan3A_150 = arith.constant 1 : i32
      scf.for %scan3A_182 = %scan3A_147 to %scan3A_149 step %scan3A_150  : i32 {
        %mul3A_183 = arith.constant 16 : i32
        %mul3A_184 = arith.muli %scan3A_182, %mul3A_183 : i32
        %get3A = arith.index_cast %mul3A_184 : i32 to index
        %get3A_185 = tpu.vector_load %arg26[%get3A] {strides = array<i32>} : memref<2048xf32, #tpu.memory_space<vmem>>, vector<16xf32>,
        %get3A_186 = arith.index_cast %mul3A_184 : i32 to index
        %get3A_187 = tpu.vector_load %arg28[%get3A_186] {strides = array<i32>} : memref<2048xf32, #tpu.memory_space<vmem>>, vector<16xf32>,
        %add3A_188 = arith.addf %get3A_185, %get3A_187 : vector<16xf32>
        %swap3A = arith.index_cast %mul3A_184 : i32 to index
        %swap3A_189 = tpu.vector_load %arg26[%swap3A] {strides = array<i32>} : memref<2048xf32, #tpu.memory_space<vmem>>, vector<16xf32>,
        tpu.vector_store %arg26[%swap3A], %add3A_188 {strides = array<i32>} : memref<2048xf32, #tpu.memory_space<vmem>>, vector<16xf32>,
      }
      %scan3A_151 = arith.constant 128 : i32
      %add3A_152 = arith.constant 501760 : i32
      %add3A_153 = arith.addi %add3A_152, %mul3A_119 : i32
      "tpu.region"() ({
        %run_scoped3A = tpu.sem_alloc : memref<!tpu.dma_semaphore, #tpu.memory_space<semaphore_mem>>
        %dma_start3A_182 = tpu.memref_slice %arg31[%add3A_153] : memref<802816xf32, #tpu.memory_space<vmem_shared>> -> memref<2048xf32, #tpu.memory_space<vmem_shared>>
        %dma_start3A_183 = tpu.memref_slice %arg31[%add3A_153] : memref<802816xf32, #tpu.memory_space<vmem_shared>> -> memref<2048xf32, #tpu.memory_space<vmem_shared>>
        tpu.enqueue_dma source(%dma_start3A_183 : memref<2048xf32, #tpu.memory_space<vmem_shared>>) target(%arg28 : memref<2048xf32, #tpu.memory_space<vmem>>) target_semaphore(%run_scoped3A : memref<!tpu.dma_semaphore, #tpu.memory_space<semaphore_mem>>)
        %dma_wait3A_184 = tpu.memref_slice %arg31[%add3A_153] : memref<802816xf32, #tpu.memory_space<vmem_shared>> -> memref<2048xf32, #tpu.memory_space<vmem_shared>>
        %dma_wait3A_185 = tpu.memref_slice %arg31[%add3A_153] : memref<802816xf32, #tpu.memory_space<vmem_shared>> -> memref<2048xf32, #tpu.memory_space<vmem_shared>>
        tpu.wait_dma2 semaphore(%run_scoped3A : memref<!tpu.dma_semaphore, #tpu.memory_space<semaphore_mem>>) src(%dma_wait3A_185 : memref<2048xf32, #tpu.memory_space<vmem_shared>>) dst(%arg28 : memref<2048xf32, #tpu.memory_space<vmem>>)
        tpu.yield
      }) : () -> ()
      %scan3A_154 = arith.constant 0 : i32
      %scan3A_155 = arith.constant 0 : i32
      %scan3A_156 = arith.constant 128 : i32
      %scan3A_157 = arith.addi %scan3A_155, %scan3A_156 : i32
      %scan3A_158 = arith.constant 1 : i32
      scf.for %scan3A_182 = %scan3A_155 to %scan3A_157 step %scan3A_158  : i32 {
        %mul3A_183 = arith.constant 16 : i32
        %mul3A_184 = arith.muli %scan3A_182, %mul3A_183 : i32
        %get3A = arith.index_cast %mul3A_184 : i32 to index
        %get3A_185 = tpu.vector_load %arg26[%get3A] {strides = array<i32>} : memref<2048xf32, #tpu.memory_space<vmem>>, vector<16xf32>,
        %get3A_186 = arith.index_cast %mul3A_184 : i32 to index
        %get3A_187 = tpu.vector_load %arg28[%get3A_186] {strides = array<i32>} : memref<2048xf32, #tpu.memory_space<vmem>>, vector<16xf32>,
        %add3A_188 = arith.addf %get3A_185, %get3A_187 : vector<16xf32>
        %swap3A = arith.index_cast %mul3A_184 : i32 to index
        %swap3A_189 = tpu.vector_load %arg26[%swap3A] {strides = array<i32>} : memref<2048xf32, #tpu.memory_space<vmem>>, vector<16xf32>,
        tpu.vector_store %arg26[%swap3A], %add3A_188 {strides = array<i32>} : memref<2048xf32, #tpu.memory_space<vmem>>, vector<16xf32>,
      }
      %scan3A_159 = arith.constant 128 : i32
      %add3A_160 = arith.constant 602112 : i32
      %add3A_161 = arith.addi %add3A_160, %mul3A_119 : i32
      "tpu.region"() ({
        %run_scoped3A = tpu.sem_alloc : memref<!tpu.dma_semaphore, #tpu.memory_space<semaphore_mem>>
        %dma_start3A_182 = tpu.memref_slice %arg31[%add3A_161] : memref<802816xf32, #tpu.memory_space<vmem_shared>> -> memref<2048xf32, #tpu.memory_space<vmem_shared>>
        %dma_start3A_183 = tpu.memref_slice %arg31[%add3A_161] : memref<802816xf32, #tpu.memory_space<vmem_shared>> -> memref<2048xf32, #tpu.memory_space<vmem_shared>>
        tpu.enqueue_dma source(%dma_start3A_183 : memref<2048xf32, #tpu.memory_space<vmem_shared>>) target(%arg28 : memref<2048xf32, #tpu.memory_space<vmem>>) target_semaphore(%run_scoped3A : memref<!tpu.dma_semaphore, #tpu.memory_space<semaphore_mem>>)
        %dma_wait3A_184 = tpu.memref_slice %arg31[%add3A_161] : memref<802816xf32, #tpu.memory_space<vmem_shared>> -> memref<2048xf32, #tpu.memory_space<vmem_shared>>
        %dma_wait3A_185 = tpu.memref_slice %arg31[%add3A_161] : memref<802816xf32, #tpu.memory_space<vmem_shared>> -> memref<2048xf32, #tpu.memory_space<vmem_shared>>
        tpu.wait_dma2 semaphore(%run_scoped3A : memref<!tpu.dma_semaphore, #tpu.memory_space<semaphore_mem>>) src(%dma_wait3A_185 : memref<2048xf32, #tpu.memory_space<vmem_shared>>) dst(%arg28 : memref<2048xf32, #tpu.memory_space<vmem>>)
        tpu.yield
      }) : () -> ()
      %scan3A_162 = arith.constant 0 : i32
      %scan3A_163 = arith.constant 0 : i32
      %scan3A_164 = arith.constant 128 : i32
      %scan3A_165 = arith.addi %scan3A_163, %scan3A_164 : i32
      %scan3A_166 = arith.constant 1 : i32
      scf.for %scan3A_182 = %scan3A_163 to %scan3A_165 step %scan3A_166  : i32 {
        %mul3A_183 = arith.constant 16 : i32
        %mul3A_184 = arith.muli %scan3A_182, %mul3A_183 : i32
        %get3A = arith.index_cast %mul3A_184 : i32 to index
        %get3A_185 = tpu.vector_load %arg26[%get3A] {strides = array<i32>} : memref<2048xf32, #tpu.memory_space<vmem>>, vector<16xf32>,
        %get3A_186 = arith.index_cast %mul3A_184 : i32 to index
        %get3A_187 = tpu.vector_load %arg28[%get3A_186] {strides = array<i32>} : memref<2048xf32, #tpu.memory_space<vmem>>, vector<16xf32>,
        %add3A_188 = arith.addf %get3A_185, %get3A_187 : vector<16xf32>
        %swap3A = arith.index_cast %mul3A_184 : i32 to index
        %swap3A_189 = tpu.vector_load %arg26[%swap3A] {strides = array<i32>} : memref<2048xf32, #tpu.memory_space<vmem>>, vector<16xf32>,
        tpu.vector_store %arg26[%swap3A], %add3A_188 {strides = array<i32>} : memref<2048xf32, #tpu.memory_space<vmem>>, vector<16xf32>,
      }
      %scan3A_167 = arith.constant 128 : i32
      %add3A_168 = arith.constant 702464 : i32
      %add3A_169 = arith.addi %add3A_168, %mul3A_119 : i32
      "tpu.region"() ({
        %run_scoped3A = tpu.sem_alloc : memref<!tpu.dma_semaphore, #tpu.memory_space<semaphore_mem>>
        %dma_start3A_182 = tpu.memref_slice %arg31[%add3A_169] : memref<802816xf32, #tpu.memory_space<vmem_shared>> -> memref<2048xf32, #tpu.memory_space<vmem_shared>>
        %dma_start3A_183 = tpu.memref_slice %arg31[%add3A_169] : memref<802816xf32, #tpu.memory_space<vmem_shared>> -> memref<2048xf32, #tpu.memory_space<vmem_shared>>
        tpu.enqueue_dma source(%dma_start3A_183 : memref<2048xf32, #tpu.memory_space<vmem_shared>>) target(%arg28 : memref<2048xf32, #tpu.memory_space<vmem>>) target_semaphore(%run_scoped3A : memref<!tpu.dma_semaphore, #tpu.memory_space<semaphore_mem>>)
        %dma_wait3A_184 = tpu.memref_slice %arg31[%add3A_169] : memref<802816xf32, #tpu.memory_space<vmem_shared>> -> memref<2048xf32, #tpu.memory_space<vmem_shared>>
        %dma_wait3A_185 = tpu.memref_slice %arg31[%add3A_169] : memref<802816xf32, #tpu.memory_space<vmem_shared>> -> memref<2048xf32, #tpu.memory_space<vmem_shared>>
        tpu.wait_dma2 semaphore(%run_scoped3A : memref<!tpu.dma_semaphore, #tpu.memory_space<semaphore_mem>>) src(%dma_wait3A_185 : memref<2048xf32, #tpu.memory_space<vmem_shared>>) dst(%arg28 : memref<2048xf32, #tpu.memory_space<vmem>>)
        tpu.yield
      }) : () -> ()
      %scan3A_170 = arith.constant 0 : i32
      %scan3A_171 = arith.constant 0 : i32
      %scan3A_172 = arith.constant 128 : i32
      %scan3A_173 = arith.addi %scan3A_171, %scan3A_172 : i32
      %scan3A_174 = arith.constant 1 : i32
      scf.for %scan3A_182 = %scan3A_171 to %scan3A_173 step %scan3A_174  : i32 {
        %mul3A_183 = arith.constant 16 : i32
        %mul3A_184 = arith.muli %scan3A_182, %mul3A_183 : i32
        %get3A = arith.index_cast %mul3A_184 : i32 to index
        %get3A_185 = tpu.vector_load %arg26[%get3A] {strides = array<i32>} : memref<2048xf32, #tpu.memory_space<vmem>>, vector<16xf32>,
        %get3A_186 = arith.index_cast %mul3A_184 : i32 to index
        %get3A_187 = tpu.vector_load %arg28[%get3A_186] {strides = array<i32>} : memref<2048xf32, #tpu.memory_space<vmem>>, vector<16xf32>,
        %add3A_188 = arith.addf %get3A_185, %get3A_187 : vector<16xf32>
        %swap3A = arith.index_cast %mul3A_184 : i32 to index
        %swap3A_189 = tpu.vector_load %arg26[%swap3A] {strides = array<i32>} : memref<2048xf32, #tpu.memory_space<vmem>>, vector<16xf32>,
        tpu.vector_store %arg26[%swap3A], %add3A_188 {strides = array<i32>} : memref<2048xf32, #tpu.memory_space<vmem>>, vector<16xf32>,
      }
      %scan3A_175 = arith.constant 128 : i32
      "tpu.region"() ({
        %run_scoped3A = tpu.sem_alloc : memref<!tpu.dma_semaphore, #tpu.memory_space<semaphore_mem>>
        %dma_start3A_182 = tpu.memref_slice %arg8[%mul3A_119] : memref<100352xi32, #tpu.memory_space<hbm>> -> memref<2048xi32, #tpu.memory_space<hbm>>
        %dma_start3A_183 = tpu.memref_slice %arg8[%mul3A_119] : memref<100352xi32, #tpu.memory_space<hbm>> -> memref<2048xi32, #tpu.memory_space<hbm>>
        tpu.enqueue_dma source(%dma_start3A_183 : memref<2048xi32, #tpu.memory_space<hbm>>) target(%arg27 : memref<2048xi32, #tpu.memory_space<vmem>>) target_semaphore(%run_scoped3A : memref<!tpu.dma_semaphore, #tpu.memory_space<semaphore_mem>>)
        %dma_wait3A_184 = tpu.memref_slice %arg8[%mul3A_119] : memref<100352xi32, #tpu.memory_space<hbm>> -> memref<2048xi32, #tpu.memory_space<hbm>>
        %dma_wait3A_185 = tpu.memref_slice %arg8[%mul3A_119] : memref<100352xi32, #tpu.memory_space<hbm>> -> memref<2048xi32, #tpu.memory_space<hbm>>
        tpu.wait_dma2 semaphore(%run_scoped3A : memref<!tpu.dma_semaphore, #tpu.memory_space<semaphore_mem>>) src(%dma_wait3A_185 : memref<2048xi32, #tpu.memory_space<hbm>>) dst(%arg27 : memref<2048xi32, #tpu.memory_space<vmem>>)
        tpu.yield
      }) : () -> ()
      %scan3A_176 = arith.constant 0 : i32
      %scan3A_177 = arith.constant 0 : i32
      %scan3A_178 = arith.constant 128 : i32
      %scan3A_179 = arith.addi %scan3A_177, %scan3A_178 : i32
      %scan3A_180 = arith.constant 1 : i32
      scf.for %scan3A_182 = %scan3A_177 to %scan3A_179 step %scan3A_180  : i32 {
        %mul3A_183 = arith.constant 16 : i32
        %mul3A_184 = arith.muli %scan3A_182, %mul3A_183 : i32
        %get3A = arith.index_cast %mul3A_184 : i32 to index
        %get3A_185 = tpu.vector_load %arg27[%get3A] {strides = array<i32>} : memref<2048xi32, #tpu.memory_space<vmem>>, vector<16xi32>,
        %add3A_186 = vector.broadcast %mul3A_83 : i32 to vector<16xi32>
        %add3A_187 = arith.addi %get3A_185, %add3A_186 : vector<16xi32>
        %swap3A = arith.index_cast %mul3A_184 : i32 to index
        %swap3A_188 = tpu.vector_load %arg27[%swap3A] {strides = array<i32>} : memref<2048xi32, #tpu.memory_space<vmem>>, vector<16xi32>,
        tpu.vector_store %arg27[%swap3A], %add3A_187 {strides = array<i32>} : memref<2048xi32, #tpu.memory_space<vmem>>, vector<16xi32>,
      }
      %scan3A_181 = arith.constant 128 : i32
      "tpu.region"() ({
        %run_scoped3A = tpu.sem_alloc : memref<!tpu.dma_semaphore, #tpu.memory_space<semaphore_mem>>
        %dma_start3A_182 = arith.constant 0 : i32
        %dma_start3A_183 = tpu.memref_slice %arg32[%dma_start3A_182] : memref<16384xf32, #tpu.memory_space<vmem_shared>> -> memref<16384xf32, #tpu.memory_space<vmem_shared>>
        tpu.enqueue_indirect_dma source(%arg26 : memref<2048xf32, #tpu.memory_space<vmem>>) target(%dma_start3A_183 : memref<16384xf32, #tpu.memory_space<vmem_shared>>) offsets(%arg27 : memref<2048xi32, #tpu.memory_space<vmem>>) semaphore(%run_scoped3A : memref<!tpu.dma_semaphore, #tpu.memory_space<semaphore_mem>>) {add = true}
        %dma_wait3A_184 = arith.constant 0 : i32
        %dma_wait3A_185 = tpu.memref_slice %arg32[%dma_wait3A_184] : memref<16384xf32, #tpu.memory_space<vmem_shared>> -> memref<16384xf32, #tpu.memory_space<vmem_shared>>
        tpu.wait_indirect_dma semaphore(%run_scoped3A : memref<!tpu.dma_semaphore, #tpu.memory_space<semaphore_mem>>) src(%arg26 : memref<2048xf32, #tpu.memory_space<vmem>>) dst(%dma_wait3A_185 : memref<16384xf32, #tpu.memory_space<vmem_shared>>)
        tpu.yield
      }) : () -> ()
    } else {
    }
    %add3A_98 = arith.constant 32 : i32
    %add3A_99 = arith.addi %add3A_98, %arg1 : i32
    %lt3A_100 = arith.constant 49 : i32
    %lt3A_101 = arith.cmpi slt, %add3A_99, %lt3A_100 : i32
    %convert_element_type3A_102 = arith.extui %lt3A_101 : i1 to i32
    %cond3A_103 = arith.constant 0 : i32
    %cond3A_104 = arith.cmpi ne, %convert_element_type3A_102, %cond3A_103 : i32
    scf.if %cond3A_104 {
      %mul3A_118 = arith.constant 2048 : i32
      %mul3A_119 = arith.muli %add3A_99, %mul3A_118 : i32
      "tpu.region"() ({
        %run_scoped3A = tpu.sem_alloc : memref<!tpu.dma_semaphore, #tpu.memory_space<semaphore_mem>>
        %dma_start3A_182 = tpu.memref_slice %arg31[%mul3A_119] : memref<802816xf32, #tpu.memory_space<vmem_shared>> -> memref<2048xf32, #tpu.memory_space<vmem_shared>>
        %dma_start3A_183 = tpu.memref_slice %arg31[%mul3A_119] : memref<802816xf32, #tpu.memory_space<vmem_shared>> -> memref<2048xf32, #tpu.memory_space<vmem_shared>>
        tpu.enqueue_dma source(%dma_start3A_183 : memref<2048xf32, #tpu.memory_space<vmem_shared>>) target(%arg26 : memref<2048xf32, #tpu.memory_space<vmem>>) target_semaphore(%run_scoped3A : memref<!tpu.dma_semaphore, #tpu.memory_space<semaphore_mem>>)
        %dma_wait3A_184 = tpu.memref_slice %arg31[%mul3A_119] : memref<802816xf32, #tpu.memory_space<vmem_shared>> -> memref<2048xf32, #tpu.memory_space<vmem_shared>>
        %dma_wait3A_185 = tpu.memref_slice %arg31[%mul3A_119] : memref<802816xf32, #tpu.memory_space<vmem_shared>> -> memref<2048xf32, #tpu.memory_space<vmem_shared>>
        tpu.wait_dma2 semaphore(%run_scoped3A : memref<!tpu.dma_semaphore, #tpu.memory_space<semaphore_mem>>) src(%dma_wait3A_185 : memref<2048xf32, #tpu.memory_space<vmem_shared>>) dst(%arg26 : memref<2048xf32, #tpu.memory_space<vmem>>)
        tpu.yield
      }) : () -> ()
      %add3A_120 = arith.constant 100352 : i32
      %add3A_121 = arith.addi %add3A_120, %mul3A_119 : i32
      "tpu.region"() ({
        %run_scoped3A = tpu.sem_alloc : memref<!tpu.dma_semaphore, #tpu.memory_space<semaphore_mem>>
        %dma_start3A_182 = tpu.memref_slice %arg31[%add3A_121] : memref<802816xf32, #tpu.memory_space<vmem_shared>> -> memref<2048xf32, #tpu.memory_space<vmem_shared>>
        %dma_start3A_183 = tpu.memref_slice %arg31[%add3A_121] : memref<802816xf32, #tpu.memory_space<vmem_shared>> -> memref<2048xf32, #tpu.memory_space<vmem_shared>>
        tpu.enqueue_dma source(%dma_start3A_183 : memref<2048xf32, #tpu.memory_space<vmem_shared>>) target(%arg28 : memref<2048xf32, #tpu.memory_space<vmem>>) target_semaphore(%run_scoped3A : memref<!tpu.dma_semaphore, #tpu.memory_space<semaphore_mem>>)
        %dma_wait3A_184 = tpu.memref_slice %arg31[%add3A_121] : memref<802816xf32, #tpu.memory_space<vmem_shared>> -> memref<2048xf32, #tpu.memory_space<vmem_shared>>
        %dma_wait3A_185 = tpu.memref_slice %arg31[%add3A_121] : memref<802816xf32, #tpu.memory_space<vmem_shared>> -> memref<2048xf32, #tpu.memory_space<vmem_shared>>
        tpu.wait_dma2 semaphore(%run_scoped3A : memref<!tpu.dma_semaphore, #tpu.memory_space<semaphore_mem>>) src(%dma_wait3A_185 : memref<2048xf32, #tpu.memory_space<vmem_shared>>) dst(%arg28 : memref<2048xf32, #tpu.memory_space<vmem>>)
        tpu.yield
      }) : () -> ()
      %scan3A_122 = arith.constant 0 : i32
      %scan3A_123 = arith.constant 0 : i32
      %scan3A_124 = arith.constant 128 : i32
      %scan3A_125 = arith.addi %scan3A_123, %scan3A_124 : i32
      %scan3A_126 = arith.constant 1 : i32
      scf.for %scan3A_182 = %scan3A_123 to %scan3A_125 step %scan3A_126  : i32 {
        %mul3A_183 = arith.constant 16 : i32
        %mul3A_184 = arith.muli %scan3A_182, %mul3A_183 : i32
        %get3A = arith.index_cast %mul3A_184 : i32 to index
        %get3A_185 = tpu.vector_load %arg26[%get3A] {strides = array<i32>} : memref<2048xf32, #tpu.memory_space<vmem>>, vector<16xf32>,
        %get3A_186 = arith.index_cast %mul3A_184 : i32 to index
        %get3A_187 = tpu.vector_load %arg28[%get3A_186] {strides = array<i32>} : memref<2048xf32, #tpu.memory_space<vmem>>, vector<16xf32>,
        %add3A_188 = arith.addf %get3A_185, %get3A_187 : vector<16xf32>
        %swap3A = arith.index_cast %mul3A_184 : i32 to index
        %swap3A_189 = tpu.vector_load %arg26[%swap3A] {strides = array<i32>} : memref<2048xf32, #tpu.memory_space<vmem>>, vector<16xf32>,
        tpu.vector_store %arg26[%swap3A], %add3A_188 {strides = array<i32>} : memref<2048xf32, #tpu.memory_space<vmem>>, vector<16xf32>,
      }
      %scan3A_127 = arith.constant 128 : i32
      %add3A_128 = arith.constant 200704 : i32
      %add3A_129 = arith.addi %add3A_128, %mul3A_119 : i32
      "tpu.region"() ({
        %run_scoped3A = tpu.sem_alloc : memref<!tpu.dma_semaphore, #tpu.memory_space<semaphore_mem>>
        %dma_start3A_182 = tpu.memref_slice %arg31[%add3A_129] : memref<802816xf32, #tpu.memory_space<vmem_shared>> -> memref<2048xf32, #tpu.memory_space<vmem_shared>>
        %dma_start3A_183 = tpu.memref_slice %arg31[%add3A_129] : memref<802816xf32, #tpu.memory_space<vmem_shared>> -> memref<2048xf32, #tpu.memory_space<vmem_shared>>
        tpu.enqueue_dma source(%dma_start3A_183 : memref<2048xf32, #tpu.memory_space<vmem_shared>>) target(%arg28 : memref<2048xf32, #tpu.memory_space<vmem>>) target_semaphore(%run_scoped3A : memref<!tpu.dma_semaphore, #tpu.memory_space<semaphore_mem>>)
        %dma_wait3A_184 = tpu.memref_slice %arg31[%add3A_129] : memref<802816xf32, #tpu.memory_space<vmem_shared>> -> memref<2048xf32, #tpu.memory_space<vmem_shared>>
        %dma_wait3A_185 = tpu.memref_slice %arg31[%add3A_129] : memref<802816xf32, #tpu.memory_space<vmem_shared>> -> memref<2048xf32, #tpu.memory_space<vmem_shared>>
        tpu.wait_dma2 semaphore(%run_scoped3A : memref<!tpu.dma_semaphore, #tpu.memory_space<semaphore_mem>>) src(%dma_wait3A_185 : memref<2048xf32, #tpu.memory_space<vmem_shared>>) dst(%arg28 : memref<2048xf32, #tpu.memory_space<vmem>>)
        tpu.yield
      }) : () -> ()
      %scan3A_130 = arith.constant 0 : i32
      %scan3A_131 = arith.constant 0 : i32
      %scan3A_132 = arith.constant 128 : i32
      %scan3A_133 = arith.addi %scan3A_131, %scan3A_132 : i32
      %scan3A_134 = arith.constant 1 : i32
      scf.for %scan3A_182 = %scan3A_131 to %scan3A_133 step %scan3A_134  : i32 {
        %mul3A_183 = arith.constant 16 : i32
        %mul3A_184 = arith.muli %scan3A_182, %mul3A_183 : i32
        %get3A = arith.index_cast %mul3A_184 : i32 to index
        %get3A_185 = tpu.vector_load %arg26[%get3A] {strides = array<i32>} : memref<2048xf32, #tpu.memory_space<vmem>>, vector<16xf32>,
        %get3A_186 = arith.index_cast %mul3A_184 : i32 to index
        %get3A_187 = tpu.vector_load %arg28[%get3A_186] {strides = array<i32>} : memref<2048xf32, #tpu.memory_space<vmem>>, vector<16xf32>,
        %add3A_188 = arith.addf %get3A_185, %get3A_187 : vector<16xf32>
        %swap3A = arith.index_cast %mul3A_184 : i32 to index
        %swap3A_189 = tpu.vector_load %arg26[%swap3A] {strides = array<i32>} : memref<2048xf32, #tpu.memory_space<vmem>>, vector<16xf32>,
        tpu.vector_store %arg26[%swap3A], %add3A_188 {strides = array<i32>} : memref<2048xf32, #tpu.memory_space<vmem>>, vector<16xf32>,
      }
      %scan3A_135 = arith.constant 128 : i32
      %add3A_136 = arith.constant 301056 : i32
      %add3A_137 = arith.addi %add3A_136, %mul3A_119 : i32
      "tpu.region"() ({
        %run_scoped3A = tpu.sem_alloc : memref<!tpu.dma_semaphore, #tpu.memory_space<semaphore_mem>>
        %dma_start3A_182 = tpu.memref_slice %arg31[%add3A_137] : memref<802816xf32, #tpu.memory_space<vmem_shared>> -> memref<2048xf32, #tpu.memory_space<vmem_shared>>
        %dma_start3A_183 = tpu.memref_slice %arg31[%add3A_137] : memref<802816xf32, #tpu.memory_space<vmem_shared>> -> memref<2048xf32, #tpu.memory_space<vmem_shared>>
        tpu.enqueue_dma source(%dma_start3A_183 : memref<2048xf32, #tpu.memory_space<vmem_shared>>) target(%arg28 : memref<2048xf32, #tpu.memory_space<vmem>>) target_semaphore(%run_scoped3A : memref<!tpu.dma_semaphore, #tpu.memory_space<semaphore_mem>>)
        %dma_wait3A_184 = tpu.memref_slice %arg31[%add3A_137] : memref<802816xf32, #tpu.memory_space<vmem_shared>> -> memref<2048xf32, #tpu.memory_space<vmem_shared>>
        %dma_wait3A_185 = tpu.memref_slice %arg31[%add3A_137] : memref<802816xf32, #tpu.memory_space<vmem_shared>> -> memref<2048xf32, #tpu.memory_space<vmem_shared>>
        tpu.wait_dma2 semaphore(%run_scoped3A : memref<!tpu.dma_semaphore, #tpu.memory_space<semaphore_mem>>) src(%dma_wait3A_185 : memref<2048xf32, #tpu.memory_space<vmem_shared>>) dst(%arg28 : memref<2048xf32, #tpu.memory_space<vmem>>)
        tpu.yield
      }) : () -> ()
      %scan3A_138 = arith.constant 0 : i32
      %scan3A_139 = arith.constant 0 : i32
      %scan3A_140 = arith.constant 128 : i32
      %scan3A_141 = arith.addi %scan3A_139, %scan3A_140 : i32
      %scan3A_142 = arith.constant 1 : i32
      scf.for %scan3A_182 = %scan3A_139 to %scan3A_141 step %scan3A_142  : i32 {
        %mul3A_183 = arith.constant 16 : i32
        %mul3A_184 = arith.muli %scan3A_182, %mul3A_183 : i32
        %get3A = arith.index_cast %mul3A_184 : i32 to index
        %get3A_185 = tpu.vector_load %arg26[%get3A] {strides = array<i32>} : memref<2048xf32, #tpu.memory_space<vmem>>, vector<16xf32>,
        %get3A_186 = arith.index_cast %mul3A_184 : i32 to index
        %get3A_187 = tpu.vector_load %arg28[%get3A_186] {strides = array<i32>} : memref<2048xf32, #tpu.memory_space<vmem>>, vector<16xf32>,
        %add3A_188 = arith.addf %get3A_185, %get3A_187 : vector<16xf32>
        %swap3A = arith.index_cast %mul3A_184 : i32 to index
        %swap3A_189 = tpu.vector_load %arg26[%swap3A] {strides = array<i32>} : memref<2048xf32, #tpu.memory_space<vmem>>, vector<16xf32>,
        tpu.vector_store %arg26[%swap3A], %add3A_188 {strides = array<i32>} : memref<2048xf32, #tpu.memory_space<vmem>>, vector<16xf32>,
      }
      %scan3A_143 = arith.constant 128 : i32
      %add3A_144 = arith.constant 401408 : i32
      %add3A_145 = arith.addi %add3A_144, %mul3A_119 : i32
      "tpu.region"() ({
        %run_scoped3A = tpu.sem_alloc : memref<!tpu.dma_semaphore, #tpu.memory_space<semaphore_mem>>
        %dma_start3A_182 = tpu.memref_slice %arg31[%add3A_145] : memref<802816xf32, #tpu.memory_space<vmem_shared>> -> memref<2048xf32, #tpu.memory_space<vmem_shared>>
        %dma_start3A_183 = tpu.memref_slice %arg31[%add3A_145] : memref<802816xf32, #tpu.memory_space<vmem_shared>> -> memref<2048xf32, #tpu.memory_space<vmem_shared>>
        tpu.enqueue_dma source(%dma_start3A_183 : memref<2048xf32, #tpu.memory_space<vmem_shared>>) target(%arg28 : memref<2048xf32, #tpu.memory_space<vmem>>) target_semaphore(%run_scoped3A : memref<!tpu.dma_semaphore, #tpu.memory_space<semaphore_mem>>)
        %dma_wait3A_184 = tpu.memref_slice %arg31[%add3A_145] : memref<802816xf32, #tpu.memory_space<vmem_shared>> -> memref<2048xf32, #tpu.memory_space<vmem_shared>>
        %dma_wait3A_185 = tpu.memref_slice %arg31[%add3A_145] : memref<802816xf32, #tpu.memory_space<vmem_shared>> -> memref<2048xf32, #tpu.memory_space<vmem_shared>>
        tpu.wait_dma2 semaphore(%run_scoped3A : memref<!tpu.dma_semaphore, #tpu.memory_space<semaphore_mem>>) src(%dma_wait3A_185 : memref<2048xf32, #tpu.memory_space<vmem_shared>>) dst(%arg28 : memref<2048xf32, #tpu.memory_space<vmem>>)
        tpu.yield
      }) : () -> ()
      %scan3A_146 = arith.constant 0 : i32
      %scan3A_147 = arith.constant 0 : i32
      %scan3A_148 = arith.constant 128 : i32
      %scan3A_149 = arith.addi %scan3A_147, %scan3A_148 : i32
      %scan3A_150 = arith.constant 1 : i32
      scf.for %scan3A_182 = %scan3A_147 to %scan3A_149 step %scan3A_150  : i32 {
        %mul3A_183 = arith.constant 16 : i32
        %mul3A_184 = arith.muli %scan3A_182, %mul3A_183 : i32
        %get3A = arith.index_cast %mul3A_184 : i32 to index
        %get3A_185 = tpu.vector_load %arg26[%get3A] {strides = array<i32>} : memref<2048xf32, #tpu.memory_space<vmem>>, vector<16xf32>,
        %get3A_186 = arith.index_cast %mul3A_184 : i32 to index
        %get3A_187 = tpu.vector_load %arg28[%get3A_186] {strides = array<i32>} : memref<2048xf32, #tpu.memory_space<vmem>>, vector<16xf32>,
        %add3A_188 = arith.addf %get3A_185, %get3A_187 : vector<16xf32>
        %swap3A = arith.index_cast %mul3A_184 : i32 to index
        %swap3A_189 = tpu.vector_load %arg26[%swap3A] {strides = array<i32>} : memref<2048xf32, #tpu.memory_space<vmem>>, vector<16xf32>,
        tpu.vector_store %arg26[%swap3A], %add3A_188 {strides = array<i32>} : memref<2048xf32, #tpu.memory_space<vmem>>, vector<16xf32>,
      }
      %scan3A_151 = arith.constant 128 : i32
      %add3A_152 = arith.constant 501760 : i32
      %add3A_153 = arith.addi %add3A_152, %mul3A_119 : i32
      "tpu.region"() ({
        %run_scoped3A = tpu.sem_alloc : memref<!tpu.dma_semaphore, #tpu.memory_space<semaphore_mem>>
        %dma_start3A_182 = tpu.memref_slice %arg31[%add3A_153] : memref<802816xf32, #tpu.memory_space<vmem_shared>> -> memref<2048xf32, #tpu.memory_space<vmem_shared>>
        %dma_start3A_183 = tpu.memref_slice %arg31[%add3A_153] : memref<802816xf32, #tpu.memory_space<vmem_shared>> -> memref<2048xf32, #tpu.memory_space<vmem_shared>>
        tpu.enqueue_dma source(%dma_start3A_183 : memref<2048xf32, #tpu.memory_space<vmem_shared>>) target(%arg28 : memref<2048xf32, #tpu.memory_space<vmem>>) target_semaphore(%run_scoped3A : memref<!tpu.dma_semaphore, #tpu.memory_space<semaphore_mem>>)
        %dma_wait3A_184 = tpu.memref_slice %arg31[%add3A_153] : memref<802816xf32, #tpu.memory_space<vmem_shared>> -> memref<2048xf32, #tpu.memory_space<vmem_shared>>
        %dma_wait3A_185 = tpu.memref_slice %arg31[%add3A_153] : memref<802816xf32, #tpu.memory_space<vmem_shared>> -> memref<2048xf32, #tpu.memory_space<vmem_shared>>
        tpu.wait_dma2 semaphore(%run_scoped3A : memref<!tpu.dma_semaphore, #tpu.memory_space<semaphore_mem>>) src(%dma_wait3A_185 : memref<2048xf32, #tpu.memory_space<vmem_shared>>) dst(%arg28 : memref<2048xf32, #tpu.memory_space<vmem>>)
        tpu.yield
      }) : () -> ()
      %scan3A_154 = arith.constant 0 : i32
      %scan3A_155 = arith.constant 0 : i32
      %scan3A_156 = arith.constant 128 : i32
      %scan3A_157 = arith.addi %scan3A_155, %scan3A_156 : i32
      %scan3A_158 = arith.constant 1 : i32
      scf.for %scan3A_182 = %scan3A_155 to %scan3A_157 step %scan3A_158  : i32 {
        %mul3A_183 = arith.constant 16 : i32
        %mul3A_184 = arith.muli %scan3A_182, %mul3A_183 : i32
        %get3A = arith.index_cast %mul3A_184 : i32 to index
        %get3A_185 = tpu.vector_load %arg26[%get3A] {strides = array<i32>} : memref<2048xf32, #tpu.memory_space<vmem>>, vector<16xf32>,
        %get3A_186 = arith.index_cast %mul3A_184 : i32 to index
        %get3A_187 = tpu.vector_load %arg28[%get3A_186] {strides = array<i32>} : memref<2048xf32, #tpu.memory_space<vmem>>, vector<16xf32>,
        %add3A_188 = arith.addf %get3A_185, %get3A_187 : vector<16xf32>
        %swap3A = arith.index_cast %mul3A_184 : i32 to index
        %swap3A_189 = tpu.vector_load %arg26[%swap3A] {strides = array<i32>} : memref<2048xf32, #tpu.memory_space<vmem>>, vector<16xf32>,
        tpu.vector_store %arg26[%swap3A], %add3A_188 {strides = array<i32>} : memref<2048xf32, #tpu.memory_space<vmem>>, vector<16xf32>,
      }
      %scan3A_159 = arith.constant 128 : i32
      %add3A_160 = arith.constant 602112 : i32
      %add3A_161 = arith.addi %add3A_160, %mul3A_119 : i32
      "tpu.region"() ({
        %run_scoped3A = tpu.sem_alloc : memref<!tpu.dma_semaphore, #tpu.memory_space<semaphore_mem>>
        %dma_start3A_182 = tpu.memref_slice %arg31[%add3A_161] : memref<802816xf32, #tpu.memory_space<vmem_shared>> -> memref<2048xf32, #tpu.memory_space<vmem_shared>>
        %dma_start3A_183 = tpu.memref_slice %arg31[%add3A_161] : memref<802816xf32, #tpu.memory_space<vmem_shared>> -> memref<2048xf32, #tpu.memory_space<vmem_shared>>
        tpu.enqueue_dma source(%dma_start3A_183 : memref<2048xf32, #tpu.memory_space<vmem_shared>>) target(%arg28 : memref<2048xf32, #tpu.memory_space<vmem>>) target_semaphore(%run_scoped3A : memref<!tpu.dma_semaphore, #tpu.memory_space<semaphore_mem>>)
        %dma_wait3A_184 = tpu.memref_slice %arg31[%add3A_161] : memref<802816xf32, #tpu.memory_space<vmem_shared>> -> memref<2048xf32, #tpu.memory_space<vmem_shared>>
        %dma_wait3A_185 = tpu.memref_slice %arg31[%add3A_161] : memref<802816xf32, #tpu.memory_space<vmem_shared>> -> memref<2048xf32, #tpu.memory_space<vmem_shared>>
        tpu.wait_dma2 semaphore(%run_scoped3A : memref<!tpu.dma_semaphore, #tpu.memory_space<semaphore_mem>>) src(%dma_wait3A_185 : memref<2048xf32, #tpu.memory_space<vmem_shared>>) dst(%arg28 : memref<2048xf32, #tpu.memory_space<vmem>>)
        tpu.yield
      }) : () -> ()
      %scan3A_162 = arith.constant 0 : i32
      %scan3A_163 = arith.constant 0 : i32
      %scan3A_164 = arith.constant 128 : i32
      %scan3A_165 = arith.addi %scan3A_163, %scan3A_164 : i32
      %scan3A_166 = arith.constant 1 : i32
      scf.for %scan3A_182 = %scan3A_163 to %scan3A_165 step %scan3A_166  : i32 {
        %mul3A_183 = arith.constant 16 : i32
        %mul3A_184 = arith.muli %scan3A_182, %mul3A_183 : i32
        %get3A = arith.index_cast %mul3A_184 : i32 to index
        %get3A_185 = tpu.vector_load %arg26[%get3A] {strides = array<i32>} : memref<2048xf32, #tpu.memory_space<vmem>>, vector<16xf32>,
        %get3A_186 = arith.index_cast %mul3A_184 : i32 to index
        %get3A_187 = tpu.vector_load %arg28[%get3A_186] {strides = array<i32>} : memref<2048xf32, #tpu.memory_space<vmem>>, vector<16xf32>,
        %add3A_188 = arith.addf %get3A_185, %get3A_187 : vector<16xf32>
        %swap3A = arith.index_cast %mul3A_184 : i32 to index
        %swap3A_189 = tpu.vector_load %arg26[%swap3A] {strides = array<i32>} : memref<2048xf32, #tpu.memory_space<vmem>>, vector<16xf32>,
        tpu.vector_store %arg26[%swap3A], %add3A_188 {strides = array<i32>} : memref<2048xf32, #tpu.memory_space<vmem>>, vector<16xf32>,
      }
      %scan3A_167 = arith.constant 128 : i32
      %add3A_168 = arith.constant 702464 : i32
      %add3A_169 = arith.addi %add3A_168, %mul3A_119 : i32
      "tpu.region"() ({
        %run_scoped3A = tpu.sem_alloc : memref<!tpu.dma_semaphore, #tpu.memory_space<semaphore_mem>>
        %dma_start3A_182 = tpu.memref_slice %arg31[%add3A_169] : memref<802816xf32, #tpu.memory_space<vmem_shared>> -> memref<2048xf32, #tpu.memory_space<vmem_shared>>
        %dma_start3A_183 = tpu.memref_slice %arg31[%add3A_169] : memref<802816xf32, #tpu.memory_space<vmem_shared>> -> memref<2048xf32, #tpu.memory_space<vmem_shared>>
        tpu.enqueue_dma source(%dma_start3A_183 : memref<2048xf32, #tpu.memory_space<vmem_shared>>) target(%arg28 : memref<2048xf32, #tpu.memory_space<vmem>>) target_semaphore(%run_scoped3A : memref<!tpu.dma_semaphore, #tpu.memory_space<semaphore_mem>>)
        %dma_wait3A_184 = tpu.memref_slice %arg31[%add3A_169] : memref<802816xf32, #tpu.memory_space<vmem_shared>> -> memref<2048xf32, #tpu.memory_space<vmem_shared>>
        %dma_wait3A_185 = tpu.memref_slice %arg31[%add3A_169] : memref<802816xf32, #tpu.memory_space<vmem_shared>> -> memref<2048xf32, #tpu.memory_space<vmem_shared>>
        tpu.wait_dma2 semaphore(%run_scoped3A : memref<!tpu.dma_semaphore, #tpu.memory_space<semaphore_mem>>) src(%dma_wait3A_185 : memref<2048xf32, #tpu.memory_space<vmem_shared>>) dst(%arg28 : memref<2048xf32, #tpu.memory_space<vmem>>)
        tpu.yield
      }) : () -> ()
      %scan3A_170 = arith.constant 0 : i32
      %scan3A_171 = arith.constant 0 : i32
      %scan3A_172 = arith.constant 128 : i32
      %scan3A_173 = arith.addi %scan3A_171, %scan3A_172 : i32
      %scan3A_174 = arith.constant 1 : i32
      scf.for %scan3A_182 = %scan3A_171 to %scan3A_173 step %scan3A_174  : i32 {
        %mul3A_183 = arith.constant 16 : i32
        %mul3A_184 = arith.muli %scan3A_182, %mul3A_183 : i32
        %get3A = arith.index_cast %mul3A_184 : i32 to index
        %get3A_185 = tpu.vector_load %arg26[%get3A] {strides = array<i32>} : memref<2048xf32, #tpu.memory_space<vmem>>, vector<16xf32>,
        %get3A_186 = arith.index_cast %mul3A_184 : i32 to index
        %get3A_187 = tpu.vector_load %arg28[%get3A_186] {strides = array<i32>} : memref<2048xf32, #tpu.memory_space<vmem>>, vector<16xf32>,
        %add3A_188 = arith.addf %get3A_185, %get3A_187 : vector<16xf32>
        %swap3A = arith.index_cast %mul3A_184 : i32 to index
        %swap3A_189 = tpu.vector_load %arg26[%swap3A] {strides = array<i32>} : memref<2048xf32, #tpu.memory_space<vmem>>, vector<16xf32>,
        tpu.vector_store %arg26[%swap3A], %add3A_188 {strides = array<i32>} : memref<2048xf32, #tpu.memory_space<vmem>>, vector<16xf32>,
      }
      %scan3A_175 = arith.constant 128 : i32
      "tpu.region"() ({
        %run_scoped3A = tpu.sem_alloc : memref<!tpu.dma_semaphore, #tpu.memory_space<semaphore_mem>>
        %dma_start3A_182 = tpu.memref_slice %arg8[%mul3A_119] : memref<100352xi32, #tpu.memory_space<hbm>> -> memref<2048xi32, #tpu.memory_space<hbm>>
        %dma_start3A_183 = tpu.memref_slice %arg8[%mul3A_119] : memref<100352xi32, #tpu.memory_space<hbm>> -> memref<2048xi32, #tpu.memory_space<hbm>>
        tpu.enqueue_dma source(%dma_start3A_183 : memref<2048xi32, #tpu.memory_space<hbm>>) target(%arg27 : memref<2048xi32, #tpu.memory_space<vmem>>) target_semaphore(%run_scoped3A : memref<!tpu.dma_semaphore, #tpu.memory_space<semaphore_mem>>)
        %dma_wait3A_184 = tpu.memref_slice %arg8[%mul3A_119] : memref<100352xi32, #tpu.memory_space<hbm>> -> memref<2048xi32, #tpu.memory_space<hbm>>
        %dma_wait3A_185 = tpu.memref_slice %arg8[%mul3A_119] : memref<100352xi32, #tpu.memory_space<hbm>> -> memref<2048xi32, #tpu.memory_space<hbm>>
        tpu.wait_dma2 semaphore(%run_scoped3A : memref<!tpu.dma_semaphore, #tpu.memory_space<semaphore_mem>>) src(%dma_wait3A_185 : memref<2048xi32, #tpu.memory_space<hbm>>) dst(%arg27 : memref<2048xi32, #tpu.memory_space<vmem>>)
        tpu.yield
      }) : () -> ()
      %scan3A_176 = arith.constant 0 : i32
      %scan3A_177 = arith.constant 0 : i32
      %scan3A_178 = arith.constant 128 : i32
      %scan3A_179 = arith.addi %scan3A_177, %scan3A_178 : i32
      %scan3A_180 = arith.constant 1 : i32
      scf.for %scan3A_182 = %scan3A_177 to %scan3A_179 step %scan3A_180  : i32 {
        %mul3A_183 = arith.constant 16 : i32
        %mul3A_184 = arith.muli %scan3A_182, %mul3A_183 : i32
        %get3A = arith.index_cast %mul3A_184 : i32 to index
        %get3A_185 = tpu.vector_load %arg27[%get3A] {strides = array<i32>} : memref<2048xi32, #tpu.memory_space<vmem>>, vector<16xi32>,
        %add3A_186 = vector.broadcast %mul3A_83 : i32 to vector<16xi32>
        %add3A_187 = arith.addi %get3A_185, %add3A_186 : vector<16xi32>
        %swap3A = arith.index_cast %mul3A_184 : i32 to index
        %swap3A_188 = tpu.vector_load %arg27[%swap3A] {strides = array<i32>} : memref<2048xi32, #tpu.memory_space<vmem>>, vector<16xi32>,
        tpu.vector_store %arg27[%swap3A], %add3A_187 {strides = array<i32>} : memref<2048xi32, #tpu.memory_space<vmem>>, vector<16xi32>,
      }
      %scan3A_181 = arith.constant 128 : i32
      "tpu.region"() ({
        %run_scoped3A = tpu.sem_alloc : memref<!tpu.dma_semaphore, #tpu.memory_space<semaphore_mem>>
        %dma_start3A_182 = arith.constant 0 : i32
        %dma_start3A_183 = tpu.memref_slice %arg32[%dma_start3A_182] : memref<16384xf32, #tpu.memory_space<vmem_shared>> -> memref<16384xf32, #tpu.memory_space<vmem_shared>>
        tpu.enqueue_indirect_dma source(%arg26 : memref<2048xf32, #tpu.memory_space<vmem>>) target(%dma_start3A_183 : memref<16384xf32, #tpu.memory_space<vmem_shared>>) offsets(%arg27 : memref<2048xi32, #tpu.memory_space<vmem>>) semaphore(%run_scoped3A : memref<!tpu.dma_semaphore, #tpu.memory_space<semaphore_mem>>) {add = true}
        %dma_wait3A_184 = arith.constant 0 : i32
        %dma_wait3A_185 = tpu.memref_slice %arg32[%dma_wait3A_184] : memref<16384xf32, #tpu.memory_space<vmem_shared>> -> memref<16384xf32, #tpu.memory_space<vmem_shared>>
        tpu.wait_indirect_dma semaphore(%run_scoped3A : memref<!tpu.dma_semaphore, #tpu.memory_space<semaphore_mem>>) src(%arg26 : memref<2048xf32, #tpu.memory_space<vmem>>) dst(%dma_wait3A_185 : memref<16384xf32, #tpu.memory_space<vmem_shared>>)
        tpu.yield
      }) : () -> ()
    } else {
    }
    %add3A_105 = arith.constant 48 : i32
    %add3A_106 = arith.addi %add3A_105, %arg1 : i32
    %lt3A_107 = arith.constant 49 : i32
    %lt3A_108 = arith.cmpi slt, %add3A_106, %lt3A_107 : i32
    %convert_element_type3A_109 = arith.extui %lt3A_108 : i1 to i32
    %cond3A_110 = arith.constant 0 : i32
    %cond3A_111 = arith.cmpi ne, %convert_element_type3A_109, %cond3A_110 : i32
    scf.if %cond3A_111 {
      %mul3A_118 = arith.constant 2048 : i32
      %mul3A_119 = arith.muli %add3A_106, %mul3A_118 : i32
      "tpu.region"() ({
        %run_scoped3A = tpu.sem_alloc : memref<!tpu.dma_semaphore, #tpu.memory_space<semaphore_mem>>
        %dma_start3A_182 = tpu.memref_slice %arg31[%mul3A_119] : memref<802816xf32, #tpu.memory_space<vmem_shared>> -> memref<2048xf32, #tpu.memory_space<vmem_shared>>
        %dma_start3A_183 = tpu.memref_slice %arg31[%mul3A_119] : memref<802816xf32, #tpu.memory_space<vmem_shared>> -> memref<2048xf32, #tpu.memory_space<vmem_shared>>
        tpu.enqueue_dma source(%dma_start3A_183 : memref<2048xf32, #tpu.memory_space<vmem_shared>>) target(%arg26 : memref<2048xf32, #tpu.memory_space<vmem>>) target_semaphore(%run_scoped3A : memref<!tpu.dma_semaphore, #tpu.memory_space<semaphore_mem>>)
        %dma_wait3A_184 = tpu.memref_slice %arg31[%mul3A_119] : memref<802816xf32, #tpu.memory_space<vmem_shared>> -> memref<2048xf32, #tpu.memory_space<vmem_shared>>
        %dma_wait3A_185 = tpu.memref_slice %arg31[%mul3A_119] : memref<802816xf32, #tpu.memory_space<vmem_shared>> -> memref<2048xf32, #tpu.memory_space<vmem_shared>>
        tpu.wait_dma2 semaphore(%run_scoped3A : memref<!tpu.dma_semaphore, #tpu.memory_space<semaphore_mem>>) src(%dma_wait3A_185 : memref<2048xf32, #tpu.memory_space<vmem_shared>>) dst(%arg26 : memref<2048xf32, #tpu.memory_space<vmem>>)
        tpu.yield
      }) : () -> ()
      %add3A_120 = arith.constant 100352 : i32
      %add3A_121 = arith.addi %add3A_120, %mul3A_119 : i32
      "tpu.region"() ({
        %run_scoped3A = tpu.sem_alloc : memref<!tpu.dma_semaphore, #tpu.memory_space<semaphore_mem>>
        %dma_start3A_182 = tpu.memref_slice %arg31[%add3A_121] : memref<802816xf32, #tpu.memory_space<vmem_shared>> -> memref<2048xf32, #tpu.memory_space<vmem_shared>>
        %dma_start3A_183 = tpu.memref_slice %arg31[%add3A_121] : memref<802816xf32, #tpu.memory_space<vmem_shared>> -> memref<2048xf32, #tpu.memory_space<vmem_shared>>
        tpu.enqueue_dma source(%dma_start3A_183 : memref<2048xf32, #tpu.memory_space<vmem_shared>>) target(%arg28 : memref<2048xf32, #tpu.memory_space<vmem>>) target_semaphore(%run_scoped3A : memref<!tpu.dma_semaphore, #tpu.memory_space<semaphore_mem>>)
        %dma_wait3A_184 = tpu.memref_slice %arg31[%add3A_121] : memref<802816xf32, #tpu.memory_space<vmem_shared>> -> memref<2048xf32, #tpu.memory_space<vmem_shared>>
        %dma_wait3A_185 = tpu.memref_slice %arg31[%add3A_121] : memref<802816xf32, #tpu.memory_space<vmem_shared>> -> memref<2048xf32, #tpu.memory_space<vmem_shared>>
        tpu.wait_dma2 semaphore(%run_scoped3A : memref<!tpu.dma_semaphore, #tpu.memory_space<semaphore_mem>>) src(%dma_wait3A_185 : memref<2048xf32, #tpu.memory_space<vmem_shared>>) dst(%arg28 : memref<2048xf32, #tpu.memory_space<vmem>>)
        tpu.yield
      }) : () -> ()
      %scan3A_122 = arith.constant 0 : i32
      %scan3A_123 = arith.constant 0 : i32
      %scan3A_124 = arith.constant 128 : i32
      %scan3A_125 = arith.addi %scan3A_123, %scan3A_124 : i32
      %scan3A_126 = arith.constant 1 : i32
      scf.for %scan3A_182 = %scan3A_123 to %scan3A_125 step %scan3A_126  : i32 {
        %mul3A_183 = arith.constant 16 : i32
        %mul3A_184 = arith.muli %scan3A_182, %mul3A_183 : i32
        %get3A = arith.index_cast %mul3A_184 : i32 to index
        %get3A_185 = tpu.vector_load %arg26[%get3A] {strides = array<i32>} : memref<2048xf32, #tpu.memory_space<vmem>>, vector<16xf32>,
        %get3A_186 = arith.index_cast %mul3A_184 : i32 to index
        %get3A_187 = tpu.vector_load %arg28[%get3A_186] {strides = array<i32>} : memref<2048xf32, #tpu.memory_space<vmem>>, vector<16xf32>,
        %add3A_188 = arith.addf %get3A_185, %get3A_187 : vector<16xf32>
        %swap3A = arith.index_cast %mul3A_184 : i32 to index
        %swap3A_189 = tpu.vector_load %arg26[%swap3A] {strides = array<i32>} : memref<2048xf32, #tpu.memory_space<vmem>>, vector<16xf32>,
        tpu.vector_store %arg26[%swap3A], %add3A_188 {strides = array<i32>} : memref<2048xf32, #tpu.memory_space<vmem>>, vector<16xf32>,
      }
      %scan3A_127 = arith.constant 128 : i32
      %add3A_128 = arith.constant 200704 : i32
      %add3A_129 = arith.addi %add3A_128, %mul3A_119 : i32
      "tpu.region"() ({
        %run_scoped3A = tpu.sem_alloc : memref<!tpu.dma_semaphore, #tpu.memory_space<semaphore_mem>>
        %dma_start3A_182 = tpu.memref_slice %arg31[%add3A_129] : memref<802816xf32, #tpu.memory_space<vmem_shared>> -> memref<2048xf32, #tpu.memory_space<vmem_shared>>
        %dma_start3A_183 = tpu.memref_slice %arg31[%add3A_129] : memref<802816xf32, #tpu.memory_space<vmem_shared>> -> memref<2048xf32, #tpu.memory_space<vmem_shared>>
        tpu.enqueue_dma source(%dma_start3A_183 : memref<2048xf32, #tpu.memory_space<vmem_shared>>) target(%arg28 : memref<2048xf32, #tpu.memory_space<vmem>>) target_semaphore(%run_scoped3A : memref<!tpu.dma_semaphore, #tpu.memory_space<semaphore_mem>>)
        %dma_wait3A_184 = tpu.memref_slice %arg31[%add3A_129] : memref<802816xf32, #tpu.memory_space<vmem_shared>> -> memref<2048xf32, #tpu.memory_space<vmem_shared>>
        %dma_wait3A_185 = tpu.memref_slice %arg31[%add3A_129] : memref<802816xf32, #tpu.memory_space<vmem_shared>> -> memref<2048xf32, #tpu.memory_space<vmem_shared>>
        tpu.wait_dma2 semaphore(%run_scoped3A : memref<!tpu.dma_semaphore, #tpu.memory_space<semaphore_mem>>) src(%dma_wait3A_185 : memref<2048xf32, #tpu.memory_space<vmem_shared>>) dst(%arg28 : memref<2048xf32, #tpu.memory_space<vmem>>)
        tpu.yield
      }) : () -> ()
      %scan3A_130 = arith.constant 0 : i32
      %scan3A_131 = arith.constant 0 : i32
      %scan3A_132 = arith.constant 128 : i32
      %scan3A_133 = arith.addi %scan3A_131, %scan3A_132 : i32
      %scan3A_134 = arith.constant 1 : i32
      scf.for %scan3A_182 = %scan3A_131 to %scan3A_133 step %scan3A_134  : i32 {
        %mul3A_183 = arith.constant 16 : i32
        %mul3A_184 = arith.muli %scan3A_182, %mul3A_183 : i32
        %get3A = arith.index_cast %mul3A_184 : i32 to index
        %get3A_185 = tpu.vector_load %arg26[%get3A] {strides = array<i32>} : memref<2048xf32, #tpu.memory_space<vmem>>, vector<16xf32>,
        %get3A_186 = arith.index_cast %mul3A_184 : i32 to index
        %get3A_187 = tpu.vector_load %arg28[%get3A_186] {strides = array<i32>} : memref<2048xf32, #tpu.memory_space<vmem>>, vector<16xf32>,
        %add3A_188 = arith.addf %get3A_185, %get3A_187 : vector<16xf32>
        %swap3A = arith.index_cast %mul3A_184 : i32 to index
        %swap3A_189 = tpu.vector_load %arg26[%swap3A] {strides = array<i32>} : memref<2048xf32, #tpu.memory_space<vmem>>, vector<16xf32>,
        tpu.vector_store %arg26[%swap3A], %add3A_188 {strides = array<i32>} : memref<2048xf32, #tpu.memory_space<vmem>>, vector<16xf32>,
      }
      %scan3A_135 = arith.constant 128 : i32
      %add3A_136 = arith.constant 301056 : i32
      %add3A_137 = arith.addi %add3A_136, %mul3A_119 : i32
      "tpu.region"() ({
        %run_scoped3A = tpu.sem_alloc : memref<!tpu.dma_semaphore, #tpu.memory_space<semaphore_mem>>
        %dma_start3A_182 = tpu.memref_slice %arg31[%add3A_137] : memref<802816xf32, #tpu.memory_space<vmem_shared>> -> memref<2048xf32, #tpu.memory_space<vmem_shared>>
        %dma_start3A_183 = tpu.memref_slice %arg31[%add3A_137] : memref<802816xf32, #tpu.memory_space<vmem_shared>> -> memref<2048xf32, #tpu.memory_space<vmem_shared>>
        tpu.enqueue_dma source(%dma_start3A_183 : memref<2048xf32, #tpu.memory_space<vmem_shared>>) target(%arg28 : memref<2048xf32, #tpu.memory_space<vmem>>) target_semaphore(%run_scoped3A : memref<!tpu.dma_semaphore, #tpu.memory_space<semaphore_mem>>)
        %dma_wait3A_184 = tpu.memref_slice %arg31[%add3A_137] : memref<802816xf32, #tpu.memory_space<vmem_shared>> -> memref<2048xf32, #tpu.memory_space<vmem_shared>>
        %dma_wait3A_185 = tpu.memref_slice %arg31[%add3A_137] : memref<802816xf32, #tpu.memory_space<vmem_shared>> -> memref<2048xf32, #tpu.memory_space<vmem_shared>>
        tpu.wait_dma2 semaphore(%run_scoped3A : memref<!tpu.dma_semaphore, #tpu.memory_space<semaphore_mem>>) src(%dma_wait3A_185 : memref<2048xf32, #tpu.memory_space<vmem_shared>>) dst(%arg28 : memref<2048xf32, #tpu.memory_space<vmem>>)
        tpu.yield
      }) : () -> ()
      %scan3A_138 = arith.constant 0 : i32
      %scan3A_139 = arith.constant 0 : i32
      %scan3A_140 = arith.constant 128 : i32
      %scan3A_141 = arith.addi %scan3A_139, %scan3A_140 : i32
      %scan3A_142 = arith.constant 1 : i32
      scf.for %scan3A_182 = %scan3A_139 to %scan3A_141 step %scan3A_142  : i32 {
        %mul3A_183 = arith.constant 16 : i32
        %mul3A_184 = arith.muli %scan3A_182, %mul3A_183 : i32
        %get3A = arith.index_cast %mul3A_184 : i32 to index
        %get3A_185 = tpu.vector_load %arg26[%get3A] {strides = array<i32>} : memref<2048xf32, #tpu.memory_space<vmem>>, vector<16xf32>,
        %get3A_186 = arith.index_cast %mul3A_184 : i32 to index
        %get3A_187 = tpu.vector_load %arg28[%get3A_186] {strides = array<i32>} : memref<2048xf32, #tpu.memory_space<vmem>>, vector<16xf32>,
        %add3A_188 = arith.addf %get3A_185, %get3A_187 : vector<16xf32>
        %swap3A = arith.index_cast %mul3A_184 : i32 to index
        %swap3A_189 = tpu.vector_load %arg26[%swap3A] {strides = array<i32>} : memref<2048xf32, #tpu.memory_space<vmem>>, vector<16xf32>,
        tpu.vector_store %arg26[%swap3A], %add3A_188 {strides = array<i32>} : memref<2048xf32, #tpu.memory_space<vmem>>, vector<16xf32>,
      }
      %scan3A_143 = arith.constant 128 : i32
      %add3A_144 = arith.constant 401408 : i32
      %add3A_145 = arith.addi %add3A_144, %mul3A_119 : i32
      "tpu.region"() ({
        %run_scoped3A = tpu.sem_alloc : memref<!tpu.dma_semaphore, #tpu.memory_space<semaphore_mem>>
        %dma_start3A_182 = tpu.memref_slice %arg31[%add3A_145] : memref<802816xf32, #tpu.memory_space<vmem_shared>> -> memref<2048xf32, #tpu.memory_space<vmem_shared>>
        %dma_start3A_183 = tpu.memref_slice %arg31[%add3A_145] : memref<802816xf32, #tpu.memory_space<vmem_shared>> -> memref<2048xf32, #tpu.memory_space<vmem_shared>>
        tpu.enqueue_dma source(%dma_start3A_183 : memref<2048xf32, #tpu.memory_space<vmem_shared>>) target(%arg28 : memref<2048xf32, #tpu.memory_space<vmem>>) target_semaphore(%run_scoped3A : memref<!tpu.dma_semaphore, #tpu.memory_space<semaphore_mem>>)
        %dma_wait3A_184 = tpu.memref_slice %arg31[%add3A_145] : memref<802816xf32, #tpu.memory_space<vmem_shared>> -> memref<2048xf32, #tpu.memory_space<vmem_shared>>
        %dma_wait3A_185 = tpu.memref_slice %arg31[%add3A_145] : memref<802816xf32, #tpu.memory_space<vmem_shared>> -> memref<2048xf32, #tpu.memory_space<vmem_shared>>
        tpu.wait_dma2 semaphore(%run_scoped3A : memref<!tpu.dma_semaphore, #tpu.memory_space<semaphore_mem>>) src(%dma_wait3A_185 : memref<2048xf32, #tpu.memory_space<vmem_shared>>) dst(%arg28 : memref<2048xf32, #tpu.memory_space<vmem>>)
        tpu.yield
      }) : () -> ()
      %scan3A_146 = arith.constant 0 : i32
      %scan3A_147 = arith.constant 0 : i32
      %scan3A_148 = arith.constant 128 : i32
      %scan3A_149 = arith.addi %scan3A_147, %scan3A_148 : i32
      %scan3A_150 = arith.constant 1 : i32
      scf.for %scan3A_182 = %scan3A_147 to %scan3A_149 step %scan3A_150  : i32 {
        %mul3A_183 = arith.constant 16 : i32
        %mul3A_184 = arith.muli %scan3A_182, %mul3A_183 : i32
        %get3A = arith.index_cast %mul3A_184 : i32 to index
        %get3A_185 = tpu.vector_load %arg26[%get3A] {strides = array<i32>} : memref<2048xf32, #tpu.memory_space<vmem>>, vector<16xf32>,
        %get3A_186 = arith.index_cast %mul3A_184 : i32 to index
        %get3A_187 = tpu.vector_load %arg28[%get3A_186] {strides = array<i32>} : memref<2048xf32, #tpu.memory_space<vmem>>, vector<16xf32>,
        %add3A_188 = arith.addf %get3A_185, %get3A_187 : vector<16xf32>
        %swap3A = arith.index_cast %mul3A_184 : i32 to index
        %swap3A_189 = tpu.vector_load %arg26[%swap3A] {strides = array<i32>} : memref<2048xf32, #tpu.memory_space<vmem>>, vector<16xf32>,
        tpu.vector_store %arg26[%swap3A], %add3A_188 {strides = array<i32>} : memref<2048xf32, #tpu.memory_space<vmem>>, vector<16xf32>,
      }
      %scan3A_151 = arith.constant 128 : i32
      %add3A_152 = arith.constant 501760 : i32
      %add3A_153 = arith.addi %add3A_152, %mul3A_119 : i32
      "tpu.region"() ({
        %run_scoped3A = tpu.sem_alloc : memref<!tpu.dma_semaphore, #tpu.memory_space<semaphore_mem>>
        %dma_start3A_182 = tpu.memref_slice %arg31[%add3A_153] : memref<802816xf32, #tpu.memory_space<vmem_shared>> -> memref<2048xf32, #tpu.memory_space<vmem_shared>>
        %dma_start3A_183 = tpu.memref_slice %arg31[%add3A_153] : memref<802816xf32, #tpu.memory_space<vmem_shared>> -> memref<2048xf32, #tpu.memory_space<vmem_shared>>
        tpu.enqueue_dma source(%dma_start3A_183 : memref<2048xf32, #tpu.memory_space<vmem_shared>>) target(%arg28 : memref<2048xf32, #tpu.memory_space<vmem>>) target_semaphore(%run_scoped3A : memref<!tpu.dma_semaphore, #tpu.memory_space<semaphore_mem>>)
        %dma_wait3A_184 = tpu.memref_slice %arg31[%add3A_153] : memref<802816xf32, #tpu.memory_space<vmem_shared>> -> memref<2048xf32, #tpu.memory_space<vmem_shared>>
        %dma_wait3A_185 = tpu.memref_slice %arg31[%add3A_153] : memref<802816xf32, #tpu.memory_space<vmem_shared>> -> memref<2048xf32, #tpu.memory_space<vmem_shared>>
        tpu.wait_dma2 semaphore(%run_scoped3A : memref<!tpu.dma_semaphore, #tpu.memory_space<semaphore_mem>>) src(%dma_wait3A_185 : memref<2048xf32, #tpu.memory_space<vmem_shared>>) dst(%arg28 : memref<2048xf32, #tpu.memory_space<vmem>>)
        tpu.yield
      }) : () -> ()
      %scan3A_154 = arith.constant 0 : i32
      %scan3A_155 = arith.constant 0 : i32
      %scan3A_156 = arith.constant 128 : i32
      %scan3A_157 = arith.addi %scan3A_155, %scan3A_156 : i32
      %scan3A_158 = arith.constant 1 : i32
      scf.for %scan3A_182 = %scan3A_155 to %scan3A_157 step %scan3A_158  : i32 {
        %mul3A_183 = arith.constant 16 : i32
        %mul3A_184 = arith.muli %scan3A_182, %mul3A_183 : i32
        %get3A = arith.index_cast %mul3A_184 : i32 to index
        %get3A_185 = tpu.vector_load %arg26[%get3A] {strides = array<i32>} : memref<2048xf32, #tpu.memory_space<vmem>>, vector<16xf32>,
        %get3A_186 = arith.index_cast %mul3A_184 : i32 to index
        %get3A_187 = tpu.vector_load %arg28[%get3A_186] {strides = array<i32>} : memref<2048xf32, #tpu.memory_space<vmem>>, vector<16xf32>,
        %add3A_188 = arith.addf %get3A_185, %get3A_187 : vector<16xf32>
        %swap3A = arith.index_cast %mul3A_184 : i32 to index
        %swap3A_189 = tpu.vector_load %arg26[%swap3A] {strides = array<i32>} : memref<2048xf32, #tpu.memory_space<vmem>>, vector<16xf32>,
        tpu.vector_store %arg26[%swap3A], %add3A_188 {strides = array<i32>} : memref<2048xf32, #tpu.memory_space<vmem>>, vector<16xf32>,
      }
      %scan3A_159 = arith.constant 128 : i32
      %add3A_160 = arith.constant 602112 : i32
      %add3A_161 = arith.addi %add3A_160, %mul3A_119 : i32
      "tpu.region"() ({
        %run_scoped3A = tpu.sem_alloc : memref<!tpu.dma_semaphore, #tpu.memory_space<semaphore_mem>>
        %dma_start3A_182 = tpu.memref_slice %arg31[%add3A_161] : memref<802816xf32, #tpu.memory_space<vmem_shared>> -> memref<2048xf32, #tpu.memory_space<vmem_shared>>
        %dma_start3A_183 = tpu.memref_slice %arg31[%add3A_161] : memref<802816xf32, #tpu.memory_space<vmem_shared>> -> memref<2048xf32, #tpu.memory_space<vmem_shared>>
        tpu.enqueue_dma source(%dma_start3A_183 : memref<2048xf32, #tpu.memory_space<vmem_shared>>) target(%arg28 : memref<2048xf32, #tpu.memory_space<vmem>>) target_semaphore(%run_scoped3A : memref<!tpu.dma_semaphore, #tpu.memory_space<semaphore_mem>>)
        %dma_wait3A_184 = tpu.memref_slice %arg31[%add3A_161] : memref<802816xf32, #tpu.memory_space<vmem_shared>> -> memref<2048xf32, #tpu.memory_space<vmem_shared>>
        %dma_wait3A_185 = tpu.memref_slice %arg31[%add3A_161] : memref<802816xf32, #tpu.memory_space<vmem_shared>> -> memref<2048xf32, #tpu.memory_space<vmem_shared>>
        tpu.wait_dma2 semaphore(%run_scoped3A : memref<!tpu.dma_semaphore, #tpu.memory_space<semaphore_mem>>) src(%dma_wait3A_185 : memref<2048xf32, #tpu.memory_space<vmem_shared>>) dst(%arg28 : memref<2048xf32, #tpu.memory_space<vmem>>)
        tpu.yield
      }) : () -> ()
      %scan3A_162 = arith.constant 0 : i32
      %scan3A_163 = arith.constant 0 : i32
      %scan3A_164 = arith.constant 128 : i32
      %scan3A_165 = arith.addi %scan3A_163, %scan3A_164 : i32
      %scan3A_166 = arith.constant 1 : i32
      scf.for %scan3A_182 = %scan3A_163 to %scan3A_165 step %scan3A_166  : i32 {
        %mul3A_183 = arith.constant 16 : i32
        %mul3A_184 = arith.muli %scan3A_182, %mul3A_183 : i32
        %get3A = arith.index_cast %mul3A_184 : i32 to index
        %get3A_185 = tpu.vector_load %arg26[%get3A] {strides = array<i32>} : memref<2048xf32, #tpu.memory_space<vmem>>, vector<16xf32>,
        %get3A_186 = arith.index_cast %mul3A_184 : i32 to index
        %get3A_187 = tpu.vector_load %arg28[%get3A_186] {strides = array<i32>} : memref<2048xf32, #tpu.memory_space<vmem>>, vector<16xf32>,
        %add3A_188 = arith.addf %get3A_185, %get3A_187 : vector<16xf32>
        %swap3A = arith.index_cast %mul3A_184 : i32 to index
        %swap3A_189 = tpu.vector_load %arg26[%swap3A] {strides = array<i32>} : memref<2048xf32, #tpu.memory_space<vmem>>, vector<16xf32>,
        tpu.vector_store %arg26[%swap3A], %add3A_188 {strides = array<i32>} : memref<2048xf32, #tpu.memory_space<vmem>>, vector<16xf32>,
      }
      %scan3A_167 = arith.constant 128 : i32
      %add3A_168 = arith.constant 702464 : i32
      %add3A_169 = arith.addi %add3A_168, %mul3A_119 : i32
      "tpu.region"() ({
        %run_scoped3A = tpu.sem_alloc : memref<!tpu.dma_semaphore, #tpu.memory_space<semaphore_mem>>
        %dma_start3A_182 = tpu.memref_slice %arg31[%add3A_169] : memref<802816xf32, #tpu.memory_space<vmem_shared>> -> memref<2048xf32, #tpu.memory_space<vmem_shared>>
        %dma_start3A_183 = tpu.memref_slice %arg31[%add3A_169] : memref<802816xf32, #tpu.memory_space<vmem_shared>> -> memref<2048xf32, #tpu.memory_space<vmem_shared>>
        tpu.enqueue_dma source(%dma_start3A_183 : memref<2048xf32, #tpu.memory_space<vmem_shared>>) target(%arg28 : memref<2048xf32, #tpu.memory_space<vmem>>) target_semaphore(%run_scoped3A : memref<!tpu.dma_semaphore, #tpu.memory_space<semaphore_mem>>)
        %dma_wait3A_184 = tpu.memref_slice %arg31[%add3A_169] : memref<802816xf32, #tpu.memory_space<vmem_shared>> -> memref<2048xf32, #tpu.memory_space<vmem_shared>>
        %dma_wait3A_185 = tpu.memref_slice %arg31[%add3A_169] : memref<802816xf32, #tpu.memory_space<vmem_shared>> -> memref<2048xf32, #tpu.memory_space<vmem_shared>>
        tpu.wait_dma2 semaphore(%run_scoped3A : memref<!tpu.dma_semaphore, #tpu.memory_space<semaphore_mem>>) src(%dma_wait3A_185 : memref<2048xf32, #tpu.memory_space<vmem_shared>>) dst(%arg28 : memref<2048xf32, #tpu.memory_space<vmem>>)
        tpu.yield
      }) : () -> ()
      %scan3A_170 = arith.constant 0 : i32
      %scan3A_171 = arith.constant 0 : i32
      %scan3A_172 = arith.constant 128 : i32
      %scan3A_173 = arith.addi %scan3A_171, %scan3A_172 : i32
      %scan3A_174 = arith.constant 1 : i32
      scf.for %scan3A_182 = %scan3A_171 to %scan3A_173 step %scan3A_174  : i32 {
        %mul3A_183 = arith.constant 16 : i32
        %mul3A_184 = arith.muli %scan3A_182, %mul3A_183 : i32
        %get3A = arith.index_cast %mul3A_184 : i32 to index
        %get3A_185 = tpu.vector_load %arg26[%get3A] {strides = array<i32>} : memref<2048xf32, #tpu.memory_space<vmem>>, vector<16xf32>,
        %get3A_186 = arith.index_cast %mul3A_184 : i32 to index
        %get3A_187 = tpu.vector_load %arg28[%get3A_186] {strides = array<i32>} : memref<2048xf32, #tpu.memory_space<vmem>>, vector<16xf32>,
        %add3A_188 = arith.addf %get3A_185, %get3A_187 : vector<16xf32>
        %swap3A = arith.index_cast %mul3A_184 : i32 to index
        %swap3A_189 = tpu.vector_load %arg26[%swap3A] {strides = array<i32>} : memref<2048xf32, #tpu.memory_space<vmem>>, vector<16xf32>,
        tpu.vector_store %arg26[%swap3A], %add3A_188 {strides = array<i32>} : memref<2048xf32, #tpu.memory_space<vmem>>, vector<16xf32>,
      }
      %scan3A_175 = arith.constant 128 : i32
      "tpu.region"() ({
        %run_scoped3A = tpu.sem_alloc : memref<!tpu.dma_semaphore, #tpu.memory_space<semaphore_mem>>
        %dma_start3A_182 = tpu.memref_slice %arg8[%mul3A_119] : memref<100352xi32, #tpu.memory_space<hbm>> -> memref<2048xi32, #tpu.memory_space<hbm>>
        %dma_start3A_183 = tpu.memref_slice %arg8[%mul3A_119] : memref<100352xi32, #tpu.memory_space<hbm>> -> memref<2048xi32, #tpu.memory_space<hbm>>
        tpu.enqueue_dma source(%dma_start3A_183 : memref<2048xi32, #tpu.memory_space<hbm>>) target(%arg27 : memref<2048xi32, #tpu.memory_space<vmem>>) target_semaphore(%run_scoped3A : memref<!tpu.dma_semaphore, #tpu.memory_space<semaphore_mem>>)
        %dma_wait3A_184 = tpu.memref_slice %arg8[%mul3A_119] : memref<100352xi32, #tpu.memory_space<hbm>> -> memref<2048xi32, #tpu.memory_space<hbm>>
        %dma_wait3A_185 = tpu.memref_slice %arg8[%mul3A_119] : memref<100352xi32, #tpu.memory_space<hbm>> -> memref<2048xi32, #tpu.memory_space<hbm>>
        tpu.wait_dma2 semaphore(%run_scoped3A : memref<!tpu.dma_semaphore, #tpu.memory_space<semaphore_mem>>) src(%dma_wait3A_185 : memref<2048xi32, #tpu.memory_space<hbm>>) dst(%arg27 : memref<2048xi32, #tpu.memory_space<vmem>>)
        tpu.yield
      }) : () -> ()
      %scan3A_176 = arith.constant 0 : i32
      %scan3A_177 = arith.constant 0 : i32
      %scan3A_178 = arith.constant 128 : i32
      %scan3A_179 = arith.addi %scan3A_177, %scan3A_178 : i32
      %scan3A_180 = arith.constant 1 : i32
      scf.for %scan3A_182 = %scan3A_177 to %scan3A_179 step %scan3A_180  : i32 {
        %mul3A_183 = arith.constant 16 : i32
        %mul3A_184 = arith.muli %scan3A_182, %mul3A_183 : i32
        %get3A = arith.index_cast %mul3A_184 : i32 to index
        %get3A_185 = tpu.vector_load %arg27[%get3A] {strides = array<i32>} : memref<2048xi32, #tpu.memory_space<vmem>>, vector<16xi32>,
        %add3A_186 = vector.broadcast %mul3A_83 : i32 to vector<16xi32>
        %add3A_187 = arith.addi %get3A_185, %add3A_186 : vector<16xi32>
        %swap3A = arith.index_cast %mul3A_184 : i32 to index
        %swap3A_188 = tpu.vector_load %arg27[%swap3A] {strides = array<i32>} : memref<2048xi32, #tpu.memory_space<vmem>>, vector<16xi32>,
        tpu.vector_store %arg27[%swap3A], %add3A_187 {strides = array<i32>} : memref<2048xi32, #tpu.memory_space<vmem>>, vector<16xi32>,
      }
      %scan3A_181 = arith.constant 128 : i32
      "tpu.region"() ({
        %run_scoped3A = tpu.sem_alloc : memref<!tpu.dma_semaphore, #tpu.memory_space<semaphore_mem>>
        %dma_start3A_182 = arith.constant 0 : i32
        %dma_start3A_183 = tpu.memref_slice %arg32[%dma_start3A_182] : memref<16384xf32, #tpu.memory_space<vmem_shared>> -> memref<16384xf32, #tpu.memory_space<vmem_shared>>
        tpu.enqueue_indirect_dma source(%arg26 : memref<2048xf32, #tpu.memory_space<vmem>>) target(%dma_start3A_183 : memref<16384xf32, #tpu.memory_space<vmem_shared>>) offsets(%arg27 : memref<2048xi32, #tpu.memory_space<vmem>>) semaphore(%run_scoped3A : memref<!tpu.dma_semaphore, #tpu.memory_space<semaphore_mem>>) {add = true}
        %dma_wait3A_184 = arith.constant 0 : i32
        %dma_wait3A_185 = tpu.memref_slice %arg32[%dma_wait3A_184] : memref<16384xf32, #tpu.memory_space<vmem_shared>> -> memref<16384xf32, #tpu.memory_space<vmem_shared>>
        tpu.wait_indirect_dma semaphore(%run_scoped3A : memref<!tpu.dma_semaphore, #tpu.memory_space<semaphore_mem>>) src(%arg26 : memref<2048xf32, #tpu.memory_space<vmem>>) dst(%dma_wait3A_185 : memref<16384xf32, #tpu.memory_space<vmem_shared>>)
        tpu.yield
      }) : () -> ()
    } else {
    }
    %barrier3A_112 = arith.constant 0 : index
    tpu.barrier barrier_id(%barrier3A_112)
    %eq3A_113 = arith.constant 0 : i32
    %eq3A_114 = arith.cmpi eq, %arg1, %eq3A_113 : i32
    %convert_element_type3A_115 = arith.extui %eq3A_114 : i1 to i32
    %cond3A_116 = arith.constant 0 : i32
    %cond3A_117 = arith.cmpi ne, %convert_element_type3A_115, %cond3A_116 : i32
    scf.if %cond3A_117 {
      "tpu.region"() ({
        %run_scoped3A = tpu.sem_alloc : memref<!tpu.dma_semaphore, #tpu.memory_space<semaphore_mem>>
        %dma_start3A_208 = arith.constant 0 : i32
        %dma_start3A_209 = tpu.memref_slice %arg32[%dma_start3A_208] : memref<16384xf32, #tpu.memory_space<vmem_shared>> -> memref<1024xf32, #tpu.memory_space<vmem_shared>>
        %dma_start3A_210 = arith.constant 0 : i32
        %dma_start3A_211 = tpu.memref_slice %arg32[%dma_start3A_210] : memref<16384xf32, #tpu.memory_space<vmem_shared>> -> memref<1024xf32, #tpu.memory_space<vmem_shared>>
        tpu.enqueue_dma source(%dma_start3A_211 : memref<1024xf32, #tpu.memory_space<vmem_shared>>) target(%arg29 : memref<1024xf32, #tpu.memory_space<vmem>>) target_semaphore(%run_scoped3A : memref<!tpu.dma_semaphore, #tpu.memory_space<semaphore_mem>>)
        %dma_wait3A_212 = arith.constant 0 : i32
        %dma_wait3A_213 = tpu.memref_slice %arg32[%dma_wait3A_212] : memref<16384xf32, #tpu.memory_space<vmem_shared>> -> memref<1024xf32, #tpu.memory_space<vmem_shared>>
        %dma_wait3A_214 = arith.constant 0 : i32
        %dma_wait3A_215 = tpu.memref_slice %arg32[%dma_wait3A_214] : memref<16384xf32, #tpu.memory_space<vmem_shared>> -> memref<1024xf32, #tpu.memory_space<vmem_shared>>
        tpu.wait_dma2 semaphore(%run_scoped3A : memref<!tpu.dma_semaphore, #tpu.memory_space<semaphore_mem>>) src(%dma_wait3A_215 : memref<1024xf32, #tpu.memory_space<vmem_shared>>) dst(%arg29 : memref<1024xf32, #tpu.memory_space<vmem>>)
        tpu.yield
      }) : () -> ()
      "tpu.region"() ({
        %run_scoped3A = tpu.sem_alloc : memref<!tpu.dma_semaphore, #tpu.memory_space<semaphore_mem>>
        %dma_start3A_208 = arith.constant 0 : i32
        %dma_start3A_209 = tpu.memref_slice %arg28[%dma_start3A_208] : memref<2048xf32, #tpu.memory_space<vmem>> -> memref<1024xf32, #tpu.memory_space<vmem>>
        %dma_start3A_210 = arith.constant 1024 : i32
        %dma_start3A_211 = tpu.memref_slice %arg32[%dma_start3A_210] : memref<16384xf32, #tpu.memory_space<vmem_shared>> -> memref<1024xf32, #tpu.memory_space<vmem_shared>>
        %dma_start3A_212 = arith.constant 0 : i32
        %dma_start3A_213 = tpu.memref_slice %arg28[%dma_start3A_212] : memref<2048xf32, #tpu.memory_space<vmem>> -> memref<1024xf32, #tpu.memory_space<vmem>>
        %dma_start3A_214 = arith.constant 1024 : i32
        %dma_start3A_215 = tpu.memref_slice %arg32[%dma_start3A_214] : memref<16384xf32, #tpu.memory_space<vmem_shared>> -> memref<1024xf32, #tpu.memory_space<vmem_shared>>
        tpu.enqueue_dma source(%dma_start3A_215 : memref<1024xf32, #tpu.memory_space<vmem_shared>>) target(%dma_start3A_213 : memref<1024xf32, #tpu.memory_space<vmem>>) target_semaphore(%run_scoped3A : memref<!tpu.dma_semaphore, #tpu.memory_space<semaphore_mem>>)
        %dma_wait3A_216 = arith.constant 0 : i32
        %dma_wait3A_217 = tpu.memref_slice %arg28[%dma_wait3A_216] : memref<2048xf32, #tpu.memory_space<vmem>> -> memref<1024xf32, #tpu.memory_space<vmem>>
        %dma_wait3A_218 = arith.constant 1024 : i32
        %dma_wait3A_219 = tpu.memref_slice %arg32[%dma_wait3A_218] : memref<16384xf32, #tpu.memory_space<vmem_shared>> -> memref<1024xf32, #tpu.memory_space<vmem_shared>>
        %dma_wait3A_220 = arith.constant 0 : i32
        %dma_wait3A_221 = tpu.memref_slice %arg28[%dma_wait3A_220] : memref<2048xf32, #tpu.memory_space<vmem>> -> memref<1024xf32, #tpu.memory_space<vmem>>
        %dma_wait3A_222 = arith.constant 1024 : i32
        %dma_wait3A_223 = tpu.memref_slice %arg32[%dma_wait3A_222] : memref<16384xf32, #tpu.memory_space<vmem_shared>> -> memref<1024xf32, #tpu.memory_space<vmem_shared>>
        tpu.wait_dma2 semaphore(%run_scoped3A : memref<!tpu.dma_semaphore, #tpu.memory_space<semaphore_mem>>) src(%dma_wait3A_223 : memref<1024xf32, #tpu.memory_space<vmem_shared>>) dst(%dma_wait3A_221 : memref<1024xf32, #tpu.memory_space<vmem>>)
        tpu.yield
      }) : () -> ()
      %scan3A_118 = arith.constant 0 : i32
      %scan3A_119 = arith.constant 0 : i32
      %scan3A_120 = arith.constant 64 : i32
      %scan3A_121 = arith.addi %scan3A_119, %scan3A_120 : i32
      %scan3A_122 = arith.constant 1 : i32
      scf.for %scan3A_208 = %scan3A_119 to %scan3A_121 step %scan3A_122  : i32 {
        %mul3A_209 = arith.constant 16 : i32
        %mul3A_210 = arith.muli %scan3A_208, %mul3A_209 : i32
        %get3A = arith.index_cast %mul3A_210 : i32 to index
        %get3A_211 = tpu.vector_load %arg29[%get3A] {strides = array<i32>} : memref<1024xf32, #tpu.memory_space<vmem>>, vector<16xf32>,
        %get3A_212 = arith.index_cast %mul3A_210 : i32 to index
        %get3A_213 = tpu.vector_load %arg28[%get3A_212] {strides = array<i32>} : memref<2048xf32, #tpu.memory_space<vmem>>, vector<16xf32>,
        %add3A_214 = arith.addf %get3A_211, %get3A_213 : vector<16xf32>
        %swap3A = arith.index_cast %mul3A_210 : i32 to index
        %swap3A_215 = tpu.vector_load %arg29[%swap3A] {strides = array<i32>} : memref<1024xf32, #tpu.memory_space<vmem>>, vector<16xf32>,
        tpu.vector_store %arg29[%swap3A], %add3A_214 {strides = array<i32>} : memref<1024xf32, #tpu.memory_space<vmem>>, vector<16xf32>,
      }
      %scan3A_123 = arith.constant 64 : i32
      "tpu.region"() ({
        %run_scoped3A = tpu.sem_alloc : memref<!tpu.dma_semaphore, #tpu.memory_space<semaphore_mem>>
        %dma_start3A_208 = arith.constant 0 : i32
        %dma_start3A_209 = tpu.memref_slice %arg28[%dma_start3A_208] : memref<2048xf32, #tpu.memory_space<vmem>> -> memref<1024xf32, #tpu.memory_space<vmem>>
        %dma_start3A_210 = arith.constant 2048 : i32
        %dma_start3A_211 = tpu.memref_slice %arg32[%dma_start3A_210] : memref<16384xf32, #tpu.memory_space<vmem_shared>> -> memref<1024xf32, #tpu.memory_space<vmem_shared>>
        %dma_start3A_212 = arith.constant 0 : i32
        %dma_start3A_213 = tpu.memref_slice %arg28[%dma_start3A_212] : memref<2048xf32, #tpu.memory_space<vmem>> -> memref<1024xf32, #tpu.memory_space<vmem>>
        %dma_start3A_214 = arith.constant 2048 : i32
        %dma_start3A_215 = tpu.memref_slice %arg32[%dma_start3A_214] : memref<16384xf32, #tpu.memory_space<vmem_shared>> -> memref<1024xf32, #tpu.memory_space<vmem_shared>>
        tpu.enqueue_dma source(%dma_start3A_215 : memref<1024xf32, #tpu.memory_space<vmem_shared>>) target(%dma_start3A_213 : memref<1024xf32, #tpu.memory_space<vmem>>) target_semaphore(%run_scoped3A : memref<!tpu.dma_semaphore, #tpu.memory_space<semaphore_mem>>)
        %dma_wait3A_216 = arith.constant 0 : i32
        %dma_wait3A_217 = tpu.memref_slice %arg28[%dma_wait3A_216] : memref<2048xf32, #tpu.memory_space<vmem>> -> memref<1024xf32, #tpu.memory_space<vmem>>
        %dma_wait3A_218 = arith.constant 2048 : i32
        %dma_wait3A_219 = tpu.memref_slice %arg32[%dma_wait3A_218] : memref<16384xf32, #tpu.memory_space<vmem_shared>> -> memref<1024xf32, #tpu.memory_space<vmem_shared>>
        %dma_wait3A_220 = arith.constant 0 : i32
        %dma_wait3A_221 = tpu.memref_slice %arg28[%dma_wait3A_220] : memref<2048xf32, #tpu.memory_space<vmem>> -> memref<1024xf32, #tpu.memory_space<vmem>>
        %dma_wait3A_222 = arith.constant 2048 : i32
        %dma_wait3A_223 = tpu.memref_slice %arg32[%dma_wait3A_222] : memref<16384xf32, #tpu.memory_space<vmem_shared>> -> memref<1024xf32, #tpu.memory_space<vmem_shared>>
        tpu.wait_dma2 semaphore(%run_scoped3A : memref<!tpu.dma_semaphore, #tpu.memory_space<semaphore_mem>>) src(%dma_wait3A_223 : memref<1024xf32, #tpu.memory_space<vmem_shared>>) dst(%dma_wait3A_221 : memref<1024xf32, #tpu.memory_space<vmem>>)
        tpu.yield
      }) : () -> ()
      %scan3A_124 = arith.constant 0 : i32
      %scan3A_125 = arith.constant 0 : i32
      %scan3A_126 = arith.constant 64 : i32
      %scan3A_127 = arith.addi %scan3A_125, %scan3A_126 : i32
      %scan3A_128 = arith.constant 1 : i32
      scf.for %scan3A_208 = %scan3A_125 to %scan3A_127 step %scan3A_128  : i32 {
        %mul3A_209 = arith.constant 16 : i32
        %mul3A_210 = arith.muli %scan3A_208, %mul3A_209 : i32
        %get3A = arith.index_cast %mul3A_210 : i32 to index
        %get3A_211 = tpu.vector_load %arg29[%get3A] {strides = array<i32>} : memref<1024xf32, #tpu.memory_space<vmem>>, vector<16xf32>,
        %get3A_212 = arith.index_cast %mul3A_210 : i32 to index
        %get3A_213 = tpu.vector_load %arg28[%get3A_212] {strides = array<i32>} : memref<2048xf32, #tpu.memory_space<vmem>>, vector<16xf32>,
        %add3A_214 = arith.addf %get3A_211, %get3A_213 : vector<16xf32>
        %swap3A = arith.index_cast %mul3A_210 : i32 to index
        %swap3A_215 = tpu.vector_load %arg29[%swap3A] {strides = array<i32>} : memref<1024xf32, #tpu.memory_space<vmem>>, vector<16xf32>,
        tpu.vector_store %arg29[%swap3A], %add3A_214 {strides = array<i32>} : memref<1024xf32, #tpu.memory_space<vmem>>, vector<16xf32>,
      }
      %scan3A_129 = arith.constant 64 : i32
      "tpu.region"() ({
        %run_scoped3A = tpu.sem_alloc : memref<!tpu.dma_semaphore, #tpu.memory_space<semaphore_mem>>
        %dma_start3A_208 = arith.constant 0 : i32
        %dma_start3A_209 = tpu.memref_slice %arg28[%dma_start3A_208] : memref<2048xf32, #tpu.memory_space<vmem>> -> memref<1024xf32, #tpu.memory_space<vmem>>
        %dma_start3A_210 = arith.constant 3072 : i32
        %dma_start3A_211 = tpu.memref_slice %arg32[%dma_start3A_210] : memref<16384xf32, #tpu.memory_space<vmem_shared>> -> memref<1024xf32, #tpu.memory_space<vmem_shared>>
        %dma_start3A_212 = arith.constant 0 : i32
        %dma_start3A_213 = tpu.memref_slice %arg28[%dma_start3A_212] : memref<2048xf32, #tpu.memory_space<vmem>> -> memref<1024xf32, #tpu.memory_space<vmem>>
        %dma_start3A_214 = arith.constant 3072 : i32
        %dma_start3A_215 = tpu.memref_slice %arg32[%dma_start3A_214] : memref<16384xf32, #tpu.memory_space<vmem_shared>> -> memref<1024xf32, #tpu.memory_space<vmem_shared>>
        tpu.enqueue_dma source(%dma_start3A_215 : memref<1024xf32, #tpu.memory_space<vmem_shared>>) target(%dma_start3A_213 : memref<1024xf32, #tpu.memory_space<vmem>>) target_semaphore(%run_scoped3A : memref<!tpu.dma_semaphore, #tpu.memory_space<semaphore_mem>>)
        %dma_wait3A_216 = arith.constant 0 : i32
        %dma_wait3A_217 = tpu.memref_slice %arg28[%dma_wait3A_216] : memref<2048xf32, #tpu.memory_space<vmem>> -> memref<1024xf32, #tpu.memory_space<vmem>>
        %dma_wait3A_218 = arith.constant 3072 : i32
        %dma_wait3A_219 = tpu.memref_slice %arg32[%dma_wait3A_218] : memref<16384xf32, #tpu.memory_space<vmem_shared>> -> memref<1024xf32, #tpu.memory_space<vmem_shared>>
        %dma_wait3A_220 = arith.constant 0 : i32
        %dma_wait3A_221 = tpu.memref_slice %arg28[%dma_wait3A_220] : memref<2048xf32, #tpu.memory_space<vmem>> -> memref<1024xf32, #tpu.memory_space<vmem>>
        %dma_wait3A_222 = arith.constant 3072 : i32
        %dma_wait3A_223 = tpu.memref_slice %arg32[%dma_wait3A_222] : memref<16384xf32, #tpu.memory_space<vmem_shared>> -> memref<1024xf32, #tpu.memory_space<vmem_shared>>
        tpu.wait_dma2 semaphore(%run_scoped3A : memref<!tpu.dma_semaphore, #tpu.memory_space<semaphore_mem>>) src(%dma_wait3A_223 : memref<1024xf32, #tpu.memory_space<vmem_shared>>) dst(%dma_wait3A_221 : memref<1024xf32, #tpu.memory_space<vmem>>)
        tpu.yield
      }) : () -> ()
      %scan3A_130 = arith.constant 0 : i32
      %scan3A_131 = arith.constant 0 : i32
      %scan3A_132 = arith.constant 64 : i32
      %scan3A_133 = arith.addi %scan3A_131, %scan3A_132 : i32
      %scan3A_134 = arith.constant 1 : i32
      scf.for %scan3A_208 = %scan3A_131 to %scan3A_133 step %scan3A_134  : i32 {
        %mul3A_209 = arith.constant 16 : i32
        %mul3A_210 = arith.muli %scan3A_208, %mul3A_209 : i32
        %get3A = arith.index_cast %mul3A_210 : i32 to index
        %get3A_211 = tpu.vector_load %arg29[%get3A] {strides = array<i32>} : memref<1024xf32, #tpu.memory_space<vmem>>, vector<16xf32>,
        %get3A_212 = arith.index_cast %mul3A_210 : i32 to index
        %get3A_213 = tpu.vector_load %arg28[%get3A_212] {strides = array<i32>} : memref<2048xf32, #tpu.memory_space<vmem>>, vector<16xf32>,
        %add3A_214 = arith.addf %get3A_211, %get3A_213 : vector<16xf32>
        %swap3A = arith.index_cast %mul3A_210 : i32 to index
        %swap3A_215 = tpu.vector_load %arg29[%swap3A] {strides = array<i32>} : memref<1024xf32, #tpu.memory_space<vmem>>, vector<16xf32>,
        tpu.vector_store %arg29[%swap3A], %add3A_214 {strides = array<i32>} : memref<1024xf32, #tpu.memory_space<vmem>>, vector<16xf32>,
      }
      %scan3A_135 = arith.constant 64 : i32
      "tpu.region"() ({
        %run_scoped3A = tpu.sem_alloc : memref<!tpu.dma_semaphore, #tpu.memory_space<semaphore_mem>>
        %dma_start3A_208 = arith.constant 0 : i32
        %dma_start3A_209 = tpu.memref_slice %arg28[%dma_start3A_208] : memref<2048xf32, #tpu.memory_space<vmem>> -> memref<1024xf32, #tpu.memory_space<vmem>>
        %dma_start3A_210 = arith.constant 4096 : i32
        %dma_start3A_211 = tpu.memref_slice %arg32[%dma_start3A_210] : memref<16384xf32, #tpu.memory_space<vmem_shared>> -> memref<1024xf32, #tpu.memory_space<vmem_shared>>
        %dma_start3A_212 = arith.constant 0 : i32
        %dma_start3A_213 = tpu.memref_slice %arg28[%dma_start3A_212] : memref<2048xf32, #tpu.memory_space<vmem>> -> memref<1024xf32, #tpu.memory_space<vmem>>
        %dma_start3A_214 = arith.constant 4096 : i32
        %dma_start3A_215 = tpu.memref_slice %arg32[%dma_start3A_214] : memref<16384xf32, #tpu.memory_space<vmem_shared>> -> memref<1024xf32, #tpu.memory_space<vmem_shared>>
        tpu.enqueue_dma source(%dma_start3A_215 : memref<1024xf32, #tpu.memory_space<vmem_shared>>) target(%dma_start3A_213 : memref<1024xf32, #tpu.memory_space<vmem>>) target_semaphore(%run_scoped3A : memref<!tpu.dma_semaphore, #tpu.memory_space<semaphore_mem>>)
        %dma_wait3A_216 = arith.constant 0 : i32
        %dma_wait3A_217 = tpu.memref_slice %arg28[%dma_wait3A_216] : memref<2048xf32, #tpu.memory_space<vmem>> -> memref<1024xf32, #tpu.memory_space<vmem>>
        %dma_wait3A_218 = arith.constant 4096 : i32
        %dma_wait3A_219 = tpu.memref_slice %arg32[%dma_wait3A_218] : memref<16384xf32, #tpu.memory_space<vmem_shared>> -> memref<1024xf32, #tpu.memory_space<vmem_shared>>
        %dma_wait3A_220 = arith.constant 0 : i32
        %dma_wait3A_221 = tpu.memref_slice %arg28[%dma_wait3A_220] : memref<2048xf32, #tpu.memory_space<vmem>> -> memref<1024xf32, #tpu.memory_space<vmem>>
        %dma_wait3A_222 = arith.constant 4096 : i32
        %dma_wait3A_223 = tpu.memref_slice %arg32[%dma_wait3A_222] : memref<16384xf32, #tpu.memory_space<vmem_shared>> -> memref<1024xf32, #tpu.memory_space<vmem_shared>>
        tpu.wait_dma2 semaphore(%run_scoped3A : memref<!tpu.dma_semaphore, #tpu.memory_space<semaphore_mem>>) src(%dma_wait3A_223 : memref<1024xf32, #tpu.memory_space<vmem_shared>>) dst(%dma_wait3A_221 : memref<1024xf32, #tpu.memory_space<vmem>>)
        tpu.yield
      }) : () -> ()
      %scan3A_136 = arith.constant 0 : i32
      %scan3A_137 = arith.constant 0 : i32
      %scan3A_138 = arith.constant 64 : i32
      %scan3A_139 = arith.addi %scan3A_137, %scan3A_138 : i32
      %scan3A_140 = arith.constant 1 : i32
      scf.for %scan3A_208 = %scan3A_137 to %scan3A_139 step %scan3A_140  : i32 {
        %mul3A_209 = arith.constant 16 : i32
        %mul3A_210 = arith.muli %scan3A_208, %mul3A_209 : i32
        %get3A = arith.index_cast %mul3A_210 : i32 to index
        %get3A_211 = tpu.vector_load %arg29[%get3A] {strides = array<i32>} : memref<1024xf32, #tpu.memory_space<vmem>>, vector<16xf32>,
        %get3A_212 = arith.index_cast %mul3A_210 : i32 to index
        %get3A_213 = tpu.vector_load %arg28[%get3A_212] {strides = array<i32>} : memref<2048xf32, #tpu.memory_space<vmem>>, vector<16xf32>,
        %add3A_214 = arith.addf %get3A_211, %get3A_213 : vector<16xf32>
        %swap3A = arith.index_cast %mul3A_210 : i32 to index
        %swap3A_215 = tpu.vector_load %arg29[%swap3A] {strides = array<i32>} : memref<1024xf32, #tpu.memory_space<vmem>>, vector<16xf32>,
        tpu.vector_store %arg29[%swap3A], %add3A_214 {strides = array<i32>} : memref<1024xf32, #tpu.memory_space<vmem>>, vector<16xf32>,
      }
      %scan3A_141 = arith.constant 64 : i32
      "tpu.region"() ({
        %run_scoped3A = tpu.sem_alloc : memref<!tpu.dma_semaphore, #tpu.memory_space<semaphore_mem>>
        %dma_start3A_208 = arith.constant 0 : i32
        %dma_start3A_209 = tpu.memref_slice %arg28[%dma_start3A_208] : memref<2048xf32, #tpu.memory_space<vmem>> -> memref<1024xf32, #tpu.memory_space<vmem>>
        %dma_start3A_210 = arith.constant 5120 : i32
        %dma_start3A_211 = tpu.memref_slice %arg32[%dma_start3A_210] : memref<16384xf32, #tpu.memory_space<vmem_shared>> -> memref<1024xf32, #tpu.memory_space<vmem_shared>>
        %dma_start3A_212 = arith.constant 0 : i32
        %dma_start3A_213 = tpu.memref_slice %arg28[%dma_start3A_212] : memref<2048xf32, #tpu.memory_space<vmem>> -> memref<1024xf32, #tpu.memory_space<vmem>>
        %dma_start3A_214 = arith.constant 5120 : i32
        %dma_start3A_215 = tpu.memref_slice %arg32[%dma_start3A_214] : memref<16384xf32, #tpu.memory_space<vmem_shared>> -> memref<1024xf32, #tpu.memory_space<vmem_shared>>
        tpu.enqueue_dma source(%dma_start3A_215 : memref<1024xf32, #tpu.memory_space<vmem_shared>>) target(%dma_start3A_213 : memref<1024xf32, #tpu.memory_space<vmem>>) target_semaphore(%run_scoped3A : memref<!tpu.dma_semaphore, #tpu.memory_space<semaphore_mem>>)
        %dma_wait3A_216 = arith.constant 0 : i32
        %dma_wait3A_217 = tpu.memref_slice %arg28[%dma_wait3A_216] : memref<2048xf32, #tpu.memory_space<vmem>> -> memref<1024xf32, #tpu.memory_space<vmem>>
        %dma_wait3A_218 = arith.constant 5120 : i32
        %dma_wait3A_219 = tpu.memref_slice %arg32[%dma_wait3A_218] : memref<16384xf32, #tpu.memory_space<vmem_shared>> -> memref<1024xf32, #tpu.memory_space<vmem_shared>>
        %dma_wait3A_220 = arith.constant 0 : i32
        %dma_wait3A_221 = tpu.memref_slice %arg28[%dma_wait3A_220] : memref<2048xf32, #tpu.memory_space<vmem>> -> memref<1024xf32, #tpu.memory_space<vmem>>
        %dma_wait3A_222 = arith.constant 5120 : i32
        %dma_wait3A_223 = tpu.memref_slice %arg32[%dma_wait3A_222] : memref<16384xf32, #tpu.memory_space<vmem_shared>> -> memref<1024xf32, #tpu.memory_space<vmem_shared>>
        tpu.wait_dma2 semaphore(%run_scoped3A : memref<!tpu.dma_semaphore, #tpu.memory_space<semaphore_mem>>) src(%dma_wait3A_223 : memref<1024xf32, #tpu.memory_space<vmem_shared>>) dst(%dma_wait3A_221 : memref<1024xf32, #tpu.memory_space<vmem>>)
        tpu.yield
      }) : () -> ()
      %scan3A_142 = arith.constant 0 : i32
      %scan3A_143 = arith.constant 0 : i32
      %scan3A_144 = arith.constant 64 : i32
      %scan3A_145 = arith.addi %scan3A_143, %scan3A_144 : i32
      %scan3A_146 = arith.constant 1 : i32
      scf.for %scan3A_208 = %scan3A_143 to %scan3A_145 step %scan3A_146  : i32 {
        %mul3A_209 = arith.constant 16 : i32
        %mul3A_210 = arith.muli %scan3A_208, %mul3A_209 : i32
        %get3A = arith.index_cast %mul3A_210 : i32 to index
        %get3A_211 = tpu.vector_load %arg29[%get3A] {strides = array<i32>} : memref<1024xf32, #tpu.memory_space<vmem>>, vector<16xf32>,
        %get3A_212 = arith.index_cast %mul3A_210 : i32 to index
        %get3A_213 = tpu.vector_load %arg28[%get3A_212] {strides = array<i32>} : memref<2048xf32, #tpu.memory_space<vmem>>, vector<16xf32>,
        %add3A_214 = arith.addf %get3A_211, %get3A_213 : vector<16xf32>
        %swap3A = arith.index_cast %mul3A_210 : i32 to index
        %swap3A_215 = tpu.vector_load %arg29[%swap3A] {strides = array<i32>} : memref<1024xf32, #tpu.memory_space<vmem>>, vector<16xf32>,
        tpu.vector_store %arg29[%swap3A], %add3A_214 {strides = array<i32>} : memref<1024xf32, #tpu.memory_space<vmem>>, vector<16xf32>,
      }
      %scan3A_147 = arith.constant 64 : i32
      "tpu.region"() ({
        %run_scoped3A = tpu.sem_alloc : memref<!tpu.dma_semaphore, #tpu.memory_space<semaphore_mem>>
        %dma_start3A_208 = arith.constant 0 : i32
        %dma_start3A_209 = tpu.memref_slice %arg28[%dma_start3A_208] : memref<2048xf32, #tpu.memory_space<vmem>> -> memref<1024xf32, #tpu.memory_space<vmem>>
        %dma_start3A_210 = arith.constant 6144 : i32
        %dma_start3A_211 = tpu.memref_slice %arg32[%dma_start3A_210] : memref<16384xf32, #tpu.memory_space<vmem_shared>> -> memref<1024xf32, #tpu.memory_space<vmem_shared>>
        %dma_start3A_212 = arith.constant 0 : i32
        %dma_start3A_213 = tpu.memref_slice %arg28[%dma_start3A_212] : memref<2048xf32, #tpu.memory_space<vmem>> -> memref<1024xf32, #tpu.memory_space<vmem>>
        %dma_start3A_214 = arith.constant 6144 : i32
        %dma_start3A_215 = tpu.memref_slice %arg32[%dma_start3A_214] : memref<16384xf32, #tpu.memory_space<vmem_shared>> -> memref<1024xf32, #tpu.memory_space<vmem_shared>>
        tpu.enqueue_dma source(%dma_start3A_215 : memref<1024xf32, #tpu.memory_space<vmem_shared>>) target(%dma_start3A_213 : memref<1024xf32, #tpu.memory_space<vmem>>) target_semaphore(%run_scoped3A : memref<!tpu.dma_semaphore, #tpu.memory_space<semaphore_mem>>)
        %dma_wait3A_216 = arith.constant 0 : i32
        %dma_wait3A_217 = tpu.memref_slice %arg28[%dma_wait3A_216] : memref<2048xf32, #tpu.memory_space<vmem>> -> memref<1024xf32, #tpu.memory_space<vmem>>
        %dma_wait3A_218 = arith.constant 6144 : i32
        %dma_wait3A_219 = tpu.memref_slice %arg32[%dma_wait3A_218] : memref<16384xf32, #tpu.memory_space<vmem_shared>> -> memref<1024xf32, #tpu.memory_space<vmem_shared>>
        %dma_wait3A_220 = arith.constant 0 : i32
        %dma_wait3A_221 = tpu.memref_slice %arg28[%dma_wait3A_220] : memref<2048xf32, #tpu.memory_space<vmem>> -> memref<1024xf32, #tpu.memory_space<vmem>>
        %dma_wait3A_222 = arith.constant 6144 : i32
        %dma_wait3A_223 = tpu.memref_slice %arg32[%dma_wait3A_222] : memref<16384xf32, #tpu.memory_space<vmem_shared>> -> memref<1024xf32, #tpu.memory_space<vmem_shared>>
        tpu.wait_dma2 semaphore(%run_scoped3A : memref<!tpu.dma_semaphore, #tpu.memory_space<semaphore_mem>>) src(%dma_wait3A_223 : memref<1024xf32, #tpu.memory_space<vmem_shared>>) dst(%dma_wait3A_221 : memref<1024xf32, #tpu.memory_space<vmem>>)
        tpu.yield
      }) : () -> ()
      %scan3A_148 = arith.constant 0 : i32
      %scan3A_149 = arith.constant 0 : i32
      %scan3A_150 = arith.constant 64 : i32
      %scan3A_151 = arith.addi %scan3A_149, %scan3A_150 : i32
      %scan3A_152 = arith.constant 1 : i32
      scf.for %scan3A_208 = %scan3A_149 to %scan3A_151 step %scan3A_152  : i32 {
        %mul3A_209 = arith.constant 16 : i32
        %mul3A_210 = arith.muli %scan3A_208, %mul3A_209 : i32
        %get3A = arith.index_cast %mul3A_210 : i32 to index
        %get3A_211 = tpu.vector_load %arg29[%get3A] {strides = array<i32>} : memref<1024xf32, #tpu.memory_space<vmem>>, vector<16xf32>,
        %get3A_212 = arith.index_cast %mul3A_210 : i32 to index
        %get3A_213 = tpu.vector_load %arg28[%get3A_212] {strides = array<i32>} : memref<2048xf32, #tpu.memory_space<vmem>>, vector<16xf32>,
        %add3A_214 = arith.addf %get3A_211, %get3A_213 : vector<16xf32>
        %swap3A = arith.index_cast %mul3A_210 : i32 to index
        %swap3A_215 = tpu.vector_load %arg29[%swap3A] {strides = array<i32>} : memref<1024xf32, #tpu.memory_space<vmem>>, vector<16xf32>,
        tpu.vector_store %arg29[%swap3A], %add3A_214 {strides = array<i32>} : memref<1024xf32, #tpu.memory_space<vmem>>, vector<16xf32>,
      }
      %scan3A_153 = arith.constant 64 : i32
      "tpu.region"() ({
        %run_scoped3A = tpu.sem_alloc : memref<!tpu.dma_semaphore, #tpu.memory_space<semaphore_mem>>
        %dma_start3A_208 = arith.constant 0 : i32
        %dma_start3A_209 = tpu.memref_slice %arg28[%dma_start3A_208] : memref<2048xf32, #tpu.memory_space<vmem>> -> memref<1024xf32, #tpu.memory_space<vmem>>
        %dma_start3A_210 = arith.constant 7168 : i32
        %dma_start3A_211 = tpu.memref_slice %arg32[%dma_start3A_210] : memref<16384xf32, #tpu.memory_space<vmem_shared>> -> memref<1024xf32, #tpu.memory_space<vmem_shared>>
        %dma_start3A_212 = arith.constant 0 : i32
        %dma_start3A_213 = tpu.memref_slice %arg28[%dma_start3A_212] : memref<2048xf32, #tpu.memory_space<vmem>> -> memref<1024xf32, #tpu.memory_space<vmem>>
        %dma_start3A_214 = arith.constant 7168 : i32
        %dma_start3A_215 = tpu.memref_slice %arg32[%dma_start3A_214] : memref<16384xf32, #tpu.memory_space<vmem_shared>> -> memref<1024xf32, #tpu.memory_space<vmem_shared>>
        tpu.enqueue_dma source(%dma_start3A_215 : memref<1024xf32, #tpu.memory_space<vmem_shared>>) target(%dma_start3A_213 : memref<1024xf32, #tpu.memory_space<vmem>>) target_semaphore(%run_scoped3A : memref<!tpu.dma_semaphore, #tpu.memory_space<semaphore_mem>>)
        %dma_wait3A_216 = arith.constant 0 : i32
        %dma_wait3A_217 = tpu.memref_slice %arg28[%dma_wait3A_216] : memref<2048xf32, #tpu.memory_space<vmem>> -> memref<1024xf32, #tpu.memory_space<vmem>>
        %dma_wait3A_218 = arith.constant 7168 : i32
        %dma_wait3A_219 = tpu.memref_slice %arg32[%dma_wait3A_218] : memref<16384xf32, #tpu.memory_space<vmem_shared>> -> memref<1024xf32, #tpu.memory_space<vmem_shared>>
        %dma_wait3A_220 = arith.constant 0 : i32
        %dma_wait3A_221 = tpu.memref_slice %arg28[%dma_wait3A_220] : memref<2048xf32, #tpu.memory_space<vmem>> -> memref<1024xf32, #tpu.memory_space<vmem>>
        %dma_wait3A_222 = arith.constant 7168 : i32
        %dma_wait3A_223 = tpu.memref_slice %arg32[%dma_wait3A_222] : memref<16384xf32, #tpu.memory_space<vmem_shared>> -> memref<1024xf32, #tpu.memory_space<vmem_shared>>
        tpu.wait_dma2 semaphore(%run_scoped3A : memref<!tpu.dma_semaphore, #tpu.memory_space<semaphore_mem>>) src(%dma_wait3A_223 : memref<1024xf32, #tpu.memory_space<vmem_shared>>) dst(%dma_wait3A_221 : memref<1024xf32, #tpu.memory_space<vmem>>)
        tpu.yield
      }) : () -> ()
      %scan3A_154 = arith.constant 0 : i32
      %scan3A_155 = arith.constant 0 : i32
      %scan3A_156 = arith.constant 64 : i32
      %scan3A_157 = arith.addi %scan3A_155, %scan3A_156 : i32
      %scan3A_158 = arith.constant 1 : i32
      scf.for %scan3A_208 = %scan3A_155 to %scan3A_157 step %scan3A_158  : i32 {
        %mul3A_209 = arith.constant 16 : i32
        %mul3A_210 = arith.muli %scan3A_208, %mul3A_209 : i32
        %get3A = arith.index_cast %mul3A_210 : i32 to index
        %get3A_211 = tpu.vector_load %arg29[%get3A] {strides = array<i32>} : memref<1024xf32, #tpu.memory_space<vmem>>, vector<16xf32>,
        %get3A_212 = arith.index_cast %mul3A_210 : i32 to index
        %get3A_213 = tpu.vector_load %arg28[%get3A_212] {strides = array<i32>} : memref<2048xf32, #tpu.memory_space<vmem>>, vector<16xf32>,
        %add3A_214 = arith.addf %get3A_211, %get3A_213 : vector<16xf32>
        %swap3A = arith.index_cast %mul3A_210 : i32 to index
        %swap3A_215 = tpu.vector_load %arg29[%swap3A] {strides = array<i32>} : memref<1024xf32, #tpu.memory_space<vmem>>, vector<16xf32>,
        tpu.vector_store %arg29[%swap3A], %add3A_214 {strides = array<i32>} : memref<1024xf32, #tpu.memory_space<vmem>>, vector<16xf32>,
      }
      %scan3A_159 = arith.constant 64 : i32
      "tpu.region"() ({
        %run_scoped3A = tpu.sem_alloc : memref<!tpu.dma_semaphore, #tpu.memory_space<semaphore_mem>>
        %dma_start3A_208 = arith.constant 0 : i32
        %dma_start3A_209 = tpu.memref_slice %arg28[%dma_start3A_208] : memref<2048xf32, #tpu.memory_space<vmem>> -> memref<1024xf32, #tpu.memory_space<vmem>>
        %dma_start3A_210 = arith.constant 8192 : i32
        %dma_start3A_211 = tpu.memref_slice %arg32[%dma_start3A_210] : memref<16384xf32, #tpu.memory_space<vmem_shared>> -> memref<1024xf32, #tpu.memory_space<vmem_shared>>
        %dma_start3A_212 = arith.constant 0 : i32
        %dma_start3A_213 = tpu.memref_slice %arg28[%dma_start3A_212] : memref<2048xf32, #tpu.memory_space<vmem>> -> memref<1024xf32, #tpu.memory_space<vmem>>
        %dma_start3A_214 = arith.constant 8192 : i32
        %dma_start3A_215 = tpu.memref_slice %arg32[%dma_start3A_214] : memref<16384xf32, #tpu.memory_space<vmem_shared>> -> memref<1024xf32, #tpu.memory_space<vmem_shared>>
        tpu.enqueue_dma source(%dma_start3A_215 : memref<1024xf32, #tpu.memory_space<vmem_shared>>) target(%dma_start3A_213 : memref<1024xf32, #tpu.memory_space<vmem>>) target_semaphore(%run_scoped3A : memref<!tpu.dma_semaphore, #tpu.memory_space<semaphore_mem>>)
        %dma_wait3A_216 = arith.constant 0 : i32
        %dma_wait3A_217 = tpu.memref_slice %arg28[%dma_wait3A_216] : memref<2048xf32, #tpu.memory_space<vmem>> -> memref<1024xf32, #tpu.memory_space<vmem>>
        %dma_wait3A_218 = arith.constant 8192 : i32
        %dma_wait3A_219 = tpu.memref_slice %arg32[%dma_wait3A_218] : memref<16384xf32, #tpu.memory_space<vmem_shared>> -> memref<1024xf32, #tpu.memory_space<vmem_shared>>
        %dma_wait3A_220 = arith.constant 0 : i32
        %dma_wait3A_221 = tpu.memref_slice %arg28[%dma_wait3A_220] : memref<2048xf32, #tpu.memory_space<vmem>> -> memref<1024xf32, #tpu.memory_space<vmem>>
        %dma_wait3A_222 = arith.constant 8192 : i32
        %dma_wait3A_223 = tpu.memref_slice %arg32[%dma_wait3A_222] : memref<16384xf32, #tpu.memory_space<vmem_shared>> -> memref<1024xf32, #tpu.memory_space<vmem_shared>>
        tpu.wait_dma2 semaphore(%run_scoped3A : memref<!tpu.dma_semaphore, #tpu.memory_space<semaphore_mem>>) src(%dma_wait3A_223 : memref<1024xf32, #tpu.memory_space<vmem_shared>>) dst(%dma_wait3A_221 : memref<1024xf32, #tpu.memory_space<vmem>>)
        tpu.yield
      }) : () -> ()
      %scan3A_160 = arith.constant 0 : i32
      %scan3A_161 = arith.constant 0 : i32
      %scan3A_162 = arith.constant 64 : i32
      %scan3A_163 = arith.addi %scan3A_161, %scan3A_162 : i32
      %scan3A_164 = arith.constant 1 : i32
      scf.for %scan3A_208 = %scan3A_161 to %scan3A_163 step %scan3A_164  : i32 {
        %mul3A_209 = arith.constant 16 : i32
        %mul3A_210 = arith.muli %scan3A_208, %mul3A_209 : i32
        %get3A = arith.index_cast %mul3A_210 : i32 to index
        %get3A_211 = tpu.vector_load %arg29[%get3A] {strides = array<i32>} : memref<1024xf32, #tpu.memory_space<vmem>>, vector<16xf32>,
        %get3A_212 = arith.index_cast %mul3A_210 : i32 to index
        %get3A_213 = tpu.vector_load %arg28[%get3A_212] {strides = array<i32>} : memref<2048xf32, #tpu.memory_space<vmem>>, vector<16xf32>,
        %add3A_214 = arith.addf %get3A_211, %get3A_213 : vector<16xf32>
        %swap3A = arith.index_cast %mul3A_210 : i32 to index
        %swap3A_215 = tpu.vector_load %arg29[%swap3A] {strides = array<i32>} : memref<1024xf32, #tpu.memory_space<vmem>>, vector<16xf32>,
        tpu.vector_store %arg29[%swap3A], %add3A_214 {strides = array<i32>} : memref<1024xf32, #tpu.memory_space<vmem>>, vector<16xf32>,
      }
      %scan3A_165 = arith.constant 64 : i32
      "tpu.region"() ({
        %run_scoped3A = tpu.sem_alloc : memref<!tpu.dma_semaphore, #tpu.memory_space<semaphore_mem>>
        %dma_start3A_208 = arith.constant 0 : i32
        %dma_start3A_209 = tpu.memref_slice %arg28[%dma_start3A_208] : memref<2048xf32, #tpu.memory_space<vmem>> -> memref<1024xf32, #tpu.memory_space<vmem>>
        %dma_start3A_210 = arith.constant 9216 : i32
        %dma_start3A_211 = tpu.memref_slice %arg32[%dma_start3A_210] : memref<16384xf32, #tpu.memory_space<vmem_shared>> -> memref<1024xf32, #tpu.memory_space<vmem_shared>>
        %dma_start3A_212 = arith.constant 0 : i32
        %dma_start3A_213 = tpu.memref_slice %arg28[%dma_start3A_212] : memref<2048xf32, #tpu.memory_space<vmem>> -> memref<1024xf32, #tpu.memory_space<vmem>>
        %dma_start3A_214 = arith.constant 9216 : i32
        %dma_start3A_215 = tpu.memref_slice %arg32[%dma_start3A_214] : memref<16384xf32, #tpu.memory_space<vmem_shared>> -> memref<1024xf32, #tpu.memory_space<vmem_shared>>
        tpu.enqueue_dma source(%dma_start3A_215 : memref<1024xf32, #tpu.memory_space<vmem_shared>>) target(%dma_start3A_213 : memref<1024xf32, #tpu.memory_space<vmem>>) target_semaphore(%run_scoped3A : memref<!tpu.dma_semaphore, #tpu.memory_space<semaphore_mem>>)
        %dma_wait3A_216 = arith.constant 0 : i32
        %dma_wait3A_217 = tpu.memref_slice %arg28[%dma_wait3A_216] : memref<2048xf32, #tpu.memory_space<vmem>> -> memref<1024xf32, #tpu.memory_space<vmem>>
        %dma_wait3A_218 = arith.constant 9216 : i32
        %dma_wait3A_219 = tpu.memref_slice %arg32[%dma_wait3A_218] : memref<16384xf32, #tpu.memory_space<vmem_shared>> -> memref<1024xf32, #tpu.memory_space<vmem_shared>>
        %dma_wait3A_220 = arith.constant 0 : i32
        %dma_wait3A_221 = tpu.memref_slice %arg28[%dma_wait3A_220] : memref<2048xf32, #tpu.memory_space<vmem>> -> memref<1024xf32, #tpu.memory_space<vmem>>
        %dma_wait3A_222 = arith.constant 9216 : i32
        %dma_wait3A_223 = tpu.memref_slice %arg32[%dma_wait3A_222] : memref<16384xf32, #tpu.memory_space<vmem_shared>> -> memref<1024xf32, #tpu.memory_space<vmem_shared>>
        tpu.wait_dma2 semaphore(%run_scoped3A : memref<!tpu.dma_semaphore, #tpu.memory_space<semaphore_mem>>) src(%dma_wait3A_223 : memref<1024xf32, #tpu.memory_space<vmem_shared>>) dst(%dma_wait3A_221 : memref<1024xf32, #tpu.memory_space<vmem>>)
        tpu.yield
      }) : () -> ()
      %scan3A_166 = arith.constant 0 : i32
      %scan3A_167 = arith.constant 0 : i32
      %scan3A_168 = arith.constant 64 : i32
      %scan3A_169 = arith.addi %scan3A_167, %scan3A_168 : i32
      %scan3A_170 = arith.constant 1 : i32
      scf.for %scan3A_208 = %scan3A_167 to %scan3A_169 step %scan3A_170  : i32 {
        %mul3A_209 = arith.constant 16 : i32
        %mul3A_210 = arith.muli %scan3A_208, %mul3A_209 : i32
        %get3A = arith.index_cast %mul3A_210 : i32 to index
        %get3A_211 = tpu.vector_load %arg29[%get3A] {strides = array<i32>} : memref<1024xf32, #tpu.memory_space<vmem>>, vector<16xf32>,
        %get3A_212 = arith.index_cast %mul3A_210 : i32 to index
        %get3A_213 = tpu.vector_load %arg28[%get3A_212] {strides = array<i32>} : memref<2048xf32, #tpu.memory_space<vmem>>, vector<16xf32>,
        %add3A_214 = arith.addf %get3A_211, %get3A_213 : vector<16xf32>
        %swap3A = arith.index_cast %mul3A_210 : i32 to index
        %swap3A_215 = tpu.vector_load %arg29[%swap3A] {strides = array<i32>} : memref<1024xf32, #tpu.memory_space<vmem>>, vector<16xf32>,
        tpu.vector_store %arg29[%swap3A], %add3A_214 {strides = array<i32>} : memref<1024xf32, #tpu.memory_space<vmem>>, vector<16xf32>,
      }
      %scan3A_171 = arith.constant 64 : i32
      "tpu.region"() ({
        %run_scoped3A = tpu.sem_alloc : memref<!tpu.dma_semaphore, #tpu.memory_space<semaphore_mem>>
        %dma_start3A_208 = arith.constant 0 : i32
        %dma_start3A_209 = tpu.memref_slice %arg28[%dma_start3A_208] : memref<2048xf32, #tpu.memory_space<vmem>> -> memref<1024xf32, #tpu.memory_space<vmem>>
        %dma_start3A_210 = arith.constant 10240 : i32
        %dma_start3A_211 = tpu.memref_slice %arg32[%dma_start3A_210] : memref<16384xf32, #tpu.memory_space<vmem_shared>> -> memref<1024xf32, #tpu.memory_space<vmem_shared>>
        %dma_start3A_212 = arith.constant 0 : i32
        %dma_start3A_213 = tpu.memref_slice %arg28[%dma_start3A_212] : memref<2048xf32, #tpu.memory_space<vmem>> -> memref<1024xf32, #tpu.memory_space<vmem>>
        %dma_start3A_214 = arith.constant 10240 : i32
        %dma_start3A_215 = tpu.memref_slice %arg32[%dma_start3A_214] : memref<16384xf32, #tpu.memory_space<vmem_shared>> -> memref<1024xf32, #tpu.memory_space<vmem_shared>>
        tpu.enqueue_dma source(%dma_start3A_215 : memref<1024xf32, #tpu.memory_space<vmem_shared>>) target(%dma_start3A_213 : memref<1024xf32, #tpu.memory_space<vmem>>) target_semaphore(%run_scoped3A : memref<!tpu.dma_semaphore, #tpu.memory_space<semaphore_mem>>)
        %dma_wait3A_216 = arith.constant 0 : i32
        %dma_wait3A_217 = tpu.memref_slice %arg28[%dma_wait3A_216] : memref<2048xf32, #tpu.memory_space<vmem>> -> memref<1024xf32, #tpu.memory_space<vmem>>
        %dma_wait3A_218 = arith.constant 10240 : i32
        %dma_wait3A_219 = tpu.memref_slice %arg32[%dma_wait3A_218] : memref<16384xf32, #tpu.memory_space<vmem_shared>> -> memref<1024xf32, #tpu.memory_space<vmem_shared>>
        %dma_wait3A_220 = arith.constant 0 : i32
        %dma_wait3A_221 = tpu.memref_slice %arg28[%dma_wait3A_220] : memref<2048xf32, #tpu.memory_space<vmem>> -> memref<1024xf32, #tpu.memory_space<vmem>>
        %dma_wait3A_222 = arith.constant 10240 : i32
        %dma_wait3A_223 = tpu.memref_slice %arg32[%dma_wait3A_222] : memref<16384xf32, #tpu.memory_space<vmem_shared>> -> memref<1024xf32, #tpu.memory_space<vmem_shared>>
        tpu.wait_dma2 semaphore(%run_scoped3A : memref<!tpu.dma_semaphore, #tpu.memory_space<semaphore_mem>>) src(%dma_wait3A_223 : memref<1024xf32, #tpu.memory_space<vmem_shared>>) dst(%dma_wait3A_221 : memref<1024xf32, #tpu.memory_space<vmem>>)
        tpu.yield
      }) : () -> ()
      %scan3A_172 = arith.constant 0 : i32
      %scan3A_173 = arith.constant 0 : i32
      %scan3A_174 = arith.constant 64 : i32
      %scan3A_175 = arith.addi %scan3A_173, %scan3A_174 : i32
      %scan3A_176 = arith.constant 1 : i32
      scf.for %scan3A_208 = %scan3A_173 to %scan3A_175 step %scan3A_176  : i32 {
        %mul3A_209 = arith.constant 16 : i32
        %mul3A_210 = arith.muli %scan3A_208, %mul3A_209 : i32
        %get3A = arith.index_cast %mul3A_210 : i32 to index
        %get3A_211 = tpu.vector_load %arg29[%get3A] {strides = array<i32>} : memref<1024xf32, #tpu.memory_space<vmem>>, vector<16xf32>,
        %get3A_212 = arith.index_cast %mul3A_210 : i32 to index
        %get3A_213 = tpu.vector_load %arg28[%get3A_212] {strides = array<i32>} : memref<2048xf32, #tpu.memory_space<vmem>>, vector<16xf32>,
        %add3A_214 = arith.addf %get3A_211, %get3A_213 : vector<16xf32>
        %swap3A = arith.index_cast %mul3A_210 : i32 to index
        %swap3A_215 = tpu.vector_load %arg29[%swap3A] {strides = array<i32>} : memref<1024xf32, #tpu.memory_space<vmem>>, vector<16xf32>,
        tpu.vector_store %arg29[%swap3A], %add3A_214 {strides = array<i32>} : memref<1024xf32, #tpu.memory_space<vmem>>, vector<16xf32>,
      }
      %scan3A_177 = arith.constant 64 : i32
      "tpu.region"() ({
        %run_scoped3A = tpu.sem_alloc : memref<!tpu.dma_semaphore, #tpu.memory_space<semaphore_mem>>
        %dma_start3A_208 = arith.constant 0 : i32
        %dma_start3A_209 = tpu.memref_slice %arg28[%dma_start3A_208] : memref<2048xf32, #tpu.memory_space<vmem>> -> memref<1024xf32, #tpu.memory_space<vmem>>
        %dma_start3A_210 = arith.constant 11264 : i32
        %dma_start3A_211 = tpu.memref_slice %arg32[%dma_start3A_210] : memref<16384xf32, #tpu.memory_space<vmem_shared>> -> memref<1024xf32, #tpu.memory_space<vmem_shared>>
        %dma_start3A_212 = arith.constant 0 : i32
        %dma_start3A_213 = tpu.memref_slice %arg28[%dma_start3A_212] : memref<2048xf32, #tpu.memory_space<vmem>> -> memref<1024xf32, #tpu.memory_space<vmem>>
        %dma_start3A_214 = arith.constant 11264 : i32
        %dma_start3A_215 = tpu.memref_slice %arg32[%dma_start3A_214] : memref<16384xf32, #tpu.memory_space<vmem_shared>> -> memref<1024xf32, #tpu.memory_space<vmem_shared>>
        tpu.enqueue_dma source(%dma_start3A_215 : memref<1024xf32, #tpu.memory_space<vmem_shared>>) target(%dma_start3A_213 : memref<1024xf32, #tpu.memory_space<vmem>>) target_semaphore(%run_scoped3A : memref<!tpu.dma_semaphore, #tpu.memory_space<semaphore_mem>>)
        %dma_wait3A_216 = arith.constant 0 : i32
        %dma_wait3A_217 = tpu.memref_slice %arg28[%dma_wait3A_216] : memref<2048xf32, #tpu.memory_space<vmem>> -> memref<1024xf32, #tpu.memory_space<vmem>>
        %dma_wait3A_218 = arith.constant 11264 : i32
        %dma_wait3A_219 = tpu.memref_slice %arg32[%dma_wait3A_218] : memref<16384xf32, #tpu.memory_space<vmem_shared>> -> memref<1024xf32, #tpu.memory_space<vmem_shared>>
        %dma_wait3A_220 = arith.constant 0 : i32
        %dma_wait3A_221 = tpu.memref_slice %arg28[%dma_wait3A_220] : memref<2048xf32, #tpu.memory_space<vmem>> -> memref<1024xf32, #tpu.memory_space<vmem>>
        %dma_wait3A_222 = arith.constant 11264 : i32
        %dma_wait3A_223 = tpu.memref_slice %arg32[%dma_wait3A_222] : memref<16384xf32, #tpu.memory_space<vmem_shared>> -> memref<1024xf32, #tpu.memory_space<vmem_shared>>
        tpu.wait_dma2 semaphore(%run_scoped3A : memref<!tpu.dma_semaphore, #tpu.memory_space<semaphore_mem>>) src(%dma_wait3A_223 : memref<1024xf32, #tpu.memory_space<vmem_shared>>) dst(%dma_wait3A_221 : memref<1024xf32, #tpu.memory_space<vmem>>)
        tpu.yield
      }) : () -> ()
      %scan3A_178 = arith.constant 0 : i32
      %scan3A_179 = arith.constant 0 : i32
      %scan3A_180 = arith.constant 64 : i32
      %scan3A_181 = arith.addi %scan3A_179, %scan3A_180 : i32
      %scan3A_182 = arith.constant 1 : i32
      scf.for %scan3A_208 = %scan3A_179 to %scan3A_181 step %scan3A_182  : i32 {
        %mul3A_209 = arith.constant 16 : i32
        %mul3A_210 = arith.muli %scan3A_208, %mul3A_209 : i32
        %get3A = arith.index_cast %mul3A_210 : i32 to index
        %get3A_211 = tpu.vector_load %arg29[%get3A] {strides = array<i32>} : memref<1024xf32, #tpu.memory_space<vmem>>, vector<16xf32>,
        %get3A_212 = arith.index_cast %mul3A_210 : i32 to index
        %get3A_213 = tpu.vector_load %arg28[%get3A_212] {strides = array<i32>} : memref<2048xf32, #tpu.memory_space<vmem>>, vector<16xf32>,
        %add3A_214 = arith.addf %get3A_211, %get3A_213 : vector<16xf32>
        %swap3A = arith.index_cast %mul3A_210 : i32 to index
        %swap3A_215 = tpu.vector_load %arg29[%swap3A] {strides = array<i32>} : memref<1024xf32, #tpu.memory_space<vmem>>, vector<16xf32>,
        tpu.vector_store %arg29[%swap3A], %add3A_214 {strides = array<i32>} : memref<1024xf32, #tpu.memory_space<vmem>>, vector<16xf32>,
      }
      %scan3A_183 = arith.constant 64 : i32
      "tpu.region"() ({
        %run_scoped3A = tpu.sem_alloc : memref<!tpu.dma_semaphore, #tpu.memory_space<semaphore_mem>>
        %dma_start3A_208 = arith.constant 0 : i32
        %dma_start3A_209 = tpu.memref_slice %arg28[%dma_start3A_208] : memref<2048xf32, #tpu.memory_space<vmem>> -> memref<1024xf32, #tpu.memory_space<vmem>>
        %dma_start3A_210 = arith.constant 12288 : i32
        %dma_start3A_211 = tpu.memref_slice %arg32[%dma_start3A_210] : memref<16384xf32, #tpu.memory_space<vmem_shared>> -> memref<1024xf32, #tpu.memory_space<vmem_shared>>
        %dma_start3A_212 = arith.constant 0 : i32
        %dma_start3A_213 = tpu.memref_slice %arg28[%dma_start3A_212] : memref<2048xf32, #tpu.memory_space<vmem>> -> memref<1024xf32, #tpu.memory_space<vmem>>
        %dma_start3A_214 = arith.constant 12288 : i32
        %dma_start3A_215 = tpu.memref_slice %arg32[%dma_start3A_214] : memref<16384xf32, #tpu.memory_space<vmem_shared>> -> memref<1024xf32, #tpu.memory_space<vmem_shared>>
        tpu.enqueue_dma source(%dma_start3A_215 : memref<1024xf32, #tpu.memory_space<vmem_shared>>) target(%dma_start3A_213 : memref<1024xf32, #tpu.memory_space<vmem>>) target_semaphore(%run_scoped3A : memref<!tpu.dma_semaphore, #tpu.memory_space<semaphore_mem>>)
        %dma_wait3A_216 = arith.constant 0 : i32
        %dma_wait3A_217 = tpu.memref_slice %arg28[%dma_wait3A_216] : memref<2048xf32, #tpu.memory_space<vmem>> -> memref<1024xf32, #tpu.memory_space<vmem>>
        %dma_wait3A_218 = arith.constant 12288 : i32
        %dma_wait3A_219 = tpu.memref_slice %arg32[%dma_wait3A_218] : memref<16384xf32, #tpu.memory_space<vmem_shared>> -> memref<1024xf32, #tpu.memory_space<vmem_shared>>
        %dma_wait3A_220 = arith.constant 0 : i32
        %dma_wait3A_221 = tpu.memref_slice %arg28[%dma_wait3A_220] : memref<2048xf32, #tpu.memory_space<vmem>> -> memref<1024xf32, #tpu.memory_space<vmem>>
        %dma_wait3A_222 = arith.constant 12288 : i32
        %dma_wait3A_223 = tpu.memref_slice %arg32[%dma_wait3A_222] : memref<16384xf32, #tpu.memory_space<vmem_shared>> -> memref<1024xf32, #tpu.memory_space<vmem_shared>>
        tpu.wait_dma2 semaphore(%run_scoped3A : memref<!tpu.dma_semaphore, #tpu.memory_space<semaphore_mem>>) src(%dma_wait3A_223 : memref<1024xf32, #tpu.memory_space<vmem_shared>>) dst(%dma_wait3A_221 : memref<1024xf32, #tpu.memory_space<vmem>>)
        tpu.yield
      }) : () -> ()
      %scan3A_184 = arith.constant 0 : i32
      %scan3A_185 = arith.constant 0 : i32
      %scan3A_186 = arith.constant 64 : i32
      %scan3A_187 = arith.addi %scan3A_185, %scan3A_186 : i32
      %scan3A_188 = arith.constant 1 : i32
      scf.for %scan3A_208 = %scan3A_185 to %scan3A_187 step %scan3A_188  : i32 {
        %mul3A_209 = arith.constant 16 : i32
        %mul3A_210 = arith.muli %scan3A_208, %mul3A_209 : i32
        %get3A = arith.index_cast %mul3A_210 : i32 to index
        %get3A_211 = tpu.vector_load %arg29[%get3A] {strides = array<i32>} : memref<1024xf32, #tpu.memory_space<vmem>>, vector<16xf32>,
        %get3A_212 = arith.index_cast %mul3A_210 : i32 to index
        %get3A_213 = tpu.vector_load %arg28[%get3A_212] {strides = array<i32>} : memref<2048xf32, #tpu.memory_space<vmem>>, vector<16xf32>,
        %add3A_214 = arith.addf %get3A_211, %get3A_213 : vector<16xf32>
        %swap3A = arith.index_cast %mul3A_210 : i32 to index
        %swap3A_215 = tpu.vector_load %arg29[%swap3A] {strides = array<i32>} : memref<1024xf32, #tpu.memory_space<vmem>>, vector<16xf32>,
        tpu.vector_store %arg29[%swap3A], %add3A_214 {strides = array<i32>} : memref<1024xf32, #tpu.memory_space<vmem>>, vector<16xf32>,
      }
      %scan3A_189 = arith.constant 64 : i32
      "tpu.region"() ({
        %run_scoped3A = tpu.sem_alloc : memref<!tpu.dma_semaphore, #tpu.memory_space<semaphore_mem>>
        %dma_start3A_208 = arith.constant 0 : i32
        %dma_start3A_209 = tpu.memref_slice %arg28[%dma_start3A_208] : memref<2048xf32, #tpu.memory_space<vmem>> -> memref<1024xf32, #tpu.memory_space<vmem>>
        %dma_start3A_210 = arith.constant 13312 : i32
        %dma_start3A_211 = tpu.memref_slice %arg32[%dma_start3A_210] : memref<16384xf32, #tpu.memory_space<vmem_shared>> -> memref<1024xf32, #tpu.memory_space<vmem_shared>>
        %dma_start3A_212 = arith.constant 0 : i32
        %dma_start3A_213 = tpu.memref_slice %arg28[%dma_start3A_212] : memref<2048xf32, #tpu.memory_space<vmem>> -> memref<1024xf32, #tpu.memory_space<vmem>>
        %dma_start3A_214 = arith.constant 13312 : i32
        %dma_start3A_215 = tpu.memref_slice %arg32[%dma_start3A_214] : memref<16384xf32, #tpu.memory_space<vmem_shared>> -> memref<1024xf32, #tpu.memory_space<vmem_shared>>
        tpu.enqueue_dma source(%dma_start3A_215 : memref<1024xf32, #tpu.memory_space<vmem_shared>>) target(%dma_start3A_213 : memref<1024xf32, #tpu.memory_space<vmem>>) target_semaphore(%run_scoped3A : memref<!tpu.dma_semaphore, #tpu.memory_space<semaphore_mem>>)
        %dma_wait3A_216 = arith.constant 0 : i32
        %dma_wait3A_217 = tpu.memref_slice %arg28[%dma_wait3A_216] : memref<2048xf32, #tpu.memory_space<vmem>> -> memref<1024xf32, #tpu.memory_space<vmem>>
        %dma_wait3A_218 = arith.constant 13312 : i32
        %dma_wait3A_219 = tpu.memref_slice %arg32[%dma_wait3A_218] : memref<16384xf32, #tpu.memory_space<vmem_shared>> -> memref<1024xf32, #tpu.memory_space<vmem_shared>>
        %dma_wait3A_220 = arith.constant 0 : i32
        %dma_wait3A_221 = tpu.memref_slice %arg28[%dma_wait3A_220] : memref<2048xf32, #tpu.memory_space<vmem>> -> memref<1024xf32, #tpu.memory_space<vmem>>
        %dma_wait3A_222 = arith.constant 13312 : i32
        %dma_wait3A_223 = tpu.memref_slice %arg32[%dma_wait3A_222] : memref<16384xf32, #tpu.memory_space<vmem_shared>> -> memref<1024xf32, #tpu.memory_space<vmem_shared>>
        tpu.wait_dma2 semaphore(%run_scoped3A : memref<!tpu.dma_semaphore, #tpu.memory_space<semaphore_mem>>) src(%dma_wait3A_223 : memref<1024xf32, #tpu.memory_space<vmem_shared>>) dst(%dma_wait3A_221 : memref<1024xf32, #tpu.memory_space<vmem>>)
        tpu.yield
      }) : () -> ()
      %scan3A_190 = arith.constant 0 : i32
      %scan3A_191 = arith.constant 0 : i32
      %scan3A_192 = arith.constant 64 : i32
      %scan3A_193 = arith.addi %scan3A_191, %scan3A_192 : i32
      %scan3A_194 = arith.constant 1 : i32
      scf.for %scan3A_208 = %scan3A_191 to %scan3A_193 step %scan3A_194  : i32 {
        %mul3A_209 = arith.constant 16 : i32
        %mul3A_210 = arith.muli %scan3A_208, %mul3A_209 : i32
        %get3A = arith.index_cast %mul3A_210 : i32 to index
        %get3A_211 = tpu.vector_load %arg29[%get3A] {strides = array<i32>} : memref<1024xf32, #tpu.memory_space<vmem>>, vector<16xf32>,
        %get3A_212 = arith.index_cast %mul3A_210 : i32 to index
        %get3A_213 = tpu.vector_load %arg28[%get3A_212] {strides = array<i32>} : memref<2048xf32, #tpu.memory_space<vmem>>, vector<16xf32>,
        %add3A_214 = arith.addf %get3A_211, %get3A_213 : vector<16xf32>
        %swap3A = arith.index_cast %mul3A_210 : i32 to index
        %swap3A_215 = tpu.vector_load %arg29[%swap3A] {strides = array<i32>} : memref<1024xf32, #tpu.memory_space<vmem>>, vector<16xf32>,
        tpu.vector_store %arg29[%swap3A], %add3A_214 {strides = array<i32>} : memref<1024xf32, #tpu.memory_space<vmem>>, vector<16xf32>,
      }
      %scan3A_195 = arith.constant 64 : i32
      "tpu.region"() ({
        %run_scoped3A = tpu.sem_alloc : memref<!tpu.dma_semaphore, #tpu.memory_space<semaphore_mem>>
        %dma_start3A_208 = arith.constant 0 : i32
        %dma_start3A_209 = tpu.memref_slice %arg28[%dma_start3A_208] : memref<2048xf32, #tpu.memory_space<vmem>> -> memref<1024xf32, #tpu.memory_space<vmem>>
        %dma_start3A_210 = arith.constant 14336 : i32
        %dma_start3A_211 = tpu.memref_slice %arg32[%dma_start3A_210] : memref<16384xf32, #tpu.memory_space<vmem_shared>> -> memref<1024xf32, #tpu.memory_space<vmem_shared>>
        %dma_start3A_212 = arith.constant 0 : i32
        %dma_start3A_213 = tpu.memref_slice %arg28[%dma_start3A_212] : memref<2048xf32, #tpu.memory_space<vmem>> -> memref<1024xf32, #tpu.memory_space<vmem>>
        %dma_start3A_214 = arith.constant 14336 : i32
        %dma_start3A_215 = tpu.memref_slice %arg32[%dma_start3A_214] : memref<16384xf32, #tpu.memory_space<vmem_shared>> -> memref<1024xf32, #tpu.memory_space<vmem_shared>>
        tpu.enqueue_dma source(%dma_start3A_215 : memref<1024xf32, #tpu.memory_space<vmem_shared>>) target(%dma_start3A_213 : memref<1024xf32, #tpu.memory_space<vmem>>) target_semaphore(%run_scoped3A : memref<!tpu.dma_semaphore, #tpu.memory_space<semaphore_mem>>)
        %dma_wait3A_216 = arith.constant 0 : i32
        %dma_wait3A_217 = tpu.memref_slice %arg28[%dma_wait3A_216] : memref<2048xf32, #tpu.memory_space<vmem>> -> memref<1024xf32, #tpu.memory_space<vmem>>
        %dma_wait3A_218 = arith.constant 14336 : i32
        %dma_wait3A_219 = tpu.memref_slice %arg32[%dma_wait3A_218] : memref<16384xf32, #tpu.memory_space<vmem_shared>> -> memref<1024xf32, #tpu.memory_space<vmem_shared>>
        %dma_wait3A_220 = arith.constant 0 : i32
        %dma_wait3A_221 = tpu.memref_slice %arg28[%dma_wait3A_220] : memref<2048xf32, #tpu.memory_space<vmem>> -> memref<1024xf32, #tpu.memory_space<vmem>>
        %dma_wait3A_222 = arith.constant 14336 : i32
        %dma_wait3A_223 = tpu.memref_slice %arg32[%dma_wait3A_222] : memref<16384xf32, #tpu.memory_space<vmem_shared>> -> memref<1024xf32, #tpu.memory_space<vmem_shared>>
        tpu.wait_dma2 semaphore(%run_scoped3A : memref<!tpu.dma_semaphore, #tpu.memory_space<semaphore_mem>>) src(%dma_wait3A_223 : memref<1024xf32, #tpu.memory_space<vmem_shared>>) dst(%dma_wait3A_221 : memref<1024xf32, #tpu.memory_space<vmem>>)
        tpu.yield
      }) : () -> ()
      %scan3A_196 = arith.constant 0 : i32
      %scan3A_197 = arith.constant 0 : i32
      %scan3A_198 = arith.constant 64 : i32
      %scan3A_199 = arith.addi %scan3A_197, %scan3A_198 : i32
      %scan3A_200 = arith.constant 1 : i32
      scf.for %scan3A_208 = %scan3A_197 to %scan3A_199 step %scan3A_200  : i32 {
        %mul3A_209 = arith.constant 16 : i32
        %mul3A_210 = arith.muli %scan3A_208, %mul3A_209 : i32
        %get3A = arith.index_cast %mul3A_210 : i32 to index
        %get3A_211 = tpu.vector_load %arg29[%get3A] {strides = array<i32>} : memref<1024xf32, #tpu.memory_space<vmem>>, vector<16xf32>,
        %get3A_212 = arith.index_cast %mul3A_210 : i32 to index
        %get3A_213 = tpu.vector_load %arg28[%get3A_212] {strides = array<i32>} : memref<2048xf32, #tpu.memory_space<vmem>>, vector<16xf32>,
        %add3A_214 = arith.addf %get3A_211, %get3A_213 : vector<16xf32>
        %swap3A = arith.index_cast %mul3A_210 : i32 to index
        %swap3A_215 = tpu.vector_load %arg29[%swap3A] {strides = array<i32>} : memref<1024xf32, #tpu.memory_space<vmem>>, vector<16xf32>,
        tpu.vector_store %arg29[%swap3A], %add3A_214 {strides = array<i32>} : memref<1024xf32, #tpu.memory_space<vmem>>, vector<16xf32>,
      }
      %scan3A_201 = arith.constant 64 : i32
      "tpu.region"() ({
        %run_scoped3A = tpu.sem_alloc : memref<!tpu.dma_semaphore, #tpu.memory_space<semaphore_mem>>
        %dma_start3A_208 = arith.constant 0 : i32
        %dma_start3A_209 = tpu.memref_slice %arg28[%dma_start3A_208] : memref<2048xf32, #tpu.memory_space<vmem>> -> memref<1024xf32, #tpu.memory_space<vmem>>
        %dma_start3A_210 = arith.constant 15360 : i32
        %dma_start3A_211 = tpu.memref_slice %arg32[%dma_start3A_210] : memref<16384xf32, #tpu.memory_space<vmem_shared>> -> memref<1024xf32, #tpu.memory_space<vmem_shared>>
        %dma_start3A_212 = arith.constant 0 : i32
        %dma_start3A_213 = tpu.memref_slice %arg28[%dma_start3A_212] : memref<2048xf32, #tpu.memory_space<vmem>> -> memref<1024xf32, #tpu.memory_space<vmem>>
        %dma_start3A_214 = arith.constant 15360 : i32
        %dma_start3A_215 = tpu.memref_slice %arg32[%dma_start3A_214] : memref<16384xf32, #tpu.memory_space<vmem_shared>> -> memref<1024xf32, #tpu.memory_space<vmem_shared>>
        tpu.enqueue_dma source(%dma_start3A_215 : memref<1024xf32, #tpu.memory_space<vmem_shared>>) target(%dma_start3A_213 : memref<1024xf32, #tpu.memory_space<vmem>>) target_semaphore(%run_scoped3A : memref<!tpu.dma_semaphore, #tpu.memory_space<semaphore_mem>>)
        %dma_wait3A_216 = arith.constant 0 : i32
        %dma_wait3A_217 = tpu.memref_slice %arg28[%dma_wait3A_216] : memref<2048xf32, #tpu.memory_space<vmem>> -> memref<1024xf32, #tpu.memory_space<vmem>>
        %dma_wait3A_218 = arith.constant 15360 : i32
        %dma_wait3A_219 = tpu.memref_slice %arg32[%dma_wait3A_218] : memref<16384xf32, #tpu.memory_space<vmem_shared>> -> memref<1024xf32, #tpu.memory_space<vmem_shared>>
        %dma_wait3A_220 = arith.constant 0 : i32
        %dma_wait3A_221 = tpu.memref_slice %arg28[%dma_wait3A_220] : memref<2048xf32, #tpu.memory_space<vmem>> -> memref<1024xf32, #tpu.memory_space<vmem>>
        %dma_wait3A_222 = arith.constant 15360 : i32
        %dma_wait3A_223 = tpu.memref_slice %arg32[%dma_wait3A_222] : memref<16384xf32, #tpu.memory_space<vmem_shared>> -> memref<1024xf32, #tpu.memory_space<vmem_shared>>
        tpu.wait_dma2 semaphore(%run_scoped3A : memref<!tpu.dma_semaphore, #tpu.memory_space<semaphore_mem>>) src(%dma_wait3A_223 : memref<1024xf32, #tpu.memory_space<vmem_shared>>) dst(%dma_wait3A_221 : memref<1024xf32, #tpu.memory_space<vmem>>)
        tpu.yield
      }) : () -> ()
      %scan3A_202 = arith.constant 0 : i32
      %scan3A_203 = arith.constant 0 : i32
      %scan3A_204 = arith.constant 64 : i32
      %scan3A_205 = arith.addi %scan3A_203, %scan3A_204 : i32
      %scan3A_206 = arith.constant 1 : i32
      scf.for %scan3A_208 = %scan3A_203 to %scan3A_205 step %scan3A_206  : i32 {
        %mul3A_209 = arith.constant 16 : i32
        %mul3A_210 = arith.muli %scan3A_208, %mul3A_209 : i32
        %get3A = arith.index_cast %mul3A_210 : i32 to index
        %get3A_211 = tpu.vector_load %arg29[%get3A] {strides = array<i32>} : memref<1024xf32, #tpu.memory_space<vmem>>, vector<16xf32>,
        %get3A_212 = arith.index_cast %mul3A_210 : i32 to index
        %get3A_213 = tpu.vector_load %arg28[%get3A_212] {strides = array<i32>} : memref<2048xf32, #tpu.memory_space<vmem>>, vector<16xf32>,
        %add3A_214 = arith.addf %get3A_211, %get3A_213 : vector<16xf32>
        %swap3A = arith.index_cast %mul3A_210 : i32 to index
        %swap3A_215 = tpu.vector_load %arg29[%swap3A] {strides = array<i32>} : memref<1024xf32, #tpu.memory_space<vmem>>, vector<16xf32>,
        tpu.vector_store %arg29[%swap3A], %add3A_214 {strides = array<i32>} : memref<1024xf32, #tpu.memory_space<vmem>>, vector<16xf32>,
      }
      %scan3A_207 = arith.constant 64 : i32
      "tpu.region"() ({
        %run_scoped3A = tpu.sem_alloc : memref<!tpu.dma_semaphore, #tpu.memory_space<semaphore_mem>>
        %dma_start3A_208 = arith.constant 0 : i32
        %dma_start3A_209 = tpu.memref_slice %arg9[%arg0, %dma_start3A_208] : memref<2x1024xf32, #tpu.memory_space<hbm>> -> memref<1x1024xf32, #tpu.memory_space<hbm>>
        %dma_start3A_210 = tpu.memref_squeeze %dma_start3A_209 : memref<1x1024xf32, #tpu.memory_space<hbm>> -> memref<1024xf32, #tpu.memory_space<hbm>>
        %dma_start3A_211 = arith.constant 0 : i32
        %dma_start3A_212 = tpu.memref_slice %arg9[%arg0, %dma_start3A_211] : memref<2x1024xf32, #tpu.memory_space<hbm>> -> memref<1x1024xf32, #tpu.memory_space<hbm>>
        %dma_start3A_213 = tpu.memref_squeeze %dma_start3A_212 : memref<1x1024xf32, #tpu.memory_space<hbm>> -> memref<1024xf32, #tpu.memory_space<hbm>>
        tpu.enqueue_dma source(%arg29 : memref<1024xf32, #tpu.memory_space<vmem>>) target(%dma_start3A_213 : memref<1024xf32, #tpu.memory_space<hbm>>) target_semaphore(%run_scoped3A : memref<!tpu.dma_semaphore, #tpu.memory_space<semaphore_mem>>)
        %dma_wait3A_214 = arith.constant 0 : i32
        %dma_wait3A_215 = tpu.memref_slice %arg9[%arg0, %dma_wait3A_214] : memref<2x1024xf32, #tpu.memory_space<hbm>> -> memref<1x1024xf32, #tpu.memory_space<hbm>>
        %dma_wait3A_216 = tpu.memref_squeeze %dma_wait3A_215 : memref<1x1024xf32, #tpu.memory_space<hbm>> -> memref<1024xf32, #tpu.memory_space<hbm>>
        %dma_wait3A_217 = arith.constant 0 : i32
        %dma_wait3A_218 = tpu.memref_slice %arg9[%arg0, %dma_wait3A_217] : memref<2x1024xf32, #tpu.memory_space<hbm>> -> memref<1x1024xf32, #tpu.memory_space<hbm>>
        %dma_wait3A_219 = tpu.memref_squeeze %dma_wait3A_218 : memref<1x1024xf32, #tpu.memory_space<hbm>> -> memref<1024xf32, #tpu.memory_space<hbm>>
        tpu.wait_dma2 semaphore(%run_scoped3A : memref<!tpu.dma_semaphore, #tpu.memory_space<semaphore_mem>>) src(%arg29 : memref<1024xf32, #tpu.memory_space<vmem>>) dst(%dma_wait3A_219 : memref<1024xf32, #tpu.memory_space<hbm>>)
        tpu.yield
      }) : () -> ()
    } else {
    }
    return
  }
}

</mosaic_0001>

<sc_bundles>
// kernel: kernel.3.cloned.1.call-start
scs
__scs_entry_jumppad:
0x0: {  	(pc) =	sbr.rel $0x88, $3  }
0x1: {  	(tag) =	ssettag $0x0;
	lr =	simm.s32 $0x1  }
0x2: {  	[smem:$0x3F9C] =	sst lr;
	_ =	strace $0xD0000000  }
0x3: {  	_ = 	snop  }
0x4: {  	_ = 	snop  }
0x5: {  	_ = 	snop  }
0x6: {  	_ = 	snop  }
0x7: {  	_ = 	snop  }
__scs_overlays_trampoline_lowered:
0x8: {  	[smem:$0x3FAB] =	sst s0  }
0x9: {  	[smem:$0x3FAC] =	sst s1  }
0xa: {  	[smem:$0x3FAD] =	sst s2  }
0xb: {  	[smem:$0x3FAE] =	sst s3  }
0xc: {  	[smem:$0x3FAF] =	sst s4  }
0xd: {  	[smem:$0x3FB0] =	sst s5  }
0xe: {  	[smem:$0x3FB1] =	sst s6  }
0xf: {  	[smem:$0x3FB2] =	sst s7  }
0x10: {  	[smem:$0x3FB3] =	sst s8  }
0x11: {  	[smem:$0x3FB4] =	sst s9;
	s0 =	simm.s32 @!p0 $0x0  }
0x12: {  	s1 =	sld [smem:$0x3F9A];
	s0 =	simm.s32 @p0 $0x1  }
0x13: {  	[smem:$0x3FB5] =	sst s0;
	s0 =	simm.s32 @!p1 $0x0  }
0x14: {  	s2 =	sld [smem:$0x3F99];
	s0 =	simm.s32 @p1 $0x1  }
0x15: {  	[smem:$0x3FB6] =	sst s0;
	s0 =	simm.s32 @!p2 $0x0  }
0x16: {  	s3 =	sld [smem:$0x3FDB];
	s0 =	simm.s32 @p2 $0x1  }
0x17: {  	s4 =	simm.s32 $0x1BF5;
	[smem:$0x3FB8] =	sst s0  }
0x18: {  	s0 =	sld [smem:$0x3F9B];
	_ =	swait.ge [sflag:s4], $0x0  }
0x19: {  	s7 =	sld [smem:$0x3F9C]  }
0x1a: {  	s8 =	sadd.s32 $0xFFFFE003, lr  }
0x1b: {  	s9 =	sadd.s32 $0xFFFFFEF7, lr;
	s5 =	simm.s32 $0xFFFFFFFF;
	p2 =	slt.u32 s8, $0xFFFFF086  }
0x1c: {  	p1 =	slt.u32 s9, $0xF7A;
	s5 =	simm.s32 @!p2 $0x0  }
0x1d: {  	s5 =	simm.s32 @p1 $0x1;
	p0 =	seq.s32 s7, s2  }
0x1e: {  	s7 =	smul.u32 @!p0 $0xF7A, s2;
	p2 =	seq.s32 @!p0 s5, $0x0  }
0x1f: {  	s9 =	smul.u32 $0xF7A, s1;
	s8 =	simm.s32 @!p0 $0x1BF5;
	p2 =	por !p2, p0  }
0x20: {  	[sflag:s8] =	ssyncset.s32 @!p0 $0xFFFFF086;
	s6 =	sadd.s32 @!p0 s3, s7;
	s7 =	simm.s32 @!p0 $0x108  }
0x21: {  	s3 =	sadd.s32 s3, s9;
	s6 =	sadd.s32 @!p0 $0x88, s6;
	s7 =	simm.s32 @p2 $0x1082  }
0x22: {  	[simem:s7], [sflag:s8] =	dma.local @!p0 [hbm:s6], $0xF7A  }
0x23: {  	s9 =	sor.u32 $0xD0000000, s2;
	s6 =	simm.s32 $0x108;
	_ =	swait.ge @!p0 [sflag:s8], $0x0  }
0x24: {  	s3 =	sadd.s32 $0x88, s3;
	s6 =	simm.s32 @!p1 $0x1082;
	[sflag:s4] =	ssyncset.s32 $0xFFFFF086  }
0x25: {  	[simem:s6], [sflag:s4] =	dma.local [hbm:s3], $0xF7A  }
0x26: {  	[smem:$0x3F9C] =	sst s1;
	(tag) =	ssettag s2;
	_ =	strace s9  }
0x27: {  	s1 =	sld [smem:$0x3FAC]  }
0x28: {  	s2 =	sld [smem:$0x3FAD]  }
0x29: {  	s4 =	sld [smem:$0x3FAF]  }
0x2a: {  	p0 =	seq.s32 s5, $0x0;
	s5 =	sld [smem:$0x3FB0]  }
0x2b: {  	s6 =	sld [smem:$0x3FB1]  }
0x2c: {  	s7 =	sld [smem:$0x3FB2]  }
0x2d: {  	s3 =	simm.s32 $0x108;
	s8 =	sld [smem:$0x3FB3]  }
0x2e: {  	s3 =	simm.s32 @!p0 $0x1082;
	s9 =	sld [smem:$0x3FB4]  }
0x2f: {  	lr =	sadd.s32 s0, s3;
	s0 =	sld [smem:$0x3FAB]  }
0x30: {  	s3 =	sld [smem:$0x3FAE]  }
0x31: {  	[smem:$0x3FB7] =	sst s10  }
0x32: {  	s10 =	sld [smem:$0x3FB5];
	_ =	sdelay $0x3  }
0x33: {  	p0 =	seq.s32 s10, $0x1;
	s10 =	sld [smem:$0x3FB7];
	_ =	sdelay $0x3  }
0x34: {  	[smem:$0x3FB7] =	sst s10  }
0x35: {  	s10 =	sld [smem:$0x3FB6];
	_ =	sdelay $0x3  }
0x36: {  	p1 =	seq.s32 s10, $0x1;
	s10 =	sld [smem:$0x3FB7];
	_ =	sdelay $0x3  }
0x37: {  	[smem:$0x3FB7] =	sst s10  }
0x38: {  	s10 =	sld [smem:$0x3FB8]  }
0x39: {  	_ = 	snop;
	(pc) =	sbr.ind lr, $3  }
0x3a: {  	_ = 	snop  }
0x3b: {  	_ = 	snop  }
0x3c: {  	p2 =	seq.s32 s10, $0x1;
	s10 =	sld [smem:$0x3FB7]  }
0x3d: {  	_ =	shalt  }
0x3e: {  	_ =	shalt  }
0x3f: {  	_ =	shalt  }
0x40: {  	_ =	shalt  }
0x41: {  	_ =	shalt  }
0x42: {  	_ =	shalt  }
0x43: {  	_ =	shalt  }
0x44: {  	_ =	shalt  }
0x45: {  	_ =	shalt  }
0x46: {  	_ =	shalt  }
0x47: {  	_ =	shalt  }
0x48: {  	_ =	shalt  }
0x49: {  	_ =	shalt  }
0x4a: {  	_ =	shalt  }
0x4b: {  	_ =	shalt  }
0x4c: {  	_ =	shalt  }
0x4d: {  	_ =	shalt  }
0x4e: {  	_ =	shalt  }
0x4f: {  	_ =	shalt  }
0x50: {  	_ =	shalt  }
0x51: {  	_ =	shalt  }
0x52: {  	_ =	shalt  }
0x53: {  	_ =	shalt  }
0x54: {  	_ =	shalt  }
0x55: {  	_ =	shalt  }
0x56: {  	_ =	shalt  }
0x57: {  	_ =	shalt  }
0x58: {  	_ =	shalt  }
0x59: {  	_ =	shalt  }
0x5a: {  	_ =	shalt  }
0x5b: {  	_ =	shalt  }
0x5c: {  	_ =	shalt  }
0x5d: {  	_ =	shalt  }
0x5e: {  	_ =	shalt  }
0x5f: {  	_ =	shalt  }
0x60: {  	_ =	shalt  }
0x61: {  	_ =	shalt  }
0x62: {  	_ =	shalt  }
0x63: {  	_ =	shalt  }
0x64: {  	_ =	shalt  }
0x65: {  	_ =	shalt  }
0x66: {  	_ =	shalt  }
0x67: {  	_ =	shalt  }
0x68: {  	_ =	shalt  }
0x69: {  	_ =	shalt  }
0x6a: {  	_ =	shalt  }
0x6b: {  	_ =	shalt  }
0x6c: {  	_ =	shalt  }
0x6d: {  	_ =	shalt  }
0x6e: {  	_ =	shalt  }
0x6f: {  	_ =	shalt  }
0x70: {  	_ =	shalt  }
0x71: {  	_ =	shalt  }
0x72: {  	_ =	shalt  }
0x73: {  	_ =	shalt  }
0x74: {  	_ =	shalt  }
0x75: {  	_ =	shalt  }
0x76: {  	_ =	shalt  }
0x77: {  	_ =	shalt  }
0x78: {  	_ =	shalt  }
0x79: {  	_ =	shalt  }
0x7a: {  	_ =	shalt  }
0x7b: {  	_ =	shalt  }
0x7c: {  	_ =	shalt  }
0x7d: {  	_ =	shalt  }
0x7e: {  	_ =	shalt  }
0x7f: {  	_ =	shalt  }
0x80: {  	_ =	shalt  }
0x81: {  	_ =	shalt  }
0x82: {  	_ =	shalt  }
0x83: {  	_ =	shalt  }
0x84: {  	_ =	shalt  }
0x85: {  	_ =	shalt  }
0x86: {  	_ =	shalt  }
0x87: {  	_ =	shalt  }
.Lfunc_end0:
.L_simem_size_0:
called_computation_lowered:
.L_overlay_start_0:
0x88: {  	s2 =	sld [smem:$0x3FD9]  }
0x89: {  	s3 =	sld [smem:$0x3FFE];
	_ =	sdelay $0x1  }
0x8a: {  	s1 =	srdreg.scid  }
0x8b: {  	s0 =	sand.u32 $0x1, s1  }
0x8c: {  	s17 =	sshll.u32 s0, $0xA;
	s2 =	sadd.s32 s3, s2  }
0x8d: {  	s2 =	sadd.s32 s2, s17  }
0x8e: {  	[smem:$0x3FC3] =	sst s2  }
0x8f: {  	_ = 	snop  }
0x90: {  	s2 =	sld [smem:$0x3FC7]  }
0x91: {  	s18 =	sld [smem:$0x3FC6];
	(tm) =	ssettm $0x1  }
0x92: {  	s4 =	sld [smem:$0x3FFB];
	_ =	sdelay $0x3  }
0x93: {  	_ =	strace s4  }
0x94: {  	s4 =	sld [smem:$0x3FFC];
	_ =	sdelay $0x3  }
0x95: {  	_ =	strace s4  }
0x96: {  	s4 =	sld [smem:$0x3FFD];
	_ =	sdelay $0x3  }
0x97: {  	_ =	strace s4  }
0x98: {  	_ =	strace $0x8FFFFFFF  }
0x99: {  	s19 =	sld [smem:$0x3FDB];
	_ =	sdelay $0x1  }
0x9a: {  	s5 =	simm.s32 $_scs_section_size  }
0x9b: {  	s6 =	simm.s32 $_size__tile_overlayer_lowered;
	s7 =	simm.s32 $_tile_overlayer_lowered  }
0x9c: {  	s22 =	simm.s32 $0x1BFF;
	s21 =	sshll.u32 s7, $0x1;
	s4 =	sadd.s32 s5, s19  }
0x9d: {  	s8 =	simm.s32 $0x0;
	s20 =	sshll.u32 s6, $0x1;
	s6 =	sadd.s32 s21, s4  }
0x9e: {  	[timem:s8], [sflag:s22] =	dma.local [hbm:s6], s20  }
0x9f: {  	_ =	swait.ge [sflag:s22], s20  }
0xa0: {  	s5 =	ssub.s32 $0x0, s20;
	[sflag:s22] =	ssyncset.done $0x0  }
0xa1: {  	[sflag:s22] =	ssyncadd.s32 s5;
	_ =	sdelay $0x1  }
0xa2: {  	s23 =	simm.s32 $0x1B8B  }
0xa3: {  	_ =	swait.ge [sflag:s23], $0x1  }
0xa4: {  	[sflag:s23] =	ssyncset.done $0x0  }
0xa5: {  	s25 =	simm.s32 $0x1B8E;
	s24 =	sld [smem:$0x3FFE];
	[sflag:s23] =	ssyncadd.s32 $0xFFFFFFFF  }
0xa6: {  	s26 =	simm.s32 $execute0_lowered;
	[smem:$0x3FD2] =	sst s25  }
0xa7: {  	s6 =	sshll.u32 s26, $0x1;
	_ =	strace $0x80000046;
	[dreg:$0x1] =	wrdreg $0xFFFFFFFF  }
0xa8: {  	s28 =	simm.s32 $_size_execute0_lowered;
	s4 =	sadd.s32 s4, s6;
	[dreg:$0x0] =	wrdreg $0x0  }
0xa9: {  	s6 =	sshll.u32 s28, $0x1;
	[dreg:$0x2] =	wrdreg s4  }
0xaa: {  	[dreg:$0x3] =	wrdreg s6  }
0xab: {  	[dreg:$0x4] =	wrdreg $0xC0  }
0xac: {  	_ =	task [dreg:s8], $0x5FFFF  }
0xad: {  	[dreg:$0x1] =	wrdreg $0xFFFFFFFF  }
0xae: {  	[dreg:$0x0] =	wrdreg $0x60  }
0xaf: {  	[dreg:$0x2] =	wrdreg s24  }
0xb0: {  	[dreg:$0x3] =	wrdreg s2  }
0xb1: {  	[dreg:$0x4] =	wrdreg s18  }
0xb2: {  	[dreg:$0x5] =	wrdreg $0x114000  }
0xb3: {  	[dreg:$0x6] =	wrdreg $0x12C800  }
0xb4: {  	[dreg:$0x7] =	wrdreg $0x1F0800  }
0xb5: {  	[dreg:$0x8] =	wrdreg $0x9  }
0xb6: {  	_ =	task.clear_ibuf [dreg:s8], $0x9FFFF;
	_ =	strace $0x90000046  }
0xb7: {  	s29 =	simm.s32 $0x9;
	_ =	strace $0x80000048  }
0xb8: {  	_ =	swait.ge [sflag:s29], $0x1  }
0xb9: {  	[sflag:s29] =	ssyncadd.s32 $0xFFFFFFFF  }
0xba: {  	_ =	strace $0x90000048  }
0xbb: {  	_ =	sfence  }
0xbc: {  	s30 =	sld [smem:$0x0];
	_ =	sdelay $0x2  }
0xbd: {  	s31 =	sshll.u32 s1, $0xD;
	s1 =	sshrl.u32 s1, $0x2  }
0xbe: {  	s3 =	sand.u32 $0x4000, s31;
	s1 =	sadd.s32 s1, s30  }
0xbf: {  	s0 =	sor.u32 s3, s0;
	s1 =	sshll.u32 s1, $0x11  }
0xc0: {  	s0 =	sor.u32 s1, s0  }
0xc1: {  	s0 =	sadd.s32 $0x8F2B, s0  }
0xc2: {  	[sflag:s0] =	ssyncadd.remote.s32 $0x1  }
0xc3: {  	_ =	sfence.sel $0xFFFF  }
0xc4: {  	[dreg:$0x0] =	wrdreg $0xFFFFFFFF;
	(pc) =	sbr.abs _section_cstart, $3  }
0xc5: {  	[dreg:$0x1] =	wrdreg $0xFFFFFFFF  }
0xc6: {  	_ =	task.clear_ibuf [dreg:s8], $0x2FFFF;
	_ =	strace $0x9FFFFFFF  }
0xc7: {  	(tm) =	ssettm $0x7FFFFFFF  }
tec
execute0_lowered:
.L_overlay_start_1:
0x0: {  	(tag) =	ssettag $0x1  }
0x1: {  	s0 =	rddreg [dreg:$0x0]  }
0x2: {  	s1 =	rddreg [dreg:$0x1]  }
0x3: {  	s2 =	rddreg [dreg:$0x2]  }
0x4: {  	s4 =	rddreg [dreg:$0x3]  }
0x5: {  	s3 =	rddreg [dreg:$0x4]  }
0x6: {  	s24 =	rddreg [dreg:$0x5];
	s20 =	stileid.u32  }
0x7: {  	s6 =	simm.s32 $0x0;
	s8 =	srdreg.scid;
	s5 =	smul.u32 $0x1880, s20  }
0x8: {  	[smem:$0x7FF] =	sst s6;
	s10 =	sand.u32 $0x1, s8;
	s8 =	sadd.s32 $0x62200, s0  }
0x9: {  	s12 =	sadd.s32 $0x128C00, s0;
	s15 =	sand.u32 $0x7, s20;
	s16 =	sshll.u32 s20, $0x6  }
0xa: {  	s25 =	sshll.u32 s20, $0x8;
	_ =	strace $0x80000047;
	s11 =	sshll.u32 s10, $0x4  }
0xb: {  	s10 =	ssub.s32 $0x2, s10;
	s22 =	sor.u32 $0x1C05, s16;
	s16 =	sadd.s32 s12, s25  }
0xc: {  	s30 =	smul.u32 $0x62000, s15;
	s15 =	sadd.s32 $0x600, s0;
	s7 =	sshrl.u32 s5, $0x3  }
0xd: {  	s13 =	sadd.s32 s11, s0;
	s14 =	sshrl.u32 s10, $0x1;
	[dreg:$0x8] =	wrdreg s22  }
0xe: {  	s19 =	sor.u32 s20, s11;
	[dreg:$0x9] =	wrdreg s16;
	s9 =	sadd.s32 s7, s0  }
0xf: {  	s7 =	sadd.s32 $0xC3E00, s0;
	s10 =	ssub.s32 s10, s14;
	s0 =	sadd.s32 $0x12BC00, s0  }
0x10: {  	s14 =	sshll.u32 s20, $0xB;
	s13 =	sadd.s32 $0x12BE00, s13;
	[smem:$0x7D5] =	sst s0  }
0x11: {  	s9 =	sadd.s32 $0x125A00, s9;
	s17 =	sor.u32 $0x8000, s14;
	[smem:$0x7D6] =	sst s13  }
0x12: {  	s18 =	sor.u32 $0x10000, s14;
	[dreg:$0x7] =	wrdreg s9;
	s26 =	sshrl.u32 s17, $0x3  }
0x13: {  	s9 =	smul.u32 $0x186A0, s19;
	s19 =	sshrl.u32 s18, $0x3;
	s16 =	sadd.s32 s12, s26  }
0x14: {  	s12 =	sadd.s32 s12, s19;
	[dreg:$0xa] =	wrdreg s16  }
0x15: {  	s21 =	smul.u32 $0x62000, s20;
	s26 =	sadd.s32 $0x18000, s3;
	[dreg:$0xb] =	wrdreg s12  }
0x16: {  	s0 =	sshll.u32 s20, $0xA;
	s19 =	sadd.s32 $0x92800, s3;
	[dreg:$0x14] =	wrdreg s26  }
0x17: {  	s16 =	sshrl.u32 s30, $0x2;
	s30 =	sadd.s32 $0x49000, s3;
	[dreg:$0x19] =	wrdreg s19  }
0x18: {  	s29 =	sshrl.u32 s9, $0x3;
	s19 =	sadd.s32 s0, s24;
	[dreg:$0x16] =	wrdreg s30  }
0x19: {  	s31 =	sadd.s32 s1, s29;
	[smem:$0x7D9] =	sst s19  }
0x1a: {  	s23 =	sshrl.u32 s21, $0x2;
	s21 =	sadd.s32 s2, s29;
	[dreg:$0xc] =	wrdreg s31  }
0x1b: {  	s11 =	sadd.s32 s23, s3;
	s22 =	sadd.s32 s7, s29;
	[dreg:$0xd] =	wrdreg s21  }
0x1c: {  	s23 =	sadd.s32 s8, s29;
	s25 =	sadd.s32 s15, s29;
	[dreg:$0xe] =	wrdreg s22  }
0x1d: {  	s12 =	sadd.s32 $0x1F4, s29;
	s29 =	sadd.s32 $0x30800, s3;
	[dreg:$0xf] =	wrdreg s23  }
0x1e: {  	[dreg:$0x10] =	wrdreg s25;
	s21 =	sadd.s32 s16, s3;
	s22 =	sadd.s32 $0x1F40, s9  }
0x1f: {  	s23 =	sadd.s32 $0x2EE0, s9;
	[dreg:$0x15] =	wrdreg s29;
	s31 =	sadd.s32 $0x61800, s3  }
0x20: {  	s16 =	sadd.s32 s18, s3;
	s18 =	sadd.s32 $0x7A000, s3;
	[dreg:$0x17] =	wrdreg s31  }
0x21: {  	s9 =	sadd.s32 s14, s3;
	s25 =	sadd.s32 $0xAB000, s3;
	[dreg:$0x18] =	wrdreg s18  }
0x22: {  	s14 =	sadd.s32 s17, s3;
	s3 =	sadd.s32 $0xC3800, s3;
	[dreg:$0x1a] =	wrdreg s25  }
0x23: {  	s26 =	sadd.s32 s1, s12;
	[dreg:$0x1b] =	wrdreg s3  }
0x24: {  	s29 =	sadd.s32 s2, s12;
	[dreg:$0x1c] =	wrdreg s26  }
0x25: {  	s30 =	sadd.s32 s7, s12;
	[dreg:$0x1d] =	wrdreg s29  }
0x26: {  	s17 =	smax.u32 s10, $0x1;
	[dreg:$0x1e] =	wrdreg s30  }
0x27: {  	[smem:$0x7D7] =	sst s17  }
0x28: {  	[dreg:$0x11] =	wrdreg s9  }
0x29: {  	[dreg:$0x12] =	wrdreg s14  }
0x2a: {  	s31 =	sadd.s32 s8, s12;
	[dreg:$0x13] =	wrdreg s16  }
0x2b: {  	s5 =	sadd.s32 s5, s4;
	s12 =	sadd.s32 s15, s12;
	[dreg:$0x1f] =	wrdreg s31  }
0x2c: {  	p0 =	sgt.u32 s20, $0x7;
	s18 =	sshrl.u32 s5, $0x3;
	[smem:$0x7D4] =	sst s12  }
0x2d: {  	p1 =	seq.s32 s20, $0x0;
	s20 =	sadd.s32 $0x18800, s9;
	[smem:$0x7D8] =	sst s18  }
0x2e: {  	s25 =	sadd.s32 $0x31000, s9;
	[smem:$0x7DA] =	sst s20  }
0x2f: {  	s26 =	sadd.s32 $0x49800, s9;
	[smem:$0x7DB] =	sst s25  }
0x30: {  	s29 =	sadd.s32 $0x62000, s9;
	[smem:$0x7DC] =	sst s26  }
0x31: {  	s30 =	sadd.s32 $0x7A800, s9;
	[smem:$0x7DD] =	sst s29  }
0x32: {  	s5 =	sadd.s32 $0xAB800, s9;
	[smem:$0x7DE] =	sst s30  }
0x33: {  	s10 =	sadd.s32 $0x31000, s14;
	[smem:$0x7E0] =	sst s5  }
0x34: {  	s13 =	sadd.s32 $0x62000, s14;
	[smem:$0x7E2] =	sst s10  }
0x35: {  	s17 =	sadd.s32 $0x7A800, s14;
	[smem:$0x7E4] =	sst s13  }
0x36: {  	s19 =	sadd.s32 $0xAB800, s14;
	[smem:$0x7E5] =	sst s17  }
0x37: {  	s31 =	sadd.s32 $0x93000, s9;
	[smem:$0x7E7] =	sst s19  }
0x38: {  	s9 =	sadd.s32 $0x18800, s14;
	[smem:$0x7DF] =	sst s31  }
0x39: {  	s12 =	sadd.s32 $0x49800, s14;
	[smem:$0x7E1] =	sst s9  }
0x3a: {  	s18 =	sadd.s32 $0x93000, s14;
	[smem:$0x7E3] =	sst s12  }
0x3b: {  	s20 =	sadd.s32 $0x18800, s16;
	[smem:$0x7E6] =	sst s18  }
0x3c: {  	s25 =	sadd.s32 $0x31000, s16;
	[smem:$0x7E8] =	sst s20  }
0x3d: {  	s26 =	sadd.s32 $0x49800, s16;
	[smem:$0x7E9] =	sst s25  }
0x3e: {  	s29 =	sadd.s32 $0x62000, s16;
	[smem:$0x7EA] =	sst s26  }
0x3f: {  	s30 =	sadd.s32 $0x7A800, s16;
	[smem:$0x7EB] =	sst s29  }
0x40: {  	s5 =	sadd.s32 $0xAB800, s16;
	[smem:$0x7EC] =	sst s30  }
0x41: {  	s10 =	sadd.s32 $0x800, s24;
	[smem:$0x7EE] =	sst s5  }
0x42: {  	s13 =	sadd.s32 $0x1000, s24;
	[smem:$0x7F0] =	sst s10  }
0x43: {  	s14 =	sadd.s32 $0x1400, s24;
	[smem:$0x7F2] =	sst s13  }
0x44: {  	s17 =	sadd.s32 $0x1C00, s24;
	[smem:$0x7F3] =	sst s14  }
0x45: {  	s19 =	sadd.s32 $0x2400, s24;
	[smem:$0x7F5] =	sst s17  }
0x46: {  	s31 =	sadd.s32 $0x93000, s16;
	[smem:$0x7F7] =	sst s19  }
0x47: {  	s9 =	sadd.s32 $0x400, s24;
	[smem:$0x7ED] =	sst s31  }
0x48: {  	s12 =	sadd.s32 $0xC00, s24;
	[smem:$0x7EF] =	sst s9  }
0x49: {  	s28 =	simm.s32 $0xFA0;
	s16 =	sadd.s32 $0x1800, s24;
	[smem:$0x7F1] =	sst s12  }
0x4a: {  	s3 =	simm.s32 $0x1;
	s18 =	sadd.s32 $0x2000, s24;
	[smem:$0x7F4] =	sst s16  }
0x4b: {  	s20 =	sadd.s32 $0x2800, s24;
	s25 =	sadd.s32 $0x2C00, s24;
	[smem:$0x7F6] =	sst s18  }
0x4c: {  	s26 =	sadd.s32 $0x3000, s24;
	s29 =	sadd.s32 $0x3400, s24;
	[smem:$0x7F8] =	sst s20  }
0x4d: {  	s30 =	sadd.s32 $0x3800, s24;
	s19 =	simm.s32 $0x800;
	[smem:$0x7F9] =	sst s25  }
.Ltmp0:
0x4e: {  	s10 =	simm.s32 $0x1800;
	[smem:$0x7FA] =	sst s26;
	(pc) =	sbr.rel .LBB2_1-.Ltmp0, $4  }
0x4f: {  	s17 =	simm.s32 $0x2;
	s5 =	simm.s32 $0x4;
	[smem:$0x7FB] =	sst s29  }
0x50: {  	s13 =	simm.s32 $0x0;
	[smem:$0x7FC] =	sst s30;
	s31 =	sadd.s32 $0x3C00, s24  }
0x51: {  	s18 =	simm.s32 $0x5;
	s20 =	simm.s32 $0x2800;
	s9 =	simm.s32 $0xC800  }
0x52: {  	v1 =	vimm.f32 $0.0e+00;
	v0 =	vmov s0;
	s12 =	simm.s32 $0x3800;
	s26 =	simm.s32 $0x3;
	[smem:$0x7FD] =	sst s31  }
.LBB2_65:
0x53: {  	[bflag:$0x0] =	sbarrier.arrive $0xFFFF  }
0x54: {  	s13 =	sld [smem:$0x7D3]  }
.LBB2_111:
0x55: {  	s0 =	sld [smem:$0x7D7];
	_ =	sdelay $0x1  }
0x56: {  	s13 =	sadd.s32 $0x1, s13  }
0x57: {  	p2 =	sne.s32 s13, s0  }
.Ltmp1:
0x58: {  	_ = 	snop;
	(pc) =	sbr.rel @!p2 .LBB2_112-.Ltmp1, $1  }
0x59: {  	_ =	sdelay $0x3  }
.LBB2_1:
0x5a: {  	[smem:$0x7D3] =	sst s13  }
0x5b: {  	s14 =	sld [smem:$0x7D8]  }
0x5c: {  	s0 =	rddreg [dreg:$0x7]  }
0x5d: {  	s31 =	rddreg [dreg:$0x8]  }
0x5e: {  	[spmem:s14], [sflag:s31] =	dma.local [hbm:s0], $0x310  }
0x5f: {  	_ =	swait.ge [sflag:s18], $0x310  }
0x60: {  	[sflag:s18] =	ssyncset.done $0x0  }
0x61: {  	s13 =	simm.s32 $0x0;
	s0 =	simm.s32 $0x40;
	[sflag:s18] =	ssyncadd.s32 $0xFFFFFCF0  }
.LBB2_2:
0x62: {  	p2 =	sne.s32 s0, $0x1FC0;
	[tilespmem:s13+$0x0] =	vst v1;
	s13 =	smov.u32 s0;
	s0 =	sadd.s32 $0x40, s0  }
.Ltmp2:
0x63: {  	(pc) =	sbr.rel @p2 .LBB2_2-.Ltmp2, $2  }
0x64: {  	_ =	sdelay $0x2  }
0x65: {  	s13 =	sshra.s32 s13, $0x2  }
.Ltmp3:
0x66: {  	(pc) =	sbr.rel @p0 .LBB2_7-.Ltmp3, $2  }
0x67: {  	_ =	sdelay $0x2  }
0x68: {  	[tilespmem:s13+$0x0] =	vst v1;
	s0 =	simm.s32 $0x0  }
0x69: {  	s13 =	sshra.s32 s0, $0x2  }
0x6a: {  	s13 =	sadd.s32 s13, s11  }
0x6b: {  	[spmem:s13] =	stream.linear.scatter [tilespmem:s6], [sflag:$0x5], $0x800, $0x38;
	[tilespmem:$0x1F480] =	vst v63  }
0x6c: {  	s0 =	sadd.s32 $0x2000, s0;
	_ =	swait.ge [sflag:s18], $0x800  }
.LBB2_5:
0x6d: {  	s13 =	sshra.s32 s0, $0x2;
	[sflag:s18] =	ssyncset.done $0x0;
	p2 =	sne.s32 s0, $0x60000  }
.Ltmp4:
0x6e: {  	s13 =	sadd.s32 s13, s11;
	[sflag:s18] =	ssyncadd.s32 $0xFFFFF800;
	(pc) =	sbr.rel @p2 .LBB2_5-.Ltmp4, $3  }
0x6f: {  	[spmem:s13] =	stream.linear.scatter [tilespmem:s6], [sflag:$0x5], $0x800, $0x38;
	[tilespmem:$0x1F480] =	vst v63  }
0x70: {  	s0 =	sadd.s32 $0x2000, s0;
	_ =	sdelay $0x1  }
0x71: {  	_ =	swait.ge [sflag:s18], $0x800  }
0x72: {  	[sflag:s18] =	ssyncset.done $0x0  }
0x73: {  	[sflag:s18] =	ssyncadd.s32 $0xFFFFF800  }
.LBB2_7:
0x74: {  	s0 =	sld [smem:$0x7D9];
	_ =	sdelay $0x1  }
0x75: {  	s13 =	simm.s32 $0x0  }
0x76: {  	[spmem:s0] =	stream.linear.scatter [tilespmem:s13], [sflag:$0x5], $0x400, $0x38;
	[tilespmem:$0x1F480] =	vst v63  }
0x77: {  	_ =	swait.ge [sflag:s18], $0x400  }
0x78: {  	[sflag:s18] =	ssyncset.done $0x0  }
0x79: {  	[sflag:s18] =	ssyncadd.s32 $0xFFFFFC00  }
0x7a: {  	[bflag:$0x0] =	sbarrier.arrive $0xFFFF  }
0x7b: {  	s29 =	rddreg [dreg:$0xc]  }
0x7c: {  	[tilespmem:s19], [sflag:$0x1] =	stream.linear.gather [hbm4b:s29+s13], $0xFA0, $0x38;
	[tilespmem:$0x1F480] =	vst v63  }
0x7d: {  	s30 =	rddreg [dreg:$0xd]  }
0x7e: {  	[tilespmem:s20], [sflag:$0x1] =	stream.linear.gather [hbm4b:s30+s13], $0xFA0, $0x38;
	[tilespmem:$0x1F480] =	vst v63  }
0x7f: {  	s14 =	simm.s32 $0x4800;
	s31 =	rddreg [dreg:$0xe]  }
0x80: {  	[tilespmem:s14], [sflag:$0x1] =	stream.linear.gather [hbm4b:s31+s13], $0xFA0, $0x38;
	[tilespmem:$0x1F480] =	vst v63  }
0x81: {  	s24 =	simm.s32 $0x6800;
	s16 =	rddreg [dreg:$0xf]  }
0x82: {  	[tilespmem:s24], [sflag:$0x1] =	stream.linear.gather [hbm4b:s16+s13], $0xFA0, $0x38;
	[tilespmem:$0x1F480] =	vst v63  }
0x83: {  	s25 =	rddreg [dreg:$0x10];
	s29 =	simm.s32 $0x8800  }
0x84: {  	[tilespmem:s29], [sflag:$0x1] =	stream.linear.gather [hbm4b:s25+s13], $0xFA0, $0x38;
	[tilespmem:$0x1F480] =	vst v63  }
0x85: {  	_ =	swait.ge [sflag:s3], $0xFA0  }
0x86: {  	[sflag:s3] =	ssyncset.done $0x0  }
0x87: {  	[sflag:s3] =	ssyncadd.s32 $0xFFFFF060  }
0x88: {  	_ =	swait.ge [sflag:s3], $0xFA0  }
0x89: {  	[sflag:s3] =	ssyncset.done $0x0  }
0x8a: {  	[sflag:s3] =	ssyncadd.s32 $0xFFFFF060  }
0x8b: {  	_ =	swait.ge [sflag:s3], $0xFA0  }
0x8c: {  	[sflag:s3] =	ssyncset.done $0x0  }
0x8d: {  	[sflag:s3] =	ssyncadd.s32 $0xFFFFF060  }
0x8e: {  	_ =	swait.ge [sflag:s3], $0xFA0  }
0x8f: {  	[sflag:s3] =	ssyncset.done $0x0  }
0x90: {  	[sflag:s3] =	ssyncadd.s32 $0xFFFFF060  }
0x91: {  	_ =	swait.ge [sflag:s3], $0xFA0  }
0x92: {  	[sflag:s3] =	ssyncset.done $0x0  }
0x93: {  	s30 =	simm.s32 $0xA800;
	[sflag:s3] =	ssyncadd.s32 $0xFFFFF060  }
0x94: {  	[tilespmem:s30], [sflag:$0x3] =	stream.indirect.gather [spmem:s4], $0x1, s19, s28, $0xb8;
	[tilespmem:$0x1F480] =	vst v63  }
0x95: {  	s31 =	rddreg [dreg:$0x1c]  }
0x96: {  	[tilespmem:s9], [sflag:$0x3] =	stream.indirect.gather [spmem:s4], $0x1, s20, s28, $0xb8;
	[tilespmem:$0x1F480] =	vst v63  }
0x97: {  	s14 =	rddreg [dreg:$0x1d]  }
0x98: {  	[tilespmem:s10], [sflag:$0x2] =	stream.linear.gather [hbm4b:s31+s13], $0xFA0, $0x38;
	[tilespmem:$0x1F480] =	vst v63  }
0x99: {  	s16 =	rddreg [dreg:$0x1e]  }
0x9a: {  	[tilespmem:s12], [sflag:$0x2] =	stream.linear.gather [hbm4b:s14+s13], $0xFA0, $0x38;
	[tilespmem:$0x1F480] =	vst v63  }
0x9b: {  	s24 =	simm.s32 $0x5800;
	s25 =	rddreg [dreg:$0x1f]  }
0x9c: {  	[tilespmem:s24], [sflag:$0x2] =	stream.linear.gather [hbm4b:s16+s13], $0xFA0, $0x38;
	[tilespmem:$0x1F480] =	vst v63  }
0x9d: {  	s29 =	simm.s32 $0x7800;
	s30 =	sld [smem:$0x7D4]  }
0x9e: {  	[tilespmem:s29], [sflag:$0x2] =	stream.linear.gather [hbm4b:s25+s13], $0xFA0, $0x38;
	[tilespmem:$0x1F480] =	vst v63  }
0x9f: {  	s31 =	simm.s32 $0x9800  }
0xa0: {  	[tilespmem:s31], [sflag:$0x2] =	stream.linear.gather [hbm4b:s30+s13], $0xFA0, $0x38;
	[tilespmem:$0x1F480] =	vst v63  }
.LBB2_8:
0xa1: {  	_ =	swait.ge [sflag:s17], $0xFA0  }
0xa2: {  	[sflag:s17] =	ssyncset.done $0x0  }
0xa3: {  	[sflag:s17] =	ssyncadd.s32 $0xFFFFF060  }
0xa4: {  	_ =	swait.ge [sflag:s17], $0xFA0  }
0xa5: {  	[sflag:s17] =	ssyncset.done $0x0  }
0xa6: {  	[sflag:s17] =	ssyncadd.s32 $0xFFFFF060  }
0xa7: {  	_ =	swait.ge [sflag:s17], $0xFA0  }
0xa8: {  	[sflag:s17] =	ssyncset.done $0x0  }
0xa9: {  	[sflag:s17] =	ssyncadd.s32 $0xFFFFF060  }
0xaa: {  	_ =	swait.ge [sflag:s17], $0xFA0  }
0xab: {  	[sflag:s17] =	ssyncset.done $0x0  }
0xac: {  	[sflag:s17] =	ssyncadd.s32 $0xFFFFF060  }
0xad: {  	_ =	swait.ge [sflag:s17], $0xFA0  }
0xae: {  	[sflag:s17] =	ssyncset.done $0x0  }
0xaf: {  	s0 =	simm.s32 $0xB800;
	[sflag:s17] =	ssyncadd.s32 $0xFFFFF060  }
0xb0: {  	[tilespmem:s0], [sflag:$0x4] =	stream.indirect.gather [spmem:s4], $0x1, s10, s28, $0xb8;
	[tilespmem:$0x1F480] =	vst v63  }
0xb1: {  	s25 =	simm.s32 $0xD800  }
0xb2: {  	[tilespmem:s25], [sflag:$0x4] =	stream.indirect.gather [spmem:s4], $0x1, s12, s28, $0xb8;
	[tilespmem:$0x1F480] =	vst v63  }
0xb3: {  	_ =	swait.ge [sflag:s26], $0xFA0  }
0xb4: {  	[sflag:s26] =	ssyncset.done $0x0  }
0xb5: {  	[sflag:s26] =	ssyncadd.s32 $0xFFFFF060  }
0xb6: {  	_ =	swait.ge [sflag:s26], $0xFA0  }
0xb7: {  	[sflag:s26] =	ssyncset.done $0x0  }
0xb8: {  	s29 =	simm.s32 $0x4820;
	[sflag:s26] =	ssyncadd.s32 $0xFFFFF060  }
0xb9: {  	s14 =	simm.s32 $0x6820;
	v2 =	vld [tilespmem:s29+$0x20]  }
0xba: {  	s16 =	simm.s32 $0x8820;
	v3 =	vld [tilespmem:s14+$0x20]  }
0xbb: {  	v4 =	vld [tilespmem:s16+$0x20]  }
0xbc: {  	v5 =	vld [tilespmem:s29+$0xFFFFFFE0]  }
0xbd: {  	v6 =	vld [tilespmem:s14+$0xFFFFFFE0]  }
0xbe: {  	v7 =	vld [tilespmem:s29+$0xFFFFFFF0]  }
0xbf: {  	v8 =	vld [tilespmem:s14+$0xFFFFFFF0];
	v2 =	vmul.f32 v2, v2;
	v3 =	vmul.f32 v3, v3  }
0xc0: {  	v9 =	vld [tilespmem:s29+$0x0]  }
0xc1: {  	v10 =	vld [tilespmem:s29+$0x10];
	v2 =	vadd.f32 v3, v2;
	v3 =	vmul.f32 v4, v4  }
0xc2: {  	v4 =	vld [tilespmem:s14+$0x0]  }
0xc3: {  	v5 =	vmul.f32 v5, v5;
	v11 =	vadd.f32 v3, v2;
	v2 =	vmul.f32 v6, v6;
	v6 =	vld [tilespmem:s14+$0x10]  }
0xc4: {  	v8 =	vmul.f32 v8, v8;
	v3 =	vmul.f32 v7, v7;
	v7 =	vld [tilespmem:s16+$0xFFFFFFE0]  }
0xc5: {  	v15 =	vld [tilespmem:s16+$0xFFFFFFF0];
	v9 =	vmul.f32 v9, v9;
	v12 =	vshra.s32 v11, $0x1;
	v13 =	vmul.f32 $5.000000000e-01, v11  }
0xc6: {  	v16 =	vld [tilespmem:s16+$0x0];
	v14 =	vmul.f32 v11, v11;
	v2 =	vadd.f32 v2, v5;
	v5 =	vmul.f32 v10, v10  }
0xc7: {  	v3 =	vadd.f32 v8, v3;
	v8 =	vld [tilespmem:s16+$0x10];
	v12 =	vsub.s32 $0x5F3759DF, v12;
	v4 =	vmul.f32 v4, v4  }
0xc8: {  	s24 =	simm.s32 $0xA820;
	v17 =	vmul.f32 v12, v13;
	v14 =	vmul.f32 v14, v14  }
0xc9: {  	v42 =	vld [tilespmem:s24+$0x20];
	v6 =	vmul.f32 v6, v6;
	v7 =	vmul.f32 v7, v7  }
0xca: {  	v4 =	vadd.f32 v4, v9;
	v9 =	vmul.f32 v15, v15;
	v10 =	vmul.f32 v12, v17  }
0xcb: {  	v14 =	vmul.f32 v14, v14;
	v5 =	vadd.f32 v6, v5;
	v6 =	vmul.f32 v16, v16  }
0xcc: {  	v2 =	vadd.f32 v7, v2;
	v3 =	vadd.f32 v9, v3;
	v8 =	vmul.f32 v8, v8  }
0xcd: {  	v10 =	vsub.f32 $1.500000000e+00, v10;
	v14 =	vadd.f32 $2.328306500e+06, v14  }
0xce: {  	v45 =	vmul.f32 $7.199822900e+00, v42;
	v4 =	vadd.f32 v6, v4;
	v5 =	vadd.f32 v8, v5  }
0xcf: {  	v8 =	vshra.s32 v3, $0x1;
	v15 =	vmul.f32 $5.000000000e-01, v3;
	v20 =	vmul.f32 v2, v2  }
0xd0: {  	v21 =	vmul.f32 v3, v3;
	v7 =	vmul.f32 v12, v10;
	v9 =	vand.u32 $0x7FFFFF, v14  }
0xd1: {  	v8 =	vsub.s32 $0x5F3759DF, v8;
	v14 =	vshra.s32 v14, $0x17;
	v17 =	vmul.f32 $5.000000000e-01, v4  }
0xd2: {  	v6 =	vor.u32 $0x3F800000, v9;
	v18 =	vmul.f32 $5.000000000e-01, v5;
	v22 =	vmul.f32 v4, v4  }
0xd3: {  	v9 =	vshra.s32 v2, $0x1;
	v23 =	vmul.f32 v5, v5;
	v24 =	vmul.f32 v8, v15  }
0xd4: {  	v16 =	vshra.s32 v4, $0x1;
	v20 =	vmul.f32 v20, v20;
	v21 =	vmul.f32 v21, v21  }
0xd5: {  	v19 =	vshra.s32 v5, $0x1;
	v10 =	vmul.f32 v7, v13;
	v12 =	vmul.f32 $7.914957400e-02, v6  }
0xd6: {  	v14 =	vadd.s32 $0xFFFFFF81, v14;
	v13 =	vmul.f32 $5.000000000e-01, v2;
	v9 =	vsub.s32 $0x5F3759DF, v9  }
0xd7: {  	v16 =	vsub.s32 $0x5F3759DF, v16;
	v10 =	vmul.f32 v10, v7;
	v12 =	vsub.f32 $6.288099290e-01, v12  }
0xd8: {  	v19 =	vsub.s32 $0x5F3759DF, v19;
	v14 =	vcvt.s32.f32 v14;
	v24 =	vmul.f32 v8, v24  }
0xd9: {  	v25 =	vmul.f32 v16, v17;
	v10 =	vsub.f32 $1.500000000e+00, v10;
	v12 =	vmul.f32 v6, v12  }
0xda: {  	v26 =	vmul.f32 v19, v18;
	v20 =	vmul.f32 v20, v20;
	v24 =	vsub.f32 $1.500000000e+00, v24  }
0xdb: {  	v21 =	vmul.f32 v21, v21;
	v7 =	vmul.f32 v10, v7;
	v10 =	vadd.f32 $-2.081044670e+00, v12  }
0xdc: {  	v8 =	vmul.f32 v8, v24;
	v12 =	vmul.f32 v9, v13  }
0xdd: {  	v11 =	vmul.f32 v7, v11;
	v10 =	vmul.f32 v6, v10  }
0xde: {  	v15 =	vmul.f32 v8, v15;
	v12 =	vmul.f32 v9, v12  }
0xdf: {  	v35 =	vmul.f32 v19, v26;
	v27 =	vadd.f32 $-2.500000000e+00, v11;
	v10 =	vadd.f32 $4.028355120e+00, v10  }
0xe0: {  	v15 =	vmul.f32 v15, v8;
	v12 =	vsub.f32 $1.500000000e+00, v12;
	v41 =	vmul.f32 $9.999999770e-03, v11  }
0xe1: {  	vm0 =	vlt.f32 v11, $1.000000000e+01;
	v27 =	vmul.f32 $2.000000030e-01, v27;
	v6 =	vmul.f32 v6, v10  }
0xe2: {  	v15 =	vsub.f32 $1.500000000e+00, v15;
	v10 =	vmul.f32 v22, v22;
	v22 =	vmul.f32 v23, v23  }
0xe3: {  	v9 =	vmul.f32 v9, v12;
	v12 =	vadd.f32 $2.328306500e+06, v20;
	v20 =	vadd.f32 $2.328306500e+06, v21  }
0xe4: {  	v7 =	vadd.f32 v41, v7;
	v8 =	vmul.f32 v15, v8;
	v23 =	vmax.f32 v27, $0.0e+00  }
0xe5: {  	v6 =	vadd.f32 $-2.496766570e+00, v6;
	v10 =	vmul.f32 v10, v10;
	v22 =	vmul.f32 v22, v22  }
0xe6: {  	v21 =	vand.u32 $0x7FFFFF, v12;
	v13 =	vmul.f32 v9, v13;
	v7 =	vadd.f32 $-2.000000030e-01, v7  }
0xe7: {  	v23 =	vmin.f32 v23, $1.000000000e+00;
	v21 =	vor.u32 $0x3F800000, v21;
	v3 =	vmul.f32 v8, v3  }
0xe8: {  	v34 =	vmul.f32 v23, v23;
	v28 =	vmul.f32 $1.500000000e+01, v23;
	v6 =	vadd.f32 v14, v6  }
0xe9: {  	v14 =	vmul.f32 v16, v25;
	v25 =	vsub.f32 $1.500000000e+00, v35;
	v10 =	vadd.f32 $2.328306500e+06, v10  }
0xea: {  	v29 =	vmul.f32 $7.914957400e-02, v21;
	v13 =	vmul.f32 v13, v9;
	v7 =	vnsel vm0, $0x0, v7  }
0xeb: {  	vm1 =	vlt.f32 v3, $1.000000000e+01;
	v58 =	vmul.f32 $9.999999770e-03, v3;
	v37 =	vmul.f32 $6.000000000e+00, v34  }
0xec: {  	v36 =	vsub.f32 $1.000000000e+01, v28;
	v6 =	vmul.f32 $-4.332169890e-02, v6;
	v23 =	vmul.f32 v34, v23  }
0xed: {  	v14 =	vsub.f32 $1.500000000e+00, v14;
	v38 =	vand.u32 $0x7FFFFF, v10;
	v10 =	vshra.s32 v10, $0x17  }
0xee: {  	v46 =	vsub.f32 $6.288099290e-01, v29;
	v24 =	vor.u32 $0x3F800000, v38;
	v10 =	vadd.s32 $0xFFFFFF81, v10  }
0xef: {  	v26 =	vadd.f32 v37, v36;
	v6 =	vmul.f32 $1.442695020e+00, v6;
	v14 =	vmul.f32 v16, v14  }
0xf0: {  	v16 =	vmul.f32 v19, v25;
	v19 =	vadd.f32 $2.328306500e+06, v22;
	v31 =	vmul.f32 $7.914957400e-02, v24  }
0xf1: {  	v22 =	vand.u32 $0x7FFFFF, v20;
	v23 =	vmul.f32 v26, v23;
	(erf) = vpow2.f32 v6  }
0xf2: {  	v10 =	vcvt.s32.f32 v10;
	v22 =	vor.u32 $0x3F800000, v22;
	v17 =	vmul.f32 v14, v17  }
0xf3: {  	v39 =	vand.u32 $0x7FFFFF, v19;
	v18 =	vmul.f32 v16, v18;
	v6 =	vsub.f32 $1.000000000e+00, v23  }
0xf4: {  	v30 =	vmul.f32 $7.914957400e-02, v22;
	v19 =	vshra.s32 v19, $0x17;
	v17 =	vmul.f32 v17, v14  }
0xf5: {  	v25 =	vor.u32 $0x3F800000, v39;
	v18 =	vmul.f32 v18, v16;
	v23 =	vsub.f32 $1.000000000e+00, v6  }
0xf6: {  	v19 =	vadd.s32 $0xFFFFFF81, v19;
	v44 =	vmul.f32 $7.914957400e-02, v25;
	v17 =	vsub.f32 $1.500000000e+00, v17  }
0xf7: {  	v19 =	vcvt.s32.f32 v19;
	v18 =	vsub.f32 $1.500000000e+00, v18;
	v40 =	vmul.f32 $9.999999770e-03, v23  }
0xf8: {  	s25 =	simm.s32 $0xC820;
	v7 =	vmul.f32 v23, v7;
	v23 =	vsub.f32 $6.288099290e-01, v31;
	v14 =	vmul.f32 v17, v14  }
0xf9: {  	v32 =	vld [tilespmem:s25+$0x20];
	v16 =	vmul.f32 v18, v16;
	v17 =	vshra.s32 v20, $0x17;
	v26 =	vmul.f32 v40, v11  }
0xfa: {  	v20 =	vadd.f32 $-2.500000000e+00, v3;
	v17 =	vadd.s32 $0xFFFFFF81, v17;
	v23 =	vmul.f32 v24, v23;
	v43 =	vpop (erf)  }
0xfb: {  	v4 =	vmul.f32 v14, v4;
	v5 =	vmul.f32 v16, v5;
	v26 =	vadd.f32 v26, v43  }
0xfc: {  	v20 =	vmul.f32 $2.000000030e-01, v20;
	v17 =	vcvt.s32.f32 v17;
	v15 =	vadd.f32 $-2.081044670e+00, v23  }
0xfd: {  	v23 =	vadd.f32 $-2.500000000e+00, v4;
	v60 =	vmul.f32 $9.999999770e-03, v4;
	v11 =	vadd.f32 $-2.000000030e-01, v26  }
0xfe: {  	v20 =	vmax.f32 v20, $0.0e+00;
	v26 =	vmul.f32 v32, v45;
	v15 =	vmul.f32 v24, v15  }
0xff: {  	v20 =	vmin.f32 v20, $1.000000000e+00;
	v23 =	vmul.f32 $2.000000030e-01, v23;
	v6 =	vmul.f32 v11, v6  }
0x100: {  	v49 =	vmul.f32 $1.500000000e+01, v20;
	v11 =	vsub.f32 $6.288099290e-01, v30;
	v15 =	vadd.f32 $4.028355120e+00, v15  }
0x101: {  	v6 =	vadd.f32 v6, v7;
	v7 =	vsub.f32 $1.500000000e+00, v13;
	v13 =	vmul.f32 v21, v46  }
0x102: {  	v27 =	vsub.f32 $6.288099290e-01, v44;
	v11 =	vmul.f32 v22, v11;
	v15 =	vmul.f32 v24, v15  }
0x103: {  	v47 =	vadd.f32 $-2.500000000e+00, v5;
	v6 =	vmul.f32 v6, v26;
	v7 =	vmul.f32 v7, v9  }
0x104: {  	v13 =	vadd.f32 $-2.081044670e+00, v13;
	v9 =	vshra.s32 v12, $0x17;
	v12 =	vmul.f32 v25, v27  }
0x105: {  	v11 =	vadd.f32 $-2.081044670e+00, v11;
	v15 =	vadd.f32 $-2.496766570e+00, v15;
	v2 =	vmul.f32 v7, v2  }
0x106: {  	v9 =	vadd.s32 $0xFFFFFF81, v9;
	v12 =	vadd.f32 $-2.081044670e+00, v12;
	v13 =	vmul.f32 v21, v13  }
0x107: {  	v11 =	vmul.f32 v22, v11;
	v10 =	vadd.f32 v10, v15;
	v18 =	vadd.f32 $-2.500000000e+00, v2  }
0x108: {  	v9 =	vcvt.s32.f32 v9;
	v12 =	vmul.f32 v25, v12;
	v13 =	vadd.f32 $4.028355120e+00, v13  }
0x109: {  	v11 =	vadd.f32 $4.028355120e+00, v11;
	v10 =	vmul.f32 $-4.332169890e-02, v10;
	v18 =	vmul.f32 $2.000000030e-01, v18  }
0x10a: {  	v12 =	vadd.f32 $4.028355120e+00, v12;
	v13 =	vmul.f32 v21, v13;
	v21 =	vmul.f32 $2.000000030e-01, v47  }
0x10b: {  	v11 =	vmul.f32 v22, v11;
	v22 =	vmax.f32 v23, $0.0e+00;
	v10 =	vmul.f32 $1.442695020e+00, v10  }
0x10c: {  	v22 =	vmin.f32 v22, $1.000000000e+00;
	v18 =	vmax.f32 v18, $0.0e+00;
	v12 =	vmul.f32 v25, v12  }
0x10d: {  	v21 =	vmax.f32 v21, $0.0e+00;
	v13 =	vadd.f32 $-2.496766570e+00, v13;
	v11 =	vadd.f32 $-2.496766570e+00, v11  }
0x10e: {  	v50 =	vmul.f32 $1.500000000e+01, v22;
	v18 =	vmin.f32 v18, $1.000000000e+00;
	v21 =	vmin.f32 v21, $1.000000000e+00  }
0x10f: {  	v23 =	vmul.f32 v18, v18;
	v48 =	vmul.f32 $1.500000000e+01, v18;
	v9 =	vadd.f32 v9, v13  }
0x110: {  	v13 =	vmul.f32 v20, v20;
	v11 =	vadd.f32 v17, v11;
	v17 =	vmul.f32 v22, v22  }
0x111: {  	v25 =	vsub.f32 $1.000000000e+01, v49;
	v15 =	vmul.f32 v21, v21;
	v51 =	vmul.f32 $1.500000000e+01, v21  }
0x112: {  	v12 =	vadd.f32 $-2.496766570e+00, v12;
	v52 =	vmul.f32 $6.000000000e+00, v23;
	v53 =	vmul.f32 $6.000000000e+00, v13  }
0x113: {  	v26 =	vsub.f32 $1.000000000e+01, v50;
	v54 =	vmul.f32 $6.000000000e+00, v17;
	v9 =	vmul.f32 $-4.332169890e-02, v9  }
0x114: {  	v12 =	vadd.f32 v19, v12;
	v55 =	vmul.f32 $6.000000000e+00, v15;
	v11 =	vmul.f32 $-4.332169890e-02, v11  }
0x115: {  	v19 =	vsub.f32 $1.000000000e+01, v48;
	v18 =	vmul.f32 v23, v18;
	v13 =	vmul.f32 v13, v20  }
0x116: {  	v27 =	vsub.f32 $1.000000000e+01, v51;
	v17 =	vmul.f32 v17, v22;
	v15 =	vmul.f32 v15, v21  }
0x117: {  	v12 =	vmul.f32 $-4.332169890e-02, v12;
	v19 =	vadd.f32 v52, v19;
	v20 =	vadd.f32 v53, v25  }
0x118: {  	v21 =	vadd.f32 v54, v26;
	v9 =	vmul.f32 $1.442695020e+00, v9;
	v11 =	vmul.f32 $1.442695020e+00, v11  }
0x119: {  	v22 =	vadd.f32 v55, v27;
	v12 =	vmul.f32 $1.442695020e+00, v12;
	v18 =	vmul.f32 v19, v18  }
0x11a: {  	v8 =	vadd.f32 v58, v8;
	v13 =	vmul.f32 v20, v13;
	v17 =	vmul.f32 v21, v17  }
0x11b: {  	v15 =	vmul.f32 v22, v15;
	(erf) = vpow2.f32 v9;
	v56 =	vsub.f32 $1.000000000e+00, v18  }
0x11c: {  	(erf) = vpow2.f32 v11;
	v57 =	vsub.f32 $1.000000000e+00, v13;
	v22 =	vsub.f32 $1.000000000e+00, v17  }
0x11d: {  	v19 =	vsub.f32 $1.000000000e+00, v15;
	(erf) = vpow2.f32 v10;
	v23 =	vsub.f32 $1.000000000e+00, v56  }
0x11e: {  	(erf) = vpow2.f32 v12;
	v20 =	vsub.f32 $1.000000000e+00, v57;
	v21 =	vsub.f32 $1.000000000e+00, v22  }
0x11f: {  	v61 =	vmul.f32 $9.999999770e-03, v5;
	v18 =	vsub.f32 $1.000000000e+00, v19;
	v9 =	vmul.f32 $9.999999770e-03, v23  }
0x120: {  	vm2 =	vlt.f32 v4, $1.000000000e+01;
	v11 =	vld [tilespmem:s24+$0xFFFFFFE0];
	v10 =	vmul.f32 $9.999999770e-03, v20;
	v12 =	vmul.f32 $9.999999770e-03, v21  }
0x121: {  	vm3 =	vlt.f32 v2, $1.000000000e+01;
	v15 =	vld [tilespmem:s24+$0xFFFFFFF0];
	v17 =	vmul.f32 $9.999999770e-03, v2;
	v13 =	vmul.f32 $9.999999770e-03, v18  }
0x122: {  	v59 =	vld [tilespmem:s24+$0x0];
	v2 =	vmul.f32 v9, v2;
	v4 =	vmul.f32 v12, v4;
	v12 =	vadd.f32 v60, v14  }
0x123: {  	v62 =	vld [tilespmem:s24+$0x10];
	vm15 =	vlt.f32 v5, $1.000000000e+01;
	v5 =	vmul.f32 v13, v5;
	v13 =	vadd.f32 v61, v16  }
0x124: {  	v7 =	vadd.f32 v17, v7;
	v3 =	vmul.f32 v10, v3;
	v10 =	vpop (erf);
	v17 =	vadd.f32 $-2.000000030e-01, v12  }
0x125: {  	v9 =	vmul.f32 $7.199822900e+00, v11;
	v63 =	vadd.f32 $-2.000000030e-01, v13;
	v11 =	vpop (erf);
	v14 =	vadd.f32 v2, v10  }
0x126: {  	v10 =	vmul.f32 $7.199822900e+00, v15;
	v15 =	vadd.f32 v3, v11;
	v2 =	vpop (erf);
	v3 =	vadd.f32 $-2.000000030e-01, v7  }
0x127: {  	v7 =	vmul.f32 $7.199822900e+00, v59;
	v13 =	vnsel vm2, $0x0, v17;
	v16 =	vadd.f32 v4, v2;
	v2 =	vpop (erf)  }
0x128: {  	v4 =	vadd.f32 $-2.000000030e-01, v8;
	v8 =	vmul.f32 $7.199822900e+00, v62;
	v5 =	vadd.f32 v5, v2;
	v2 =	vld [tilespmem:s25+$0xFFFFFFE0]  }
0x129: {  	v14 =	vadd.f32 $-2.000000030e-01, v14;
	v11 =	vnsel vm3, $0x0, v3;
	v3 =	vld [tilespmem:s25+$0xFFFFFFF0];
	v15 =	vadd.f32 $-2.000000030e-01, v15  }
0x12a: {  	s30 =	simm.s32 $0xE820;
	v12 =	vnsel vm1, $0x0, v4;
	v4 =	vld [tilespmem:s25+$0x0];
	v17 =	vadd.f32 $-2.000000030e-01, v16;
	v16 =	vadd.f32 $-2.000000030e-01, v5  }
0x12b: {  	s31 =	simm.s32 $0x0;
	s0 =	simm.s32 $0x4870;
	[tilespmem:s30+$0x20] =	vst v6;
	v14 =	vmul.f32 v14, v56;
	v5 =	vld [tilespmem:s25+$0x10];
	v6 =	vmul.f32 v15, v57;
	v15 =	vnsel vm15, $0x0, v63  }
.LBB2_9:
0x12c: {  	v24 =	vld [tilespmem:s0+$0x20];
	v17 =	vmul.f32 v17, v22;
	v16 =	vmul.f32 v16, v19;
	s14 =	sadd.s32 $0x50, s14  }
0x12d: {  	s31 =	sadd.s32 $0x5, s31;
	v11 =	vmul.f32 v23, v11;
	v12 =	vmul.f32 v20, v12;
	v19 =	vld [tilespmem:s14+$0x20]  }
0x12e: {  	v13 =	vmul.f32 v21, v13;
	v15 =	vmul.f32 v18, v15;
	s16 =	sadd.s32 $0x50, s16;
	p2 =	slt.u32 s31, $0xF5;
	v20 =	vld [tilespmem:s0+$0xFFFFFFE0]  }
0x12f: {  	v2 =	vmul.f32 v2, v9;
	v9 =	vadd.f32 v14, v11;
	v6 =	vadd.f32 v6, v12;
	v18 =	vld [tilespmem:s16+$0x20]  }
0x130: {  	v3 =	vmul.f32 v3, v10;
	v10 =	vadd.f32 v17, v13;
	v12 =	vadd.f32 v16, v15;
	v11 =	vld [tilespmem:s14+$0xFFFFFFE0]  }
0x131: {  	v4 =	vmul.f32 v4, v7;
	v5 =	vmul.f32 v5, v8;
	v13 =	vld [tilespmem:s0+$0xFFFFFFF0]  }
0x132: {  	v8 =	vmul.f32 v24, v24;
	v7 =	vld [tilespmem:s14+$0xFFFFFFF0];
	v14 =	vmul.f32 v19, v19  }
0x133: {  	v2 =	vmul.f32 v9, v2;
	v15 =	vmul.f32 v20, v20;
	v16 =	vld [tilespmem:s0+$0x0]  }
0x134: {  	v3 =	vmul.f32 v6, v3;
	v9 =	vld [tilespmem:s14+$0x0];
	v8 =	vadd.f32 v14, v8;
	v14 =	vmul.f32 v18, v18  }
0x135: {  	v6 =	vmul.f32 v11, v11;
	v11 =	vld [tilespmem:s0+$0x10];
	[tilespmem:s30+$0xFFFFFFE0] =	vst v2;
	v2 =	vmul.f32 v10, v4  }
0x136: {  	v4 =	vmul.f32 v13, v13;
	v10 =	vld [tilespmem:s14+$0x10];
	v8 =	vadd.f32 v14, v8;
	[tilespmem:s30+$0xFFFFFFF0] =	vst v3;
	v3 =	vmul.f32 v12, v5  }
0x137: {  	v5 =	vld [tilespmem:s16+$0xFFFFFFE0];
	v6 =	vadd.f32 v6, v15;
	v7 =	vmul.f32 v7, v7;
	[tilespmem:s30+$0x0] =	vst v2  }
0x138: {  	v2 =	vld [tilespmem:s16+$0xFFFFFFF0];
	v12 =	vshra.s32 v8, $0x1;
	v14 =	vmul.f32 $5.000000000e-01, v8;
	v13 =	vmul.f32 v8, v8;
	[tilespmem:s30+$0x10] =	vst v3  }
0x139: {  	v15 =	vmul.f32 v16, v16;
	v3 =	vld [tilespmem:s16+$0x0];
	v9 =	vmul.f32 v9, v9;
	v16 =	vsub.s32 $0x5F3759DF, v12  }
0x13a: {  	v4 =	vadd.f32 v7, v4;
	v7 =	vld [tilespmem:s16+$0x10];
	v12 =	vmul.f32 v16, v14;
	v13 =	vmul.f32 v13, v13  }
0x13b: {  	v11 =	vmul.f32 v11, v11;
	v9 =	vadd.f32 v9, v15;
	v10 =	vmul.f32 v10, v10  }
0x13c: {  	v12 =	vmul.f32 v16, v12;
	v13 =	vmul.f32 v13, v13  }
0x13d: {  	v5 =	vmul.f32 v5, v5;
	v2 =	vmul.f32 v2, v2;
	v15 =	vadd.f32 v10, v11  }
0x13e: {  	v3 =	vmul.f32 v3, v3;
	v17 =	vsub.f32 $1.500000000e+00, v12;
	v18 =	vadd.f32 $2.328306500e+06, v13  }
0x13f: {  	v10 =	vadd.f32 v5, v6;
	v11 =	vadd.f32 v2, v4;
	v2 =	vmul.f32 v7, v7  }
0x140: {  	v12 =	vadd.f32 v3, v9;
	v3 =	vmul.f32 v16, v17;
	v4 =	vand.u32 $0x7FFFFF, v18  }
0x141: {  	v5 =	vshra.s32 v10, $0x1;
	v13 =	vadd.f32 v2, v15;
	v2 =	vor.u32 $0x3F800000, v4  }
0x142: {  	v4 =	vshra.s32 v11, $0x1;
	v6 =	vmul.f32 v3, v14;
	v7 =	vmul.f32 $7.914957400e-02, v2  }
0x143: {  	v9 =	vmul.f32 $5.000000000e-01, v10;
	v14 =	vmul.f32 $5.000000000e-01, v11;
	v15 =	vshra.s32 v12, $0x1  }
0x144: {  	v16 =	vmul.f32 $5.000000000e-01, v12;
	v6 =	vmul.f32 v6, v3;
	v7 =	vsub.f32 $6.288099290e-01, v7  }
0x145: {  	v5 =	vsub.s32 $0x5F3759DF, v5;
	v17 =	vshra.s32 v13, $0x1;
	v19 =	vmul.f32 $5.000000000e-01, v13  }
0x146: {  	v20 =	vmul.f32 v10, v10;
	v6 =	vsub.f32 $1.500000000e+00, v6;
	v7 =	vmul.f32 v2, v7  }
0x147: {  	v21 =	vmul.f32 v11, v11;
	v4 =	vsub.s32 $0x5F3759DF, v4;
	v15 =	vsub.s32 $0x5F3759DF, v15  }
0x148: {  	v22 =	vmul.f32 v12, v12;
	v3 =	vmul.f32 v6, v3;
	v6 =	vadd.f32 $-2.081044670e+00, v7  }
0x149: {  	v23 =	vmul.f32 v13, v13;
	v17 =	vsub.s32 $0x5F3759DF, v17;
	v7 =	vmul.f32 v5, v9  }
0x14a: {  	v24 =	vmul.f32 v3, v8;
	v6 =	vmul.f32 v2, v6  }
0x14b: {  	v25 =	vmul.f32 v15, v16;
	v8 =	vmul.f32 v4, v14  }
0x14c: {  	v26 =	vmul.f32 v17, v19;
	v27 =	vadd.f32 $-2.500000000e+00, v24;
	v6 =	vadd.f32 $4.028355120e+00, v6  }
0x14d: {  	v20 =	vmul.f32 v20, v20;
	v21 =	vmul.f32 v21, v21  }
0x14e: {  	v18 =	vshra.s32 v18, $0x17;
	v27 =	vmul.f32 $2.000000030e-01, v27;
	v2 =	vmul.f32 v2, v6  }
0x14f: {  	v18 =	vadd.s32 $0xFFFFFF81, v18;
	v6 =	vmul.f32 v22, v22;
	v22 =	vmul.f32 v23, v23  }
0x150: {  	v18 =	vcvt.s32.f32 v18;
	v23 =	vmax.f32 v27, $0.0e+00;
	v2 =	vadd.f32 $-2.496766570e+00, v2  }
0x151: {  	v7 =	vmul.f32 v5, v7;
	v8 =	vmul.f32 v4, v8;
	v23 =	vmin.f32 v23, $1.000000000e+00  }
0x152: {  	v27 =	vmul.f32 v23, v23;
	v28 =	vmul.f32 $1.500000000e+01, v23;
	v2 =	vadd.f32 v18, v2  }
0x153: {  	v7 =	vsub.f32 $1.500000000e+00, v7;
	v18 =	vmul.f32 v15, v25;
	v25 =	vmul.f32 v17, v26  }
0x154: {  	v26 =	vsub.f32 $1.000000000e+01, v28;
	v28 =	vmul.f32 $6.000000000e+00, v27;
	v2 =	vmul.f32 $-4.332169890e-02, v2  }
0x155: {  	v20 =	vmul.f32 v20, v20;
	v21 =	vmul.f32 v21, v21;
	v8 =	vsub.f32 $1.500000000e+00, v8  }
0x156: {  	v23 =	vmul.f32 v27, v23;
	v26 =	vadd.f32 v28, v26;
	v2 =	vmul.f32 $1.442695020e+00, v2  }
0x157: {  	v6 =	vmul.f32 v6, v6;
	v22 =	vmul.f32 v22, v22;
	v18 =	vsub.f32 $1.500000000e+00, v18  }
0x158: {  	v25 =	vsub.f32 $1.500000000e+00, v25;
	v23 =	vmul.f32 v26, v23;
	(erf) = vpow2.f32 v2  }
0x159: {  	v20 =	vadd.f32 $2.328306500e+06, v20;
	v21 =	vadd.f32 $2.328306500e+06, v21;
	v26 =	vmul.f32 v5, v7  }
0x15a: {  	v27 =	vmul.f32 v4, v8;
	v28 =	vadd.f32 $2.328306500e+06, v6;
	v4 =	vsub.f32 $1.000000000e+00, v23  }
0x15b: {  	v22 =	vadd.f32 $2.328306500e+06, v22;
	v15 =	vmul.f32 v15, v18;
	v18 =	vmul.f32 v17, v25  }
0x15c: {  	v2 =	vand.u32 $0x7FFFFF, v20;
	v5 =	vand.u32 $0x7FFFFF, v21;
	v17 =	vsub.f32 $1.000000000e+00, v4  }
0x15d: {  	v6 =	vand.u32 $0x7FFFFF, v28;
	v7 =	vand.u32 $0x7FFFFF, v22;
	v8 =	vmul.f32 v26, v9  }
0x15e: {  	v23 =	vor.u32 $0x3F800000, v2;
	v2 =	vmul.f32 v27, v14;
	v9 =	vmul.f32 $9.999999770e-03, v17  }
0x15f: {  	s24 =	sadd.s32 $0x50, s24;
	v32 =	vmul.f32 $9.999999770e-03, v24;
	v25 =	vor.u32 $0x3F800000, v5;
	v5 =	vmul.f32 v15, v16  }
0x160: {  	v29 =	vor.u32 $0x3F800000, v6;
	v16 =	vmul.f32 v18, v19;
	v19 =	vld [tilespmem:s24+$0x20];
	v9 =	vmul.f32 v9, v24  }
0x161: {  	v3 =	vadd.f32 v32, v3;
	v31 =	vor.u32 $0x3F800000, v7;
	v30 =	vmul.f32 $7.914957400e-02, v23;
	v6 =	vld [tilespmem:s24+$0xFFFFFFF0];
	v14 =	vpop (erf)  }
0x162: {  	s25 =	sadd.s32 $0x50, s25;
	v32 =	vmul.f32 $7.914957400e-02, v25;
	v33 =	vmul.f32 $7.914957400e-02, v29;
	v7 =	vld [tilespmem:s24+$0x0];
	v9 =	vadd.f32 v9, v14  }
0x163: {  	v3 =	vadd.f32 $-2.000000030e-01, v3;
	v34 =	vmul.f32 $7.914957400e-02, v31;
	v14 =	vmul.f32 v8, v26;
	v35 =	vld [tilespmem:s25+$0x20]  }
0x164: {  	vm0 =	vlt.f32 v24, $1.000000000e+01;
	v36 =	vmul.f32 v2, v27;
	v8 =	vld [tilespmem:s24+$0x10];
	v24 =	vadd.f32 $-2.000000030e-01, v9  }
0x165: {  	v3 =	vnsel vm0, $0x0, v3;
	v37 =	vmul.f32 v5, v15;
	v9 =	vld [tilespmem:s24+$0xFFFFFFE0];
	v5 =	vmul.f32 $7.199822900e+00, v19  }
0x166: {  	v17 =	vmul.f32 v17, v3;
	v19 =	vsub.f32 $6.288099290e-01, v30;
	v2 =	vld [tilespmem:s25+$0xFFFFFFE0];
	v24 =	vmul.f32 v24, v4  }
0x167: {  	v16 =	vmul.f32 v16, v18;
	v30 =	vsub.f32 $6.288099290e-01, v32;
	v32 =	vsub.f32 $6.288099290e-01, v33;
	v3 =	vld [tilespmem:s25+$0xFFFFFFF0]  }
0x168: {  	v33 =	vsub.f32 $6.288099290e-01, v34;
	v4 =	vld [tilespmem:s25+$0x0];
	v34 =	vmul.f32 v35, v5;
	v17 =	vadd.f32 v24, v17  }
0x169: {  	v14 =	vsub.f32 $1.500000000e+00, v14;
	v19 =	vmul.f32 v23, v19;
	v24 =	vsub.f32 $1.500000000e+00, v36;
	v5 =	vld [tilespmem:s25+$0x10]  }
0x16a: {  	v35 =	vsub.f32 $1.500000000e+00, v37;
	v36 =	vsub.f32 $1.500000000e+00, v16;
	v17 =	vmul.f32 v17, v34  }
0x16b: {  	s30 =	sadd.s32 $0x50, s30;
	v30 =	vmul.f32 v25, v30;
	v32 =	vmul.f32 v29, v32;
	v19 =	vadd.f32 $-2.081044670e+00, v19  }
0x16c: {  	v20 =	vshra.s32 v20, $0x17;
	v16 =	vmul.f32 v14, v26;
	v26 =	vmul.f32 v31, v33;
	[tilespmem:s30+$0x20] =	vst v17  }
0x16d: {  	v14 =	vmul.f32 v35, v15;
	v17 =	vmul.f32 v24, v27;
	v24 =	vadd.f32 $-2.081044670e+00, v30  }
0x16e: {  	v15 =	vmul.f32 v36, v18;
	v18 =	vadd.f32 $-2.081044670e+00, v26;
	v27 =	vadd.f32 $-2.081044670e+00, v32  }
0x16f: {  	v21 =	vshra.s32 v21, $0x17;
	v10 =	vmul.f32 v16, v10;
	v11 =	vmul.f32 v17, v11  }
0x170: {  	v26 =	vshra.s32 v28, $0x17;
	v12 =	vmul.f32 v14, v12;
	v13 =	vmul.f32 v15, v13  }
0x171: {  	v19 =	vmul.f32 v23, v19;
	v28 =	vadd.f32 $-2.500000000e+00, v10;
	v24 =	vmul.f32 v25, v24  }
0x172: {  	v18 =	vmul.f32 v31, v18;
	v27 =	vmul.f32 v29, v27;
	v30 =	vadd.f32 $-2.500000000e+00, v11  }
0x173: {  	v28 =	vmul.f32 $2.000000030e-01, v28;
	v32 =	vadd.f32 $-2.500000000e+00, v12;
	v33 =	vadd.f32 $-2.500000000e+00, v13  }
0x174: {  	v19 =	vadd.f32 $4.028355120e+00, v19;
	v24 =	vadd.f32 $4.028355120e+00, v24;
	v30 =	vmul.f32 $2.000000030e-01, v30  }
0x175: {  	v18 =	vadd.f32 $4.028355120e+00, v18;
	v32 =	vmul.f32 $2.000000030e-01, v32;
	v27 =	vadd.f32 $4.028355120e+00, v27  }
0x176: {  	v22 =	vshra.s32 v22, $0x17;
	v19 =	vmul.f32 v23, v19;
	v23 =	vmul.f32 $2.000000030e-01, v33  }
0x177: {  	v28 =	vmax.f32 v28, $0.0e+00;
	v24 =	vmul.f32 v25, v24;
	v25 =	vmul.f32 v29, v27  }
0x178: {  	v18 =	vmul.f32 v31, v18;
	v29 =	vmax.f32 v32, $0.0e+00;
	v27 =	vmax.f32 v30, $0.0e+00  }
0x179: {  	v20 =	vadd.s32 $0xFFFFFF81, v20;
	v21 =	vadd.s32 $0xFFFFFF81, v21;
	v23 =	vmax.f32 v23, $0.0e+00  }
0x17a: {  	v22 =	vadd.s32 $0xFFFFFF81, v22;
	v26 =	vadd.s32 $0xFFFFFF81, v26;
	v28 =	vmin.f32 v28, $1.000000000e+00  }
0x17b: {  	v19 =	vadd.f32 $-2.496766570e+00, v19;
	v24 =	vadd.f32 $-2.496766570e+00, v24;
	v27 =	vmin.f32 v27, $1.000000000e+00  }
0x17c: {  	v29 =	vmin.f32 v29, $1.000000000e+00;
	v23 =	vmin.f32 v23, $1.000000000e+00;
	v25 =	vadd.f32 $-2.496766570e+00, v25  }
0x17d: {  	v20 =	vcvt.s32.f32 v20;
	v21 =	vcvt.s32.f32 v21;
	v18 =	vadd.f32 $-2.496766570e+00, v18  }
0x17e: {  	v22 =	vcvt.s32.f32 v22;
	vm0 =	vlt.f32 v10, $1.000000000e+01;
	v26 =	vcvt.s32.f32 v26  }
0x17f: {  	v31 =	vmul.f32 $1.500000000e+01, v28;
	v19 =	vadd.f32 v20, v19;
	v30 =	vmul.f32 v28, v28  }
0x180: {  	v20 =	vmul.f32 v27, v27;
	v32 =	vmul.f32 $1.500000000e+01, v27;
	v21 =	vadd.f32 v21, v24  }
0x181: {  	v33 =	vmul.f32 $1.500000000e+01, v29;
	v24 =	vmul.f32 v29, v29;
	v25 =	vadd.f32 v26, v25  }
0x182: {  	v34 =	vmul.f32 $1.500000000e+01, v23;
	v18 =	vadd.f32 v22, v18;
	v26 =	vmul.f32 v23, v23  }
0x183: {  	v22 =	vsub.f32 $1.000000000e+01, v31;
	v31 =	vmul.f32 $6.000000000e+00, v30;
	v32 =	vsub.f32 $1.000000000e+01, v32  }
0x184: {  	v33 =	vsub.f32 $1.000000000e+01, v33;
	v35 =	vmul.f32 $6.000000000e+00, v20;
	v36 =	vmul.f32 $6.000000000e+00, v24  }
0x185: {  	v19 =	vmul.f32 $-4.332169890e-02, v19;
	v34 =	vsub.f32 $1.000000000e+01, v34;
	v37 =	vmul.f32 $6.000000000e+00, v26  }
0x186: {  	v22 =	vadd.f32 v31, v22;
	v21 =	vmul.f32 $-4.332169890e-02, v21;
	v25 =	vmul.f32 $-4.332169890e-02, v25  }
0x187: {  	v18 =	vmul.f32 $-4.332169890e-02, v18;
	v31 =	vadd.f32 v35, v32;
	v32 =	vadd.f32 v36, v33  }
0x188: {  	v28 =	vmul.f32 v30, v28;
	v20 =	vmul.f32 v20, v27;
	v27 =	vadd.f32 v37, v34  }
0x189: {  	vm1 =	vlt.f32 v11, $1.000000000e+01;
	v24 =	vmul.f32 v24, v29;
	v23 =	vmul.f32 v26, v23  }
0x18a: {  	vm3 =	vlt.f32 v12, $1.000000000e+01;
	v19 =	vmul.f32 $1.442695020e+00, v19;
	v21 =	vmul.f32 $1.442695020e+00, v21  }
0x18b: {  	vm2 =	vlt.f32 v13, $1.000000000e+01;
	v26 =	vmul.f32 $1.442695020e+00, v18;
	v25 =	vmul.f32 $1.442695020e+00, v25  }
0x18c: {  	v18 =	vmul.f32 v22, v28;
	v20 =	vmul.f32 v31, v20  }
0x18d: {  	v22 =	vmul.f32 v32, v24;
	v23 =	vmul.f32 v27, v23  }
0x18e: {  	v24 =	vsub.f32 $1.000000000e+00, v18;
	v27 =	vsub.f32 $1.000000000e+00, v20;
	(erf) = vpow2.f32 v19  }
0x18f: {  	v22 =	vsub.f32 $1.000000000e+00, v22;
	v19 =	vsub.f32 $1.000000000e+00, v23;
	(erf) = vpow2.f32 v21  }
0x190: {  	v20 =	vsub.f32 $1.000000000e+00, v27;
	v23 =	vsub.f32 $1.000000000e+00, v24;
	(erf) = vpow2.f32 v25  }
0x191: {  	v21 =	vsub.f32 $1.000000000e+00, v22;
	v18 =	vsub.f32 $1.000000000e+00, v19;
	(erf) = vpow2.f32 v26  }
0x192: {  	v25 =	vmul.f32 $9.999999770e-03, v23;
	v26 =	vmul.f32 $9.999999770e-03, v20  }
0x193: {  	v28 =	vmul.f32 $9.999999770e-03, v21;
	v29 =	vmul.f32 $9.999999770e-03, v18  }
0x194: {  	v30 =	vmul.f32 $9.999999770e-03, v10;
	v31 =	vmul.f32 $9.999999770e-03, v11  }
0x195: {  	v33 =	vmul.f32 $9.999999770e-03, v13;
	v32 =	vmul.f32 $9.999999770e-03, v12  }
0x196: {  	v16 =	vadd.f32 v30, v16;
	v10 =	vmul.f32 v25, v10;
	v30 =	vmul.f32 v26, v11  }
0x197: {  	v17 =	vadd.f32 v31, v17;
	v12 =	vmul.f32 v28, v12;
	v13 =	vmul.f32 v29, v13;
	v25 =	vpop (erf)  }
0x198: {  	v9 =	vmul.f32 $7.199822900e+00, v9;
	v15 =	vadd.f32 v33, v15;
	v14 =	vadd.f32 v32, v14;
	v26 =	vpop (erf)  }
0x199: {  	v25 =	vadd.f32 v10, v25;
	v10 =	vmul.f32 $7.199822900e+00, v6;
	v6 =	vadd.f32 v30, v26;
	v11 =	vpop (erf)  }
0x19a: {  	v7 =	vmul.f32 $7.199822900e+00, v7;
	v16 =	vadd.f32 $-2.000000030e-01, v16;
	v26 =	vadd.f32 v12, v11;
	v11 =	vpop (erf)  }
.Ltmp5:
0x19b: {  	v8 =	vmul.f32 $7.199822900e+00, v8;
	v12 =	vadd.f32 $-2.000000030e-01, v17;
	v28 =	vadd.f32 v13, v11;
	(pc) =	sbr.rel @p2 .LBB2_9-.Ltmp5, $4  }
0x19c: {  	v15 =	vadd.f32 $-2.000000030e-01, v15;
	v11 =	vnsel vm0, $0x0, v16;
	v13 =	vadd.f32 $-2.000000030e-01, v14  }
0x19d: {  	v14 =	vadd.f32 $-2.000000030e-01, v25;
	v6 =	vadd.f32 $-2.000000030e-01, v6;
	v12 =	vnsel vm1, $0x0, v12  }
0x19e: {  	v17 =	vadd.f32 $-2.000000030e-01, v26;
	v13 =	vnsel vm3, $0x0, v13;
	v16 =	vadd.f32 $-2.000000030e-01, v28  }
0x19f: {  	s0 =	sadd.s32 $0x50, s0;
	v15 =	vnsel vm2, $0x0, v15;
	v14 =	vmul.f32 v14, v24;
	v6 =	vmul.f32 v6, v27  }
0x1a0: {  	v17 =	vmul.f32 v17, v22;
	v11 =	vmul.f32 v23, v11  }
0x1a1: {  	v16 =	vmul.f32 v16, v19;
	v12 =	vmul.f32 v20, v12  }
0x1a2: {  	v13 =	vmul.f32 v21, v13;
	v2 =	vmul.f32 v2, v9;
	v9 =	vadd.f32 v14, v11  }
0x1a3: {  	v3 =	vmul.f32 v3, v10;
	v11 =	vmul.f32 v18, v15;
	v6 =	vadd.f32 v6, v12  }
0x1a4: {  	v4 =	vmul.f32 v4, v7;
	v10 =	vadd.f32 v17, v13;
	v2 =	vmul.f32 v9, v2  }
0x1a5: {  	v5 =	vmul.f32 v5, v8;
	v7 =	vadd.f32 v16, v11;
	v3 =	vmul.f32 v6, v3  }
0x1a6: {  	[tilespmem:s30+$0xFFFFFFE0] =	vst v2;
	v2 =	vmul.f32 v10, v4  }
0x1a7: {  	[tilespmem:s30+$0xFFFFFFF0] =	vst v3;
	v3 =	vmul.f32 v7, v5  }
0x1a8: {  	[tilespmem:s30+$0x0] =	vst v2  }
0x1a9: {  	[tilespmem:s30+$0x10] =	vst v3  }
0x1aa: {  	s0 =	simm.s32 @p0 $0xFA0;
	[bflag:$0x0] =	sbarrier.arrive $0xFFFF  }
0x1ab: {  	s14 =	simm.s32 @p0 $0x800;
	s16 =	simm.s32 @p0 $0xE800;
	[bflag:$0x0] =	sbarrier.arrive @p0 $0xFFFF  }
0x1ac: {  	[spmem:s21] =	stream.indirect.scatter.add.f32 @p0 [tilespmem:s16], [sflag:$0x5], $0x1, s14, s0, $0xb8;
	[tilespmem:$0x1F480] =	vst v63  }
0x1ad: {  	s0 =	simm.s32 @p0 $0x5  }
0x1ae: {  	_ =	swait.ge @p0 [sflag:s0], $0xFA0  }
0x1af: {  	s14 =	simm.s32 @!p0 $0x800;
	[sflag:s0] =	ssyncset.done @p0 $0x0  }
0x1b0: {  	s16 =	simm.s32 @!p0 $0xE800;
	[sflag:s0] =	ssyncadd.s32 @p0 $0xFFFFF060;
	s0 =	simm.s32 @!p0 $0xFA0  }
0x1b1: {  	[spmem:s21] =	stream.indirect.scatter.add.f32 @!p0 [tilespmem:s16], [sflag:$0x5], $0x1, s14, s0, $0xb8;
	[tilespmem:$0x1F480] =	vst v63  }
0x1b2: {  	s0 =	simm.s32 @!p0 $0x5;
	s14 =	smul.u32 $0x1F40, s13  }
0x1b3: {  	_ =	swait.ge @!p0 [sflag:s0], $0xFA0  }
0x1b4: {  	[sflag:s0] =	ssyncset.done @!p0 $0x0;
	s25 =	sadd.s32 s14, s22  }
0x1b5: {  	[sflag:s0] =	ssyncadd.s32 @!p0 $0xFFFFF060;
	s0 =	sshrl.u32 s25, $0x3  }
0x1b6: {  	[bflag:$0x0] =	sbarrier.arrive @!p0 $0xFFFF;
	s16 =	sadd.s32 s1, s0  }
0x1b7: {  	[tilespmem:s19], [sflag:$0x1] =	stream.linear.gather [hbm4b:s16+s6], $0xFA0, $0x38;
	[tilespmem:$0x1F480] =	vst v63  }
0x1b8: {  	s24 =	sadd.s32 s2, s0  }
0x1b9: {  	[tilespmem:s20], [sflag:$0x1] =	stream.linear.gather [hbm4b:s24+s6], $0xFA0, $0x38;
	[tilespmem:$0x1F480] =	vst v63  }
0x1ba: {  	s25 =	sadd.s32 s7, s0;
	s24 =	simm.s32 $0x4800  }
0x1bb: {  	[tilespmem:s24], [sflag:$0x1] =	stream.linear.gather [hbm4b:s25+s6], $0xFA0, $0x38;
	[tilespmem:$0x1F480] =	vst v63  }
0x1bc: {  	s24 =	sadd.s32 s8, s0;
	s25 =	simm.s32 $0x6800  }
0x1bd: {  	[tilespmem:s25], [sflag:$0x1] =	stream.linear.gather [hbm4b:s24+s6], $0xFA0, $0x38;
	[tilespmem:$0x1F480] =	vst v63  }
0x1be: {  	s0 =	sadd.s32 s15, s0;
	s24 =	simm.s32 $0x8800  }
0x1bf: {  	[tilespmem:s24], [sflag:$0x1] =	stream.linear.gather [hbm4b:s0+s6], $0xFA0, $0x38;
	[tilespmem:$0x1F480] =	vst v63  }
0x1c0: {  	_ =	swait.ge [sflag:s5], $0xFA0  }
0x1c1: {  	[sflag:s5] =	ssyncset.done $0x0  }
0x1c2: {  	[sflag:s5] =	ssyncadd.s32 $0xFFFFF060  }
0x1c3: {  	_ =	swait.ge [sflag:s5], $0xFA0  }
0x1c4: {  	[sflag:s5] =	ssyncset.done $0x0  }
0x1c5: {  	s25 =	simm.s32 $0x5820;
	[sflag:s5] =	ssyncadd.s32 $0xFFFFF060  }
0x1c6: {  	s16 =	simm.s32 $0x7820;
	v2 =	vld [tilespmem:s25+$0x20]  }
0x1c7: {  	s24 =	simm.s32 $0x9820;
	v3 =	vld [tilespmem:s16+$0x20]  }
0x1c8: {  	v4 =	vld [tilespmem:s24+$0x20]  }
0x1c9: {  	v5 =	vld [tilespmem:s25+$0xFFFFFFE0]  }
0x1ca: {  	v6 =	vld [tilespmem:s16+$0xFFFFFFE0]  }
0x1cb: {  	v7 =	vld [tilespmem:s25+$0xFFFFFFF0]  }
0x1cc: {  	v8 =	vld [tilespmem:s16+$0xFFFFFFF0];
	v2 =	vmul.f32 v2, v2;
	v3 =	vmul.f32 v3, v3  }
0x1cd: {  	v9 =	vld [tilespmem:s25+$0x0]  }
0x1ce: {  	v10 =	vld [tilespmem:s25+$0x10];
	v2 =	vadd.f32 v3, v2;
	v3 =	vmul.f32 v4, v4  }
0x1cf: {  	v4 =	vld [tilespmem:s16+$0x0]  }
0x1d0: {  	v5 =	vmul.f32 v5, v5;
	v11 =	vadd.f32 v3, v2;
	v2 =	vmul.f32 v6, v6;
	v6 =	vld [tilespmem:s16+$0x10]  }
0x1d1: {  	v8 =	vmul.f32 v8, v8;
	v3 =	vmul.f32 v7, v7;
	v7 =	vld [tilespmem:s24+$0xFFFFFFE0]  }
0x1d2: {  	v15 =	vld [tilespmem:s24+$0xFFFFFFF0];
	v9 =	vmul.f32 v9, v9;
	v12 =	vshra.s32 v11, $0x1;
	v13 =	vmul.f32 $5.000000000e-01, v11  }
0x1d3: {  	v16 =	vld [tilespmem:s24+$0x0];
	v14 =	vmul.f32 v11, v11;
	v2 =	vadd.f32 v2, v5;
	v5 =	vmul.f32 v10, v10  }
0x1d4: {  	v3 =	vadd.f32 v8, v3;
	v8 =	vld [tilespmem:s24+$0x10];
	v12 =	vsub.s32 $0x5F3759DF, v12;
	v4 =	vmul.f32 v4, v4  }
0x1d5: {  	s25 =	simm.s32 $0xB820;
	v17 =	vmul.f32 v12, v13;
	v14 =	vmul.f32 v14, v14  }
0x1d6: {  	v42 =	vld [tilespmem:s25+$0x20];
	v6 =	vmul.f32 v6, v6;
	v7 =	vmul.f32 v7, v7  }
0x1d7: {  	v4 =	vadd.f32 v4, v9;
	v9 =	vmul.f32 v15, v15;
	v10 =	vmul.f32 v12, v17  }
0x1d8: {  	v14 =	vmul.f32 v14, v14;
	v5 =	vadd.f32 v6, v5;
	v6 =	vmul.f32 v16, v16  }
0x1d9: {  	v2 =	vadd.f32 v7, v2;
	v3 =	vadd.f32 v9, v3;
	v8 =	vmul.f32 v8, v8  }
0x1da: {  	v10 =	vsub.f32 $1.500000000e+00, v10;
	v14 =	vadd.f32 $2.328306500e+06, v14  }
0x1db: {  	v45 =	vmul.f32 $7.199822900e+00, v42;
	v4 =	vadd.f32 v6, v4;
	v5 =	vadd.f32 v8, v5  }
0x1dc: {  	v8 =	vshra.s32 v3, $0x1;
	v15 =	vmul.f32 $5.000000000e-01, v3;
	v20 =	vmul.f32 v2, v2  }
0x1dd: {  	v21 =	vmul.f32 v3, v3;
	v7 =	vmul.f32 v12, v10;
	v9 =	vand.u32 $0x7FFFFF, v14  }
0x1de: {  	v8 =	vsub.s32 $0x5F3759DF, v8;
	v14 =	vshra.s32 v14, $0x17;
	v17 =	vmul.f32 $5.000000000e-01, v4  }
0x1df: {  	v6 =	vor.u32 $0x3F800000, v9;
	v18 =	vmul.f32 $5.000000000e-01, v5;
	v22 =	vmul.f32 v4, v4  }
0x1e0: {  	v9 =	vshra.s32 v2, $0x1;
	v23 =	vmul.f32 v5, v5;
	v24 =	vmul.f32 v8, v15  }
0x1e1: {  	v16 =	vshra.s32 v4, $0x1;
	v20 =	vmul.f32 v20, v20;
	v21 =	vmul.f32 v21, v21  }
0x1e2: {  	v19 =	vshra.s32 v5, $0x1;
	v10 =	vmul.f32 v7, v13;
	v12 =	vmul.f32 $7.914957400e-02, v6  }
0x1e3: {  	v14 =	vadd.s32 $0xFFFFFF81, v14;
	v13 =	vmul.f32 $5.000000000e-01, v2;
	v9 =	vsub.s32 $0x5F3759DF, v9  }
0x1e4: {  	v16 =	vsub.s32 $0x5F3759DF, v16;
	v10 =	vmul.f32 v10, v7;
	v12 =	vsub.f32 $6.288099290e-01, v12  }
0x1e5: {  	v19 =	vsub.s32 $0x5F3759DF, v19;
	v14 =	vcvt.s32.f32 v14;
	v24 =	vmul.f32 v8, v24  }
0x1e6: {  	v25 =	vmul.f32 v16, v17;
	v10 =	vsub.f32 $1.500000000e+00, v10;
	v12 =	vmul.f32 v6, v12  }
0x1e7: {  	v26 =	vmul.f32 v19, v18;
	v20 =	vmul.f32 v20, v20;
	v24 =	vsub.f32 $1.500000000e+00, v24  }
0x1e8: {  	v21 =	vmul.f32 v21, v21;
	v7 =	vmul.f32 v10, v7;
	v10 =	vadd.f32 $-2.081044670e+00, v12  }
0x1e9: {  	v8 =	vmul.f32 v8, v24;
	v12 =	vmul.f32 v9, v13  }
0x1ea: {  	v11 =	vmul.f32 v7, v11;
	v10 =	vmul.f32 v6, v10  }
0x1eb: {  	v15 =	vmul.f32 v8, v15;
	v12 =	vmul.f32 v9, v12  }
0x1ec: {  	v35 =	vmul.f32 v19, v26;
	v27 =	vadd.f32 $-2.500000000e+00, v11;
	v10 =	vadd.f32 $4.028355120e+00, v10  }
0x1ed: {  	v15 =	vmul.f32 v15, v8;
	v12 =	vsub.f32 $1.500000000e+00, v12;
	v41 =	vmul.f32 $9.999999770e-03, v11  }
0x1ee: {  	vm0 =	vlt.f32 v11, $1.000000000e+01;
	v27 =	vmul.f32 $2.000000030e-01, v27;
	v6 =	vmul.f32 v6, v10  }
0x1ef: {  	v15 =	vsub.f32 $1.500000000e+00, v15;
	v10 =	vmul.f32 v22, v22;
	v22 =	vmul.f32 v23, v23  }
0x1f0: {  	v9 =	vmul.f32 v9, v12;
	v12 =	vadd.f32 $2.328306500e+06, v20;
	v20 =	vadd.f32 $2.328306500e+06, v21  }
0x1f1: {  	v7 =	vadd.f32 v41, v7;
	v8 =	vmul.f32 v15, v8;
	v23 =	vmax.f32 v27, $0.0e+00  }
0x1f2: {  	v6 =	vadd.f32 $-2.496766570e+00, v6;
	v10 =	vmul.f32 v10, v10;
	v22 =	vmul.f32 v22, v22  }
0x1f3: {  	v21 =	vand.u32 $0x7FFFFF, v12;
	v13 =	vmul.f32 v9, v13;
	v7 =	vadd.f32 $-2.000000030e-01, v7  }
0x1f4: {  	v23 =	vmin.f32 v23, $1.000000000e+00;
	v21 =	vor.u32 $0x3F800000, v21;
	v3 =	vmul.f32 v8, v3  }
0x1f5: {  	v34 =	vmul.f32 v23, v23;
	v28 =	vmul.f32 $1.500000000e+01, v23;
	v6 =	vadd.f32 v14, v6  }
0x1f6: {  	v14 =	vmul.f32 v16, v25;
	v25 =	vsub.f32 $1.500000000e+00, v35;
	v10 =	vadd.f32 $2.328306500e+06, v10  }
0x1f7: {  	v29 =	vmul.f32 $7.914957400e-02, v21;
	v13 =	vmul.f32 v13, v9;
	v7 =	vnsel vm0, $0x0, v7  }
0x1f8: {  	vm1 =	vlt.f32 v3, $1.000000000e+01;
	v58 =	vmul.f32 $9.999999770e-03, v3;
	v37 =	vmul.f32 $6.000000000e+00, v34  }
0x1f9: {  	v36 =	vsub.f32 $1.000000000e+01, v28;
	v6 =	vmul.f32 $-4.332169890e-02, v6;
	v23 =	vmul.f32 v34, v23  }
0x1fa: {  	v14 =	vsub.f32 $1.500000000e+00, v14;
	v38 =	vand.u32 $0x7FFFFF, v10;
	v10 =	vshra.s32 v10, $0x17  }
0x1fb: {  	v46 =	vsub.f32 $6.288099290e-01, v29;
	v24 =	vor.u32 $0x3F800000, v38;
	v10 =	vadd.s32 $0xFFFFFF81, v10  }
0x1fc: {  	v26 =	vadd.f32 v37, v36;
	v6 =	vmul.f32 $1.442695020e+00, v6;
	v14 =	vmul.f32 v16, v14  }
0x1fd: {  	v16 =	vmul.f32 v19, v25;
	v19 =	vadd.f32 $2.328306500e+06, v22;
	v31 =	vmul.f32 $7.914957400e-02, v24  }
0x1fe: {  	v22 =	vand.u32 $0x7FFFFF, v20;
	v23 =	vmul.f32 v26, v23;
	(erf) = vpow2.f32 v6  }
0x1ff: {  	v10 =	vcvt.s32.f32 v10;
	v22 =	vor.u32 $0x3F800000, v22;
	v17 =	vmul.f32 v14, v17  }
0x200: {  	v39 =	vand.u32 $0x7FFFFF, v19;
	v18 =	vmul.f32 v16, v18;
	v6 =	vsub.f32 $1.000000000e+00, v23  }
0x201: {  	v30 =	vmul.f32 $7.914957400e-02, v22;
	v19 =	vshra.s32 v19, $0x17;
	v17 =	vmul.f32 v17, v14  }
0x202: {  	v25 =	vor.u32 $0x3F800000, v39;
	v18 =	vmul.f32 v18, v16;
	v23 =	vsub.f32 $1.000000000e+00, v6  }
0x203: {  	v19 =	vadd.s32 $0xFFFFFF81, v19;
	v44 =	vmul.f32 $7.914957400e-02, v25;
	v17 =	vsub.f32 $1.500000000e+00, v17  }
0x204: {  	v19 =	vcvt.s32.f32 v19;
	v18 =	vsub.f32 $1.500000000e+00, v18;
	v40 =	vmul.f32 $9.999999770e-03, v23  }
0x205: {  	s30 =	simm.s32 $0xD820;
	v7 =	vmul.f32 v23, v7;
	v23 =	vsub.f32 $6.288099290e-01, v31;
	v14 =	vmul.f32 v17, v14  }
0x206: {  	v32 =	vld [tilespmem:s30+$0x20];
	v16 =	vmul.f32 v18, v16;
	v17 =	vshra.s32 v20, $0x17;
	v26 =	vmul.f32 v40, v11  }
0x207: {  	v20 =	vadd.f32 $-2.500000000e+00, v3;
	v17 =	vadd.s32 $0xFFFFFF81, v17;
	v23 =	vmul.f32 v24, v23;
	v43 =	vpop (erf)  }
0x208: {  	v4 =	vmul.f32 v14, v4;
	v5 =	vmul.f32 v16, v5;
	v26 =	vadd.f32 v26, v43  }
0x209: {  	v20 =	vmul.f32 $2.000000030e-01, v20;
	v17 =	vcvt.s32.f32 v17;
	v15 =	vadd.f32 $-2.081044670e+00, v23  }
0x20a: {  	v23 =	vadd.f32 $-2.500000000e+00, v4;
	v60 =	vmul.f32 $9.999999770e-03, v4;
	v11 =	vadd.f32 $-2.000000030e-01, v26  }
0x20b: {  	v20 =	vmax.f32 v20, $0.0e+00;
	v26 =	vmul.f32 v32, v45;
	v15 =	vmul.f32 v24, v15  }
0x20c: {  	v20 =	vmin.f32 v20, $1.000000000e+00;
	v23 =	vmul.f32 $2.000000030e-01, v23;
	v6 =	vmul.f32 v11, v6  }
0x20d: {  	v49 =	vmul.f32 $1.500000000e+01, v20;
	v11 =	vsub.f32 $6.288099290e-01, v30;
	v15 =	vadd.f32 $4.028355120e+00, v15  }
0x20e: {  	v6 =	vadd.f32 v6, v7;
	v7 =	vsub.f32 $1.500000000e+00, v13;
	v13 =	vmul.f32 v21, v46  }
0x20f: {  	v27 =	vsub.f32 $6.288099290e-01, v44;
	v11 =	vmul.f32 v22, v11;
	v15 =	vmul.f32 v24, v15  }
0x210: {  	v47 =	vadd.f32 $-2.500000000e+00, v5;
	v6 =	vmul.f32 v6, v26;
	v7 =	vmul.f32 v7, v9  }
0x211: {  	v13 =	vadd.f32 $-2.081044670e+00, v13;
	v9 =	vshra.s32 v12, $0x17;
	v12 =	vmul.f32 v25, v27  }
0x212: {  	v11 =	vadd.f32 $-2.081044670e+00, v11;
	v15 =	vadd.f32 $-2.496766570e+00, v15;
	v2 =	vmul.f32 v7, v2  }
0x213: {  	v9 =	vadd.s32 $0xFFFFFF81, v9;
	v12 =	vadd.f32 $-2.081044670e+00, v12;
	v13 =	vmul.f32 v21, v13  }
0x214: {  	v11 =	vmul.f32 v22, v11;
	v10 =	vadd.f32 v10, v15;
	v18 =	vadd.f32 $-2.500000000e+00, v2  }
0x215: {  	v9 =	vcvt.s32.f32 v9;
	v12 =	vmul.f32 v25, v12;
	v13 =	vadd.f32 $4.028355120e+00, v13  }
0x216: {  	v11 =	vadd.f32 $4.028355120e+00, v11;
	v10 =	vmul.f32 $-4.332169890e-02, v10;
	v18 =	vmul.f32 $2.000000030e-01, v18  }
0x217: {  	v12 =	vadd.f32 $4.028355120e+00, v12;
	v13 =	vmul.f32 v21, v13;
	v21 =	vmul.f32 $2.000000030e-01, v47  }
0x218: {  	v11 =	vmul.f32 v22, v11;
	v22 =	vmax.f32 v23, $0.0e+00;
	v10 =	vmul.f32 $1.442695020e+00, v10  }
0x219: {  	v22 =	vmin.f32 v22, $1.000000000e+00;
	v18 =	vmax.f32 v18, $0.0e+00;
	v12 =	vmul.f32 v25, v12  }
0x21a: {  	v21 =	vmax.f32 v21, $0.0e+00;
	v13 =	vadd.f32 $-2.496766570e+00, v13;
	v11 =	vadd.f32 $-2.496766570e+00, v11  }
0x21b: {  	v50 =	vmul.f32 $1.500000000e+01, v22;
	v18 =	vmin.f32 v18, $1.000000000e+00;
	v21 =	vmin.f32 v21, $1.000000000e+00  }
0x21c: {  	v23 =	vmul.f32 v18, v18;
	v48 =	vmul.f32 $1.500000000e+01, v18;
	v9 =	vadd.f32 v9, v13  }
0x21d: {  	v13 =	vmul.f32 v20, v20;
	v11 =	vadd.f32 v17, v11;
	v17 =	vmul.f32 v22, v22  }
0x21e: {  	v25 =	vsub.f32 $1.000000000e+01, v49;
	v15 =	vmul.f32 v21, v21;
	v51 =	vmul.f32 $1.500000000e+01, v21  }
0x21f: {  	v12 =	vadd.f32 $-2.496766570e+00, v12;
	v52 =	vmul.f32 $6.000000000e+00, v23;
	v53 =	vmul.f32 $6.000000000e+00, v13  }
0x220: {  	v26 =	vsub.f32 $1.000000000e+01, v50;
	v54 =	vmul.f32 $6.000000000e+00, v17;
	v9 =	vmul.f32 $-4.332169890e-02, v9  }
0x221: {  	v12 =	vadd.f32 v19, v12;
	v55 =	vmul.f32 $6.000000000e+00, v15;
	v11 =	vmul.f32 $-4.332169890e-02, v11  }
0x222: {  	v19 =	vsub.f32 $1.000000000e+01, v48;
	v18 =	vmul.f32 v23, v18;
	v13 =	vmul.f32 v13, v20  }
0x223: {  	v27 =	vsub.f32 $1.000000000e+01, v51;
	v17 =	vmul.f32 v17, v22;
	v15 =	vmul.f32 v15, v21  }
0x224: {  	v12 =	vmul.f32 $-4.332169890e-02, v12;
	v19 =	vadd.f32 v52, v19;
	v20 =	vadd.f32 v53, v25  }
0x225: {  	v21 =	vadd.f32 v54, v26;
	v9 =	vmul.f32 $1.442695020e+00, v9;
	v11 =	vmul.f32 $1.442695020e+00, v11  }
0x226: {  	v22 =	vadd.f32 v55, v27;
	v12 =	vmul.f32 $1.442695020e+00, v12;
	v18 =	vmul.f32 v19, v18  }
0x227: {  	v8 =	vadd.f32 v58, v8;
	v13 =	vmul.f32 v20, v13;
	v17 =	vmul.f32 v21, v17  }
0x228: {  	v15 =	vmul.f32 v22, v15;
	(erf) = vpow2.f32 v9;
	v56 =	vsub.f32 $1.000000000e+00, v18  }
0x229: {  	(erf) = vpow2.f32 v11;
	v57 =	vsub.f32 $1.000000000e+00, v13;
	v22 =	vsub.f32 $1.000000000e+00, v17  }
0x22a: {  	v19 =	vsub.f32 $1.000000000e+00, v15;
	(erf) = vpow2.f32 v10;
	v23 =	vsub.f32 $1.000000000e+00, v56  }
0x22b: {  	(erf) = vpow2.f32 v12;
	v20 =	vsub.f32 $1.000000000e+00, v57;
	v21 =	vsub.f32 $1.000000000e+00, v22  }
0x22c: {  	v61 =	vmul.f32 $9.999999770e-03, v5;
	v18 =	vsub.f32 $1.000000000e+00, v19;
	v9 =	vmul.f32 $9.999999770e-03, v23  }
0x22d: {  	vm2 =	vlt.f32 v4, $1.000000000e+01;
	v11 =	vld [tilespmem:s25+$0xFFFFFFE0];
	v10 =	vmul.f32 $9.999999770e-03, v20;
	v12 =	vmul.f32 $9.999999770e-03, v21  }
0x22e: {  	vm3 =	vlt.f32 v2, $1.000000000e+01;
	v15 =	vld [tilespmem:s25+$0xFFFFFFF0];
	v17 =	vmul.f32 $9.999999770e-03, v2;
	v13 =	vmul.f32 $9.999999770e-03, v18  }
0x22f: {  	v59 =	vld [tilespmem:s25+$0x0];
	v2 =	vmul.f32 v9, v2;
	v4 =	vmul.f32 v12, v4;
	v12 =	vadd.f32 v60, v14  }
0x230: {  	v62 =	vld [tilespmem:s25+$0x10];
	vm15 =	vlt.f32 v5, $1.000000000e+01;
	v5 =	vmul.f32 v13, v5;
	v13 =	vadd.f32 v61, v16  }
0x231: {  	v7 =	vadd.f32 v17, v7;
	v3 =	vmul.f32 v10, v3;
	v10 =	vpop (erf);
	v17 =	vadd.f32 $-2.000000030e-01, v12  }
0x232: {  	v9 =	vmul.f32 $7.199822900e+00, v11;
	v63 =	vadd.f32 $-2.000000030e-01, v13;
	v11 =	vpop (erf);
	v14 =	vadd.f32 v2, v10  }
0x233: {  	v10 =	vmul.f32 $7.199822900e+00, v15;
	v15 =	vadd.f32 v3, v11;
	v2 =	vpop (erf);
	v3 =	vadd.f32 $-2.000000030e-01, v7  }
0x234: {  	v7 =	vmul.f32 $7.199822900e+00, v59;
	v13 =	vnsel vm2, $0x0, v17;
	v16 =	vadd.f32 v4, v2;
	v2 =	vpop (erf)  }
0x235: {  	v4 =	vadd.f32 $-2.000000030e-01, v8;
	v8 =	vmul.f32 $7.199822900e+00, v62;
	v5 =	vadd.f32 v5, v2;
	v2 =	vld [tilespmem:s30+$0xFFFFFFE0]  }
0x236: {  	v14 =	vadd.f32 $-2.000000030e-01, v14;
	v11 =	vnsel vm3, $0x0, v3;
	v3 =	vld [tilespmem:s30+$0xFFFFFFF0];
	v15 =	vadd.f32 $-2.000000030e-01, v15  }
0x237: {  	s31 =	simm.s32 $0xE820;
	v12 =	vnsel vm1, $0x0, v4;
	v4 =	vld [tilespmem:s30+$0x0];
	v17 =	vadd.f32 $-2.000000030e-01, v16;
	v16 =	vadd.f32 $-2.000000030e-01, v5  }
0x238: {  	s29 =	simm.s32 $0x5870;
	s0 =	simm.s32 $0x0;
	[tilespmem:s31+$0x20] =	vst v6;
	v14 =	vmul.f32 v14, v56;
	v5 =	vld [tilespmem:s30+$0x10];
	v6 =	vmul.f32 v15, v57;
	v15 =	vnsel vm15, $0x0, v63  }
.LBB2_11:
0x239: {  	v24 =	vld [tilespmem:s29+$0x20];
	v17 =	vmul.f32 v17, v22;
	v16 =	vmul.f32 v16, v19;
	s16 =	sadd.s32 $0x50, s16  }
0x23a: {  	s0 =	sadd.s32 $0x5, s0;
	v11 =	vmul.f32 v23, v11;
	v12 =	vmul.f32 v20, v12;
	v19 =	vld [tilespmem:s16+$0x20]  }
0x23b: {  	v13 =	vmul.f32 v21, v13;
	v15 =	vmul.f32 v18, v15;
	s24 =	sadd.s32 $0x50, s24;
	p2 =	slt.u32 s0, $0xF5;
	v20 =	vld [tilespmem:s29+$0xFFFFFFE0]  }
0x23c: {  	v2 =	vmul.f32 v2, v9;
	v9 =	vadd.f32 v14, v11;
	v6 =	vadd.f32 v6, v12;
	v18 =	vld [tilespmem:s24+$0x20]  }
0x23d: {  	v3 =	vmul.f32 v3, v10;
	v10 =	vadd.f32 v17, v13;
	v12 =	vadd.f32 v16, v15;
	v11 =	vld [tilespmem:s16+$0xFFFFFFE0]  }
0x23e: {  	v4 =	vmul.f32 v4, v7;
	v5 =	vmul.f32 v5, v8;
	v13 =	vld [tilespmem:s29+$0xFFFFFFF0]  }
0x23f: {  	v8 =	vmul.f32 v24, v24;
	v7 =	vld [tilespmem:s16+$0xFFFFFFF0];
	v14 =	vmul.f32 v19, v19  }
0x240: {  	v2 =	vmul.f32 v9, v2;
	v15 =	vmul.f32 v20, v20;
	v16 =	vld [tilespmem:s29+$0x0]  }
0x241: {  	v3 =	vmul.f32 v6, v3;
	v9 =	vld [tilespmem:s16+$0x0];
	v8 =	vadd.f32 v14, v8;
	v14 =	vmul.f32 v18, v18  }
0x242: {  	v6 =	vmul.f32 v11, v11;
	v11 =	vld [tilespmem:s29+$0x10];
	[tilespmem:s31+$0xFFFFFFE0] =	vst v2;
	v2 =	vmul.f32 v10, v4  }
0x243: {  	v4 =	vmul.f32 v13, v13;
	v10 =	vld [tilespmem:s16+$0x10];
	v8 =	vadd.f32 v14, v8;
	[tilespmem:s31+$0xFFFFFFF0] =	vst v3;
	v3 =	vmul.f32 v12, v5  }
0x244: {  	v5 =	vld [tilespmem:s24+$0xFFFFFFE0];
	v6 =	vadd.f32 v6, v15;
	v7 =	vmul.f32 v7, v7;
	[tilespmem:s31+$0x0] =	vst v2  }
0x245: {  	v2 =	vld [tilespmem:s24+$0xFFFFFFF0];
	v12 =	vshra.s32 v8, $0x1;
	v14 =	vmul.f32 $5.000000000e-01, v8;
	v13 =	vmul.f32 v8, v8;
	[tilespmem:s31+$0x10] =	vst v3  }
0x246: {  	v15 =	vmul.f32 v16, v16;
	v3 =	vld [tilespmem:s24+$0x0];
	v9 =	vmul.f32 v9, v9;
	v16 =	vsub.s32 $0x5F3759DF, v12  }
0x247: {  	v4 =	vadd.f32 v7, v4;
	v7 =	vld [tilespmem:s24+$0x10];
	v12 =	vmul.f32 v16, v14;
	v13 =	vmul.f32 v13, v13  }
0x248: {  	v11 =	vmul.f32 v11, v11;
	v9 =	vadd.f32 v9, v15;
	v10 =	vmul.f32 v10, v10  }
0x249: {  	v12 =	vmul.f32 v16, v12;
	v13 =	vmul.f32 v13, v13  }
0x24a: {  	v5 =	vmul.f32 v5, v5;
	v2 =	vmul.f32 v2, v2;
	v15 =	vadd.f32 v10, v11  }
0x24b: {  	v3 =	vmul.f32 v3, v3;
	v17 =	vsub.f32 $1.500000000e+00, v12;
	v18 =	vadd.f32 $2.328306500e+06, v13  }
0x24c: {  	v10 =	vadd.f32 v5, v6;
	v11 =	vadd.f32 v2, v4;
	v2 =	vmul.f32 v7, v7  }
0x24d: {  	v12 =	vadd.f32 v3, v9;
	v3 =	vmul.f32 v16, v17;
	v4 =	vand.u32 $0x7FFFFF, v18  }
0x24e: {  	v5 =	vshra.s32 v10, $0x1;
	v13 =	vadd.f32 v2, v15;
	v2 =	vor.u32 $0x3F800000, v4  }
0x24f: {  	v4 =	vshra.s32 v11, $0x1;
	v6 =	vmul.f32 v3, v14;
	v7 =	vmul.f32 $7.914957400e-02, v2  }
0x250: {  	v9 =	vmul.f32 $5.000000000e-01, v10;
	v14 =	vmul.f32 $5.000000000e-01, v11;
	v15 =	vshra.s32 v12, $0x1  }
0x251: {  	v16 =	vmul.f32 $5.000000000e-01, v12;
	v6 =	vmul.f32 v6, v3;
	v7 =	vsub.f32 $6.288099290e-01, v7  }
0x252: {  	v5 =	vsub.s32 $0x5F3759DF, v5;
	v17 =	vshra.s32 v13, $0x1;
	v19 =	vmul.f32 $5.000000000e-01, v13  }
0x253: {  	v20 =	vmul.f32 v10, v10;
	v6 =	vsub.f32 $1.500000000e+00, v6;
	v7 =	vmul.f32 v2, v7  }
0x254: {  	v21 =	vmul.f32 v11, v11;
	v4 =	vsub.s32 $0x5F3759DF, v4;
	v15 =	vsub.s32 $0x5F3759DF, v15  }
0x255: {  	v22 =	vmul.f32 v12, v12;
	v3 =	vmul.f32 v6, v3;
	v6 =	vadd.f32 $-2.081044670e+00, v7  }
0x256: {  	v23 =	vmul.f32 v13, v13;
	v17 =	vsub.s32 $0x5F3759DF, v17;
	v7 =	vmul.f32 v5, v9  }
0x257: {  	v24 =	vmul.f32 v3, v8;
	v6 =	vmul.f32 v2, v6  }
0x258: {  	v25 =	vmul.f32 v15, v16;
	v8 =	vmul.f32 v4, v14  }
0x259: {  	v26 =	vmul.f32 v17, v19;
	v27 =	vadd.f32 $-2.500000000e+00, v24;
	v6 =	vadd.f32 $4.028355120e+00, v6  }
0x25a: {  	v20 =	vmul.f32 v20, v20;
	v21 =	vmul.f32 v21, v21  }
0x25b: {  	v18 =	vshra.s32 v18, $0x17;
	v27 =	vmul.f32 $2.000000030e-01, v27;
	v2 =	vmul.f32 v2, v6  }
0x25c: {  	v18 =	vadd.s32 $0xFFFFFF81, v18;
	v6 =	vmul.f32 v22, v22;
	v22 =	vmul.f32 v23, v23  }
0x25d: {  	v18 =	vcvt.s32.f32 v18;
	v23 =	vmax.f32 v27, $0.0e+00;
	v2 =	vadd.f32 $-2.496766570e+00, v2  }
0x25e: {  	v7 =	vmul.f32 v5, v7;
	v8 =	vmul.f32 v4, v8;
	v23 =	vmin.f32 v23, $1.000000000e+00  }
0x25f: {  	v27 =	vmul.f32 v23, v23;
	v28 =	vmul.f32 $1.500000000e+01, v23;
	v2 =	vadd.f32 v18, v2  }
0x260: {  	v7 =	vsub.f32 $1.500000000e+00, v7;
	v18 =	vmul.f32 v15, v25;
	v25 =	vmul.f32 v17, v26  }
0x261: {  	v26 =	vsub.f32 $1.000000000e+01, v28;
	v28 =	vmul.f32 $6.000000000e+00, v27;
	v2 =	vmul.f32 $-4.332169890e-02, v2  }
0x262: {  	v20 =	vmul.f32 v20, v20;
	v21 =	vmul.f32 v21, v21;
	v8 =	vsub.f32 $1.500000000e+00, v8  }
0x263: {  	v23 =	vmul.f32 v27, v23;
	v26 =	vadd.f32 v28, v26;
	v2 =	vmul.f32 $1.442695020e+00, v2  }
0x264: {  	v6 =	vmul.f32 v6, v6;
	v22 =	vmul.f32 v22, v22;
	v18 =	vsub.f32 $1.500000000e+00, v18  }
0x265: {  	v25 =	vsub.f32 $1.500000000e+00, v25;
	v23 =	vmul.f32 v26, v23;
	(erf) = vpow2.f32 v2  }
0x266: {  	v20 =	vadd.f32 $2.328306500e+06, v20;
	v21 =	vadd.f32 $2.328306500e+06, v21;
	v26 =	vmul.f32 v5, v7  }
0x267: {  	v27 =	vmul.f32 v4, v8;
	v28 =	vadd.f32 $2.328306500e+06, v6;
	v4 =	vsub.f32 $1.000000000e+00, v23  }
0x268: {  	v22 =	vadd.f32 $2.328306500e+06, v22;
	v15 =	vmul.f32 v15, v18;
	v18 =	vmul.f32 v17, v25  }
0x269: {  	v2 =	vand.u32 $0x7FFFFF, v20;
	v5 =	vand.u32 $0x7FFFFF, v21;
	v17 =	vsub.f32 $1.000000000e+00, v4  }
0x26a: {  	v6 =	vand.u32 $0x7FFFFF, v28;
	v7 =	vand.u32 $0x7FFFFF, v22;
	v8 =	vmul.f32 v26, v9  }
0x26b: {  	v23 =	vor.u32 $0x3F800000, v2;
	v2 =	vmul.f32 v27, v14;
	v9 =	vmul.f32 $9.999999770e-03, v17  }
0x26c: {  	s25 =	sadd.s32 $0x50, s25;
	v32 =	vmul.f32 $9.999999770e-03, v24;
	v25 =	vor.u32 $0x3F800000, v5;
	v5 =	vmul.f32 v15, v16  }
0x26d: {  	v29 =	vor.u32 $0x3F800000, v6;
	v16 =	vmul.f32 v18, v19;
	v19 =	vld [tilespmem:s25+$0x20];
	v9 =	vmul.f32 v9, v24  }
0x26e: {  	v3 =	vadd.f32 v32, v3;
	v31 =	vor.u32 $0x3F800000, v7;
	v30 =	vmul.f32 $7.914957400e-02, v23;
	v6 =	vld [tilespmem:s25+$0xFFFFFFF0];
	v14 =	vpop (erf)  }
0x26f: {  	s30 =	sadd.s32 $0x50, s30;
	v32 =	vmul.f32 $7.914957400e-02, v25;
	v33 =	vmul.f32 $7.914957400e-02, v29;
	v7 =	vld [tilespmem:s25+$0x0];
	v9 =	vadd.f32 v9, v14  }
0x270: {  	v3 =	vadd.f32 $-2.000000030e-01, v3;
	v34 =	vmul.f32 $7.914957400e-02, v31;
	v14 =	vmul.f32 v8, v26;
	v35 =	vld [tilespmem:s30+$0x20]  }
0x271: {  	vm0 =	vlt.f32 v24, $1.000000000e+01;
	v36 =	vmul.f32 v2, v27;
	v8 =	vld [tilespmem:s25+$0x10];
	v24 =	vadd.f32 $-2.000000030e-01, v9  }
0x272: {  	v3 =	vnsel vm0, $0x0, v3;
	v37 =	vmul.f32 v5, v15;
	v9 =	vld [tilespmem:s25+$0xFFFFFFE0];
	v5 =	vmul.f32 $7.199822900e+00, v19  }
0x273: {  	v17 =	vmul.f32 v17, v3;
	v19 =	vsub.f32 $6.288099290e-01, v30;
	v2 =	vld [tilespmem:s30+$0xFFFFFFE0];
	v24 =	vmul.f32 v24, v4  }
0x274: {  	v16 =	vmul.f32 v16, v18;
	v30 =	vsub.f32 $6.288099290e-01, v32;
	v32 =	vsub.f32 $6.288099290e-01, v33;
	v3 =	vld [tilespmem:s30+$0xFFFFFFF0]  }
0x275: {  	v33 =	vsub.f32 $6.288099290e-01, v34;
	v4 =	vld [tilespmem:s30+$0x0];
	v34 =	vmul.f32 v35, v5;
	v17 =	vadd.f32 v24, v17  }
0x276: {  	v14 =	vsub.f32 $1.500000000e+00, v14;
	v19 =	vmul.f32 v23, v19;
	v24 =	vsub.f32 $1.500000000e+00, v36;
	v5 =	vld [tilespmem:s30+$0x10]  }
0x277: {  	v35 =	vsub.f32 $1.500000000e+00, v37;
	v36 =	vsub.f32 $1.500000000e+00, v16;
	v17 =	vmul.f32 v17, v34  }
0x278: {  	s31 =	sadd.s32 $0x50, s31;
	v30 =	vmul.f32 v25, v30;
	v32 =	vmul.f32 v29, v32;
	v19 =	vadd.f32 $-2.081044670e+00, v19  }
0x279: {  	v20 =	vshra.s32 v20, $0x17;
	v16 =	vmul.f32 v14, v26;
	v26 =	vmul.f32 v31, v33;
	[tilespmem:s31+$0x20] =	vst v17  }
0x27a: {  	v14 =	vmul.f32 v35, v15;
	v17 =	vmul.f32 v24, v27;
	v24 =	vadd.f32 $-2.081044670e+00, v30  }
0x27b: {  	v15 =	vmul.f32 v36, v18;
	v18 =	vadd.f32 $-2.081044670e+00, v26;
	v27 =	vadd.f32 $-2.081044670e+00, v32  }
0x27c: {  	v21 =	vshra.s32 v21, $0x17;
	v10 =	vmul.f32 v16, v10;
	v11 =	vmul.f32 v17, v11  }
0x27d: {  	v26 =	vshra.s32 v28, $0x17;
	v12 =	vmul.f32 v14, v12;
	v13 =	vmul.f32 v15, v13  }
0x27e: {  	v19 =	vmul.f32 v23, v19;
	v28 =	vadd.f32 $-2.500000000e+00, v10;
	v24 =	vmul.f32 v25, v24  }
0x27f: {  	v18 =	vmul.f32 v31, v18;
	v27 =	vmul.f32 v29, v27;
	v30 =	vadd.f32 $-2.500000000e+00, v11  }
0x280: {  	v28 =	vmul.f32 $2.000000030e-01, v28;
	v32 =	vadd.f32 $-2.500000000e+00, v12;
	v33 =	vadd.f32 $-2.500000000e+00, v13  }
0x281: {  	v19 =	vadd.f32 $4.028355120e+00, v19;
	v24 =	vadd.f32 $4.028355120e+00, v24;
	v30 =	vmul.f32 $2.000000030e-01, v30  }
0x282: {  	v18 =	vadd.f32 $4.028355120e+00, v18;
	v32 =	vmul.f32 $2.000000030e-01, v32;
	v27 =	vadd.f32 $4.028355120e+00, v27  }
0x283: {  	v22 =	vshra.s32 v22, $0x17;
	v19 =	vmul.f32 v23, v19;
	v23 =	vmul.f32 $2.000000030e-01, v33  }
0x284: {  	v28 =	vmax.f32 v28, $0.0e+00;
	v24 =	vmul.f32 v25, v24;
	v25 =	vmul.f32 v29, v27  }
0x285: {  	v18 =	vmul.f32 v31, v18;
	v29 =	vmax.f32 v32, $0.0e+00;
	v27 =	vmax.f32 v30, $0.0e+00  }
0x286: {  	v20 =	vadd.s32 $0xFFFFFF81, v20;
	v21 =	vadd.s32 $0xFFFFFF81, v21;
	v23 =	vmax.f32 v23, $0.0e+00  }
0x287: {  	v22 =	vadd.s32 $0xFFFFFF81, v22;
	v26 =	vadd.s32 $0xFFFFFF81, v26;
	v28 =	vmin.f32 v28, $1.000000000e+00  }
0x288: {  	v19 =	vadd.f32 $-2.496766570e+00, v19;
	v24 =	vadd.f32 $-2.496766570e+00, v24;
	v27 =	vmin.f32 v27, $1.000000000e+00  }
0x289: {  	v29 =	vmin.f32 v29, $1.000000000e+00;
	v23 =	vmin.f32 v23, $1.000000000e+00;
	v25 =	vadd.f32 $-2.496766570e+00, v25  }
0x28a: {  	v20 =	vcvt.s32.f32 v20;
	v21 =	vcvt.s32.f32 v21;
	v18 =	vadd.f32 $-2.496766570e+00, v18  }
0x28b: {  	v22 =	vcvt.s32.f32 v22;
	vm0 =	vlt.f32 v10, $1.000000000e+01;
	v26 =	vcvt.s32.f32 v26  }
0x28c: {  	v31 =	vmul.f32 $1.500000000e+01, v28;
	v19 =	vadd.f32 v20, v19;
	v30 =	vmul.f32 v28, v28  }
0x28d: {  	v20 =	vmul.f32 v27, v27;
	v32 =	vmul.f32 $1.500000000e+01, v27;
	v21 =	vadd.f32 v21, v24  }
0x28e: {  	v33 =	vmul.f32 $1.500000000e+01, v29;
	v24 =	vmul.f32 v29, v29;
	v25 =	vadd.f32 v26, v25  }
0x28f: {  	v34 =	vmul.f32 $1.500000000e+01, v23;
	v18 =	vadd.f32 v22, v18;
	v26 =	vmul.f32 v23, v23  }
0x290: {  	v22 =	vsub.f32 $1.000000000e+01, v31;
	v31 =	vmul.f32 $6.000000000e+00, v30;
	v32 =	vsub.f32 $1.000000000e+01, v32  }
0x291: {  	v33 =	vsub.f32 $1.000000000e+01, v33;
	v35 =	vmul.f32 $6.000000000e+00, v20;
	v36 =	vmul.f32 $6.000000000e+00, v24  }
0x292: {  	v19 =	vmul.f32 $-4.332169890e-02, v19;
	v34 =	vsub.f32 $1.000000000e+01, v34;
	v37 =	vmul.f32 $6.000000000e+00, v26  }
0x293: {  	v22 =	vadd.f32 v31, v22;
	v21 =	vmul.f32 $-4.332169890e-02, v21;
	v25 =	vmul.f32 $-4.332169890e-02, v25  }
0x294: {  	v18 =	vmul.f32 $-4.332169890e-02, v18;
	v31 =	vadd.f32 v35, v32;
	v32 =	vadd.f32 v36, v33  }
0x295: {  	v28 =	vmul.f32 v30, v28;
	v20 =	vmul.f32 v20, v27;
	v27 =	vadd.f32 v37, v34  }
0x296: {  	vm1 =	vlt.f32 v11, $1.000000000e+01;
	v24 =	vmul.f32 v24, v29;
	v23 =	vmul.f32 v26, v23  }
0x297: {  	vm3 =	vlt.f32 v12, $1.000000000e+01;
	v19 =	vmul.f32 $1.442695020e+00, v19;
	v21 =	vmul.f32 $1.442695020e+00, v21  }
0x298: {  	vm2 =	vlt.f32 v13, $1.000000000e+01;
	v26 =	vmul.f32 $1.442695020e+00, v18;
	v25 =	vmul.f32 $1.442695020e+00, v25  }
0x299: {  	v18 =	vmul.f32 v22, v28;
	v20 =	vmul.f32 v31, v20  }
0x29a: {  	v22 =	vmul.f32 v32, v24;
	v23 =	vmul.f32 v27, v23  }
0x29b: {  	v24 =	vsub.f32 $1.000000000e+00, v18;
	v27 =	vsub.f32 $1.000000000e+00, v20;
	(erf) = vpow2.f32 v19  }
0x29c: {  	v22 =	vsub.f32 $1.000000000e+00, v22;
	v19 =	vsub.f32 $1.000000000e+00, v23;
	(erf) = vpow2.f32 v21  }
0x29d: {  	v20 =	vsub.f32 $1.000000000e+00, v27;
	v23 =	vsub.f32 $1.000000000e+00, v24;
	(erf) = vpow2.f32 v25  }
0x29e: {  	v21 =	vsub.f32 $1.000000000e+00, v22;
	v18 =	vsub.f32 $1.000000000e+00, v19;
	(erf) = vpow2.f32 v26  }
0x29f: {  	v25 =	vmul.f32 $9.999999770e-03, v23;
	v26 =	vmul.f32 $9.999999770e-03, v20  }
0x2a0: {  	v28 =	vmul.f32 $9.999999770e-03, v21;
	v29 =	vmul.f32 $9.999999770e-03, v18  }
0x2a1: {  	v30 =	vmul.f32 $9.999999770e-03, v10;
	v31 =	vmul.f32 $9.999999770e-03, v11  }
0x2a2: {  	v33 =	vmul.f32 $9.999999770e-03, v13;
	v32 =	vmul.f32 $9.999999770e-03, v12  }
0x2a3: {  	v16 =	vadd.f32 v30, v16;
	v10 =	vmul.f32 v25, v10;
	v30 =	vmul.f32 v26, v11  }
0x2a4: {  	v17 =	vadd.f32 v31, v17;
	v12 =	vmul.f32 v28, v12;
	v13 =	vmul.f32 v29, v13;
	v25 =	vpop (erf)  }
0x2a5: {  	v9 =	vmul.f32 $7.199822900e+00, v9;
	v15 =	vadd.f32 v33, v15;
	v14 =	vadd.f32 v32, v14;
	v26 =	vpop (erf)  }
0x2a6: {  	v25 =	vadd.f32 v10, v25;
	v10 =	vmul.f32 $7.199822900e+00, v6;
	v6 =	vadd.f32 v30, v26;
	v11 =	vpop (erf)  }
0x2a7: {  	v7 =	vmul.f32 $7.199822900e+00, v7;
	v16 =	vadd.f32 $-2.000000030e-01, v16;
	v26 =	vadd.f32 v12, v11;
	v11 =	vpop (erf)  }
.Ltmp6:
0x2a8: {  	v8 =	vmul.f32 $7.199822900e+00, v8;
	v12 =	vadd.f32 $-2.000000030e-01, v17;
	v28 =	vadd.f32 v13, v11;
	(pc) =	sbr.rel @p2 .LBB2_11-.Ltmp6, $4  }
0x2a9: {  	v15 =	vadd.f32 $-2.000000030e-01, v15;
	v11 =	vnsel vm0, $0x0, v16;
	v13 =	vadd.f32 $-2.000000030e-01, v14  }
0x2aa: {  	v14 =	vadd.f32 $-2.000000030e-01, v25;
	v6 =	vadd.f32 $-2.000000030e-01, v6;
	v12 =	vnsel vm1, $0x0, v12  }
0x2ab: {  	v17 =	vadd.f32 $-2.000000030e-01, v26;
	v13 =	vnsel vm3, $0x0, v13;
	v16 =	vadd.f32 $-2.000000030e-01, v28  }
0x2ac: {  	s29 =	sadd.s32 $0x50, s29;
	v15 =	vnsel vm2, $0x0, v15;
	v14 =	vmul.f32 v14, v24;
	v6 =	vmul.f32 v6, v27  }
0x2ad: {  	v17 =	vmul.f32 v17, v22;
	v11 =	vmul.f32 v23, v11  }
0x2ae: {  	v16 =	vmul.f32 v16, v19;
	v12 =	vmul.f32 v20, v12  }
0x2af: {  	v13 =	vmul.f32 v21, v13;
	v2 =	vmul.f32 v2, v9;
	v60 =	vadd.f32 v14, v11  }
0x2b0: {  	v61 =	vmul.f32 v18, v15;
	v3 =	vmul.f32 v3, v10;
	v6 =	vadd.f32 v6, v12  }
0x2b1: {  	v4 =	vmul.f32 v4, v7;
	v62 =	vadd.f32 v17, v13;
	v2 =	vmul.f32 v60, v2  }
0x2b2: {  	v5 =	vmul.f32 v5, v8;
	v63 =	vadd.f32 v16, v61;
	v3 =	vmul.f32 v6, v3  }
0x2b3: {  	[tilespmem:s31+$0xFFFFFFE0] =	vst v2;
	v2 =	vmul.f32 v62, v4  }
0x2b4: {  	[tilespmem:s31+$0xFFFFFFF0] =	vst v3;
	v3 =	vmul.f32 v63, v5  }
0x2b5: {  	[tilespmem:s31+$0x0] =	vst v2  }
0x2b6: {  	[tilespmem:s31+$0x10] =	vst v3  }
0x2b7: {  	_ =	swait.ge [sflag:s3], $0xFA0  }
0x2b8: {  	[sflag:s3] =	ssyncset.done $0x0  }
0x2b9: {  	[sflag:s3] =	ssyncadd.s32 $0xFFFFF060  }
0x2ba: {  	_ =	swait.ge [sflag:s3], $0xFA0  }
0x2bb: {  	[sflag:s3] =	ssyncset.done $0x0  }
0x2bc: {  	[sflag:s3] =	ssyncadd.s32 $0xFFFFF060  }
0x2bd: {  	_ =	swait.ge [sflag:s3], $0xFA0  }
0x2be: {  	[sflag:s3] =	ssyncset.done $0x0  }
0x2bf: {  	[sflag:s3] =	ssyncadd.s32 $0xFFFFF060  }
0x2c0: {  	_ =	swait.ge [sflag:s3], $0xFA0  }
0x2c1: {  	[sflag:s3] =	ssyncset.done $0x0  }
0x2c2: {  	[sflag:s3] =	ssyncadd.s32 $0xFFFFF060  }
0x2c3: {  	_ =	swait.ge [sflag:s3], $0xFA0  }
0x2c4: {  	[sflag:s3] =	ssyncset.done $0x0  }
0x2c5: {  	s0 =	simm.s32 $0xA800;
	[sflag:s3] =	ssyncadd.s32 $0xFFFFF060  }
0x2c6: {  	[tilespmem:s0], [sflag:$0x3] =	stream.indirect.gather [spmem:s4], $0x1, s19, s28, $0xb8;
	[tilespmem:$0x1F480] =	vst v63  }
0x2c7: {  	_ = 	snop  }
0x2c8: {  	[tilespmem:s9], [sflag:$0x3] =	stream.indirect.gather [spmem:s4], $0x1, s20, s28, $0xb8;
	[tilespmem:$0x1F480] =	vst v63  }
0x2c9: {  	s16 =	simm.s32 @p0 $0x1800;
	[bflag:$0x0] =	sbarrier.arrive $0xFFFF  }
0x2ca: {  	s24 =	simm.s32 @p0 $0xE800;
	s0 =	simm.s32 @p0 $0xFA0;
	[bflag:$0x0] =	sbarrier.arrive @p0 $0xFFFF  }
0x2cb: {  	[spmem:s21] =	stream.indirect.scatter.add.f32 @p0 [tilespmem:s24], [sflag:$0x5], $0x1, s16, s0, $0xb8;
	[tilespmem:$0x1F480] =	vst v63  }
0x2cc: {  	s0 =	simm.s32 @p0 $0x5  }
0x2cd: {  	_ =	swait.ge @p0 [sflag:s0], $0xFA0  }
0x2ce: {  	s16 =	simm.s32 @!p0 $0x1800;
	[sflag:s0] =	ssyncset.done @p0 $0x0  }
0x2cf: {  	s24 =	simm.s32 @!p0 $0xE800;
	[sflag:s0] =	ssyncadd.s32 @p0 $0xFFFFF060;
	s0 =	simm.s32 @!p0 $0xFA0  }
0x2d0: {  	[spmem:s21] =	stream.indirect.scatter.add.f32 @!p0 [tilespmem:s24], [sflag:$0x5], $0x1, s16, s0, $0xb8;
	[tilespmem:$0x1F480] =	vst v63  }
0x2d1: {  	p2 =	seq.s32 s13, $0xB;
	s0 =	simm.s32 @!p0 $0x5  }
.Ltmp7:
0x2d2: {  	_ =	swait.ge @!p0 [sflag:s0], $0xFA0;
	(pc) =	sbr.rel @p2 .LBB2_14-.Ltmp7, $3  }
0x2d3: {  	[sflag:s0] =	ssyncset.done @!p0 $0x0  }
0x2d4: {  	[sflag:s0] =	ssyncadd.s32 @!p0 $0xFFFFF060  }
0x2d5: {  	[bflag:$0x0] =	sbarrier.arrive @!p0 $0xFFFF;
	_ =	sdelay $0x1  }
0x2d6: {  	s0 =	sadd.s32 s14, s23  }
0x2d7: {  	s0 =	sshrl.u32 s0, $0x3  }
0x2d8: {  	s16 =	sadd.s32 s1, s0  }
0x2d9: {  	[tilespmem:s10], [sflag:$0x2] =	stream.linear.gather [hbm4b:s16+s6], $0xFA0, $0x38;
	[tilespmem:$0x1F480] =	vst v63  }
0x2da: {  	s24 =	sadd.s32 s2, s0  }
0x2db: {  	[tilespmem:s12], [sflag:$0x2] =	stream.linear.gather [hbm4b:s24+s6], $0xFA0, $0x38;
	[tilespmem:$0x1F480] =	vst v63  }
0x2dc: {  	s25 =	sadd.s32 s7, s0;
	s16 =	simm.s32 $0x5800  }
0x2dd: {  	[tilespmem:s16], [sflag:$0x2] =	stream.linear.gather [hbm4b:s25+s6], $0xFA0, $0x38;
	[tilespmem:$0x1F480] =	vst v63  }
.Ltmp8:
0x2de: {  	_ = 	snop;
	(pc) =	sbr.rel .LBB2_8-.Ltmp8, $4  }
0x2df: {  	s30 =	simm.s32 $0x7800;
	s29 =	sadd.s32 s8, s0  }
0x2e0: {  	[tilespmem:s30], [sflag:$0x2] =	stream.linear.gather [hbm4b:s29+s6], $0xFA0, $0x38;
	[tilespmem:$0x1F480] =	vst v63  }
0x2e1: {  	s31 =	simm.s32 $0x9800;
	s13 =	sadd.s32 $0x1, s13;
	s0 =	sadd.s32 s15, s0  }
0x2e2: {  	[tilespmem:s31], [sflag:$0x2] =	stream.linear.gather [hbm4b:s0+s6], $0xFA0, $0x38;
	[tilespmem:$0x1F480] =	vst v63  }
.LBB2_14:
0x2e3: {  	_ =	swait.ge [sflag:s26], $0xFA0  }
0x2e4: {  	[sflag:s26] =	ssyncset.done $0x0  }
0x2e5: {  	[sflag:s26] =	ssyncadd.s32 $0xFFFFF060  }
0x2e6: {  	_ =	swait.ge [sflag:s26], $0xFA0  }
0x2e7: {  	[sflag:s26] =	ssyncset.done $0x0  }
0x2e8: {  	s0 =	simm.s32 $0x4820;
	[sflag:s26] =	ssyncadd.s32 $0xFFFFF060  }
0x2e9: {  	s13 =	simm.s32 $0x6820;
	v2 =	vld [tilespmem:s0+$0x20]  }
0x2ea: {  	s14 =	simm.s32 $0x8820;
	v3 =	vld [tilespmem:s13+$0x20]  }
0x2eb: {  	v4 =	vld [tilespmem:s14+$0x20]  }
0x2ec: {  	v5 =	vld [tilespmem:s0+$0xFFFFFFE0]  }
0x2ed: {  	v6 =	vld [tilespmem:s13+$0xFFFFFFE0]  }
0x2ee: {  	v7 =	vld [tilespmem:s0+$0xFFFFFFF0]  }
0x2ef: {  	v8 =	vld [tilespmem:s13+$0xFFFFFFF0];
	v2 =	vmul.f32 v2, v2;
	v3 =	vmul.f32 v3, v3  }
0x2f0: {  	v9 =	vld [tilespmem:s0+$0x0]  }
0x2f1: {  	v10 =	vld [tilespmem:s0+$0x10];
	v2 =	vadd.f32 v3, v2;
	v3 =	vmul.f32 v4, v4  }
0x2f2: {  	v4 =	vld [tilespmem:s13+$0x0]  }
0x2f3: {  	v5 =	vmul.f32 v5, v5;
	v11 =	vadd.f32 v3, v2;
	v2 =	vmul.f32 v6, v6;
	v6 =	vld [tilespmem:s13+$0x10]  }
0x2f4: {  	v8 =	vmul.f32 v8, v8;
	v3 =	vmul.f32 v7, v7;
	v7 =	vld [tilespmem:s14+$0xFFFFFFE0]  }
0x2f5: {  	v15 =	vld [tilespmem:s14+$0xFFFFFFF0];
	v9 =	vmul.f32 v9, v9;
	v12 =	vshra.s32 v11, $0x1;
	v13 =	vmul.f32 $5.000000000e-01, v11  }
0x2f6: {  	v16 =	vld [tilespmem:s14+$0x0];
	v14 =	vmul.f32 v11, v11;
	v2 =	vadd.f32 v2, v5;
	v5 =	vmul.f32 v10, v10  }
0x2f7: {  	v3 =	vadd.f32 v8, v3;
	v8 =	vld [tilespmem:s14+$0x10];
	v12 =	vsub.s32 $0x5F3759DF, v12;
	v4 =	vmul.f32 v4, v4  }
0x2f8: {  	s16 =	simm.s32 $0xA820;
	v17 =	vmul.f32 v12, v13;
	v14 =	vmul.f32 v14, v14  }
0x2f9: {  	v42 =	vld [tilespmem:s16+$0x20];
	v6 =	vmul.f32 v6, v6;
	v7 =	vmul.f32 v7, v7  }
0x2fa: {  	v4 =	vadd.f32 v4, v9;
	v9 =	vmul.f32 v15, v15;
	v10 =	vmul.f32 v12, v17  }
0x2fb: {  	v14 =	vmul.f32 v14, v14;
	v5 =	vadd.f32 v6, v5;
	v6 =	vmul.f32 v16, v16  }
0x2fc: {  	v2 =	vadd.f32 v7, v2;
	v3 =	vadd.f32 v9, v3;
	v8 =	vmul.f32 v8, v8  }
0x2fd: {  	v10 =	vsub.f32 $1.500000000e+00, v10;
	v14 =	vadd.f32 $2.328306500e+06, v14  }
0x2fe: {  	v45 =	vmul.f32 $7.199822900e+00, v42;
	v4 =	vadd.f32 v6, v4;
	v5 =	vadd.f32 v8, v5  }
0x2ff: {  	v8 =	vshra.s32 v3, $0x1;
	v15 =	vmul.f32 $5.000000000e-01, v3;
	v20 =	vmul.f32 v2, v2  }
0x300: {  	v21 =	vmul.f32 v3, v3;
	v7 =	vmul.f32 v12, v10;
	v9 =	vand.u32 $0x7FFFFF, v14  }
0x301: {  	v8 =	vsub.s32 $0x5F3759DF, v8;
	v14 =	vshra.s32 v14, $0x17;
	v17 =	vmul.f32 $5.000000000e-01, v4  }
0x302: {  	v6 =	vor.u32 $0x3F800000, v9;
	v18 =	vmul.f32 $5.000000000e-01, v5;
	v22 =	vmul.f32 v4, v4  }
0x303: {  	v9 =	vshra.s32 v2, $0x1;
	v23 =	vmul.f32 v5, v5;
	v24 =	vmul.f32 v8, v15  }
0x304: {  	v16 =	vshra.s32 v4, $0x1;
	v20 =	vmul.f32 v20, v20;
	v21 =	vmul.f32 v21, v21  }
0x305: {  	v19 =	vshra.s32 v5, $0x1;
	v10 =	vmul.f32 v7, v13;
	v12 =	vmul.f32 $7.914957400e-02, v6  }
0x306: {  	v14 =	vadd.s32 $0xFFFFFF81, v14;
	v13 =	vmul.f32 $5.000000000e-01, v2;
	v9 =	vsub.s32 $0x5F3759DF, v9  }
0x307: {  	v16 =	vsub.s32 $0x5F3759DF, v16;
	v10 =	vmul.f32 v10, v7;
	v12 =	vsub.f32 $6.288099290e-01, v12  }
0x308: {  	v19 =	vsub.s32 $0x5F3759DF, v19;
	v14 =	vcvt.s32.f32 v14;
	v24 =	vmul.f32 v8, v24  }
0x309: {  	v25 =	vmul.f32 v16, v17;
	v10 =	vsub.f32 $1.500000000e+00, v10;
	v12 =	vmul.f32 v6, v12  }
0x30a: {  	v26 =	vmul.f32 v19, v18;
	v20 =	vmul.f32 v20, v20;
	v24 =	vsub.f32 $1.500000000e+00, v24  }
0x30b: {  	v21 =	vmul.f32 v21, v21;
	v7 =	vmul.f32 v10, v7;
	v10 =	vadd.f32 $-2.081044670e+00, v12  }
0x30c: {  	v8 =	vmul.f32 v8, v24;
	v12 =	vmul.f32 v9, v13  }
0x30d: {  	v11 =	vmul.f32 v7, v11;
	v10 =	vmul.f32 v6, v10  }
0x30e: {  	v15 =	vmul.f32 v8, v15;
	v12 =	vmul.f32 v9, v12  }
0x30f: {  	v35 =	vmul.f32 v19, v26;
	v27 =	vadd.f32 $-2.500000000e+00, v11;
	v10 =	vadd.f32 $4.028355120e+00, v10  }
0x310: {  	v15 =	vmul.f32 v15, v8;
	v12 =	vsub.f32 $1.500000000e+00, v12;
	v41 =	vmul.f32 $9.999999770e-03, v11  }
0x311: {  	vm0 =	vlt.f32 v11, $1.000000000e+01;
	v27 =	vmul.f32 $2.000000030e-01, v27;
	v6 =	vmul.f32 v6, v10  }
0x312: {  	v15 =	vsub.f32 $1.500000000e+00, v15;
	v10 =	vmul.f32 v22, v22;
	v22 =	vmul.f32 v23, v23  }
0x313: {  	v9 =	vmul.f32 v9, v12;
	v12 =	vadd.f32 $2.328306500e+06, v20;
	v20 =	vadd.f32 $2.328306500e+06, v21  }
0x314: {  	v7 =	vadd.f32 v41, v7;
	v8 =	vmul.f32 v15, v8;
	v23 =	vmax.f32 v27, $0.0e+00  }
0x315: {  	v6 =	vadd.f32 $-2.496766570e+00, v6;
	v10 =	vmul.f32 v10, v10;
	v22 =	vmul.f32 v22, v22  }
0x316: {  	v21 =	vand.u32 $0x7FFFFF, v12;
	v13 =	vmul.f32 v9, v13;
	v7 =	vadd.f32 $-2.000000030e-01, v7  }
0x317: {  	v23 =	vmin.f32 v23, $1.000000000e+00;
	v21 =	vor.u32 $0x3F800000, v21;
	v3 =	vmul.f32 v8, v3  }
0x318: {  	v34 =	vmul.f32 v23, v23;
	v28 =	vmul.f32 $1.500000000e+01, v23;
	v6 =	vadd.f32 v14, v6  }
0x319: {  	v14 =	vmul.f32 v16, v25;
	v25 =	vsub.f32 $1.500000000e+00, v35;
	v10 =	vadd.f32 $2.328306500e+06, v10  }
0x31a: {  	v29 =	vmul.f32 $7.914957400e-02, v21;
	v13 =	vmul.f32 v13, v9;
	v7 =	vnsel vm0, $0x0, v7  }
0x31b: {  	vm1 =	vlt.f32 v3, $1.000000000e+01;
	v58 =	vmul.f32 $9.999999770e-03, v3;
	v37 =	vmul.f32 $6.000000000e+00, v34  }
0x31c: {  	v36 =	vsub.f32 $1.000000000e+01, v28;
	v6 =	vmul.f32 $-4.332169890e-02, v6;
	v23 =	vmul.f32 v34, v23  }
0x31d: {  	v14 =	vsub.f32 $1.500000000e+00, v14;
	v38 =	vand.u32 $0x7FFFFF, v10;
	v10 =	vshra.s32 v10, $0x17  }
0x31e: {  	v46 =	vsub.f32 $6.288099290e-01, v29;
	v24 =	vor.u32 $0x3F800000, v38;
	v10 =	vadd.s32 $0xFFFFFF81, v10  }
0x31f: {  	v26 =	vadd.f32 v37, v36;
	v6 =	vmul.f32 $1.442695020e+00, v6;
	v14 =	vmul.f32 v16, v14  }
0x320: {  	v16 =	vmul.f32 v19, v25;
	v19 =	vadd.f32 $2.328306500e+06, v22;
	v31 =	vmul.f32 $7.914957400e-02, v24  }
0x321: {  	v22 =	vand.u32 $0x7FFFFF, v20;
	v23 =	vmul.f32 v26, v23;
	(erf) = vpow2.f32 v6  }
0x322: {  	v10 =	vcvt.s32.f32 v10;
	v22 =	vor.u32 $0x3F800000, v22;
	v17 =	vmul.f32 v14, v17  }
0x323: {  	v39 =	vand.u32 $0x7FFFFF, v19;
	v18 =	vmul.f32 v16, v18;
	v6 =	vsub.f32 $1.000000000e+00, v23  }
0x324: {  	v30 =	vmul.f32 $7.914957400e-02, v22;
	v19 =	vshra.s32 v19, $0x17;
	v17 =	vmul.f32 v17, v14  }
0x325: {  	v25 =	vor.u32 $0x3F800000, v39;
	v18 =	vmul.f32 v18, v16;
	v23 =	vsub.f32 $1.000000000e+00, v6  }
0x326: {  	v19 =	vadd.s32 $0xFFFFFF81, v19;
	v44 =	vmul.f32 $7.914957400e-02, v25;
	v17 =	vsub.f32 $1.500000000e+00, v17  }
0x327: {  	v19 =	vcvt.s32.f32 v19;
	v18 =	vsub.f32 $1.500000000e+00, v18;
	v40 =	vmul.f32 $9.999999770e-03, v23  }
0x328: {  	s24 =	simm.s32 $0xC820;
	v7 =	vmul.f32 v23, v7;
	v23 =	vsub.f32 $6.288099290e-01, v31;
	v14 =	vmul.f32 v17, v14  }
0x329: {  	v32 =	vld [tilespmem:s24+$0x20];
	v16 =	vmul.f32 v18, v16;
	v17 =	vshra.s32 v20, $0x17;
	v26 =	vmul.f32 v40, v11  }
0x32a: {  	v20 =	vadd.f32 $-2.500000000e+00, v3;
	v17 =	vadd.s32 $0xFFFFFF81, v17;
	v23 =	vmul.f32 v24, v23;
	v43 =	vpop (erf)  }
0x32b: {  	v4 =	vmul.f32 v14, v4;
	v5 =	vmul.f32 v16, v5;
	v26 =	vadd.f32 v26, v43  }
0x32c: {  	v20 =	vmul.f32 $2.000000030e-01, v20;
	v17 =	vcvt.s32.f32 v17;
	v15 =	vadd.f32 $-2.081044670e+00, v23  }
0x32d: {  	v23 =	vadd.f32 $-2.500000000e+00, v4;
	v60 =	vmul.f32 $9.999999770e-03, v4;
	v11 =	vadd.f32 $-2.000000030e-01, v26  }
0x32e: {  	v20 =	vmax.f32 v20, $0.0e+00;
	v26 =	vmul.f32 v32, v45;
	v15 =	vmul.f32 v24, v15  }
0x32f: {  	v20 =	vmin.f32 v20, $1.000000000e+00;
	v23 =	vmul.f32 $2.000000030e-01, v23;
	v6 =	vmul.f32 v11, v6  }
0x330: {  	v49 =	vmul.f32 $1.500000000e+01, v20;
	v11 =	vsub.f32 $6.288099290e-01, v30;
	v15 =	vadd.f32 $4.028355120e+00, v15  }
0x331: {  	v6 =	vadd.f32 v6, v7;
	v7 =	vsub.f32 $1.500000000e+00, v13;
	v13 =	vmul.f32 v21, v46  }
0x332: {  	v27 =	vsub.f32 $6.288099290e-01, v44;
	v11 =	vmul.f32 v22, v11;
	v15 =	vmul.f32 v24, v15  }
0x333: {  	v47 =	vadd.f32 $-2.500000000e+00, v5;
	v6 =	vmul.f32 v6, v26;
	v7 =	vmul.f32 v7, v9  }
0x334: {  	v13 =	vadd.f32 $-2.081044670e+00, v13;
	v9 =	vshra.s32 v12, $0x17;
	v12 =	vmul.f32 v25, v27  }
0x335: {  	v11 =	vadd.f32 $-2.081044670e+00, v11;
	v15 =	vadd.f32 $-2.496766570e+00, v15;
	v2 =	vmul.f32 v7, v2  }
0x336: {  	v9 =	vadd.s32 $0xFFFFFF81, v9;
	v12 =	vadd.f32 $-2.081044670e+00, v12;
	v13 =	vmul.f32 v21, v13  }
0x337: {  	v11 =	vmul.f32 v22, v11;
	v10 =	vadd.f32 v10, v15;
	v18 =	vadd.f32 $-2.500000000e+00, v2  }
0x338: {  	v9 =	vcvt.s32.f32 v9;
	v12 =	vmul.f32 v25, v12;
	v13 =	vadd.f32 $4.028355120e+00, v13  }
0x339: {  	v11 =	vadd.f32 $4.028355120e+00, v11;
	v10 =	vmul.f32 $-4.332169890e-02, v10;
	v18 =	vmul.f32 $2.000000030e-01, v18  }
0x33a: {  	v12 =	vadd.f32 $4.028355120e+00, v12;
	v13 =	vmul.f32 v21, v13;
	v21 =	vmul.f32 $2.000000030e-01, v47  }
0x33b: {  	v11 =	vmul.f32 v22, v11;
	v22 =	vmax.f32 v23, $0.0e+00;
	v10 =	vmul.f32 $1.442695020e+00, v10  }
0x33c: {  	v22 =	vmin.f32 v22, $1.000000000e+00;
	v18 =	vmax.f32 v18, $0.0e+00;
	v12 =	vmul.f32 v25, v12  }
0x33d: {  	v21 =	vmax.f32 v21, $0.0e+00;
	v13 =	vadd.f32 $-2.496766570e+00, v13;
	v11 =	vadd.f32 $-2.496766570e+00, v11  }
0x33e: {  	v50 =	vmul.f32 $1.500000000e+01, v22;
	v18 =	vmin.f32 v18, $1.000000000e+00;
	v21 =	vmin.f32 v21, $1.000000000e+00  }
0x33f: {  	v23 =	vmul.f32 v18, v18;
	v48 =	vmul.f32 $1.500000000e+01, v18;
	v9 =	vadd.f32 v9, v13  }
0x340: {  	v13 =	vmul.f32 v20, v20;
	v11 =	vadd.f32 v17, v11;
	v17 =	vmul.f32 v22, v22  }
0x341: {  	v25 =	vsub.f32 $1.000000000e+01, v49;
	v15 =	vmul.f32 v21, v21;
	v51 =	vmul.f32 $1.500000000e+01, v21  }
0x342: {  	v12 =	vadd.f32 $-2.496766570e+00, v12;
	v52 =	vmul.f32 $6.000000000e+00, v23;
	v53 =	vmul.f32 $6.000000000e+00, v13  }
0x343: {  	v26 =	vsub.f32 $1.000000000e+01, v50;
	v54 =	vmul.f32 $6.000000000e+00, v17;
	v9 =	vmul.f32 $-4.332169890e-02, v9  }
0x344: {  	v12 =	vadd.f32 v19, v12;
	v55 =	vmul.f32 $6.000000000e+00, v15;
	v11 =	vmul.f32 $-4.332169890e-02, v11  }
0x345: {  	v19 =	vsub.f32 $1.000000000e+01, v48;
	v18 =	vmul.f32 v23, v18;
	v13 =	vmul.f32 v13, v20  }
0x346: {  	v27 =	vsub.f32 $1.000000000e+01, v51;
	v17 =	vmul.f32 v17, v22;
	v15 =	vmul.f32 v15, v21  }
0x347: {  	v12 =	vmul.f32 $-4.332169890e-02, v12;
	v19 =	vadd.f32 v52, v19;
	v20 =	vadd.f32 v53, v25  }
0x348: {  	v21 =	vadd.f32 v54, v26;
	v9 =	vmul.f32 $1.442695020e+00, v9;
	v11 =	vmul.f32 $1.442695020e+00, v11  }
0x349: {  	v22 =	vadd.f32 v55, v27;
	v12 =	vmul.f32 $1.442695020e+00, v12;
	v18 =	vmul.f32 v19, v18  }
0x34a: {  	v8 =	vadd.f32 v58, v8;
	v13 =	vmul.f32 v20, v13;
	v17 =	vmul.f32 v21, v17  }
0x34b: {  	v15 =	vmul.f32 v22, v15;
	(erf) = vpow2.f32 v9;
	v56 =	vsub.f32 $1.000000000e+00, v18  }
0x34c: {  	(erf) = vpow2.f32 v11;
	v57 =	vsub.f32 $1.000000000e+00, v13;
	v22 =	vsub.f32 $1.000000000e+00, v17  }
0x34d: {  	v19 =	vsub.f32 $1.000000000e+00, v15;
	(erf) = vpow2.f32 v10;
	v23 =	vsub.f32 $1.000000000e+00, v56  }
0x34e: {  	(erf) = vpow2.f32 v12;
	v20 =	vsub.f32 $1.000000000e+00, v57;
	v21 =	vsub.f32 $1.000000000e+00, v22  }
0x34f: {  	v61 =	vmul.f32 $9.999999770e-03, v5;
	v18 =	vsub.f32 $1.000000000e+00, v19;
	v9 =	vmul.f32 $9.999999770e-03, v23  }
0x350: {  	vm2 =	vlt.f32 v4, $1.000000000e+01;
	v11 =	vld [tilespmem:s16+$0xFFFFFFE0];
	v10 =	vmul.f32 $9.999999770e-03, v20;
	v12 =	vmul.f32 $9.999999770e-03, v21  }
0x351: {  	vm3 =	vlt.f32 v2, $1.000000000e+01;
	v15 =	vld [tilespmem:s16+$0xFFFFFFF0];
	v17 =	vmul.f32 $9.999999770e-03, v2;
	v13 =	vmul.f32 $9.999999770e-03, v18  }
0x352: {  	v59 =	vld [tilespmem:s16+$0x0];
	v2 =	vmul.f32 v9, v2;
	v4 =	vmul.f32 v12, v4;
	v12 =	vadd.f32 v60, v14  }
0x353: {  	v62 =	vld [tilespmem:s16+$0x10];
	vm15 =	vlt.f32 v5, $1.000000000e+01;
	v5 =	vmul.f32 v13, v5;
	v13 =	vadd.f32 v61, v16  }
0x354: {  	v7 =	vadd.f32 v17, v7;
	v3 =	vmul.f32 v10, v3;
	v10 =	vpop (erf);
	v17 =	vadd.f32 $-2.000000030e-01, v12  }
0x355: {  	v9 =	vmul.f32 $7.199822900e+00, v11;
	v63 =	vadd.f32 $-2.000000030e-01, v13;
	v11 =	vpop (erf);
	v14 =	vadd.f32 v2, v10  }
0x356: {  	v10 =	vmul.f32 $7.199822900e+00, v15;
	v15 =	vadd.f32 v3, v11;
	v2 =	vpop (erf);
	v3 =	vadd.f32 $-2.000000030e-01, v7  }
0x357: {  	v7 =	vmul.f32 $7.199822900e+00, v59;
	v13 =	vnsel vm2, $0x0, v17;
	v16 =	vadd.f32 v4, v2;
	v2 =	vpop (erf)  }
0x358: {  	v4 =	vadd.f32 $-2.000000030e-01, v8;
	v8 =	vmul.f32 $7.199822900e+00, v62;
	v5 =	vadd.f32 v5, v2;
	v2 =	vld [tilespmem:s24+$0xFFFFFFE0]  }
0x359: {  	v14 =	vadd.f32 $-2.000000030e-01, v14;
	v11 =	vnsel vm3, $0x0, v3;
	v3 =	vld [tilespmem:s24+$0xFFFFFFF0];
	v15 =	vadd.f32 $-2.000000030e-01, v15  }
0x35a: {  	s25 =	simm.s32 $0xE820;
	v12 =	vnsel vm1, $0x0, v4;
	v4 =	vld [tilespmem:s24+$0x0];
	v17 =	vadd.f32 $-2.000000030e-01, v16;
	v16 =	vadd.f32 $-2.000000030e-01, v5  }
0x35b: {  	s29 =	simm.s32 $0x4870;
	s0 =	simm.s32 $0x0;
	[tilespmem:s25+$0x20] =	vst v6;
	v14 =	vmul.f32 v14, v56;
	v5 =	vld [tilespmem:s24+$0x10];
	v6 =	vmul.f32 v15, v57;
	v15 =	vnsel vm15, $0x0, v63  }
.LBB2_15:
0x35c: {  	v24 =	vld [tilespmem:s29+$0x20];
	v17 =	vmul.f32 v17, v22;
	v16 =	vmul.f32 v16, v19;
	s13 =	sadd.s32 $0x50, s13  }
0x35d: {  	s0 =	sadd.s32 $0x5, s0;
	v11 =	vmul.f32 v23, v11;
	v12 =	vmul.f32 v20, v12;
	v19 =	vld [tilespmem:s13+$0x20]  }
0x35e: {  	v13 =	vmul.f32 v21, v13;
	v15 =	vmul.f32 v18, v15;
	s14 =	sadd.s32 $0x50, s14;
	p2 =	slt.u32 s0, $0xF5;
	v20 =	vld [tilespmem:s29+$0xFFFFFFE0]  }
0x35f: {  	v2 =	vmul.f32 v2, v9;
	v9 =	vadd.f32 v14, v11;
	v6 =	vadd.f32 v6, v12;
	v18 =	vld [tilespmem:s14+$0x20]  }
0x360: {  	v3 =	vmul.f32 v3, v10;
	v10 =	vadd.f32 v17, v13;
	v12 =	vadd.f32 v16, v15;
	v11 =	vld [tilespmem:s13+$0xFFFFFFE0]  }
0x361: {  	v4 =	vmul.f32 v4, v7;
	v5 =	vmul.f32 v5, v8;
	v13 =	vld [tilespmem:s29+$0xFFFFFFF0]  }
0x362: {  	v8 =	vmul.f32 v24, v24;
	v7 =	vld [tilespmem:s13+$0xFFFFFFF0];
	v14 =	vmul.f32 v19, v19  }
0x363: {  	v2 =	vmul.f32 v9, v2;
	v15 =	vmul.f32 v20, v20;
	v16 =	vld [tilespmem:s29+$0x0]  }
0x364: {  	v3 =	vmul.f32 v6, v3;
	v9 =	vld [tilespmem:s13+$0x0];
	v8 =	vadd.f32 v14, v8;
	v14 =	vmul.f32 v18, v18  }
0x365: {  	v6 =	vmul.f32 v11, v11;
	v11 =	vld [tilespmem:s29+$0x10];
	[tilespmem:s25+$0xFFFFFFE0] =	vst v2;
	v2 =	vmul.f32 v10, v4  }
0x366: {  	v4 =	vmul.f32 v13, v13;
	v10 =	vld [tilespmem:s13+$0x10];
	v8 =	vadd.f32 v14, v8;
	[tilespmem:s25+$0xFFFFFFF0] =	vst v3;
	v3 =	vmul.f32 v12, v5  }
0x367: {  	v5 =	vld [tilespmem:s14+$0xFFFFFFE0];
	v6 =	vadd.f32 v6, v15;
	v7 =	vmul.f32 v7, v7;
	[tilespmem:s25+$0x0] =	vst v2  }
0x368: {  	v2 =	vld [tilespmem:s14+$0xFFFFFFF0];
	v12 =	vshra.s32 v8, $0x1;
	v14 =	vmul.f32 $5.000000000e-01, v8;
	v13 =	vmul.f32 v8, v8;
	[tilespmem:s25+$0x10] =	vst v3  }
0x369: {  	v15 =	vmul.f32 v16, v16;
	v3 =	vld [tilespmem:s14+$0x0];
	v9 =	vmul.f32 v9, v9;
	v16 =	vsub.s32 $0x5F3759DF, v12  }
0x36a: {  	v4 =	vadd.f32 v7, v4;
	v7 =	vld [tilespmem:s14+$0x10];
	v12 =	vmul.f32 v16, v14;
	v13 =	vmul.f32 v13, v13  }
0x36b: {  	v11 =	vmul.f32 v11, v11;
	v9 =	vadd.f32 v9, v15;
	v10 =	vmul.f32 v10, v10  }
0x36c: {  	v12 =	vmul.f32 v16, v12;
	v13 =	vmul.f32 v13, v13  }
0x36d: {  	v5 =	vmul.f32 v5, v5;
	v2 =	vmul.f32 v2, v2;
	v15 =	vadd.f32 v10, v11  }
0x36e: {  	v3 =	vmul.f32 v3, v3;
	v17 =	vsub.f32 $1.500000000e+00, v12;
	v18 =	vadd.f32 $2.328306500e+06, v13  }
0x36f: {  	v10 =	vadd.f32 v5, v6;
	v11 =	vadd.f32 v2, v4;
	v2 =	vmul.f32 v7, v7  }
0x370: {  	v12 =	vadd.f32 v3, v9;
	v3 =	vmul.f32 v16, v17;
	v4 =	vand.u32 $0x7FFFFF, v18  }
0x371: {  	v5 =	vshra.s32 v10, $0x1;
	v13 =	vadd.f32 v2, v15;
	v2 =	vor.u32 $0x3F800000, v4  }
0x372: {  	v4 =	vshra.s32 v11, $0x1;
	v6 =	vmul.f32 v3, v14;
	v7 =	vmul.f32 $7.914957400e-02, v2  }
0x373: {  	v9 =	vmul.f32 $5.000000000e-01, v10;
	v14 =	vmul.f32 $5.000000000e-01, v11;
	v15 =	vshra.s32 v12, $0x1  }
0x374: {  	v16 =	vmul.f32 $5.000000000e-01, v12;
	v6 =	vmul.f32 v6, v3;
	v7 =	vsub.f32 $6.288099290e-01, v7  }
0x375: {  	v5 =	vsub.s32 $0x5F3759DF, v5;
	v17 =	vshra.s32 v13, $0x1;
	v19 =	vmul.f32 $5.000000000e-01, v13  }
0x376: {  	v20 =	vmul.f32 v10, v10;
	v6 =	vsub.f32 $1.500000000e+00, v6;
	v7 =	vmul.f32 v2, v7  }
0x377: {  	v21 =	vmul.f32 v11, v11;
	v4 =	vsub.s32 $0x5F3759DF, v4;
	v15 =	vsub.s32 $0x5F3759DF, v15  }
0x378: {  	v22 =	vmul.f32 v12, v12;
	v3 =	vmul.f32 v6, v3;
	v6 =	vadd.f32 $-2.081044670e+00, v7  }
0x379: {  	v23 =	vmul.f32 v13, v13;
	v17 =	vsub.s32 $0x5F3759DF, v17;
	v7 =	vmul.f32 v5, v9  }
0x37a: {  	v24 =	vmul.f32 v3, v8;
	v6 =	vmul.f32 v2, v6  }
0x37b: {  	v25 =	vmul.f32 v15, v16;
	v8 =	vmul.f32 v4, v14  }
0x37c: {  	v26 =	vmul.f32 v17, v19;
	v27 =	vadd.f32 $-2.500000000e+00, v24;
	v6 =	vadd.f32 $4.028355120e+00, v6  }
0x37d: {  	v20 =	vmul.f32 v20, v20;
	v21 =	vmul.f32 v21, v21  }
0x37e: {  	v18 =	vshra.s32 v18, $0x17;
	v27 =	vmul.f32 $2.000000030e-01, v27;
	v2 =	vmul.f32 v2, v6  }
0x37f: {  	v18 =	vadd.s32 $0xFFFFFF81, v18;
	v6 =	vmul.f32 v22, v22;
	v22 =	vmul.f32 v23, v23  }
0x380: {  	v18 =	vcvt.s32.f32 v18;
	v23 =	vmax.f32 v27, $0.0e+00;
	v2 =	vadd.f32 $-2.496766570e+00, v2  }
0x381: {  	v7 =	vmul.f32 v5, v7;
	v8 =	vmul.f32 v4, v8;
	v23 =	vmin.f32 v23, $1.000000000e+00  }
0x382: {  	v27 =	vmul.f32 v23, v23;
	v28 =	vmul.f32 $1.500000000e+01, v23;
	v2 =	vadd.f32 v18, v2  }
0x383: {  	v7 =	vsub.f32 $1.500000000e+00, v7;
	v18 =	vmul.f32 v15, v25;
	v25 =	vmul.f32 v17, v26  }
0x384: {  	v26 =	vsub.f32 $1.000000000e+01, v28;
	v28 =	vmul.f32 $6.000000000e+00, v27;
	v2 =	vmul.f32 $-4.332169890e-02, v2  }
0x385: {  	v20 =	vmul.f32 v20, v20;
	v21 =	vmul.f32 v21, v21;
	v8 =	vsub.f32 $1.500000000e+00, v8  }
0x386: {  	v23 =	vmul.f32 v27, v23;
	v26 =	vadd.f32 v28, v26;
	v2 =	vmul.f32 $1.442695020e+00, v2  }
0x387: {  	v6 =	vmul.f32 v6, v6;
	v22 =	vmul.f32 v22, v22;
	v18 =	vsub.f32 $1.500000000e+00, v18  }
0x388: {  	v25 =	vsub.f32 $1.500000000e+00, v25;
	v23 =	vmul.f32 v26, v23;
	(erf) = vpow2.f32 v2  }
0x389: {  	v20 =	vadd.f32 $2.328306500e+06, v20;
	v21 =	vadd.f32 $2.328306500e+06, v21;
	v26 =	vmul.f32 v5, v7  }
0x38a: {  	v27 =	vmul.f32 v4, v8;
	v28 =	vadd.f32 $2.328306500e+06, v6;
	v4 =	vsub.f32 $1.000000000e+00, v23  }
0x38b: {  	v22 =	vadd.f32 $2.328306500e+06, v22;
	v15 =	vmul.f32 v15, v18;
	v18 =	vmul.f32 v17, v25  }
0x38c: {  	v2 =	vand.u32 $0x7FFFFF, v20;
	v5 =	vand.u32 $0x7FFFFF, v21;
	v17 =	vsub.f32 $1.000000000e+00, v4  }
0x38d: {  	v6 =	vand.u32 $0x7FFFFF, v28;
	v7 =	vand.u32 $0x7FFFFF, v22;
	v8 =	vmul.f32 v26, v9  }
0x38e: {  	v23 =	vor.u32 $0x3F800000, v2;
	v2 =	vmul.f32 v27, v14;
	v9 =	vmul.f32 $9.999999770e-03, v17  }
0x38f: {  	s16 =	sadd.s32 $0x50, s16;
	v32 =	vmul.f32 $9.999999770e-03, v24;
	v25 =	vor.u32 $0x3F800000, v5;
	v5 =	vmul.f32 v15, v16  }
0x390: {  	v29 =	vor.u32 $0x3F800000, v6;
	v16 =	vmul.f32 v18, v19;
	v19 =	vld [tilespmem:s16+$0x20];
	v9 =	vmul.f32 v9, v24  }
0x391: {  	v3 =	vadd.f32 v32, v3;
	v31 =	vor.u32 $0x3F800000, v7;
	v30 =	vmul.f32 $7.914957400e-02, v23;
	v6 =	vld [tilespmem:s16+$0xFFFFFFF0];
	v14 =	vpop (erf)  }
0x392: {  	s24 =	sadd.s32 $0x50, s24;
	v32 =	vmul.f32 $7.914957400e-02, v25;
	v33 =	vmul.f32 $7.914957400e-02, v29;
	v7 =	vld [tilespmem:s16+$0x0];
	v9 =	vadd.f32 v9, v14  }
0x393: {  	v3 =	vadd.f32 $-2.000000030e-01, v3;
	v34 =	vmul.f32 $7.914957400e-02, v31;
	v14 =	vmul.f32 v8, v26;
	v35 =	vld [tilespmem:s24+$0x20]  }
0x394: {  	vm0 =	vlt.f32 v24, $1.000000000e+01;
	v36 =	vmul.f32 v2, v27;
	v8 =	vld [tilespmem:s16+$0x10];
	v24 =	vadd.f32 $-2.000000030e-01, v9  }
0x395: {  	v3 =	vnsel vm0, $0x0, v3;
	v37 =	vmul.f32 v5, v15;
	v9 =	vld [tilespmem:s16+$0xFFFFFFE0];
	v5 =	vmul.f32 $7.199822900e+00, v19  }
0x396: {  	v17 =	vmul.f32 v17, v3;
	v19 =	vsub.f32 $6.288099290e-01, v30;
	v2 =	vld [tilespmem:s24+$0xFFFFFFE0];
	v24 =	vmul.f32 v24, v4  }
0x397: {  	v16 =	vmul.f32 v16, v18;
	v30 =	vsub.f32 $6.288099290e-01, v32;
	v32 =	vsub.f32 $6.288099290e-01, v33;
	v3 =	vld [tilespmem:s24+$0xFFFFFFF0]  }
0x398: {  	v33 =	vsub.f32 $6.288099290e-01, v34;
	v4 =	vld [tilespmem:s24+$0x0];
	v34 =	vmul.f32 v35, v5;
	v17 =	vadd.f32 v24, v17  }
0x399: {  	v14 =	vsub.f32 $1.500000000e+00, v14;
	v19 =	vmul.f32 v23, v19;
	v24 =	vsub.f32 $1.500000000e+00, v36;
	v5 =	vld [tilespmem:s24+$0x10]  }
0x39a: {  	v35 =	vsub.f32 $1.500000000e+00, v37;
	v36 =	vsub.f32 $1.500000000e+00, v16;
	v17 =	vmul.f32 v17, v34  }
0x39b: {  	s25 =	sadd.s32 $0x50, s25;
	v30 =	vmul.f32 v25, v30;
	v32 =	vmul.f32 v29, v32;
	v19 =	vadd.f32 $-2.081044670e+00, v19  }
0x39c: {  	v20 =	vshra.s32 v20, $0x17;
	v16 =	vmul.f32 v14, v26;
	v26 =	vmul.f32 v31, v33;
	[tilespmem:s25+$0x20] =	vst v17  }
0x39d: {  	v14 =	vmul.f32 v35, v15;
	v17 =	vmul.f32 v24, v27;
	v24 =	vadd.f32 $-2.081044670e+00, v30  }
0x39e: {  	v15 =	vmul.f32 v36, v18;
	v18 =	vadd.f32 $-2.081044670e+00, v26;
	v27 =	vadd.f32 $-2.081044670e+00, v32  }
0x39f: {  	v21 =	vshra.s32 v21, $0x17;
	v10 =	vmul.f32 v16, v10;
	v11 =	vmul.f32 v17, v11  }
0x3a0: {  	v26 =	vshra.s32 v28, $0x17;
	v12 =	vmul.f32 v14, v12;
	v13 =	vmul.f32 v15, v13  }
0x3a1: {  	v19 =	vmul.f32 v23, v19;
	v28 =	vadd.f32 $-2.500000000e+00, v10;
	v24 =	vmul.f32 v25, v24  }
0x3a2: {  	v18 =	vmul.f32 v31, v18;
	v27 =	vmul.f32 v29, v27;
	v30 =	vadd.f32 $-2.500000000e+00, v11  }
0x3a3: {  	v28 =	vmul.f32 $2.000000030e-01, v28;
	v32 =	vadd.f32 $-2.500000000e+00, v12;
	v33 =	vadd.f32 $-2.500000000e+00, v13  }
0x3a4: {  	v19 =	vadd.f32 $4.028355120e+00, v19;
	v24 =	vadd.f32 $4.028355120e+00, v24;
	v30 =	vmul.f32 $2.000000030e-01, v30  }
0x3a5: {  	v18 =	vadd.f32 $4.028355120e+00, v18;
	v32 =	vmul.f32 $2.000000030e-01, v32;
	v27 =	vadd.f32 $4.028355120e+00, v27  }
0x3a6: {  	v22 =	vshra.s32 v22, $0x17;
	v19 =	vmul.f32 v23, v19;
	v23 =	vmul.f32 $2.000000030e-01, v33  }
0x3a7: {  	v28 =	vmax.f32 v28, $0.0e+00;
	v24 =	vmul.f32 v25, v24;
	v25 =	vmul.f32 v29, v27  }
0x3a8: {  	v18 =	vmul.f32 v31, v18;
	v29 =	vmax.f32 v32, $0.0e+00;
	v27 =	vmax.f32 v30, $0.0e+00  }
0x3a9: {  	v20 =	vadd.s32 $0xFFFFFF81, v20;
	v21 =	vadd.s32 $0xFFFFFF81, v21;
	v23 =	vmax.f32 v23, $0.0e+00  }
0x3aa: {  	v22 =	vadd.s32 $0xFFFFFF81, v22;
	v26 =	vadd.s32 $0xFFFFFF81, v26;
	v28 =	vmin.f32 v28, $1.000000000e+00  }
0x3ab: {  	v19 =	vadd.f32 $-2.496766570e+00, v19;
	v24 =	vadd.f32 $-2.496766570e+00, v24;
	v27 =	vmin.f32 v27, $1.000000000e+00  }
0x3ac: {  	v29 =	vmin.f32 v29, $1.000000000e+00;
	v23 =	vmin.f32 v23, $1.000000000e+00;
	v25 =	vadd.f32 $-2.496766570e+00, v25  }
0x3ad: {  	v20 =	vcvt.s32.f32 v20;
	v21 =	vcvt.s32.f32 v21;
	v18 =	vadd.f32 $-2.496766570e+00, v18  }
0x3ae: {  	v22 =	vcvt.s32.f32 v22;
	vm0 =	vlt.f32 v10, $1.000000000e+01;
	v26 =	vcvt.s32.f32 v26  }
0x3af: {  	v31 =	vmul.f32 $1.500000000e+01, v28;
	v19 =	vadd.f32 v20, v19;
	v30 =	vmul.f32 v28, v28  }
0x3b0: {  	v20 =	vmul.f32 v27, v27;
	v32 =	vmul.f32 $1.500000000e+01, v27;
	v21 =	vadd.f32 v21, v24  }
0x3b1: {  	v33 =	vmul.f32 $1.500000000e+01, v29;
	v24 =	vmul.f32 v29, v29;
	v25 =	vadd.f32 v26, v25  }
0x3b2: {  	v34 =	vmul.f32 $1.500000000e+01, v23;
	v18 =	vadd.f32 v22, v18;
	v26 =	vmul.f32 v23, v23  }
0x3b3: {  	v22 =	vsub.f32 $1.000000000e+01, v31;
	v31 =	vmul.f32 $6.000000000e+00, v30;
	v32 =	vsub.f32 $1.000000000e+01, v32  }
0x3b4: {  	v33 =	vsub.f32 $1.000000000e+01, v33;
	v35 =	vmul.f32 $6.000000000e+00, v20;
	v36 =	vmul.f32 $6.000000000e+00, v24  }
0x3b5: {  	v19 =	vmul.f32 $-4.332169890e-02, v19;
	v34 =	vsub.f32 $1.000000000e+01, v34;
	v37 =	vmul.f32 $6.000000000e+00, v26  }
0x3b6: {  	v22 =	vadd.f32 v31, v22;
	v21 =	vmul.f32 $-4.332169890e-02, v21;
	v25 =	vmul.f32 $-4.332169890e-02, v25  }
0x3b7: {  	v18 =	vmul.f32 $-4.332169890e-02, v18;
	v31 =	vadd.f32 v35, v32;
	v32 =	vadd.f32 v36, v33  }
0x3b8: {  	v28 =	vmul.f32 v30, v28;
	v20 =	vmul.f32 v20, v27;
	v27 =	vadd.f32 v37, v34  }
0x3b9: {  	vm1 =	vlt.f32 v11, $1.000000000e+01;
	v24 =	vmul.f32 v24, v29;
	v23 =	vmul.f32 v26, v23  }
0x3ba: {  	vm3 =	vlt.f32 v12, $1.000000000e+01;
	v19 =	vmul.f32 $1.442695020e+00, v19;
	v21 =	vmul.f32 $1.442695020e+00, v21  }
0x3bb: {  	vm2 =	vlt.f32 v13, $1.000000000e+01;
	v26 =	vmul.f32 $1.442695020e+00, v18;
	v25 =	vmul.f32 $1.442695020e+00, v25  }
0x3bc: {  	v18 =	vmul.f32 v22, v28;
	v20 =	vmul.f32 v31, v20  }
0x3bd: {  	v22 =	vmul.f32 v32, v24;
	v23 =	vmul.f32 v27, v23  }
0x3be: {  	v24 =	vsub.f32 $1.000000000e+00, v18;
	v27 =	vsub.f32 $1.000000000e+00, v20;
	(erf) = vpow2.f32 v19  }
0x3bf: {  	v22 =	vsub.f32 $1.000000000e+00, v22;
	v19 =	vsub.f32 $1.000000000e+00, v23;
	(erf) = vpow2.f32 v21  }
0x3c0: {  	v20 =	vsub.f32 $1.000000000e+00, v27;
	v23 =	vsub.f32 $1.000000000e+00, v24;
	(erf) = vpow2.f32 v25  }
0x3c1: {  	v21 =	vsub.f32 $1.000000000e+00, v22;
	v18 =	vsub.f32 $1.000000000e+00, v19;
	(erf) = vpow2.f32 v26  }
0x3c2: {  	v25 =	vmul.f32 $9.999999770e-03, v23;
	v26 =	vmul.f32 $9.999999770e-03, v20  }
0x3c3: {  	v28 =	vmul.f32 $9.999999770e-03, v21;
	v29 =	vmul.f32 $9.999999770e-03, v18  }
0x3c4: {  	v30 =	vmul.f32 $9.999999770e-03, v10;
	v31 =	vmul.f32 $9.999999770e-03, v11  }
0x3c5: {  	v33 =	vmul.f32 $9.999999770e-03, v13;
	v32 =	vmul.f32 $9.999999770e-03, v12  }
0x3c6: {  	v16 =	vadd.f32 v30, v16;
	v10 =	vmul.f32 v25, v10;
	v30 =	vmul.f32 v26, v11  }
0x3c7: {  	v17 =	vadd.f32 v31, v17;
	v12 =	vmul.f32 v28, v12;
	v13 =	vmul.f32 v29, v13;
	v25 =	vpop (erf)  }
0x3c8: {  	v9 =	vmul.f32 $7.199822900e+00, v9;
	v15 =	vadd.f32 v33, v15;
	v14 =	vadd.f32 v32, v14;
	v26 =	vpop (erf)  }
0x3c9: {  	v25 =	vadd.f32 v10, v25;
	v10 =	vmul.f32 $7.199822900e+00, v6;
	v6 =	vadd.f32 v30, v26;
	v11 =	vpop (erf)  }
0x3ca: {  	v7 =	vmul.f32 $7.199822900e+00, v7;
	v16 =	vadd.f32 $-2.000000030e-01, v16;
	v26 =	vadd.f32 v12, v11;
	v11 =	vpop (erf)  }
.Ltmp9:
0x3cb: {  	v8 =	vmul.f32 $7.199822900e+00, v8;
	v12 =	vadd.f32 $-2.000000030e-01, v17;
	v28 =	vadd.f32 v13, v11;
	(pc) =	sbr.rel @p2 .LBB2_15-.Ltmp9, $4  }
0x3cc: {  	v15 =	vadd.f32 $-2.000000030e-01, v15;
	v11 =	vnsel vm0, $0x0, v16;
	v13 =	vadd.f32 $-2.000000030e-01, v14  }
0x3cd: {  	v14 =	vadd.f32 $-2.000000030e-01, v25;
	v6 =	vadd.f32 $-2.000000030e-01, v6;
	v12 =	vnsel vm1, $0x0, v12  }
0x3ce: {  	v17 =	vadd.f32 $-2.000000030e-01, v26;
	v13 =	vnsel vm3, $0x0, v13;
	v16 =	vadd.f32 $-2.000000030e-01, v28  }
0x3cf: {  	s29 =	sadd.s32 $0x50, s29;
	v15 =	vnsel vm2, $0x0, v15;
	v14 =	vmul.f32 v14, v24;
	v6 =	vmul.f32 v6, v27  }
0x3d0: {  	v17 =	vmul.f32 v17, v22;
	v11 =	vmul.f32 v23, v11  }
0x3d1: {  	v16 =	vmul.f32 v16, v19;
	v12 =	vmul.f32 v20, v12  }
0x3d2: {  	v13 =	vmul.f32 v21, v13;
	v2 =	vmul.f32 v2, v9;
	v60 =	vadd.f32 v14, v11  }
0x3d3: {  	v61 =	vmul.f32 v18, v15;
	v3 =	vmul.f32 v3, v10;
	v6 =	vadd.f32 v6, v12  }
0x3d4: {  	v4 =	vmul.f32 v4, v7;
	v62 =	vadd.f32 v17, v13;
	v2 =	vmul.f32 v60, v2  }
0x3d5: {  	v5 =	vmul.f32 v5, v8;
	v63 =	vadd.f32 v16, v61;
	v3 =	vmul.f32 v6, v3  }
0x3d6: {  	[tilespmem:s25+$0xFFFFFFE0] =	vst v2;
	v2 =	vmul.f32 v62, v4  }
0x3d7: {  	[tilespmem:s25+$0xFFFFFFF0] =	vst v3;
	v3 =	vmul.f32 v63, v5  }
0x3d8: {  	[tilespmem:s25+$0x0] =	vst v2  }
0x3d9: {  	[tilespmem:s25+$0x10] =	vst v3  }
0x3da: {  	s0 =	simm.s32 @p0 $0xFA0;
	[bflag:$0x0] =	sbarrier.arrive $0xFFFF  }
0x3db: {  	s13 =	simm.s32 @p0 $0x800;
	s14 =	simm.s32 @p0 $0xE800;
	[bflag:$0x0] =	sbarrier.arrive @p0 $0xFFFF  }
0x3dc: {  	[spmem:s21] =	stream.indirect.scatter.add.f32 @p0 [tilespmem:s14], [sflag:$0x5], $0x1, s13, s0, $0xb8;
	[tilespmem:$0x1F480] =	vst v63  }
0x3dd: {  	s0 =	simm.s32 @p0 $0x5  }
0x3de: {  	_ =	swait.ge @p0 [sflag:s0], $0xFA0  }
0x3df: {  	s13 =	simm.s32 @!p0 $0x800;
	[sflag:s0] =	ssyncset.done @p0 $0x0  }
0x3e0: {  	s14 =	simm.s32 @!p0 $0xE800;
	[sflag:s0] =	ssyncadd.s32 @p0 $0xFFFFF060;
	s0 =	simm.s32 @!p0 $0xFA0  }
0x3e1: {  	[spmem:s21] =	stream.indirect.scatter.add.f32 @!p0 [tilespmem:s14], [sflag:$0x5], $0x1, s13, s0, $0xb8;
	[tilespmem:$0x1F480] =	vst v63  }
0x3e2: {  	s0 =	simm.s32 @!p0 $0x5  }
0x3e3: {  	_ =	swait.ge @!p0 [sflag:s0], $0xFA0  }
0x3e4: {  	[sflag:s0] =	ssyncset.done @!p0 $0x0  }
0x3e5: {  	[sflag:s0] =	ssyncadd.s32 @!p0 $0xFFFFF060  }
0x3e6: {  	[bflag:$0x0] =	sbarrier.arrive @!p0 $0xFFFF  }
0x3e7: {  	[bflag:$0x0] =	sbarrier.arrive $0xFFFF  }
0x3e8: {  	s24 =	simm.s32 $0xF800;
	s30 =	rddreg [dreg:$0x11]  }
0x3e9: {  	[tilespmem:s24], [sflag:$0x5] =	stream.linear.gather [spmem:s30], $0x800, $0x38;
	[tilespmem:$0x1F480] =	vst v63  }
0x3ea: {  	_ =	swait.ge [sflag:s18], $0x800  }
0x3eb: {  	s31 =	sld [smem:$0x7DA]  }
0x3ec: {  	[sflag:s18] =	ssyncset.done $0x0  }
0x3ed: {  	s25 =	simm.s32 $0x10800;
	[sflag:s18] =	ssyncadd.s32 $0xFFFFF800  }
0x3ee: {  	[tilespmem:s25], [sflag:$0x5] =	stream.linear.gather [spmem:s31], $0x800, $0x38;
	[tilespmem:$0x1F480] =	vst v63  }
0x3ef: {  	_ =	swait.ge [sflag:s18], $0x800  }
0x3f0: {  	[sflag:s18] =	ssyncset.done $0x0  }
0x3f1: {  	s0 =	simm.s32 $0x0;
	[sflag:s18] =	ssyncadd.s32 $0xFFFFF800  }
0x3f2: {  	s29 =	simm.s32 $0x10000;
	s13 =	simm.s32 $0x40;
	v2 =	vld [tilespmem:s0+$0x10800]  }
.LBB2_17:
0x3f3: {  	p2 =	sne.s32 s13, $0x1FC0;
	v3 =	vld [tilespmem:s0+$0xF800];
	_ =	sdelay $0x2  }
.Ltmp10:
0x3f4: {  	(pc) =	sbr.rel @p2 .LBB2_17-.Ltmp10, $4  }
0x3f5: {  	_ = 	snop  }
0x3f6: {  	v3 =	vadd.f32 v2, v3  }
0x3f7: {  	s14 =	sshra.s32 s13, $0x2  }
0x3f8: {  	s13 =	sadd.s32 $0x40, s13;
	v2 =	vld [tilespmem:s14+$0x10800];
	[tilespmem:s0+$0xF800] =	vst v3;
	s0 =	smov.u32 s14  }
0x3f9: {  	v3 =	vld [tilespmem:s0+$0xF800];
	_ =	sdelay $0x4  }
0x3fa: {  	s31 =	sld [smem:$0x7DB];
	v2 =	vadd.f32 v2, v3;
	_ =	sdelay $0x1  }
0x3fb: {  	[tilespmem:s0+$0xF800] =	vst v2  }
0x3fc: {  	[tilespmem:s25], [sflag:$0x5] =	stream.linear.gather [spmem:s31], $0x800, $0x38;
	[tilespmem:$0x1F480] =	vst v63  }
0x3fd: {  	_ =	swait.ge [sflag:s18], $0x800  }
0x3fe: {  	[sflag:s18] =	ssyncset.done $0x0  }
0x3ff: {  	s0 =	simm.s32 $0x0;
	[sflag:s18] =	ssyncadd.s32 $0xFFFFF800  }
0x400: {  	s13 =	simm.s32 $0x40;
	v2 =	vld [tilespmem:s0+$0x10800];
	s16 =	rddreg [dreg:$0x5]  }
.LBB2_19:
0x401: {  	p2 =	sne.s32 s13, $0x1FC0;
	v3 =	vld [tilespmem:s0+$0xF800];
	_ =	sdelay $0x2  }
.Ltmp11:
0x402: {  	(pc) =	sbr.rel @p2 .LBB2_19-.Ltmp11, $4  }
0x403: {  	_ = 	snop  }
0x404: {  	v3 =	vadd.f32 v2, v3  }
0x405: {  	s14 =	sshra.s32 s13, $0x2  }
0x406: {  	s13 =	sadd.s32 $0x40, s13;
	v2 =	vld [tilespmem:s14+$0x10800];
	[tilespmem:s0+$0xF800] =	vst v3;
	s0 =	smov.u32 s14  }
0x407: {  	v3 =	vld [tilespmem:s0+$0xF800];
	_ =	sdelay $0x4  }
0x408: {  	s31 =	sld [smem:$0x7DC];
	v2 =	vadd.f32 v2, v3;
	_ =	sdelay $0x1  }
0x409: {  	[tilespmem:s0+$0xF800] =	vst v2  }
0x40a: {  	[tilespmem:s25], [sflag:$0x5] =	stream.linear.gather [spmem:s31], $0x800, $0x38;
	[tilespmem:$0x1F480] =	vst v63  }
0x40b: {  	_ =	swait.ge [sflag:s18], $0x800  }
0x40c: {  	[sflag:s18] =	ssyncset.done $0x0  }
0x40d: {  	s0 =	simm.s32 $0x0;
	[sflag:s18] =	ssyncadd.s32 $0xFFFFF800  }
0x40e: {  	s13 =	simm.s32 $0x40;
	v2 =	vld [tilespmem:s0+$0x10800]  }
.LBB2_21:
0x40f: {  	p2 =	sne.s32 s13, $0x1FC0;
	v3 =	vld [tilespmem:s0+$0xF800];
	_ =	sdelay $0x2  }
.Ltmp12:
0x410: {  	(pc) =	sbr.rel @p2 .LBB2_21-.Ltmp12, $4  }
0x411: {  	_ = 	snop  }
0x412: {  	v3 =	vadd.f32 v2, v3  }
0x413: {  	s14 =	sshra.s32 s13, $0x2  }
0x414: {  	s13 =	sadd.s32 $0x40, s13;
	v2 =	vld [tilespmem:s14+$0x10800];
	[tilespmem:s0+$0xF800] =	vst v3;
	s0 =	smov.u32 s14  }
0x415: {  	v3 =	vld [tilespmem:s0+$0xF800];
	_ =	sdelay $0x4  }
0x416: {  	s31 =	sld [smem:$0x7DD];
	v2 =	vadd.f32 v2, v3;
	_ =	sdelay $0x1  }
0x417: {  	[tilespmem:s0+$0xF800] =	vst v2  }
0x418: {  	[tilespmem:s25], [sflag:$0x5] =	stream.linear.gather [spmem:s31], $0x800, $0x38;
	[tilespmem:$0x1F480] =	vst v63  }
0x419: {  	_ =	swait.ge [sflag:s18], $0x800  }
0x41a: {  	[sflag:s18] =	ssyncset.done $0x0  }
0x41b: {  	s0 =	simm.s32 $0x0;
	[sflag:s18] =	ssyncadd.s32 $0xFFFFF800  }
0x41c: {  	s13 =	simm.s32 $0x40;
	v2 =	vld [tilespmem:s0+$0x10800]  }
.LBB2_23:
0x41d: {  	p2 =	sne.s32 s13, $0x1FC0;
	v3 =	vld [tilespmem:s0+$0xF800];
	_ =	sdelay $0x2  }
.Ltmp13:
0x41e: {  	(pc) =	sbr.rel @p2 .LBB2_23-.Ltmp13, $4  }
0x41f: {  	_ = 	snop  }
0x420: {  	v3 =	vadd.f32 v2, v3  }
0x421: {  	s14 =	sshra.s32 s13, $0x2  }
0x422: {  	s13 =	sadd.s32 $0x40, s13;
	v2 =	vld [tilespmem:s14+$0x10800];
	[tilespmem:s0+$0xF800] =	vst v3;
	s0 =	smov.u32 s14  }
0x423: {  	v3 =	vld [tilespmem:s0+$0xF800];
	_ =	sdelay $0x4  }
0x424: {  	s31 =	sld [smem:$0x7DE];
	v2 =	vadd.f32 v2, v3;
	_ =	sdelay $0x1  }
0x425: {  	[tilespmem:s0+$0xF800] =	vst v2  }
0x426: {  	[tilespmem:s25], [sflag:$0x5] =	stream.linear.gather [spmem:s31], $0x800, $0x38;
	[tilespmem:$0x1F480] =	vst v63  }
0x427: {  	_ =	swait.ge [sflag:s18], $0x800  }
0x428: {  	[sflag:s18] =	ssyncset.done $0x0  }
0x429: {  	s0 =	simm.s32 $0x0;
	[sflag:s18] =	ssyncadd.s32 $0xFFFFF800  }
0x42a: {  	s13 =	simm.s32 $0x40;
	v2 =	vld [tilespmem:s0+$0x10800]  }
.LBB2_25:
0x42b: {  	p2 =	sne.s32 s13, $0x1FC0;
	v3 =	vld [tilespmem:s0+$0xF800];
	_ =	sdelay $0x2  }
.Ltmp14:
0x42c: {  	(pc) =	sbr.rel @p2 .LBB2_25-.Ltmp14, $4  }
0x42d: {  	_ = 	snop  }
0x42e: {  	v3 =	vadd.f32 v2, v3  }
0x42f: {  	s14 =	sshra.s32 s13, $0x2  }
0x430: {  	s13 =	sadd.s32 $0x40, s13;
	v2 =	vld [tilespmem:s14+$0x10800];
	[tilespmem:s0+$0xF800] =	vst v3;
	s0 =	smov.u32 s14  }
0x431: {  	v3 =	vld [tilespmem:s0+$0xF800];
	_ =	sdelay $0x4  }
0x432: {  	s31 =	sld [smem:$0x7DF];
	v2 =	vadd.f32 v2, v3;
	_ =	sdelay $0x1  }
0x433: {  	[tilespmem:s0+$0xF800] =	vst v2  }
0x434: {  	[tilespmem:s25], [sflag:$0x5] =	stream.linear.gather [spmem:s31], $0x800, $0x38;
	[tilespmem:$0x1F480] =	vst v63  }
0x435: {  	_ =	swait.ge [sflag:s18], $0x800  }
0x436: {  	[sflag:s18] =	ssyncset.done $0x0  }
0x437: {  	s0 =	simm.s32 $0x0;
	[sflag:s18] =	ssyncadd.s32 $0xFFFFF800  }
0x438: {  	s13 =	simm.s32 $0x40;
	v2 =	vld [tilespmem:s0+$0x10800]  }
.LBB2_27:
0x439: {  	p2 =	sne.s32 s13, $0x1FC0;
	v3 =	vld [tilespmem:s0+$0xF800];
	_ =	sdelay $0x2  }
.Ltmp15:
0x43a: {  	(pc) =	sbr.rel @p2 .LBB2_27-.Ltmp15, $4  }
0x43b: {  	_ = 	snop  }
0x43c: {  	v3 =	vadd.f32 v2, v3  }
0x43d: {  	s14 =	sshra.s32 s13, $0x2  }
0x43e: {  	s13 =	sadd.s32 $0x40, s13;
	v2 =	vld [tilespmem:s14+$0x10800];
	[tilespmem:s0+$0xF800] =	vst v3;
	s0 =	smov.u32 s14  }
0x43f: {  	v3 =	vld [tilespmem:s0+$0xF800];
	_ =	sdelay $0x4  }
0x440: {  	s31 =	sld [smem:$0x7E0];
	v2 =	vadd.f32 v2, v3;
	_ =	sdelay $0x1  }
0x441: {  	[tilespmem:s0+$0xF800] =	vst v2  }
0x442: {  	[tilespmem:s25], [sflag:$0x5] =	stream.linear.gather [spmem:s31], $0x800, $0x38;
	[tilespmem:$0x1F480] =	vst v63  }
0x443: {  	_ =	swait.ge [sflag:s18], $0x800  }
0x444: {  	[sflag:s18] =	ssyncset.done $0x0  }
0x445: {  	s0 =	simm.s32 $0x0;
	[sflag:s18] =	ssyncadd.s32 $0xFFFFF800  }
0x446: {  	s13 =	simm.s32 $0x40;
	v2 =	vld [tilespmem:s0+$0x10800]  }
.LBB2_29:
0x447: {  	p2 =	sne.s32 s13, $0x1FC0;
	v3 =	vld [tilespmem:s0+$0xF800];
	_ =	sdelay $0x2  }
.Ltmp16:
0x448: {  	(pc) =	sbr.rel @p2 .LBB2_29-.Ltmp16, $4  }
0x449: {  	_ = 	snop  }
0x44a: {  	v3 =	vadd.f32 v2, v3  }
0x44b: {  	s14 =	sshra.s32 s13, $0x2  }
0x44c: {  	s13 =	sadd.s32 $0x40, s13;
	v2 =	vld [tilespmem:s14+$0x10800];
	[tilespmem:s0+$0xF800] =	vst v3;
	s0 =	smov.u32 s14  }
0x44d: {  	v3 =	vld [tilespmem:s0+$0xF800];
	_ =	sdelay $0x4  }
0x44e: {  	v2 =	vadd.f32 v2, v3;
	_ =	sdelay $0x1  }
0x44f: {  	s31 =	simm.s32 $0x0;
	s13 =	rddreg [dreg:$0x9];
	[tilespmem:s0+$0xF800] =	vst v2  }
0x450: {  	[tilespmem:s29], [sflag:$0x5] =	stream.linear.gather [hbm4b:s13+s31], $0x800, $0x38;
	[tilespmem:$0x1F480] =	vst v63  }
0x451: {  	_ =	swait.ge [sflag:s18], $0x800  }
0x452: {  	[sflag:s18] =	ssyncset.done $0x0  }
0x453: {  	s0 =	simm.s32 $0x0;
	s13 =	simm.s32 $0x40;
	[sflag:s18] =	ssyncadd.s32 $0xFFFFF800  }
.LBB2_31:
0x454: {  	p2 =	sne.s32 s13, $0x1FC0;
	v2 =	vld [tilespmem:s0+$0x10000];
	_ =	sdelay $0x1  }
.Ltmp17:
0x455: {  	(pc) =	sbr.rel @p2 .LBB2_31-.Ltmp17, $3  }
0x456: {  	_ =	sdelay $0x1  }
0x457: {  	v2 =	vadd.s32 v0, v2  }
0x458: {  	[tilespmem:s0+$0x10000] =	vst v2;
	s0 =	sshra.s32 s13, $0x2;
	s13 =	sadd.s32 $0x40, s13  }
0x459: {  	v2 =	vld [tilespmem:s0+$0x10000];
	_ =	sdelay $0x4  }
0x45a: {  	v2 =	vadd.s32 v0, v2  }
0x45b: {  	[tilespmem:s0+$0x10000] =	vst v2  }
0x45c: {  	[spmem:s16] =	stream.indirect.scatter.add.f32 [tilespmem:s24], [sflag:$0x5], $0x1, s29, s19, $0xb8;
	[tilespmem:$0x1F480] =	vst v63  }
0x45d: {  	_ =	swait.ge [sflag:s18], $0x800  }
0x45e: {  	[sflag:s18] =	ssyncset.done $0x0  }
0x45f: {  	s30 =	rddreg [dreg:$0x12];
	[sflag:s18] =	ssyncadd.s32 $0xFFFFF800  }
0x460: {  	[tilespmem:s24], [sflag:$0x5] =	stream.linear.gather [spmem:s30], $0x800, $0x38;
	[tilespmem:$0x1F480] =	vst v63  }
0x461: {  	_ =	swait.ge [sflag:s18], $0x800  }
0x462: {  	s31 =	sld [smem:$0x7E1]  }
0x463: {  	[sflag:s18] =	ssyncset.done $0x0  }
0x464: {  	[sflag:s18] =	ssyncadd.s32 $0xFFFFF800  }
0x465: {  	[tilespmem:s25], [sflag:$0x5] =	stream.linear.gather [spmem:s31], $0x800, $0x38;
	[tilespmem:$0x1F480] =	vst v63  }
0x466: {  	_ =	swait.ge [sflag:s18], $0x800  }
0x467: {  	[sflag:s18] =	ssyncset.done $0x0  }
0x468: {  	s0 =	simm.s32 $0x0;
	[sflag:s18] =	ssyncadd.s32 $0xFFFFF800  }
0x469: {  	s13 =	simm.s32 $0x40;
	v2 =	vld [tilespmem:s0+$0x10800]  }
.LBB2_33:
0x46a: {  	p2 =	sne.s32 s13, $0x1FC0;
	v3 =	vld [tilespmem:s0+$0xF800];
	_ =	sdelay $0x2  }
.Ltmp18:
0x46b: {  	(pc) =	sbr.rel @p2 .LBB2_33-.Ltmp18, $4  }
0x46c: {  	_ = 	snop  }
0x46d: {  	v3 =	vadd.f32 v2, v3  }
0x46e: {  	s14 =	sshra.s32 s13, $0x2  }
0x46f: {  	s13 =	sadd.s32 $0x40, s13;
	v2 =	vld [tilespmem:s14+$0x10800];
	[tilespmem:s0+$0xF800] =	vst v3;
	s0 =	smov.u32 s14  }
0x470: {  	v3 =	vld [tilespmem:s0+$0xF800];
	_ =	sdelay $0x4  }
0x471: {  	s31 =	sld [smem:$0x7E2];
	v2 =	vadd.f32 v2, v3;
	_ =	sdelay $0x1  }
0x472: {  	[tilespmem:s0+$0xF800] =	vst v2  }
0x473: {  	[tilespmem:s25], [sflag:$0x5] =	stream.linear.gather [spmem:s31], $0x800, $0x38;
	[tilespmem:$0x1F480] =	vst v63  }
0x474: {  	_ =	swait.ge [sflag:s18], $0x800  }
0x475: {  	[sflag:s18] =	ssyncset.done $0x0  }
0x476: {  	s0 =	simm.s32 $0x0;
	[sflag:s18] =	ssyncadd.s32 $0xFFFFF800  }
0x477: {  	s13 =	simm.s32 $0x40;
	v2 =	vld [tilespmem:s0+$0x10800]  }
.LBB2_35:
0x478: {  	p2 =	sne.s32 s13, $0x1FC0;
	v3 =	vld [tilespmem:s0+$0xF800];
	_ =	sdelay $0x2  }
.Ltmp19:
0x479: {  	(pc) =	sbr.rel @p2 .LBB2_35-.Ltmp19, $4  }
0x47a: {  	_ = 	snop  }
0x47b: {  	v3 =	vadd.f32 v2, v3  }
0x47c: {  	s14 =	sshra.s32 s13, $0x2  }
0x47d: {  	s13 =	sadd.s32 $0x40, s13;
	v2 =	vld [tilespmem:s14+$0x10800];
	[tilespmem:s0+$0xF800] =	vst v3;
	s0 =	smov.u32 s14  }
0x47e: {  	v3 =	vld [tilespmem:s0+$0xF800];
	_ =	sdelay $0x4  }
0x47f: {  	s31 =	sld [smem:$0x7E3];
	v2 =	vadd.f32 v2, v3;
	_ =	sdelay $0x1  }
0x480: {  	[tilespmem:s0+$0xF800] =	vst v2  }
0x481: {  	[tilespmem:s25], [sflag:$0x5] =	stream.linear.gather [spmem:s31], $0x800, $0x38;
	[tilespmem:$0x1F480] =	vst v63  }
0x482: {  	_ =	swait.ge [sflag:s18], $0x800  }
0x483: {  	[sflag:s18] =	ssyncset.done $0x0  }
0x484: {  	s0 =	simm.s32 $0x0;
	[sflag:s18] =	ssyncadd.s32 $0xFFFFF800  }
0x485: {  	s13 =	simm.s32 $0x40;
	v2 =	vld [tilespmem:s0+$0x10800]  }
.LBB2_37:
0x486: {  	p2 =	sne.s32 s13, $0x1FC0;
	v3 =	vld [tilespmem:s0+$0xF800];
	_ =	sdelay $0x2  }
.Ltmp20:
0x487: {  	(pc) =	sbr.rel @p2 .LBB2_37-.Ltmp20, $4  }
0x488: {  	_ = 	snop  }
0x489: {  	v3 =	vadd.f32 v2, v3  }
0x48a: {  	s14 =	sshra.s32 s13, $0x2  }
0x48b: {  	s13 =	sadd.s32 $0x40, s13;
	v2 =	vld [tilespmem:s14+$0x10800];
	[tilespmem:s0+$0xF800] =	vst v3;
	s0 =	smov.u32 s14  }
0x48c: {  	v3 =	vld [tilespmem:s0+$0xF800];
	_ =	sdelay $0x4  }
0x48d: {  	s31 =	sld [smem:$0x7E4];
	v2 =	vadd.f32 v2, v3;
	_ =	sdelay $0x1  }
0x48e: {  	[tilespmem:s0+$0xF800] =	vst v2  }
0x48f: {  	[tilespmem:s25], [sflag:$0x5] =	stream.linear.gather [spmem:s31], $0x800, $0x38;
	[tilespmem:$0x1F480] =	vst v63  }
0x490: {  	_ =	swait.ge [sflag:s18], $0x800  }
0x491: {  	[sflag:s18] =	ssyncset.done $0x0  }
0x492: {  	s0 =	simm.s32 $0x0;
	[sflag:s18] =	ssyncadd.s32 $0xFFFFF800  }
0x493: {  	s13 =	simm.s32 $0x40;
	v2 =	vld [tilespmem:s0+$0x10800]  }
.LBB2_39:
0x494: {  	p2 =	sne.s32 s13, $0x1FC0;
	v3 =	vld [tilespmem:s0+$0xF800];
	_ =	sdelay $0x2  }
.Ltmp21:
0x495: {  	(pc) =	sbr.rel @p2 .LBB2_39-.Ltmp21, $4  }
0x496: {  	_ = 	snop  }
0x497: {  	v3 =	vadd.f32 v2, v3  }
0x498: {  	s14 =	sshra.s32 s13, $0x2  }
0x499: {  	s13 =	sadd.s32 $0x40, s13;
	v2 =	vld [tilespmem:s14+$0x10800];
	[tilespmem:s0+$0xF800] =	vst v3;
	s0 =	smov.u32 s14  }
0x49a: {  	v3 =	vld [tilespmem:s0+$0xF800];
	_ =	sdelay $0x4  }
0x49b: {  	s31 =	sld [smem:$0x7E5];
	v2 =	vadd.f32 v2, v3;
	_ =	sdelay $0x1  }
0x49c: {  	[tilespmem:s0+$0xF800] =	vst v2  }
0x49d: {  	[tilespmem:s25], [sflag:$0x5] =	stream.linear.gather [spmem:s31], $0x800, $0x38;
	[tilespmem:$0x1F480] =	vst v63  }
0x49e: {  	_ =	swait.ge [sflag:s18], $0x800  }
0x49f: {  	[sflag:s18] =	ssyncset.done $0x0  }
0x4a0: {  	s0 =	simm.s32 $0x0;
	[sflag:s18] =	ssyncadd.s32 $0xFFFFF800  }
0x4a1: {  	s13 =	simm.s32 $0x40;
	v2 =	vld [tilespmem:s0+$0x10800]  }
.LBB2_41:
0x4a2: {  	p2 =	sne.s32 s13, $0x1FC0;
	v3 =	vld [tilespmem:s0+$0xF800];
	_ =	sdelay $0x2  }
.Ltmp22:
0x4a3: {  	(pc) =	sbr.rel @p2 .LBB2_41-.Ltmp22, $4  }
0x4a4: {  	_ = 	snop  }
0x4a5: {  	v3 =	vadd.f32 v2, v3  }
0x4a6: {  	s14 =	sshra.s32 s13, $0x2  }
0x4a7: {  	s13 =	sadd.s32 $0x40, s13;
	v2 =	vld [tilespmem:s14+$0x10800];
	[tilespmem:s0+$0xF800] =	vst v3;
	s0 =	smov.u32 s14  }
0x4a8: {  	v3 =	vld [tilespmem:s0+$0xF800];
	_ =	sdelay $0x4  }
0x4a9: {  	s31 =	sld [smem:$0x7E6];
	v2 =	vadd.f32 v2, v3;
	_ =	sdelay $0x1  }
0x4aa: {  	[tilespmem:s0+$0xF800] =	vst v2  }
0x4ab: {  	[tilespmem:s25], [sflag:$0x5] =	stream.linear.gather [spmem:s31], $0x800, $0x38;
	[tilespmem:$0x1F480] =	vst v63  }
0x4ac: {  	_ =	swait.ge [sflag:s18], $0x800  }
0x4ad: {  	[sflag:s18] =	ssyncset.done $0x0  }
0x4ae: {  	s0 =	simm.s32 $0x0;
	[sflag:s18] =	ssyncadd.s32 $0xFFFFF800  }
0x4af: {  	s13 =	simm.s32 $0x40;
	v2 =	vld [tilespmem:s0+$0x10800]  }
.LBB2_43:
0x4b0: {  	p2 =	sne.s32 s13, $0x1FC0;
	v3 =	vld [tilespmem:s0+$0xF800];
	_ =	sdelay $0x2  }
.Ltmp23:
0x4b1: {  	(pc) =	sbr.rel @p2 .LBB2_43-.Ltmp23, $4  }
0x4b2: {  	_ = 	snop  }
0x4b3: {  	v3 =	vadd.f32 v2, v3  }
0x4b4: {  	s14 =	sshra.s32 s13, $0x2  }
0x4b5: {  	s13 =	sadd.s32 $0x40, s13;
	v2 =	vld [tilespmem:s14+$0x10800];
	[tilespmem:s0+$0xF800] =	vst v3;
	s0 =	smov.u32 s14  }
0x4b6: {  	v3 =	vld [tilespmem:s0+$0xF800];
	_ =	sdelay $0x4  }
0x4b7: {  	s31 =	sld [smem:$0x7E7];
	v2 =	vadd.f32 v2, v3;
	_ =	sdelay $0x1  }
0x4b8: {  	[tilespmem:s0+$0xF800] =	vst v2  }
0x4b9: {  	[tilespmem:s25], [sflag:$0x5] =	stream.linear.gather [spmem:s31], $0x800, $0x38;
	[tilespmem:$0x1F480] =	vst v63  }
0x4ba: {  	_ =	swait.ge [sflag:s18], $0x800  }
0x4bb: {  	[sflag:s18] =	ssyncset.done $0x0  }
0x4bc: {  	s0 =	simm.s32 $0x0;
	[sflag:s18] =	ssyncadd.s32 $0xFFFFF800  }
0x4bd: {  	s13 =	simm.s32 $0x40;
	v2 =	vld [tilespmem:s0+$0x10800]  }
.LBB2_45:
0x4be: {  	p2 =	sne.s32 s13, $0x1FC0;
	v3 =	vld [tilespmem:s0+$0xF800];
	_ =	sdelay $0x2  }
.Ltmp24:
0x4bf: {  	(pc) =	sbr.rel @p2 .LBB2_45-.Ltmp24, $4  }
0x4c0: {  	_ = 	snop  }
0x4c1: {  	v3 =	vadd.f32 v2, v3  }
0x4c2: {  	s14 =	sshra.s32 s13, $0x2  }
0x4c3: {  	s13 =	sadd.s32 $0x40, s13;
	v2 =	vld [tilespmem:s14+$0x10800];
	[tilespmem:s0+$0xF800] =	vst v3;
	s0 =	smov.u32 s14  }
0x4c4: {  	v3 =	vld [tilespmem:s0+$0xF800];
	_ =	sdelay $0x4  }
0x4c5: {  	v2 =	vadd.f32 v2, v3;
	_ =	sdelay $0x1  }
0x4c6: {  	s31 =	simm.s32 $0x0;
	s13 =	rddreg [dreg:$0xa];
	[tilespmem:s0+$0xF800] =	vst v2  }
0x4c7: {  	[tilespmem:s29], [sflag:$0x5] =	stream.linear.gather [hbm4b:s13+s31], $0x800, $0x38;
	[tilespmem:$0x1F480] =	vst v63  }
0x4c8: {  	_ =	swait.ge [sflag:s18], $0x800  }
0x4c9: {  	[sflag:s18] =	ssyncset.done $0x0  }
0x4ca: {  	s0 =	simm.s32 $0x0;
	s13 =	simm.s32 $0x40;
	[sflag:s18] =	ssyncadd.s32 $0xFFFFF800  }
.LBB2_47:
0x4cb: {  	p2 =	sne.s32 s13, $0x1FC0;
	v2 =	vld [tilespmem:s0+$0x10000];
	_ =	sdelay $0x1  }
.Ltmp25:
0x4cc: {  	(pc) =	sbr.rel @p2 .LBB2_47-.Ltmp25, $3  }
0x4cd: {  	_ =	sdelay $0x1  }
0x4ce: {  	v2 =	vadd.s32 v0, v2  }
0x4cf: {  	[tilespmem:s0+$0x10000] =	vst v2;
	s0 =	sshra.s32 s13, $0x2;
	s13 =	sadd.s32 $0x40, s13  }
0x4d0: {  	v2 =	vld [tilespmem:s0+$0x10000];
	_ =	sdelay $0x4  }
0x4d1: {  	v2 =	vadd.s32 v0, v2  }
0x4d2: {  	[tilespmem:s0+$0x10000] =	vst v2  }
0x4d3: {  	[spmem:s16] =	stream.indirect.scatter.add.f32 [tilespmem:s24], [sflag:$0x5], $0x1, s29, s19, $0xb8;
	[tilespmem:$0x1F480] =	vst v63  }
0x4d4: {  	_ =	swait.ge [sflag:s18], $0x800  }
0x4d5: {  	[sflag:s18] =	ssyncset.done $0x0  }
0x4d6: {  	s30 =	rddreg [dreg:$0x13];
	[sflag:s18] =	ssyncadd.s32 $0xFFFFF800  }
0x4d7: {  	[tilespmem:s24], [sflag:$0x5] =	stream.linear.gather [spmem:s30], $0x800, $0x38;
	[tilespmem:$0x1F480] =	vst v63  }
0x4d8: {  	_ =	swait.ge [sflag:s18], $0x800  }
0x4d9: {  	s31 =	sld [smem:$0x7E8]  }
0x4da: {  	[sflag:s18] =	ssyncset.done $0x0  }
0x4db: {  	[sflag:s18] =	ssyncadd.s32 $0xFFFFF800  }
0x4dc: {  	[tilespmem:s25], [sflag:$0x5] =	stream.linear.gather [spmem:s31], $0x800, $0x38;
	[tilespmem:$0x1F480] =	vst v63  }
0x4dd: {  	_ =	swait.ge [sflag:s18], $0x800  }
0x4de: {  	[sflag:s18] =	ssyncset.done $0x0  }
0x4df: {  	s0 =	simm.s32 $0x0;
	[sflag:s18] =	ssyncadd.s32 $0xFFFFF800  }
0x4e0: {  	s13 =	simm.s32 $0x40;
	v2 =	vld [tilespmem:s0+$0x10800]  }
.LBB2_49:
0x4e1: {  	p2 =	sne.s32 s13, $0x1FC0;
	v3 =	vld [tilespmem:s0+$0xF800];
	_ =	sdelay $0x2  }
.Ltmp26:
0x4e2: {  	(pc) =	sbr.rel @p2 .LBB2_49-.Ltmp26, $4  }
0x4e3: {  	_ = 	snop  }
0x4e4: {  	v3 =	vadd.f32 v2, v3  }
0x4e5: {  	s14 =	sshra.s32 s13, $0x2  }
0x4e6: {  	s13 =	sadd.s32 $0x40, s13;
	v2 =	vld [tilespmem:s14+$0x10800];
	[tilespmem:s0+$0xF800] =	vst v3;
	s0 =	smov.u32 s14  }
0x4e7: {  	v3 =	vld [tilespmem:s0+$0xF800];
	_ =	sdelay $0x4  }
0x4e8: {  	s31 =	sld [smem:$0x7E9];
	v2 =	vadd.f32 v2, v3;
	_ =	sdelay $0x1  }
0x4e9: {  	[tilespmem:s0+$0xF800] =	vst v2  }
0x4ea: {  	[tilespmem:s25], [sflag:$0x5] =	stream.linear.gather [spmem:s31], $0x800, $0x38;
	[tilespmem:$0x1F480] =	vst v63  }
0x4eb: {  	_ =	swait.ge [sflag:s18], $0x800  }
0x4ec: {  	[sflag:s18] =	ssyncset.done $0x0  }
0x4ed: {  	s0 =	simm.s32 $0x0;
	[sflag:s18] =	ssyncadd.s32 $0xFFFFF800  }
0x4ee: {  	s13 =	simm.s32 $0x40;
	v2 =	vld [tilespmem:s0+$0x10800]  }
.LBB2_51:
0x4ef: {  	p2 =	sne.s32 s13, $0x1FC0;
	v3 =	vld [tilespmem:s0+$0xF800];
	_ =	sdelay $0x2  }
.Ltmp27:
0x4f0: {  	(pc) =	sbr.rel @p2 .LBB2_51-.Ltmp27, $4  }
0x4f1: {  	_ = 	snop  }
0x4f2: {  	v3 =	vadd.f32 v2, v3  }
0x4f3: {  	s14 =	sshra.s32 s13, $0x2  }
0x4f4: {  	s13 =	sadd.s32 $0x40, s13;
	v2 =	vld [tilespmem:s14+$0x10800];
	[tilespmem:s0+$0xF800] =	vst v3;
	s0 =	smov.u32 s14  }
0x4f5: {  	v3 =	vld [tilespmem:s0+$0xF800];
	_ =	sdelay $0x4  }
0x4f6: {  	s31 =	sld [smem:$0x7EA];
	v2 =	vadd.f32 v2, v3;
	_ =	sdelay $0x1  }
0x4f7: {  	[tilespmem:s0+$0xF800] =	vst v2  }
0x4f8: {  	[tilespmem:s25], [sflag:$0x5] =	stream.linear.gather [spmem:s31], $0x800, $0x38;
	[tilespmem:$0x1F480] =	vst v63  }
0x4f9: {  	_ =	swait.ge [sflag:s18], $0x800  }
0x4fa: {  	[sflag:s18] =	ssyncset.done $0x0  }
0x4fb: {  	s0 =	simm.s32 $0x0;
	[sflag:s18] =	ssyncadd.s32 $0xFFFFF800  }
0x4fc: {  	s13 =	simm.s32 $0x40;
	v2 =	vld [tilespmem:s0+$0x10800]  }
.LBB2_53:
0x4fd: {  	p2 =	sne.s32 s13, $0x1FC0;
	v3 =	vld [tilespmem:s0+$0xF800];
	_ =	sdelay $0x2  }
.Ltmp28:
0x4fe: {  	(pc) =	sbr.rel @p2 .LBB2_53-.Ltmp28, $4  }
0x4ff: {  	_ = 	snop  }
0x500: {  	v3 =	vadd.f32 v2, v3  }
0x501: {  	s14 =	sshra.s32 s13, $0x2  }
0x502: {  	s13 =	sadd.s32 $0x40, s13;
	v2 =	vld [tilespmem:s14+$0x10800];
	[tilespmem:s0+$0xF800] =	vst v3;
	s0 =	smov.u32 s14  }
0x503: {  	v3 =	vld [tilespmem:s0+$0xF800];
	_ =	sdelay $0x4  }
0x504: {  	s31 =	sld [smem:$0x7EB];
	v2 =	vadd.f32 v2, v3;
	_ =	sdelay $0x1  }
0x505: {  	[tilespmem:s0+$0xF800] =	vst v2  }
0x506: {  	[tilespmem:s25], [sflag:$0x5] =	stream.linear.gather [spmem:s31], $0x800, $0x38;
	[tilespmem:$0x1F480] =	vst v63  }
0x507: {  	_ =	swait.ge [sflag:s18], $0x800  }
0x508: {  	[sflag:s18] =	ssyncset.done $0x0  }
0x509: {  	s0 =	simm.s32 $0x0;
	[sflag:s18] =	ssyncadd.s32 $0xFFFFF800  }
0x50a: {  	s13 =	simm.s32 $0x40;
	v2 =	vld [tilespmem:s0+$0x10800]  }
.LBB2_55:
0x50b: {  	p2 =	sne.s32 s13, $0x1FC0;
	v3 =	vld [tilespmem:s0+$0xF800];
	_ =	sdelay $0x2  }
.Ltmp29:
0x50c: {  	(pc) =	sbr.rel @p2 .LBB2_55-.Ltmp29, $4  }
0x50d: {  	_ = 	snop  }
0x50e: {  	v3 =	vadd.f32 v2, v3  }
0x50f: {  	s14 =	sshra.s32 s13, $0x2  }
0x510: {  	s13 =	sadd.s32 $0x40, s13;
	v2 =	vld [tilespmem:s14+$0x10800];
	[tilespmem:s0+$0xF800] =	vst v3;
	s0 =	smov.u32 s14  }
0x511: {  	v3 =	vld [tilespmem:s0+$0xF800];
	_ =	sdelay $0x4  }
0x512: {  	s31 =	sld [smem:$0x7EC];
	v2 =	vadd.f32 v2, v3;
	_ =	sdelay $0x1  }
0x513: {  	[tilespmem:s0+$0xF800] =	vst v2  }
0x514: {  	[tilespmem:s25], [sflag:$0x5] =	stream.linear.gather [spmem:s31], $0x800, $0x38;
	[tilespmem:$0x1F480] =	vst v63  }
0x515: {  	_ =	swait.ge [sflag:s18], $0x800  }
0x516: {  	[sflag:s18] =	ssyncset.done $0x0  }
0x517: {  	s0 =	simm.s32 $0x0;
	[sflag:s18] =	ssyncadd.s32 $0xFFFFF800  }
0x518: {  	s13 =	simm.s32 $0x40;
	v2 =	vld [tilespmem:s0+$0x10800]  }
.LBB2_57:
0x519: {  	p2 =	sne.s32 s13, $0x1FC0;
	v3 =	vld [tilespmem:s0+$0xF800];
	_ =	sdelay $0x2  }
.Ltmp30:
0x51a: {  	(pc) =	sbr.rel @p2 .LBB2_57-.Ltmp30, $4  }
0x51b: {  	_ = 	snop  }
0x51c: {  	v3 =	vadd.f32 v2, v3  }
0x51d: {  	s14 =	sshra.s32 s13, $0x2  }
0x51e: {  	s13 =	sadd.s32 $0x40, s13;
	v2 =	vld [tilespmem:s14+$0x10800];
	[tilespmem:s0+$0xF800] =	vst v3;
	s0 =	smov.u32 s14  }
0x51f: {  	v3 =	vld [tilespmem:s0+$0xF800];
	_ =	sdelay $0x4  }
0x520: {  	s31 =	sld [smem:$0x7ED];
	v2 =	vadd.f32 v2, v3;
	_ =	sdelay $0x1  }
0x521: {  	[tilespmem:s0+$0xF800] =	vst v2  }
0x522: {  	[tilespmem:s25], [sflag:$0x5] =	stream.linear.gather [spmem:s31], $0x800, $0x38;
	[tilespmem:$0x1F480] =	vst v63  }
0x523: {  	_ =	swait.ge [sflag:s18], $0x800  }
0x524: {  	[sflag:s18] =	ssyncset.done $0x0  }
0x525: {  	s0 =	simm.s32 $0x0;
	[sflag:s18] =	ssyncadd.s32 $0xFFFFF800  }
0x526: {  	s13 =	simm.s32 $0x40;
	v2 =	vld [tilespmem:s0+$0x10800]  }
.LBB2_59:
0x527: {  	p2 =	sne.s32 s13, $0x1FC0;
	v3 =	vld [tilespmem:s0+$0xF800];
	_ =	sdelay $0x2  }
.Ltmp31:
0x528: {  	(pc) =	sbr.rel @p2 .LBB2_59-.Ltmp31, $4  }
0x529: {  	_ = 	snop  }
0x52a: {  	v3 =	vadd.f32 v2, v3  }
0x52b: {  	s14 =	sshra.s32 s13, $0x2  }
0x52c: {  	s13 =	sadd.s32 $0x40, s13;
	v2 =	vld [tilespmem:s14+$0x10800];
	[tilespmem:s0+$0xF800] =	vst v3;
	s0 =	smov.u32 s14  }
0x52d: {  	v3 =	vld [tilespmem:s0+$0xF800];
	_ =	sdelay $0x4  }
0x52e: {  	s31 =	sld [smem:$0x7EE];
	v2 =	vadd.f32 v2, v3;
	_ =	sdelay $0x1  }
0x52f: {  	[tilespmem:s0+$0xF800] =	vst v2  }
0x530: {  	[tilespmem:s25], [sflag:$0x5] =	stream.linear.gather [spmem:s31], $0x800, $0x38;
	[tilespmem:$0x1F480] =	vst v63  }
0x531: {  	_ =	swait.ge [sflag:s18], $0x800  }
0x532: {  	[sflag:s18] =	ssyncset.done $0x0  }
0x533: {  	s0 =	simm.s32 $0x0;
	[sflag:s18] =	ssyncadd.s32 $0xFFFFF800  }
0x534: {  	s13 =	simm.s32 $0x40;
	v2 =	vld [tilespmem:s0+$0x10800]  }
.LBB2_61:
0x535: {  	p2 =	sne.s32 s13, $0x1FC0;
	v3 =	vld [tilespmem:s0+$0xF800];
	_ =	sdelay $0x2  }
.Ltmp32:
0x536: {  	(pc) =	sbr.rel @p2 .LBB2_61-.Ltmp32, $4  }
0x537: {  	_ = 	snop  }
0x538: {  	v3 =	vadd.f32 v2, v3  }
0x539: {  	s14 =	sshra.s32 s13, $0x2  }
0x53a: {  	s13 =	sadd.s32 $0x40, s13;
	v2 =	vld [tilespmem:s14+$0x10800];
	[tilespmem:s0+$0xF800] =	vst v3;
	s0 =	smov.u32 s14  }
0x53b: {  	v3 =	vld [tilespmem:s0+$0xF800];
	_ =	sdelay $0x4  }
0x53c: {  	v2 =	vadd.f32 v2, v3;
	_ =	sdelay $0x1  }
0x53d: {  	s31 =	simm.s32 $0x0;
	s13 =	rddreg [dreg:$0xb];
	[tilespmem:s0+$0xF800] =	vst v2  }
0x53e: {  	[tilespmem:s29], [sflag:$0x5] =	stream.linear.gather [hbm4b:s13+s31], $0x800, $0x38;
	[tilespmem:$0x1F480] =	vst v63  }
0x53f: {  	_ =	swait.ge [sflag:s18], $0x800  }
0x540: {  	[sflag:s18] =	ssyncset.done $0x0  }
0x541: {  	s0 =	simm.s32 $0x0;
	s13 =	simm.s32 $0x40;
	[sflag:s18] =	ssyncadd.s32 $0xFFFFF800  }
.LBB2_63:
0x542: {  	p2 =	sne.s32 s13, $0x1FC0;
	v2 =	vld [tilespmem:s0+$0x10000];
	_ =	sdelay $0x1  }
.Ltmp33:
0x543: {  	(pc) =	sbr.rel @p2 .LBB2_63-.Ltmp33, $3  }
0x544: {  	_ =	sdelay $0x1  }
0x545: {  	v2 =	vadd.s32 v0, v2  }
0x546: {  	[tilespmem:s0+$0x10000] =	vst v2;
	s0 =	sshra.s32 s13, $0x2;
	s13 =	sadd.s32 $0x40, s13  }
0x547: {  	v2 =	vld [tilespmem:s0+$0x10000];
	_ =	sdelay $0x4  }
0x548: {  	v2 =	vadd.s32 v0, v2  }
.Ltmp34:
0x549: {  	[tilespmem:s0+$0x10000] =	vst v2;
	(pc) =	sbr.rel @!p1 .LBB2_65-.Ltmp34, $4  }
0x54a: {  	[spmem:s16] =	stream.indirect.scatter.add.f32 [tilespmem:s24], [sflag:$0x5], $0x1, s29, s19, $0xb8;
	[tilespmem:$0x1F480] =	vst v63  }
0x54b: {  	_ =	swait.ge [sflag:s18], $0x800  }
0x54c: {  	[sflag:s18] =	ssyncset.done $0x0  }
0x54d: {  	[sflag:s18] =	ssyncadd.s32 $0xFFFFF800  }
0x54e: {  	s0 =	rddreg [dreg:$0x14]  }
0x54f: {  	[tilespmem:s24], [sflag:$0x5] =	stream.linear.gather [spmem:s0], $0x800, $0x38;
	[tilespmem:$0x1F480] =	vst v63  }
0x550: {  	_ =	swait.ge [sflag:s18], $0x800  }
0x551: {  	[sflag:s18] =	ssyncset.done $0x0  }
0x552: {  	s31 =	rddreg [dreg:$0x15];
	[sflag:s18] =	ssyncadd.s32 $0xFFFFF800  }
0x553: {  	[tilespmem:s25], [sflag:$0x5] =	stream.linear.gather [spmem:s31], $0x800, $0x38;
	[tilespmem:$0x1F480] =	vst v63  }
0x554: {  	_ =	swait.ge [sflag:s18], $0x800  }
0x555: {  	[sflag:s18] =	ssyncset.done $0x0  }
0x556: {  	s0 =	simm.s32 $0x0;
	[sflag:s18] =	ssyncadd.s32 $0xFFFFF800  }
0x557: {  	s13 =	simm.s32 $0x40;
	v2 =	vld [tilespmem:s0+$0x10800]  }
.LBB2_67:
0x558: {  	p2 =	sne.s32 s13, $0x1FC0;
	v3 =	vld [tilespmem:s0+$0xF800];
	_ =	sdelay $0x2  }
.Ltmp35:
0x559: {  	(pc) =	sbr.rel @p2 .LBB2_67-.Ltmp35, $4  }
0x55a: {  	_ = 	snop  }
0x55b: {  	v3 =	vadd.f32 v2, v3  }
0x55c: {  	s14 =	sshra.s32 s13, $0x2  }
0x55d: {  	s13 =	sadd.s32 $0x40, s13;
	v2 =	vld [tilespmem:s14+$0x10800];
	[tilespmem:s0+$0xF800] =	vst v3;
	s0 =	smov.u32 s14  }
0x55e: {  	v3 =	vld [tilespmem:s0+$0xF800];
	_ =	sdelay $0x4  }
0x55f: {  	v2 =	vadd.f32 v2, v3;
	_ =	sdelay $0x1  }
0x560: {  	s31 =	rddreg [dreg:$0x16];
	[tilespmem:s0+$0xF800] =	vst v2  }
0x561: {  	[tilespmem:s25], [sflag:$0x5] =	stream.linear.gather [spmem:s31], $0x800, $0x38;
	[tilespmem:$0x1F480] =	vst v63  }
0x562: {  	_ =	swait.ge [sflag:s18], $0x800  }
0x563: {  	[sflag:s18] =	ssyncset.done $0x0  }
0x564: {  	s0 =	simm.s32 $0x0;
	[sflag:s18] =	ssyncadd.s32 $0xFFFFF800  }
0x565: {  	s13 =	simm.s32 $0x40;
	v2 =	vld [tilespmem:s0+$0x10800]  }
.LBB2_69:
0x566: {  	p2 =	sne.s32 s13, $0x1FC0;
	v3 =	vld [tilespmem:s0+$0xF800];
	_ =	sdelay $0x2  }
.Ltmp36:
0x567: {  	(pc) =	sbr.rel @p2 .LBB2_69-.Ltmp36, $4  }
0x568: {  	_ = 	snop  }
0x569: {  	v3 =	vadd.f32 v2, v3  }
0x56a: {  	s14 =	sshra.s32 s13, $0x2  }
0x56b: {  	s13 =	sadd.s32 $0x40, s13;
	v2 =	vld [tilespmem:s14+$0x10800];
	[tilespmem:s0+$0xF800] =	vst v3;
	s0 =	smov.u32 s14  }
0x56c: {  	v3 =	vld [tilespmem:s0+$0xF800];
	_ =	sdelay $0x4  }
0x56d: {  	v2 =	vadd.f32 v2, v3;
	_ =	sdelay $0x1  }
0x56e: {  	s31 =	rddreg [dreg:$0x17];
	[tilespmem:s0+$0xF800] =	vst v2  }
0x56f: {  	[tilespmem:s25], [sflag:$0x5] =	stream.linear.gather [spmem:s31], $0x800, $0x38;
	[tilespmem:$0x1F480] =	vst v63  }
0x570: {  	_ =	swait.ge [sflag:s18], $0x800  }
0x571: {  	[sflag:s18] =	ssyncset.done $0x0  }
0x572: {  	s0 =	simm.s32 $0x0;
	[sflag:s18] =	ssyncadd.s32 $0xFFFFF800  }
0x573: {  	s13 =	simm.s32 $0x40;
	v2 =	vld [tilespmem:s0+$0x10800]  }
.LBB2_71:
0x574: {  	p2 =	sne.s32 s13, $0x1FC0;
	v3 =	vld [tilespmem:s0+$0xF800];
	_ =	sdelay $0x2  }
.Ltmp37:
0x575: {  	(pc) =	sbr.rel @p2 .LBB2_71-.Ltmp37, $4  }
0x576: {  	_ = 	snop  }
0x577: {  	v3 =	vadd.f32 v2, v3  }
0x578: {  	s14 =	sshra.s32 s13, $0x2  }
0x579: {  	s13 =	sadd.s32 $0x40, s13;
	v2 =	vld [tilespmem:s14+$0x10800];
	[tilespmem:s0+$0xF800] =	vst v3;
	s0 =	smov.u32 s14  }
0x57a: {  	v3 =	vld [tilespmem:s0+$0xF800];
	_ =	sdelay $0x4  }
0x57b: {  	v2 =	vadd.f32 v2, v3;
	_ =	sdelay $0x1  }
0x57c: {  	s31 =	rddreg [dreg:$0x18];
	[tilespmem:s0+$0xF800] =	vst v2  }
0x57d: {  	[tilespmem:s25], [sflag:$0x5] =	stream.linear.gather [spmem:s31], $0x800, $0x38;
	[tilespmem:$0x1F480] =	vst v63  }
0x57e: {  	_ =	swait.ge [sflag:s18], $0x800  }
0x57f: {  	[sflag:s18] =	ssyncset.done $0x0  }
0x580: {  	s0 =	simm.s32 $0x0;
	[sflag:s18] =	ssyncadd.s32 $0xFFFFF800  }
0x581: {  	s13 =	simm.s32 $0x40;
	v2 =	vld [tilespmem:s0+$0x10800]  }
.LBB2_73:
0x582: {  	p2 =	sne.s32 s13, $0x1FC0;
	v3 =	vld [tilespmem:s0+$0xF800];
	_ =	sdelay $0x2  }
.Ltmp38:
0x583: {  	(pc) =	sbr.rel @p2 .LBB2_73-.Ltmp38, $4  }
0x584: {  	_ = 	snop  }
0x585: {  	v3 =	vadd.f32 v2, v3  }
0x586: {  	s14 =	sshra.s32 s13, $0x2  }
0x587: {  	s13 =	sadd.s32 $0x40, s13;
	v2 =	vld [tilespmem:s14+$0x10800];
	[tilespmem:s0+$0xF800] =	vst v3;
	s0 =	smov.u32 s14  }
0x588: {  	v3 =	vld [tilespmem:s0+$0xF800];
	_ =	sdelay $0x4  }
0x589: {  	v2 =	vadd.f32 v2, v3;
	_ =	sdelay $0x1  }
0x58a: {  	s31 =	rddreg [dreg:$0x19];
	[tilespmem:s0+$0xF800] =	vst v2  }
0x58b: {  	[tilespmem:s25], [sflag:$0x5] =	stream.linear.gather [spmem:s31], $0x800, $0x38;
	[tilespmem:$0x1F480] =	vst v63  }
0x58c: {  	_ =	swait.ge [sflag:s18], $0x800  }
0x58d: {  	[sflag:s18] =	ssyncset.done $0x0  }
0x58e: {  	s0 =	simm.s32 $0x0;
	[sflag:s18] =	ssyncadd.s32 $0xFFFFF800  }
0x58f: {  	s13 =	simm.s32 $0x40;
	v2 =	vld [tilespmem:s0+$0x10800]  }
.LBB2_75:
0x590: {  	p2 =	sne.s32 s13, $0x1FC0;
	v3 =	vld [tilespmem:s0+$0xF800];
	_ =	sdelay $0x2  }
.Ltmp39:
0x591: {  	(pc) =	sbr.rel @p2 .LBB2_75-.Ltmp39, $4  }
0x592: {  	_ = 	snop  }
0x593: {  	v3 =	vadd.f32 v2, v3  }
0x594: {  	s14 =	sshra.s32 s13, $0x2  }
0x595: {  	s13 =	sadd.s32 $0x40, s13;
	v2 =	vld [tilespmem:s14+$0x10800];
	[tilespmem:s0+$0xF800] =	vst v3;
	s0 =	smov.u32 s14  }
0x596: {  	v3 =	vld [tilespmem:s0+$0xF800];
	_ =	sdelay $0x4  }
0x597: {  	v2 =	vadd.f32 v2, v3;
	_ =	sdelay $0x1  }
0x598: {  	s31 =	rddreg [dreg:$0x1a];
	[tilespmem:s0+$0xF800] =	vst v2  }
0x599: {  	[tilespmem:s25], [sflag:$0x5] =	stream.linear.gather [spmem:s31], $0x800, $0x38;
	[tilespmem:$0x1F480] =	vst v63  }
0x59a: {  	_ =	swait.ge [sflag:s18], $0x800  }
0x59b: {  	[sflag:s18] =	ssyncset.done $0x0  }
0x59c: {  	s0 =	simm.s32 $0x0;
	[sflag:s18] =	ssyncadd.s32 $0xFFFFF800  }
0x59d: {  	s13 =	simm.s32 $0x40;
	v2 =	vld [tilespmem:s0+$0x10800]  }
.LBB2_77:
0x59e: {  	p2 =	sne.s32 s13, $0x1FC0;
	v3 =	vld [tilespmem:s0+$0xF800];
	_ =	sdelay $0x2  }
.Ltmp40:
0x59f: {  	(pc) =	sbr.rel @p2 .LBB2_77-.Ltmp40, $4  }
0x5a0: {  	_ = 	snop  }
0x5a1: {  	v3 =	vadd.f32 v2, v3  }
0x5a2: {  	s14 =	sshra.s32 s13, $0x2  }
0x5a3: {  	s13 =	sadd.s32 $0x40, s13;
	v2 =	vld [tilespmem:s14+$0x10800];
	[tilespmem:s0+$0xF800] =	vst v3;
	s0 =	smov.u32 s14  }
0x5a4: {  	v3 =	vld [tilespmem:s0+$0xF800];
	_ =	sdelay $0x4  }
0x5a5: {  	v2 =	vadd.f32 v2, v3;
	_ =	sdelay $0x1  }
0x5a6: {  	s31 =	rddreg [dreg:$0x1b];
	[tilespmem:s0+$0xF800] =	vst v2  }
0x5a7: {  	[tilespmem:s25], [sflag:$0x5] =	stream.linear.gather [spmem:s31], $0x800, $0x38;
	[tilespmem:$0x1F480] =	vst v63  }
0x5a8: {  	_ =	swait.ge [sflag:s18], $0x800  }
0x5a9: {  	[sflag:s18] =	ssyncset.done $0x0  }
0x5aa: {  	s0 =	simm.s32 $0x0;
	[sflag:s18] =	ssyncadd.s32 $0xFFFFF800  }
0x5ab: {  	s13 =	simm.s32 $0x40;
	v2 =	vld [tilespmem:s0+$0x10800]  }
.LBB2_79:
0x5ac: {  	p2 =	sne.s32 s13, $0x1FC0;
	v3 =	vld [tilespmem:s0+$0xF800];
	_ =	sdelay $0x2  }
.Ltmp41:
0x5ad: {  	(pc) =	sbr.rel @p2 .LBB2_79-.Ltmp41, $4  }
0x5ae: {  	_ = 	snop  }
0x5af: {  	v3 =	vadd.f32 v2, v3  }
0x5b0: {  	s14 =	sshra.s32 s13, $0x2  }
0x5b1: {  	s13 =	sadd.s32 $0x40, s13;
	v2 =	vld [tilespmem:s14+$0x10800];
	[tilespmem:s0+$0xF800] =	vst v3;
	s0 =	smov.u32 s14  }
0x5b2: {  	v3 =	vld [tilespmem:s0+$0xF800];
	_ =	sdelay $0x4  }
0x5b3: {  	s13 =	sld [smem:$0x7D5];
	v2 =	vadd.f32 v2, v3;
	_ =	sdelay $0x1  }
0x5b4: {  	s14 =	simm.s32 $0x0;
	[tilespmem:s0+$0xF800] =	vst v2  }
0x5b5: {  	[tilespmem:s29], [sflag:$0x5] =	stream.linear.gather [hbm4b:s13+s14], $0x800, $0x38;
	[tilespmem:$0x1F480] =	vst v63  }
0x5b6: {  	_ =	swait.ge [sflag:s18], $0x800  }
0x5b7: {  	[sflag:s18] =	ssyncset.done $0x0  }
0x5b8: {  	[sflag:s18] =	ssyncadd.s32 $0xFFFFF800  }
0x5b9: {  	[spmem:s16] =	stream.indirect.scatter.add.f32 [tilespmem:s24], [sflag:$0x5], $0x1, s29, s19, $0xb8;
	[tilespmem:$0x1F480] =	vst v63  }
0x5ba: {  	_ =	swait.ge [sflag:s18], $0x800  }
0x5bb: {  	[sflag:s18] =	ssyncset.done $0x0  }
0x5bc: {  	[sflag:s18] =	ssyncadd.s32 $0xFFFFF800  }
0x5bd: {  	s30 =	simm.s32 $0x11000;
	[bflag:$0x0] =	sbarrier.arrive $0xFFFF  }
0x5be: {  	[tilespmem:s30], [sflag:$0x5] =	stream.linear.gather [spmem:s16], $0x400, $0x38;
	[tilespmem:$0x1F480] =	vst v63  }
0x5bf: {  	_ =	swait.ge [sflag:s18], $0x400  }
0x5c0: {  	s31 =	sld [smem:$0x7EF]  }
0x5c1: {  	[sflag:s18] =	ssyncset.done $0x0  }
0x5c2: {  	[sflag:s18] =	ssyncadd.s32 $0xFFFFFC00  }
0x5c3: {  	[tilespmem:s25], [sflag:$0x5] =	stream.linear.gather [spmem:s31], $0x400, $0x38;
	[tilespmem:$0x1F480] =	vst v63  }
0x5c4: {  	_ =	swait.ge [sflag:s18], $0x400  }
0x5c5: {  	[sflag:s18] =	ssyncset.done $0x0  }
0x5c6: {  	s0 =	simm.s32 $0x0;
	[sflag:s18] =	ssyncadd.s32 $0xFFFFFC00  }
0x5c7: {  	s13 =	simm.s32 $0x40;
	v2 =	vld [tilespmem:s0+$0x10800]  }
.LBB2_81:
0x5c8: {  	p2 =	sne.s32 s13, $0xFC0;
	v3 =	vld [tilespmem:s0+$0x11000];
	_ =	sdelay $0x2  }
.Ltmp42:
0x5c9: {  	(pc) =	sbr.rel @p2 .LBB2_81-.Ltmp42, $4  }
0x5ca: {  	_ = 	snop  }
0x5cb: {  	v3 =	vadd.f32 v2, v3  }
0x5cc: {  	s14 =	sshra.s32 s13, $0x2  }
0x5cd: {  	s13 =	sadd.s32 $0x40, s13;
	v2 =	vld [tilespmem:s14+$0x10800];
	[tilespmem:s0+$0x11000] =	vst v3;
	s0 =	smov.u32 s14  }
0x5ce: {  	v3 =	vld [tilespmem:s0+$0x11000];
	_ =	sdelay $0x4  }
0x5cf: {  	s31 =	sld [smem:$0x7F0];
	v2 =	vadd.f32 v2, v3;
	_ =	sdelay $0x1  }
0x5d0: {  	[tilespmem:s0+$0x11000] =	vst v2  }
0x5d1: {  	[tilespmem:s25], [sflag:$0x5] =	stream.linear.gather [spmem:s31], $0x400, $0x38;
	[tilespmem:$0x1F480] =	vst v63  }
0x5d2: {  	_ =	swait.ge [sflag:s18], $0x400  }
0x5d3: {  	[sflag:s18] =	ssyncset.done $0x0  }
0x5d4: {  	s0 =	simm.s32 $0x0;
	[sflag:s18] =	ssyncadd.s32 $0xFFFFFC00  }
0x5d5: {  	s13 =	simm.s32 $0x40;
	v2 =	vld [tilespmem:s0+$0x10800]  }
.LBB2_83:
0x5d6: {  	p2 =	sne.s32 s13, $0xFC0;
	v3 =	vld [tilespmem:s0+$0x11000];
	_ =	sdelay $0x2  }
.Ltmp43:
0x5d7: {  	(pc) =	sbr.rel @p2 .LBB2_83-.Ltmp43, $4  }
0x5d8: {  	_ = 	snop  }
0x5d9: {  	v3 =	vadd.f32 v2, v3  }
0x5da: {  	s14 =	sshra.s32 s13, $0x2  }
0x5db: {  	s13 =	sadd.s32 $0x40, s13;
	v2 =	vld [tilespmem:s14+$0x10800];
	[tilespmem:s0+$0x11000] =	vst v3;
	s0 =	smov.u32 s14  }
0x5dc: {  	v3 =	vld [tilespmem:s0+$0x11000];
	_ =	sdelay $0x4  }
0x5dd: {  	s31 =	sld [smem:$0x7F1];
	v2 =	vadd.f32 v2, v3;
	_ =	sdelay $0x1  }
0x5de: {  	[tilespmem:s0+$0x11000] =	vst v2  }
0x5df: {  	[tilespmem:s25], [sflag:$0x5] =	stream.linear.gather [spmem:s31], $0x400, $0x38;
	[tilespmem:$0x1F480] =	vst v63  }
0x5e0: {  	_ =	swait.ge [sflag:s18], $0x400  }
0x5e1: {  	[sflag:s18] =	ssyncset.done $0x0  }
0x5e2: {  	s0 =	simm.s32 $0x0;
	[sflag:s18] =	ssyncadd.s32 $0xFFFFFC00  }
0x5e3: {  	s13 =	simm.s32 $0x40;
	v2 =	vld [tilespmem:s0+$0x10800]  }
.LBB2_85:
0x5e4: {  	p2 =	sne.s32 s13, $0xFC0;
	v3 =	vld [tilespmem:s0+$0x11000];
	_ =	sdelay $0x2  }
.Ltmp44:
0x5e5: {  	(pc) =	sbr.rel @p2 .LBB2_85-.Ltmp44, $4  }
0x5e6: {  	_ = 	snop  }
0x5e7: {  	v3 =	vadd.f32 v2, v3  }
0x5e8: {  	s14 =	sshra.s32 s13, $0x2  }
0x5e9: {  	s13 =	sadd.s32 $0x40, s13;
	v2 =	vld [tilespmem:s14+$0x10800];
	[tilespmem:s0+$0x11000] =	vst v3;
	s0 =	smov.u32 s14  }
0x5ea: {  	v3 =	vld [tilespmem:s0+$0x11000];
	_ =	sdelay $0x4  }
0x5eb: {  	s31 =	sld [smem:$0x7F2];
	v2 =	vadd.f32 v2, v3;
	_ =	sdelay $0x1  }
0x5ec: {  	[tilespmem:s0+$0x11000] =	vst v2  }
0x5ed: {  	[tilespmem:s25], [sflag:$0x5] =	stream.linear.gather [spmem:s31], $0x400, $0x38;
	[tilespmem:$0x1F480] =	vst v63  }
0x5ee: {  	_ =	swait.ge [sflag:s18], $0x400  }
0x5ef: {  	[sflag:s18] =	ssyncset.done $0x0  }
0x5f0: {  	s0 =	simm.s32 $0x0;
	[sflag:s18] =	ssyncadd.s32 $0xFFFFFC00  }
0x5f1: {  	s13 =	simm.s32 $0x40;
	v2 =	vld [tilespmem:s0+$0x10800]  }
.LBB2_87:
0x5f2: {  	p2 =	sne.s32 s13, $0xFC0;
	v3 =	vld [tilespmem:s0+$0x11000];
	_ =	sdelay $0x2  }
.Ltmp45:
0x5f3: {  	(pc) =	sbr.rel @p2 .LBB2_87-.Ltmp45, $4  }
0x5f4: {  	_ = 	snop  }
0x5f5: {  	v3 =	vadd.f32 v2, v3  }
0x5f6: {  	s14 =	sshra.s32 s13, $0x2  }
0x5f7: {  	s13 =	sadd.s32 $0x40, s13;
	v2 =	vld [tilespmem:s14+$0x10800];
	[tilespmem:s0+$0x11000] =	vst v3;
	s0 =	smov.u32 s14  }
0x5f8: {  	v3 =	vld [tilespmem:s0+$0x11000];
	_ =	sdelay $0x4  }
0x5f9: {  	s31 =	sld [smem:$0x7F3];
	v2 =	vadd.f32 v2, v3;
	_ =	sdelay $0x1  }
0x5fa: {  	[tilespmem:s0+$0x11000] =	vst v2  }
0x5fb: {  	[tilespmem:s25], [sflag:$0x5] =	stream.linear.gather [spmem:s31], $0x400, $0x38;
	[tilespmem:$0x1F480] =	vst v63  }
0x5fc: {  	_ =	swait.ge [sflag:s18], $0x400  }
0x5fd: {  	[sflag:s18] =	ssyncset.done $0x0  }
0x5fe: {  	s0 =	simm.s32 $0x0;
	[sflag:s18] =	ssyncadd.s32 $0xFFFFFC00  }
0x5ff: {  	s13 =	simm.s32 $0x40;
	v2 =	vld [tilespmem:s0+$0x10800]  }
.LBB2_89:
0x600: {  	p2 =	sne.s32 s13, $0xFC0;
	v3 =	vld [tilespmem:s0+$0x11000];
	_ =	sdelay $0x2  }
.Ltmp46:
0x601: {  	(pc) =	sbr.rel @p2 .LBB2_89-.Ltmp46, $4  }
0x602: {  	_ = 	snop  }
0x603: {  	v3 =	vadd.f32 v2, v3  }
0x604: {  	s14 =	sshra.s32 s13, $0x2  }
0x605: {  	s13 =	sadd.s32 $0x40, s13;
	v2 =	vld [tilespmem:s14+$0x10800];
	[tilespmem:s0+$0x11000] =	vst v3;
	s0 =	smov.u32 s14  }
0x606: {  	v3 =	vld [tilespmem:s0+$0x11000];
	_ =	sdelay $0x4  }
0x607: {  	s31 =	sld [smem:$0x7F4];
	v2 =	vadd.f32 v2, v3;
	_ =	sdelay $0x1  }
0x608: {  	[tilespmem:s0+$0x11000] =	vst v2  }
0x609: {  	[tilespmem:s25], [sflag:$0x5] =	stream.linear.gather [spmem:s31], $0x400, $0x38;
	[tilespmem:$0x1F480] =	vst v63  }
0x60a: {  	_ =	swait.ge [sflag:s18], $0x400  }
0x60b: {  	[sflag:s18] =	ssyncset.done $0x0  }
0x60c: {  	s0 =	simm.s32 $0x0;
	[sflag:s18] =	ssyncadd.s32 $0xFFFFFC00  }
0x60d: {  	s13 =	simm.s32 $0x40;
	v2 =	vld [tilespmem:s0+$0x10800]  }
.LBB2_91:
0x60e: {  	p2 =	sne.s32 s13, $0xFC0;
	v3 =	vld [tilespmem:s0+$0x11000];
	_ =	sdelay $0x2  }
.Ltmp47:
0x60f: {  	(pc) =	sbr.rel @p2 .LBB2_91-.Ltmp47, $4  }
0x610: {  	_ = 	snop  }
0x611: {  	v3 =	vadd.f32 v2, v3  }
0x612: {  	s14 =	sshra.s32 s13, $0x2  }
0x613: {  	s13 =	sadd.s32 $0x40, s13;
	v2 =	vld [tilespmem:s14+$0x10800];
	[tilespmem:s0+$0x11000] =	vst v3;
	s0 =	smov.u32 s14  }
0x614: {  	v3 =	vld [tilespmem:s0+$0x11000];
	_ =	sdelay $0x4  }
0x615: {  	s31 =	sld [smem:$0x7F5];
	v2 =	vadd.f32 v2, v3;
	_ =	sdelay $0x1  }
0x616: {  	[tilespmem:s0+$0x11000] =	vst v2  }
0x617: {  	[tilespmem:s25], [sflag:$0x5] =	stream.linear.gather [spmem:s31], $0x400, $0x38;
	[tilespmem:$0x1F480] =	vst v63  }
0x618: {  	_ =	swait.ge [sflag:s18], $0x400  }
0x619: {  	[sflag:s18] =	ssyncset.done $0x0  }
0x61a: {  	s0 =	simm.s32 $0x0;
	[sflag:s18] =	ssyncadd.s32 $0xFFFFFC00  }
0x61b: {  	s13 =	simm.s32 $0x40;
	v2 =	vld [tilespmem:s0+$0x10800]  }
.LBB2_93:
0x61c: {  	p2 =	sne.s32 s13, $0xFC0;
	v3 =	vld [tilespmem:s0+$0x11000];
	_ =	sdelay $0x2  }
.Ltmp48:
0x61d: {  	(pc) =	sbr.rel @p2 .LBB2_93-.Ltmp48, $4  }
0x61e: {  	_ = 	snop  }
0x61f: {  	v3 =	vadd.f32 v2, v3  }
0x620: {  	s14 =	sshra.s32 s13, $0x2  }
0x621: {  	s13 =	sadd.s32 $0x40, s13;
	v2 =	vld [tilespmem:s14+$0x10800];
	[tilespmem:s0+$0x11000] =	vst v3;
	s0 =	smov.u32 s14  }
0x622: {  	v3 =	vld [tilespmem:s0+$0x11000];
	_ =	sdelay $0x4  }
0x623: {  	s31 =	sld [smem:$0x7F6];
	v2 =	vadd.f32 v2, v3;
	_ =	sdelay $0x1  }
0x624: {  	[tilespmem:s0+$0x11000] =	vst v2  }
0x625: {  	[tilespmem:s25], [sflag:$0x5] =	stream.linear.gather [spmem:s31], $0x400, $0x38;
	[tilespmem:$0x1F480] =	vst v63  }
0x626: {  	_ =	swait.ge [sflag:s18], $0x400  }
0x627: {  	[sflag:s18] =	ssyncset.done $0x0  }
0x628: {  	s0 =	simm.s32 $0x0;
	[sflag:s18] =	ssyncadd.s32 $0xFFFFFC00  }
0x629: {  	s13 =	simm.s32 $0x40;
	v2 =	vld [tilespmem:s0+$0x10800]  }
.LBB2_95:
0x62a: {  	p2 =	sne.s32 s13, $0xFC0;
	v3 =	vld [tilespmem:s0+$0x11000];
	_ =	sdelay $0x2  }
.Ltmp49:
0x62b: {  	(pc) =	sbr.rel @p2 .LBB2_95-.Ltmp49, $4  }
0x62c: {  	_ = 	snop  }
0x62d: {  	v3 =	vadd.f32 v2, v3  }
0x62e: {  	s14 =	sshra.s32 s13, $0x2  }
0x62f: {  	s13 =	sadd.s32 $0x40, s13;
	v2 =	vld [tilespmem:s14+$0x10800];
	[tilespmem:s0+$0x11000] =	vst v3;
	s0 =	smov.u32 s14  }
0x630: {  	v3 =	vld [tilespmem:s0+$0x11000];
	_ =	sdelay $0x4  }
0x631: {  	s31 =	sld [smem:$0x7F7];
	v2 =	vadd.f32 v2, v3;
	_ =	sdelay $0x1  }
0x632: {  	[tilespmem:s0+$0x11000] =	vst v2  }
0x633: {  	[tilespmem:s25], [sflag:$0x5] =	stream.linear.gather [spmem:s31], $0x400, $0x38;
	[tilespmem:$0x1F480] =	vst v63  }
0x634: {  	_ =	swait.ge [sflag:s18], $0x400  }
0x635: {  	[sflag:s18] =	ssyncset.done $0x0  }
0x636: {  	s0 =	simm.s32 $0x0;
	[sflag:s18] =	ssyncadd.s32 $0xFFFFFC00  }
0x637: {  	s13 =	simm.s32 $0x40;
	v2 =	vld [tilespmem:s0+$0x10800]  }
.LBB2_97:
0x638: {  	p2 =	sne.s32 s13, $0xFC0;
	v3 =	vld [tilespmem:s0+$0x11000];
	_ =	sdelay $0x2  }
.Ltmp50:
0x639: {  	(pc) =	sbr.rel @p2 .LBB2_97-.Ltmp50, $4  }
0x63a: {  	_ = 	snop  }
0x63b: {  	v3 =	vadd.f32 v2, v3  }
0x63c: {  	s14 =	sshra.s32 s13, $0x2  }
0x63d: {  	s13 =	sadd.s32 $0x40, s13;
	v2 =	vld [tilespmem:s14+$0x10800];
	[tilespmem:s0+$0x11000] =	vst v3;
	s0 =	smov.u32 s14  }
0x63e: {  	v3 =	vld [tilespmem:s0+$0x11000];
	_ =	sdelay $0x4  }
0x63f: {  	s31 =	sld [smem:$0x7F8];
	v2 =	vadd.f32 v2, v3;
	_ =	sdelay $0x1  }
0x640: {  	[tilespmem:s0+$0x11000] =	vst v2  }
0x641: {  	[tilespmem:s25], [sflag:$0x5] =	stream.linear.gather [spmem:s31], $0x400, $0x38;
	[tilespmem:$0x1F480] =	vst v63  }
0x642: {  	_ =	swait.ge [sflag:s18], $0x400  }
0x643: {  	[sflag:s18] =	ssyncset.done $0x0  }
0x644: {  	s0 =	simm.s32 $0x0;
	[sflag:s18] =	ssyncadd.s32 $0xFFFFFC00  }
0x645: {  	s13 =	simm.s32 $0x40;
	v2 =	vld [tilespmem:s0+$0x10800]  }
.LBB2_99:
0x646: {  	p2 =	sne.s32 s13, $0xFC0;
	v3 =	vld [tilespmem:s0+$0x11000];
	_ =	sdelay $0x2  }
.Ltmp51:
0x647: {  	(pc) =	sbr.rel @p2 .LBB2_99-.Ltmp51, $4  }
0x648: {  	_ = 	snop  }
0x649: {  	v3 =	vadd.f32 v2, v3  }
0x64a: {  	s14 =	sshra.s32 s13, $0x2  }
0x64b: {  	s13 =	sadd.s32 $0x40, s13;
	v2 =	vld [tilespmem:s14+$0x10800];
	[tilespmem:s0+$0x11000] =	vst v3;
	s0 =	smov.u32 s14  }
0x64c: {  	v3 =	vld [tilespmem:s0+$0x11000];
	_ =	sdelay $0x4  }
0x64d: {  	s31 =	sld [smem:$0x7F9];
	v2 =	vadd.f32 v2, v3;
	_ =	sdelay $0x1  }
0x64e: {  	[tilespmem:s0+$0x11000] =	vst v2  }
0x64f: {  	[tilespmem:s25], [sflag:$0x5] =	stream.linear.gather [spmem:s31], $0x400, $0x38;
	[tilespmem:$0x1F480] =	vst v63  }
0x650: {  	_ =	swait.ge [sflag:s18], $0x400  }
0x651: {  	[sflag:s18] =	ssyncset.done $0x0  }
0x652: {  	s0 =	simm.s32 $0x0;
	[sflag:s18] =	ssyncadd.s32 $0xFFFFFC00  }
0x653: {  	s13 =	simm.s32 $0x40;
	v2 =	vld [tilespmem:s0+$0x10800]  }
.LBB2_101:
0x654: {  	p2 =	sne.s32 s13, $0xFC0;
	v3 =	vld [tilespmem:s0+$0x11000];
	_ =	sdelay $0x2  }
.Ltmp52:
0x655: {  	(pc) =	sbr.rel @p2 .LBB2_101-.Ltmp52, $4  }
0x656: {  	_ = 	snop  }
0x657: {  	v3 =	vadd.f32 v2, v3  }
0x658: {  	s14 =	sshra.s32 s13, $0x2  }
0x659: {  	s13 =	sadd.s32 $0x40, s13;
	v2 =	vld [tilespmem:s14+$0x10800];
	[tilespmem:s0+$0x11000] =	vst v3;
	s0 =	smov.u32 s14  }
0x65a: {  	v3 =	vld [tilespmem:s0+$0x11000];
	_ =	sdelay $0x4  }
0x65b: {  	s31 =	sld [smem:$0x7FA];
	v2 =	vadd.f32 v2, v3;
	_ =	sdelay $0x1  }
0x65c: {  	[tilespmem:s0+$0x11000] =	vst v2  }
0x65d: {  	[tilespmem:s25], [sflag:$0x5] =	stream.linear.gather [spmem:s31], $0x400, $0x38;
	[tilespmem:$0x1F480] =	vst v63  }
0x65e: {  	_ =	swait.ge [sflag:s18], $0x400  }
0x65f: {  	[sflag:s18] =	ssyncset.done $0x0  }
0x660: {  	s0 =	simm.s32 $0x0;
	[sflag:s18] =	ssyncadd.s32 $0xFFFFFC00  }
0x661: {  	s13 =	simm.s32 $0x40;
	v2 =	vld [tilespmem:s0+$0x10800]  }
.LBB2_103:
0x662: {  	p2 =	sne.s32 s13, $0xFC0;
	v3 =	vld [tilespmem:s0+$0x11000];
	_ =	sdelay $0x2  }
.Ltmp53:
0x663: {  	(pc) =	sbr.rel @p2 .LBB2_103-.Ltmp53, $4  }
0x664: {  	_ = 	snop  }
0x665: {  	v3 =	vadd.f32 v2, v3  }
0x666: {  	s14 =	sshra.s32 s13, $0x2  }
0x667: {  	s13 =	sadd.s32 $0x40, s13;
	v2 =	vld [tilespmem:s14+$0x10800];
	[tilespmem:s0+$0x11000] =	vst v3;
	s0 =	smov.u32 s14  }
0x668: {  	v3 =	vld [tilespmem:s0+$0x11000];
	_ =	sdelay $0x4  }
0x669: {  	s31 =	sld [smem:$0x7FB];
	v2 =	vadd.f32 v2, v3;
	_ =	sdelay $0x1  }
0x66a: {  	[tilespmem:s0+$0x11000] =	vst v2  }
0x66b: {  	[tilespmem:s25], [sflag:$0x5] =	stream.linear.gather [spmem:s31], $0x400, $0x38;
	[tilespmem:$0x1F480] =	vst v63  }
0x66c: {  	_ =	swait.ge [sflag:s18], $0x400  }
0x66d: {  	[sflag:s18] =	ssyncset.done $0x0  }
0x66e: {  	s0 =	simm.s32 $0x0;
	[sflag:s18] =	ssyncadd.s32 $0xFFFFFC00  }
0x66f: {  	s13 =	simm.s32 $0x40;
	v2 =	vld [tilespmem:s0+$0x10800]  }
.LBB2_105:
0x670: {  	p2 =	sne.s32 s13, $0xFC0;
	v3 =	vld [tilespmem:s0+$0x11000];
	_ =	sdelay $0x2  }
.Ltmp54:
0x671: {  	(pc) =	sbr.rel @p2 .LBB2_105-.Ltmp54, $4  }
0x672: {  	_ = 	snop  }
0x673: {  	v3 =	vadd.f32 v2, v3  }
0x674: {  	s14 =	sshra.s32 s13, $0x2  }
0x675: {  	s13 =	sadd.s32 $0x40, s13;
	v2 =	vld [tilespmem:s14+$0x10800];
	[tilespmem:s0+$0x11000] =	vst v3;
	s0 =	smov.u32 s14  }
0x676: {  	v3 =	vld [tilespmem:s0+$0x11000];
	_ =	sdelay $0x4  }
0x677: {  	s31 =	sld [smem:$0x7FC];
	v2 =	vadd.f32 v2, v3;
	_ =	sdelay $0x1  }
0x678: {  	[tilespmem:s0+$0x11000] =	vst v2  }
0x679: {  	[tilespmem:s25], [sflag:$0x5] =	stream.linear.gather [spmem:s31], $0x400, $0x38;
	[tilespmem:$0x1F480] =	vst v63  }
0x67a: {  	_ =	swait.ge [sflag:s18], $0x400  }
0x67b: {  	[sflag:s18] =	ssyncset.done $0x0  }
0x67c: {  	s0 =	simm.s32 $0x0;
	[sflag:s18] =	ssyncadd.s32 $0xFFFFFC00  }
0x67d: {  	s13 =	simm.s32 $0x40;
	v2 =	vld [tilespmem:s0+$0x10800]  }
.LBB2_107:
0x67e: {  	p2 =	sne.s32 s13, $0xFC0;
	v3 =	vld [tilespmem:s0+$0x11000];
	_ =	sdelay $0x2  }
.Ltmp55:
0x67f: {  	(pc) =	sbr.rel @p2 .LBB2_107-.Ltmp55, $4  }
0x680: {  	_ = 	snop  }
0x681: {  	v3 =	vadd.f32 v2, v3  }
0x682: {  	s14 =	sshra.s32 s13, $0x2  }
0x683: {  	s13 =	sadd.s32 $0x40, s13;
	v2 =	vld [tilespmem:s14+$0x10800];
	[tilespmem:s0+$0x11000] =	vst v3;
	s0 =	smov.u32 s14  }
0x684: {  	v3 =	vld [tilespmem:s0+$0x11000];
	_ =	sdelay $0x4  }
0x685: {  	s31 =	sld [smem:$0x7FD];
	v2 =	vadd.f32 v2, v3;
	_ =	sdelay $0x1  }
0x686: {  	[tilespmem:s0+$0x11000] =	vst v2  }
0x687: {  	[tilespmem:s25], [sflag:$0x5] =	stream.linear.gather [spmem:s31], $0x400, $0x38;
	[tilespmem:$0x1F480] =	vst v63  }
0x688: {  	_ =	swait.ge [sflag:s18], $0x400  }
0x689: {  	[sflag:s18] =	ssyncset.done $0x0  }
0x68a: {  	s0 =	simm.s32 $0x0;
	[sflag:s18] =	ssyncadd.s32 $0xFFFFFC00  }
0x68b: {  	s13 =	simm.s32 $0x40;
	v2 =	vld [tilespmem:s0+$0x10800]  }
.LBB2_109:
0x68c: {  	p2 =	sne.s32 s13, $0xFC0;
	v3 =	vld [tilespmem:s0+$0x11000];
	_ =	sdelay $0x2  }
.Ltmp56:
0x68d: {  	(pc) =	sbr.rel @p2 .LBB2_109-.Ltmp56, $4  }
0x68e: {  	_ = 	snop  }
0x68f: {  	v3 =	vadd.f32 v2, v3  }
0x690: {  	s14 =	sshra.s32 s13, $0x2  }
0x691: {  	s13 =	sadd.s32 $0x40, s13;
	v2 =	vld [tilespmem:s14+$0x10800];
	[tilespmem:s0+$0x11000] =	vst v3;
	s0 =	smov.u32 s14  }
0x692: {  	v3 =	vld [tilespmem:s0+$0x11000];
	_ =	sdelay $0x4  }
0x693: {  	s31 =	sld [smem:$0x7D6];
	v2 =	vadd.f32 v2, v3  }
0x694: {  	s13 =	simm.s32 $0x11000  }
.Ltmp57:
0x695: {  	s14 =	simm.s32 $0x80;
	s16 =	simm.s32 $0x100;
	[tilespmem:s0+$0x11000] =	vst v2;
	(pc) =	sbr.rel .LBB2_111-.Ltmp57, $4  }
0x696: {  	[hbm4b:s31+s14] =	stream.strided.scatter [tilespmem:s13], [sflag:$0x5], $0x400, s16, s14, $0x38;
	[tilespmem:$0x1F480] =	vst v63  }
0x697: {  	_ =	swait.ge [sflag:s18], $0x400  }
0x698: {  	[sflag:s18] =	ssyncset.done $0x0  }
0x699: {  	s13 =	sld [smem:$0x7D3];
	[sflag:s18] =	ssyncadd.s32 $0xFFFFFC00  }
.LBB2_112:
0x69a: {  	_ =	sfence.sel $0x180000  }
0x69b: {  	[bflag:$0x0] =	sbarrier.arrive $0xFFFF  }
0x69c: {  	_ =	strace $0x90000047  }
0x69d: {  	s0 =	stileid.u32;
	[bflag:$0x2] =	sbarrier.arrive $0xFFFF  }
0x69e: {  	p0 =	sne.s32 s0, $0x0;
	s0 =	rddreg [dreg:$0x6]  }
0x69f: {  	s0 =	sadd.s32 @!p0 $0x100000, s0  }
0x6a0: {  	[sflag:s0] =	ssyncadd.tile.s32 @!p0 $0x1;
	_ =	shalt  }
.Lfunc_end2:
_tile_overlayer_lowered:
.L_overlay_start_2:
0x6a1: {  	(tag) =	ssettag $0x2  }
0x6a2: {  	s0 =	rddreg [dreg:$0x0];
	s2 =	stileid.u32  }
0x6a3: {  	s1 =	rddreg [dreg:$0x1];
	p0 =	sne.s32 s2, $0x0  }
0x6a4: {  	s3 =	rddreg [dreg:$0x2];
	[bflag:$0x3] =	sbarrier.arrive $0xFFFF;
	s2 =	simm.s32 @!p0 $0x1C05  }
0x6a5: {  	[timem:s3], [sflag:s2] =	dma.local @!p0 [hbm:s0], s1  }
0x6a6: {  	s0 =	simm.s32 @!p0 $0x5  }
0x6a7: {  	_ =	swait.ge @!p0 [sflag:s0], s1  }
0x6a8: {  	s1 =	ssub.s32 @!p0 $0x0, s1;
	[sflag:s0] =	ssyncset.done @!p0 $0x0  }
0x6a9: {  	[sflag:s0] =	ssyncadd.s32 @!p0 s1  }
0x6aa: {  	[bflag:$0x3] =	sbarrier.arrive $0xFFFF  }
0x6ab: {  	_ =	shalt  }

</sc_bundles>
